<compile_context>
chip_gen: v7x
topology: tpu7x:2x2x1
jax: 0.10.2.dev20260603
libtpu: 0.0.44.dev20260713+nightly
codegen_flags: <defaults>
</compile_context>

<pallas_src>
import functools

import jax
import jax.numpy as jnp
from jax import lax
from jax.experimental import pallas as pl
from jax.experimental.pallas import tpu as pltpu
from jax.experimental.pallas import tpu_sc as plsc

RETRIEVE_K = 20
_NEG_INF = float("-inf")
_INT_MAX = 2**31 - 1



def _user_rep_body(seq_ref, w_ref, b_ref, out_ref):
    L = seq_ref.shape[1]
    inv_l = 1.0 / L
    m = seq_ref[:, 0, :]
    for r in range(1, L):
        m = m + seq_ref[:, r, :]
    m = m * inv_l
    mm = lax.dot_general(m, w_ref[...], (((1,), (0,)), ((), ())),
                         preferred_element_type=jnp.float32)
    out_ref[...] = mm + b_ref[...][None, :]


def _user_rep_call(seq, w_llm, b_llm):
    B, L, D = seq.shape
    bb = 128
    return pl.pallas_call(
        _user_rep_body,
        grid=(B // bb,),
        in_specs=[
            pl.BlockSpec((bb, L, D), lambda b: (b, 0, 0)),
            pl.BlockSpec((D, D), lambda b: (0, 0)),
            pl.BlockSpec((D,), lambda b: (0,)),
        ],
        out_specs=pl.BlockSpec((bb, D), lambda b: (b, 0)),
        out_shape=jax.ShapeDtypeStruct((B, D), jnp.float32),
    )(seq, w_llm, b_llm)




_CPAD = 128


def _topk_part_body(urep_ref, item_ref, ov_ref, oi_ref, *, v_total, k):
    v = pl.program_id(1)
    bb = urep_ref.shape[0]
    vb = item_ref.shape[0]

    s = lax.dot_general(urep_ref[...], item_ref[...], (((1,), (1,)), ((), ())),
                        preferred_element_type=jnp.float32)
    col = lax.broadcasted_iota(jnp.int32, (bb, vb), 1) + v * vb
    s = jnp.where(col < v_total, s, _NEG_INF)

    top_v, top_i = [], []
    for _ in range(k):
        m = jnp.max(s, axis=1, keepdims=True)
        am = jnp.min(jnp.where(s == m, col, _INT_MAX), axis=1, keepdims=True)
        top_v.append(m)
        top_i.append(am)
        s = jnp.where(col == am, _NEG_INF, s)

    ov_ref[...] = jnp.concatenate(
        top_v + [jnp.full((bb, _CPAD - k), _NEG_INF, jnp.float32)], axis=1)
    oi_ref[...] = jnp.concatenate(
        top_i + [jnp.zeros((bb, _CPAD - k), jnp.int32)], axis=1)


def _topk_merge_body(cv_ref, ci_ref, oidx_ref, *, k):
    vals = cv_ref[...]
    ids = ci_ref[...]
    top_i = []
    for _ in range(k):
        m = jnp.max(vals, axis=1, keepdims=True)
        am = jnp.min(jnp.where(vals == m, ids, _INT_MAX), axis=1, keepdims=True)
        top_i.append(am)
        vals = jnp.where(ids == am, _NEG_INF, vals)
    oidx_ref[...] = jnp.concatenate(top_i, axis=1)


def _topk_call(urep, item, k):
    B, D = urep.shape
    V = item.shape[0]
    bb = 256
    vb = 4096
    nv = pl.cdiv(V, vb)
    cand_v, cand_i = pl.pallas_call(
        functools.partial(_topk_part_body, v_total=V, k=k),
        grid=(B // bb, nv),
        in_specs=[
            pl.BlockSpec((bb, D), lambda b, v: (b, 0)),
            pl.BlockSpec((vb, D), lambda b, v: (v, 0)),
        ],
        out_specs=[
            pl.BlockSpec((bb, _CPAD), lambda b, v: (b, v)),
            pl.BlockSpec((bb, _CPAD), lambda b, v: (b, v)),
        ],
        out_shape=[
            jax.ShapeDtypeStruct((B, nv * _CPAD), jnp.float32),
            jax.ShapeDtypeStruct((B, nv * _CPAD), jnp.int32),
        ],
        compiler_params=pltpu.CompilerParams(
            dimension_semantics=("parallel", "arbitrary")),
    )(urep, item)

    return pl.pallas_call(
        functools.partial(_topk_merge_body, k=k),
        grid=(B // bb,),
        in_specs=[
            pl.BlockSpec((bb, nv * _CPAD), lambda b: (b, 0)),
            pl.BlockSpec((bb, nv * _CPAD), lambda b: (b, 0)),
        ],
        out_specs=pl.BlockSpec((bb, k), lambda b: (b, 0)),
        out_shape=jax.ShapeDtypeStruct((B, k), jnp.int32),
    )(cand_v, cand_i)



_SC_W = 128


def _make_sc_gather_mean(V, D, B, k):
    info = plsc.get_sparse_core_info()
    nw = info.num_cores * info.num_subcores
    bpw = B // nw
    nlane = info.num_lanes
    nsplit = D // _SC_W
    rows_per_b = k * nsplit
    mesh = plsc.VectorSubcoreMesh(core_axis_name="c", subcore_axis_name="s")

    @functools.partial(
        pl.kernel,
        out_type=jax.ShapeDtypeStruct((B, D), jnp.float32),
        mesh=mesh,
        scratch_types=[
            pltpu.VMEM((rows_per_b,), jnp.int32),
            pltpu.VMEM((rows_per_b, _SC_W), jnp.float32),
            pltpu.VMEM((1, D), jnp.float32),
            pltpu.SemaphoreType.DMA,
        ],
    )
    def sc_gather_mean(table_hbm, idx_hbm, out_hbm, idx_v, rows_v, stage_v, sem):
        wid = lax.axis_index("s") * info.num_cores + lax.axis_index("c")

        def body(bi, carry):
            pltpu.sync_copy(idx_hbm.at[wid, bi], idx_v)
            pltpu.async_copy(table_hbm.at[idx_v], rows_v, sem).wait()
            for c in range(nsplit):
                for sub in range(_SC_W // nlane):
                    sl_in = pl.ds(sub * nlane, nlane)
                    acc = rows_v[c, sl_in]
                    for r in range(1, k):
                        acc = acc + rows_v[r * nsplit + c, sl_in]
                    stage_v[0, pl.ds(c * _SC_W + sub * nlane, nlane)] = (
                        acc * (1.0 / k))
            pltpu.sync_copy(stage_v, out_hbm.at[pl.ds(wid * bpw + bi, 1)])
            return carry

        lax.fori_loop(0, bpw, body, 0)

    return sc_gather_mean, nw, bpw


def _gather_mean_call(item, idx):
    V, D = item.shape
    B, k = idx.shape
    fn, nw, bpw = _make_sc_gather_mean(V, D, B, k)
    nsplit = D // _SC_W
    table2 = item.reshape(V * nsplit, _SC_W)
    idx4 = (idx[:, :, None] * nsplit
            + jnp.arange(nsplit, dtype=jnp.int32)[None, None, :])
    return fn(table2, idx4.reshape(nw, bpw, k * nsplit))



def _fusion_body(urep_ref, retr_ref, wf_ref, bf_ref, out_ref):
    D = urep_ref.shape[1]
    f = lax.dot_general(urep_ref[...], wf_ref[0:D, :],
                        (((1,), (0,)), ((), ())),
                        preferred_element_type=jnp.float32)
    f = f + lax.dot_general(retr_ref[...], wf_ref[D:2 * D, :],
                            (((1,), (0,)), ((), ())),
                            preferred_element_type=jnp.float32)
    out_ref[...] = f + bf_ref[...][None, :]


def _fusion_call(urep, retr, w_fusion, b_fusion):
    B, D = urep.shape
    return pl.pallas_call(
        _fusion_body,
        out_shape=jax.ShapeDtypeStruct((B, D), jnp.float32),
    )(urep, retr, w_fusion, b_fusion)


def _proj_body(fused_ref, wp_ref, bp_ref, out_ref):
    out_ref[...] = lax.dot_general(fused_ref[...], wp_ref[...],
                                   (((1,), (0,)), ((), ())),
                                   preferred_element_type=jnp.float32
                                   ) + bp_ref[...][None, :]


def _proj_call(fused, w_proj, b_proj):
    B, D = fused.shape
    V = w_proj.shape[1]
    vb = 2048
    nv = pl.cdiv(V, vb)
    return pl.pallas_call(
        _proj_body,
        grid=(nv,),
        in_specs=[
            pl.BlockSpec((B, D), lambda v: (0, 0)),
            pl.BlockSpec((D, vb), lambda v: (0, v)),
            pl.BlockSpec((vb,), lambda v: (v,)),
        ],
        out_specs=pl.BlockSpec((B, vb), lambda v: (0, v)),
        out_shape=jax.ShapeDtypeStruct((B, V), jnp.float32),
        compiler_params=pltpu.CompilerParams(
            dimension_semantics=("arbitrary",)),
    )(fused, w_proj, b_proj)



def kernel(sequence_embeddings, W_llm, b_llm, item_embeddings, W_fusion,
           b_fusion, W_proj, b_proj):
    user_rep = jnp.tanh(_user_rep_call(sequence_embeddings, W_llm, b_llm))
    idx = _topk_call(user_rep, item_embeddings, RETRIEVE_K)
    retrieved = _gather_mean_call(item_embeddings, idx)
    fused = _fusion_call(user_rep, retrieved, W_fusion, b_fusion)
    return _proj_call(fused, W_proj, b_proj)

# --- scband reference (transcript-rebuilt; emitter-appended) ---
"""Pipeline reference for scband-ragsequential-rec-44092134261038 (READ-ONLY COPY).

The authoritative reference and input builder live on the scoring server;
editing this copy changes nothing except your own understanding.
"""

import jax, jax.numpy as jnp
import numpy as np

TOP_K = 20
B, L, D, V = 1024, 50, 512, 100000


def setup_inputs(seed: int = 0) -> dict:
    key = jax.random.key(seed)
    ks = jax.random.split(key, 8)
    return {
        "sequence_embeddings": jax.random.normal(ks[0], (B, L, D), dtype=jnp.float32),
        "W_llm": jax.random.normal(ks[1], (D, D), dtype=jnp.float32) * 0.02,
        "b_llm": jnp.zeros((D,), dtype=jnp.float32),
        "item_embeddings": jax.random.normal(ks[2], (V, D), dtype=jnp.float32) * 0.02,
        "W_fusion": jax.random.normal(ks[3], (2 * D, D), dtype=jnp.float32) * 0.02,
        "b_fusion": jnp.zeros((D,), dtype=jnp.float32),
        "W_proj": jax.random.normal(ks[4], (D, V), dtype=jnp.float32) * 0.02,
        "b_proj": jnp.zeros((V,), dtype=jnp.float32),
    }


def reference(sequence_embeddings, W_llm, b_llm, item_embeddings, W_fusion, b_fusion, W_proj, b_proj):
    # base_model.rec_llm: mean-pool over history + linear + tanh -> user_rep [B, D]
    user_rep = jnp.tanh(sequence_embeddings.mean(axis=1) @ W_llm + b_llm)
    # retriever.retrieve: exact dot-product kNN over the item table -> indices [B, TOP_K]
    scores = user_rep @ item_embeddings.T
    _, indices = jax.lax.top_k(scores, TOP_K)
    # per-batch gather of retrieved item embeddings, mean over retrieved set
    # (vectorized form of the original python loop over batch_idx)
    retrieved_embeds = jnp.take(item_embeddings, indices, axis=0).mean(axis=1)
    # fusion linear over concat([user_rep, retrieved]) -> [B, D]
    fused_input = jnp.concatenate([user_rep, retrieved_embeds], axis=1)
    fused_rep = fused_input @ W_fusion + b_fusion
    # base_model.projection_head: linear to item vocabulary -> logits [B, V]
    logits = fused_rep @ W_proj + b_proj
    return logits

if __name__ == "__main__":
    import jax
    _d = setup_inputs()
    print(jax.jit(kernel)(*tuple(_d.values())))

</pallas_src>

<mosaic_0001>
#map = affine_map<(d0, d1) -> (0, 0)>
#map1 = affine_map<(d0, d1) -> (0, 0, 0)>
module attributes {stable_mosaic.version = 14 : i64} {
  func.func @sc_gather_mean(%arg0: i32, %arg1: i32, %arg2: memref<400000x128xf32, #tpu.memory_space<hbm>>, %arg3: memref<32x32x80xi32, #tpu.memory_space<hbm>>, %arg4: memref<1024x512xf32, #tpu.memory_space<hbm>>, %arg5: memref<80xi32, #tpu.memory_space<vmem>>, %arg6: memref<80x128xf32, #tpu.memory_space<vmem>>, %arg7: memref<1x512xf32, #tpu.memory_space<vmem>>, %arg8: memref<!tpu.dma_semaphore, #tpu.memory_space<semaphore_mem>>) attributes {dimension_semantics = [#tpu.dimension_semantics<core_parallel>, #tpu.dimension_semantics<subcore_parallel>], iteration_bounds = array<i64: 2, 16>, scalar_prefetch = 0 : i64, scratch_operands = 4 : i64, tpu.core_type = #tpu.core_type<sc_vector_subcore>, window_params = [{transform_indices = #map}, {transform_indices = #map1}, {transform_indices = #map}]} {
    %mul3A = arith.constant 2 : i32
    %mul3A_0 = arith.muli %arg1, %mul3A : i32
    %add3A = arith.addi %mul3A_0, %arg0 : i32
    %scan3A = arith.constant 0 : i32
    %scan3A_1 = arith.constant 0 : i32
    %scan3A_2 = arith.constant 32 : i32
    %scan3A_3 = arith.addi %scan3A_1, %scan3A_2 : i32
    %scan3A_4 = arith.constant 1 : i32
    scf.for %scan3A_6 = %scan3A_1 to %scan3A_3 step %scan3A_4  : i32 {
      "tpu.region"() ({
        %run_scoped3A = tpu.sem_alloc : memref<!tpu.dma_semaphore, #tpu.memory_space<semaphore_mem>>
        %dma_start3A_4108 = arith.constant 0 : i32
        %dma_start3A_4109 = tpu.memref_slice %arg3[%add3A, %scan3A_6, %dma_start3A_4108] : memref<32x32x80xi32, #tpu.memory_space<hbm>> -> memref<1x1x80xi32, #tpu.memory_space<hbm>>
        %dma_start3A_4110 = tpu.memref_squeeze %dma_start3A_4109 : memref<1x1x80xi32, #tpu.memory_space<hbm>> -> memref<80xi32, #tpu.memory_space<hbm>>
        %dma_start3A_4111 = arith.constant 0 : i32
        %dma_start3A_4112 = tpu.memref_slice %arg3[%add3A, %scan3A_6, %dma_start3A_4111] : memref<32x32x80xi32, #tpu.memory_space<hbm>> -> memref<1x1x80xi32, #tpu.memory_space<hbm>>
        %dma_start3A_4113 = tpu.memref_squeeze %dma_start3A_4112 : memref<1x1x80xi32, #tpu.memory_space<hbm>> -> memref<80xi32, #tpu.memory_space<hbm>>
        tpu.enqueue_dma source(%dma_start3A_4113 : memref<80xi32, #tpu.memory_space<hbm>>) target(%arg5 : memref<80xi32, #tpu.memory_space<vmem>>) target_semaphore(%run_scoped3A : memref<!tpu.dma_semaphore, #tpu.memory_space<semaphore_mem>>)
        %dma_wait3A_4114 = arith.constant 0 : i32
        %dma_wait3A_4115 = tpu.memref_slice %arg3[%add3A, %scan3A_6, %dma_wait3A_4114] : memref<32x32x80xi32, #tpu.memory_space<hbm>> -> memref<1x1x80xi32, #tpu.memory_space<hbm>>
        %dma_wait3A_4116 = tpu.memref_squeeze %dma_wait3A_4115 : memref<1x1x80xi32, #tpu.memory_space<hbm>> -> memref<80xi32, #tpu.memory_space<hbm>>
        %dma_wait3A_4117 = arith.constant 0 : i32
        %dma_wait3A_4118 = tpu.memref_slice %arg3[%add3A, %scan3A_6, %dma_wait3A_4117] : memref<32x32x80xi32, #tpu.memory_space<hbm>> -> memref<1x1x80xi32, #tpu.memory_space<hbm>>
        %dma_wait3A_4119 = tpu.memref_squeeze %dma_wait3A_4118 : memref<1x1x80xi32, #tpu.memory_space<hbm>> -> memref<80xi32, #tpu.memory_space<hbm>>
        tpu.wait_dma2 semaphore(%run_scoped3A : memref<!tpu.dma_semaphore, #tpu.memory_space<semaphore_mem>>) src(%dma_wait3A_4119 : memref<80xi32, #tpu.memory_space<hbm>>) dst(%arg5 : memref<80xi32, #tpu.memory_space<vmem>>)
        tpu.yield
      }) : () -> ()
      %dma_start3A = arith.constant 0 : i32
      %dma_start3A_7 = arith.constant 0 : i32
      %dma_start3A_8 = tpu.memref_slice %arg2[%dma_start3A, %dma_start3A_7] : memref<400000x128xf32, #tpu.memory_space<hbm>> -> memref<400000x128xf32, #tpu.memory_space<hbm>>
      tpu.enqueue_indirect_dma source(%dma_start3A_8 : memref<400000x128xf32, #tpu.memory_space<hbm>>) target(%arg6 : memref<80x128xf32, #tpu.memory_space<vmem>>) offsets(%arg5 : memref<80xi32, #tpu.memory_space<vmem>>) semaphore(%arg8 : memref<!tpu.dma_semaphore, #tpu.memory_space<semaphore_mem>>)
      %dma_wait3A = arith.constant 0 : i32
      %dma_wait3A_9 = arith.constant 0 : i32
      %dma_wait3A_10 = tpu.memref_slice %arg2[%dma_wait3A, %dma_wait3A_9] : memref<400000x128xf32, #tpu.memory_space<hbm>> -> memref<400000x128xf32, #tpu.memory_space<hbm>>
      tpu.wait_indirect_dma semaphore(%arg8 : memref<!tpu.dma_semaphore, #tpu.memory_space<semaphore_mem>>) src(%dma_wait3A_10 : memref<400000x128xf32, #tpu.memory_space<hbm>>) dst(%arg6 : memref<80x128xf32, #tpu.memory_space<vmem>>)
      %get3A = arith.constant 0 : i32
      %get3A_11 = arith.index_cast %get3A : i32 to index
      %get3A_12 = arith.constant 0 : index
      %get3A_13 = tpu.vector_load %arg6[%get3A_11, %get3A_12] {strides = array<i32>} : memref<80x128xf32, #tpu.memory_space<vmem>>, vector<1x16xf32>,
      %get3A_14 = vector.shape_cast %get3A_13 : vector<1x16xf32> to vector<16xf32>
      %get3A_15 = arith.constant 4 : i32
      %get3A_16 = arith.index_cast %get3A_15 : i32 to index
      %get3A_17 = arith.constant 0 : index
      %get3A_18 = tpu.vector_load %arg6[%get3A_16, %get3A_17] {strides = array<i32>} : memref<80x128xf32, #tpu.memory_space<vmem>>, vector<1x16xf32>,
      %get3A_19 = vector.shape_cast %get3A_18 : vector<1x16xf32> to vector<16xf32>
      %add3A_20 = arith.addf %get3A_14, %get3A_19 : vector<16xf32>
      %get3A_21 = arith.constant 8 : i32
      %get3A_22 = arith.index_cast %get3A_21 : i32 to index
      %get3A_23 = arith.constant 0 : index
      %get3A_24 = tpu.vector_load %arg6[%get3A_22, %get3A_23] {strides = array<i32>} : memref<80x128xf32, #tpu.memory_space<vmem>>, vector<1x16xf32>,
      %get3A_25 = vector.shape_cast %get3A_24 : vector<1x16xf32> to vector<16xf32>
      %add3A_26 = arith.addf %add3A_20, %get3A_25 : vector<16xf32>
      %get3A_27 = arith.constant 12 : i32
      %get3A_28 = arith.index_cast %get3A_27 : i32 to index
      %get3A_29 = arith.constant 0 : index
      %get3A_30 = tpu.vector_load %arg6[%get3A_28, %get3A_29] {strides = array<i32>} : memref<80x128xf32, #tpu.memory_space<vmem>>, vector<1x16xf32>,
      %get3A_31 = vector.shape_cast %get3A_30 : vector<1x16xf32> to vector<16xf32>
      %add3A_32 = arith.addf %add3A_26, %get3A_31 : vector<16xf32>
      %get3A_33 = arith.constant 16 : i32
      %get3A_34 = arith.index_cast %get3A_33 : i32 to index
      %get3A_35 = arith.constant 0 : index
      %get3A_36 = tpu.vector_load %arg6[%get3A_34, %get3A_35] {strides = array<i32>} : memref<80x128xf32, #tpu.memory_space<vmem>>, vector<1x16xf32>,
      %get3A_37 = vector.shape_cast %get3A_36 : vector<1x16xf32> to vector<16xf32>
      %add3A_38 = arith.addf %add3A_32, %get3A_37 : vector<16xf32>
      %get3A_39 = arith.constant 20 : i32
      %get3A_40 = arith.index_cast %get3A_39 : i32 to index
      %get3A_41 = arith.constant 0 : index
      %get3A_42 = tpu.vector_load %arg6[%get3A_40, %get3A_41] {strides = array<i32>} : memref<80x128xf32, #tpu.memory_space<vmem>>, vector<1x16xf32>,
      %get3A_43 = vector.shape_cast %get3A_42 : vector<1x16xf32> to vector<16xf32>
      %add3A_44 = arith.addf %add3A_38, %get3A_43 : vector<16xf32>
      %get3A_45 = arith.constant 24 : i32
      %get3A_46 = arith.index_cast %get3A_45 : i32 to index
      %get3A_47 = arith.constant 0 : index
      %get3A_48 = tpu.vector_load %arg6[%get3A_46, %get3A_47] {strides = array<i32>} : memref<80x128xf32, #tpu.memory_space<vmem>>, vector<1x16xf32>,
      %get3A_49 = vector.shape_cast %get3A_48 : vector<1x16xf32> to vector<16xf32>
      %add3A_50 = arith.addf %add3A_44, %get3A_49 : vector<16xf32>
      %get3A_51 = arith.constant 28 : i32
      %get3A_52 = arith.index_cast %get3A_51 : i32 to index
      %get3A_53 = arith.constant 0 : index
      %get3A_54 = tpu.vector_load %arg6[%get3A_52, %get3A_53] {strides = array<i32>} : memref<80x128xf32, #tpu.memory_space<vmem>>, vector<1x16xf32>,
      %get3A_55 = vector.shape_cast %get3A_54 : vector<1x16xf32> to vector<16xf32>
      %add3A_56 = arith.addf %add3A_50, %get3A_55 : vector<16xf32>
      %get3A_57 = arith.constant 32 : i32
      %get3A_58 = arith.index_cast %get3A_57 : i32 to index
      %get3A_59 = arith.constant 0 : index
      %get3A_60 = tpu.vector_load %arg6[%get3A_58, %get3A_59] {strides = array<i32>} : memref<80x128xf32, #tpu.memory_space<vmem>>, vector<1x16xf32>,
      %get3A_61 = vector.shape_cast %get3A_60 : vector<1x16xf32> to vector<16xf32>
      %add3A_62 = arith.addf %add3A_56, %get3A_61 : vector<16xf32>
      %get3A_63 = arith.constant 36 : i32
      %get3A_64 = arith.index_cast %get3A_63 : i32 to index
      %get3A_65 = arith.constant 0 : index
      %get3A_66 = tpu.vector_load %arg6[%get3A_64, %get3A_65] {strides = array<i32>} : memref<80x128xf32, #tpu.memory_space<vmem>>, vector<1x16xf32>,
      %get3A_67 = vector.shape_cast %get3A_66 : vector<1x16xf32> to vector<16xf32>
      %add3A_68 = arith.addf %add3A_62, %get3A_67 : vector<16xf32>
      %get3A_69 = arith.constant 40 : i32
      %get3A_70 = arith.index_cast %get3A_69 : i32 to index
      %get3A_71 = arith.constant 0 : index
      %get3A_72 = tpu.vector_load %arg6[%get3A_70, %get3A_71] {strides = array<i32>} : memref<80x128xf32, #tpu.memory_space<vmem>>, vector<1x16xf32>,
      %get3A_73 = vector.shape_cast %get3A_72 : vector<1x16xf32> to vector<16xf32>
      %add3A_74 = arith.addf %add3A_68, %get3A_73 : vector<16xf32>
      %get3A_75 = arith.constant 44 : i32
      %get3A_76 = arith.index_cast %get3A_75 : i32 to index
      %get3A_77 = arith.constant 0 : index
      %get3A_78 = tpu.vector_load %arg6[%get3A_76, %get3A_77] {strides = array<i32>} : memref<80x128xf32, #tpu.memory_space<vmem>>, vector<1x16xf32>,
      %get3A_79 = vector.shape_cast %get3A_78 : vector<1x16xf32> to vector<16xf32>
      %add3A_80 = arith.addf %add3A_74, %get3A_79 : vector<16xf32>
      %get3A_81 = arith.constant 48 : i32
      %get3A_82 = arith.index_cast %get3A_81 : i32 to index
      %get3A_83 = arith.constant 0 : index
      %get3A_84 = tpu.vector_load %arg6[%get3A_82, %get3A_83] {strides = array<i32>} : memref<80x128xf32, #tpu.memory_space<vmem>>, vector<1x16xf32>,
      %get3A_85 = vector.shape_cast %get3A_84 : vector<1x16xf32> to vector<16xf32>
      %add3A_86 = arith.addf %add3A_80, %get3A_85 : vector<16xf32>
      %get3A_87 = arith.constant 52 : i32
      %get3A_88 = arith.index_cast %get3A_87 : i32 to index
      %get3A_89 = arith.constant 0 : index
      %get3A_90 = tpu.vector_load %arg6[%get3A_88, %get3A_89] {strides = array<i32>} : memref<80x128xf32, #tpu.memory_space<vmem>>, vector<1x16xf32>,
      %get3A_91 = vector.shape_cast %get3A_90 : vector<1x16xf32> to vector<16xf32>
      %add3A_92 = arith.addf %add3A_86, %get3A_91 : vector<16xf32>
      %get3A_93 = arith.constant 56 : i32
      %get3A_94 = arith.index_cast %get3A_93 : i32 to index
      %get3A_95 = arith.constant 0 : index
      %get3A_96 = tpu.vector_load %arg6[%get3A_94, %get3A_95] {strides = array<i32>} : memref<80x128xf32, #tpu.memory_space<vmem>>, vector<1x16xf32>,
      %get3A_97 = vector.shape_cast %get3A_96 : vector<1x16xf32> to vector<16xf32>
      %add3A_98 = arith.addf %add3A_92, %get3A_97 : vector<16xf32>
      %get3A_99 = arith.constant 60 : i32
      %get3A_100 = arith.index_cast %get3A_99 : i32 to index
      %get3A_101 = arith.constant 0 : index
      %get3A_102 = tpu.vector_load %arg6[%get3A_100, %get3A_101] {strides = array<i32>} : memref<80x128xf32, #tpu.memory_space<vmem>>, vector<1x16xf32>,
      %get3A_103 = vector.shape_cast %get3A_102 : vector<1x16xf32> to vector<16xf32>
      %add3A_104 = arith.addf %add3A_98, %get3A_103 : vector<16xf32>
      %get3A_105 = arith.constant 64 : i32
      %get3A_106 = arith.index_cast %get3A_105 : i32 to index
      %get3A_107 = arith.constant 0 : index
      %get3A_108 = tpu.vector_load %arg6[%get3A_106, %get3A_107] {strides = array<i32>} : memref<80x128xf32, #tpu.memory_space<vmem>>, vector<1x16xf32>,
      %get3A_109 = vector.shape_cast %get3A_108 : vector<1x16xf32> to vector<16xf32>
      %add3A_110 = arith.addf %add3A_104, %get3A_109 : vector<16xf32>
      %get3A_111 = arith.constant 68 : i32
      %get3A_112 = arith.index_cast %get3A_111 : i32 to index
      %get3A_113 = arith.constant 0 : index
      %get3A_114 = tpu.vector_load %arg6[%get3A_112, %get3A_113] {strides = array<i32>} : memref<80x128xf32, #tpu.memory_space<vmem>>, vector<1x16xf32>,
      %get3A_115 = vector.shape_cast %get3A_114 : vector<1x16xf32> to vector<16xf32>
      %add3A_116 = arith.addf %add3A_110, %get3A_115 : vector<16xf32>
      %get3A_117 = arith.constant 72 : i32
      %get3A_118 = arith.index_cast %get3A_117 : i32 to index
      %get3A_119 = arith.constant 0 : index
      %get3A_120 = tpu.vector_load %arg6[%get3A_118, %get3A_119] {strides = array<i32>} : memref<80x128xf32, #tpu.memory_space<vmem>>, vector<1x16xf32>,
      %get3A_121 = vector.shape_cast %get3A_120 : vector<1x16xf32> to vector<16xf32>
      %add3A_122 = arith.addf %add3A_116, %get3A_121 : vector<16xf32>
      %get3A_123 = arith.constant 76 : i32
      %get3A_124 = arith.index_cast %get3A_123 : i32 to index
      %get3A_125 = arith.constant 0 : index
      %get3A_126 = tpu.vector_load %arg6[%get3A_124, %get3A_125] {strides = array<i32>} : memref<80x128xf32, #tpu.memory_space<vmem>>, vector<1x16xf32>,
      %get3A_127 = vector.shape_cast %get3A_126 : vector<1x16xf32> to vector<16xf32>
      %add3A_128 = arith.addf %add3A_122, %get3A_127 : vector<16xf32>
      %mul3A_129 = arith.constant 5.000000e-02 : f32
      %mul3A_130 = vector.broadcast %mul3A_129 : f32 to vector<16xf32>
      %mul3A_131 = arith.mulf %add3A_128, %mul3A_130 : vector<16xf32>
      %swap3A = arith.constant 0 : i32
      %swap3A_132 = arith.index_cast %swap3A : i32 to index
      %swap3A_133 = arith.constant 0 : index
      %swap3A_134 = tpu.vector_load %arg7[%swap3A_132, %swap3A_133] {strides = array<i32>} : memref<1x512xf32, #tpu.memory_space<vmem>>, vector<1x16xf32>,
      %swap3A_135 = vector.shape_cast %swap3A_134 : vector<1x16xf32> to vector<16xf32>
      %swap3A_136 = vector.shape_cast %mul3A_131 : vector<16xf32> to vector<1x16xf32>
      tpu.vector_store %arg7[%swap3A_132, %swap3A_133], %swap3A_136 {strides = array<i32>} : memref<1x512xf32, #tpu.memory_space<vmem>>, vector<1x16xf32>,
      %get3A_137 = arith.constant 0 : i32
      %get3A_138 = arith.index_cast %get3A_137 : i32 to index
      %get3A_139 = arith.constant 16 : index
      %get3A_140 = tpu.vector_load %arg6[%get3A_138, %get3A_139] {strides = array<i32>} : memref<80x128xf32, #tpu.memory_space<vmem>>, vector<1x16xf32>,
      %get3A_141 = vector.shape_cast %get3A_140 : vector<1x16xf32> to vector<16xf32>
      %get3A_142 = arith.constant 4 : i32
      %get3A_143 = arith.index_cast %get3A_142 : i32 to index
      %get3A_144 = arith.constant 16 : index
      %get3A_145 = tpu.vector_load %arg6[%get3A_143, %get3A_144] {strides = array<i32>} : memref<80x128xf32, #tpu.memory_space<vmem>>, vector<1x16xf32>,
      %get3A_146 = vector.shape_cast %get3A_145 : vector<1x16xf32> to vector<16xf32>
      %add3A_147 = arith.addf %get3A_141, %get3A_146 : vector<16xf32>
      %get3A_148 = arith.constant 8 : i32
      %get3A_149 = arith.index_cast %get3A_148 : i32 to index
      %get3A_150 = arith.constant 16 : index
      %get3A_151 = tpu.vector_load %arg6[%get3A_149, %get3A_150] {strides = array<i32>} : memref<80x128xf32, #tpu.memory_space<vmem>>, vector<1x16xf32>,
      %get3A_152 = vector.shape_cast %get3A_151 : vector<1x16xf32> to vector<16xf32>
      %add3A_153 = arith.addf %add3A_147, %get3A_152 : vector<16xf32>
      %get3A_154 = arith.constant 12 : i32
      %get3A_155 = arith.index_cast %get3A_154 : i32 to index
      %get3A_156 = arith.constant 16 : index
      %get3A_157 = tpu.vector_load %arg6[%get3A_155, %get3A_156] {strides = array<i32>} : memref<80x128xf32, #tpu.memory_space<vmem>>, vector<1x16xf32>,
      %get3A_158 = vector.shape_cast %get3A_157 : vector<1x16xf32> to vector<16xf32>
      %add3A_159 = arith.addf %add3A_153, %get3A_158 : vector<16xf32>
      %get3A_160 = arith.constant 16 : i32
      %get3A_161 = arith.index_cast %get3A_160 : i32 to index
      %get3A_162 = arith.constant 16 : index
      %get3A_163 = tpu.vector_load %arg6[%get3A_161, %get3A_162] {strides = array<i32>} : memref<80x128xf32, #tpu.memory_space<vmem>>, vector<1x16xf32>,
      %get3A_164 = vector.shape_cast %get3A_163 : vector<1x16xf32> to vector<16xf32>
      %add3A_165 = arith.addf %add3A_159, %get3A_164 : vector<16xf32>
      %get3A_166 = arith.constant 20 : i32
      %get3A_167 = arith.index_cast %get3A_166 : i32 to index
      %get3A_168 = arith.constant 16 : index
      %get3A_169 = tpu.vector_load %arg6[%get3A_167, %get3A_168] {strides = array<i32>} : memref<80x128xf32, #tpu.memory_space<vmem>>, vector<1x16xf32>,
      %get3A_170 = vector.shape_cast %get3A_169 : vector<1x16xf32> to vector<16xf32>
      %add3A_171 = arith.addf %add3A_165, %get3A_170 : vector<16xf32>
      %get3A_172 = arith.constant 24 : i32
      %get3A_173 = arith.index_cast %get3A_172 : i32 to index
      %get3A_174 = arith.constant 16 : index
      %get3A_175 = tpu.vector_load %arg6[%get3A_173, %get3A_174] {strides = array<i32>} : memref<80x128xf32, #tpu.memory_space<vmem>>, vector<1x16xf32>,
      %get3A_176 = vector.shape_cast %get3A_175 : vector<1x16xf32> to vector<16xf32>
      %add3A_177 = arith.addf %add3A_171, %get3A_176 : vector<16xf32>
      %get3A_178 = arith.constant 28 : i32
      %get3A_179 = arith.index_cast %get3A_178 : i32 to index
      %get3A_180 = arith.constant 16 : index
      %get3A_181 = tpu.vector_load %arg6[%get3A_179, %get3A_180] {strides = array<i32>} : memref<80x128xf32, #tpu.memory_space<vmem>>, vector<1x16xf32>,
      %get3A_182 = vector.shape_cast %get3A_181 : vector<1x16xf32> to vector<16xf32>
      %add3A_183 = arith.addf %add3A_177, %get3A_182 : vector<16xf32>
      %get3A_184 = arith.constant 32 : i32
      %get3A_185 = arith.index_cast %get3A_184 : i32 to index
      %get3A_186 = arith.constant 16 : index
      %get3A_187 = tpu.vector_load %arg6[%get3A_185, %get3A_186] {strides = array<i32>} : memref<80x128xf32, #tpu.memory_space<vmem>>, vector<1x16xf32>,
      %get3A_188 = vector.shape_cast %get3A_187 : vector<1x16xf32> to vector<16xf32>
      %add3A_189 = arith.addf %add3A_183, %get3A_188 : vector<16xf32>
      %get3A_190 = arith.constant 36 : i32
      %get3A_191 = arith.index_cast %get3A_190 : i32 to index
      %get3A_192 = arith.constant 16 : index
      %get3A_193 = tpu.vector_load %arg6[%get3A_191, %get3A_192] {strides = array<i32>} : memref<80x128xf32, #tpu.memory_space<vmem>>, vector<1x16xf32>,
      %get3A_194 = vector.shape_cast %get3A_193 : vector<1x16xf32> to vector<16xf32>
      %add3A_195 = arith.addf %add3A_189, %get3A_194 : vector<16xf32>
      %get3A_196 = arith.constant 40 : i32
      %get3A_197 = arith.index_cast %get3A_196 : i32 to index
      %get3A_198 = arith.constant 16 : index
      %get3A_199 = tpu.vector_load %arg6[%get3A_197, %get3A_198] {strides = array<i32>} : memref<80x128xf32, #tpu.memory_space<vmem>>, vector<1x16xf32>,
      %get3A_200 = vector.shape_cast %get3A_199 : vector<1x16xf32> to vector<16xf32>
      %add3A_201 = arith.addf %add3A_195, %get3A_200 : vector<16xf32>
      %get3A_202 = arith.constant 44 : i32
      %get3A_203 = arith.index_cast %get3A_202 : i32 to index
      %get3A_204 = arith.constant 16 : index
      %get3A_205 = tpu.vector_load %arg6[%get3A_203, %get3A_204] {strides = array<i32>} : memref<80x128xf32, #tpu.memory_space<vmem>>, vector<1x16xf32>,
      %get3A_206 = vector.shape_cast %get3A_205 : vector<1x16xf32> to vector<16xf32>
      %add3A_207 = arith.addf %add3A_201, %get3A_206 : vector<16xf32>
      %get3A_208 = arith.constant 48 : i32
      %get3A_209 = arith.index_cast %get3A_208 : i32 to index
      %get3A_210 = arith.constant 16 : index
      %get3A_211 = tpu.vector_load %arg6[%get3A_209, %get3A_210] {strides = array<i32>} : memref<80x128xf32, #tpu.memory_space<vmem>>, vector<1x16xf32>,
      %get3A_212 = vector.shape_cast %get3A_211 : vector<1x16xf32> to vector<16xf32>
      %add3A_213 = arith.addf %add3A_207, %get3A_212 : vector<16xf32>
      %get3A_214 = arith.constant 52 : i32
      %get3A_215 = arith.index_cast %get3A_214 : i32 to index
      %get3A_216 = arith.constant 16 : index
      %get3A_217 = tpu.vector_load %arg6[%get3A_215, %get3A_216] {strides = array<i32>} : memref<80x128xf32, #tpu.memory_space<vmem>>, vector<1x16xf32>,
      %get3A_218 = vector.shape_cast %get3A_217 : vector<1x16xf32> to vector<16xf32>
      %add3A_219 = arith.addf %add3A_213, %get3A_218 : vector<16xf32>
      %get3A_220 = arith.constant 56 : i32
      %get3A_221 = arith.index_cast %get3A_220 : i32 to index
      %get3A_222 = arith.constant 16 : index
      %get3A_223 = tpu.vector_load %arg6[%get3A_221, %get3A_222] {strides = array<i32>} : memref<80x128xf32, #tpu.memory_space<vmem>>, vector<1x16xf32>,
      %get3A_224 = vector.shape_cast %get3A_223 : vector<1x16xf32> to vector<16xf32>
      %add3A_225 = arith.addf %add3A_219, %get3A_224 : vector<16xf32>
      %get3A_226 = arith.constant 60 : i32
      %get3A_227 = arith.index_cast %get3A_226 : i32 to index
      %get3A_228 = arith.constant 16 : index
      %get3A_229 = tpu.vector_load %arg6[%get3A_227, %get3A_228] {strides = array<i32>} : memref<80x128xf32, #tpu.memory_space<vmem>>, vector<1x16xf32>,
      %get3A_230 = vector.shape_cast %get3A_229 : vector<1x16xf32> to vector<16xf32>
      %add3A_231 = arith.addf %add3A_225, %get3A_230 : vector<16xf32>
      %get3A_232 = arith.constant 64 : i32
      %get3A_233 = arith.index_cast %get3A_232 : i32 to index
      %get3A_234 = arith.constant 16 : index
      %get3A_235 = tpu.vector_load %arg6[%get3A_233, %get3A_234] {strides = array<i32>} : memref<80x128xf32, #tpu.memory_space<vmem>>, vector<1x16xf32>,
      %get3A_236 = vector.shape_cast %get3A_235 : vector<1x16xf32> to vector<16xf32>
      %add3A_237 = arith.addf %add3A_231, %get3A_236 : vector<16xf32>
      %get3A_238 = arith.constant 68 : i32
      %get3A_239 = arith.index_cast %get3A_238 : i32 to index
      %get3A_240 = arith.constant 16 : index
      %get3A_241 = tpu.vector_load %arg6[%get3A_239, %get3A_240] {strides = array<i32>} : memref<80x128xf32, #tpu.memory_space<vmem>>, vector<1x16xf32>,
      %get3A_242 = vector.shape_cast %get3A_241 : vector<1x16xf32> to vector<16xf32>
      %add3A_243 = arith.addf %add3A_237, %get3A_242 : vector<16xf32>
      %get3A_244 = arith.constant 72 : i32
      %get3A_245 = arith.index_cast %get3A_244 : i32 to index
      %get3A_246 = arith.constant 16 : index
      %get3A_247 = tpu.vector_load %arg6[%get3A_245, %get3A_246] {strides = array<i32>} : memref<80x128xf32, #tpu.memory_space<vmem>>, vector<1x16xf32>,
      %get3A_248 = vector.shape_cast %get3A_247 : vector<1x16xf32> to vector<16xf32>
      %add3A_249 = arith.addf %add3A_243, %get3A_248 : vector<16xf32>
      %get3A_250 = arith.constant 76 : i32
      %get3A_251 = arith.index_cast %get3A_250 : i32 to index
      %get3A_252 = arith.constant 16 : index
      %get3A_253 = tpu.vector_load %arg6[%get3A_251, %get3A_252] {strides = array<i32>} : memref<80x128xf32, #tpu.memory_space<vmem>>, vector<1x16xf32>,
      %get3A_254 = vector.shape_cast %get3A_253 : vector<1x16xf32> to vector<16xf32>
      %add3A_255 = arith.addf %add3A_249, %get3A_254 : vector<16xf32>
      %mul3A_256 = arith.constant 5.000000e-02 : f32
      %mul3A_257 = vector.broadcast %mul3A_256 : f32 to vector<16xf32>
      %mul3A_258 = arith.mulf %add3A_255, %mul3A_257 : vector<16xf32>
      %swap3A_259 = arith.constant 0 : i32
      %swap3A_260 = arith.index_cast %swap3A_259 : i32 to index
      %swap3A_261 = arith.constant 16 : index
      %swap3A_262 = tpu.vector_load %arg7[%swap3A_260, %swap3A_261] {strides = array<i32>} : memref<1x512xf32, #tpu.memory_space<vmem>>, vector<1x16xf32>,
      %swap3A_263 = vector.shape_cast %swap3A_262 : vector<1x16xf32> to vector<16xf32>
      %swap3A_264 = vector.shape_cast %mul3A_258 : vector<16xf32> to vector<1x16xf32>
      tpu.vector_store %arg7[%swap3A_260, %swap3A_261], %swap3A_264 {strides = array<i32>} : memref<1x512xf32, #tpu.memory_space<vmem>>, vector<1x16xf32>,
      %get3A_265 = arith.constant 0 : i32
      %get3A_266 = arith.index_cast %get3A_265 : i32 to index
      %get3A_267 = arith.constant 32 : index
      %get3A_268 = tpu.vector_load %arg6[%get3A_266, %get3A_267] {strides = array<i32>} : memref<80x128xf32, #tpu.memory_space<vmem>>, vector<1x16xf32>,
      %get3A_269 = vector.shape_cast %get3A_268 : vector<1x16xf32> to vector<16xf32>
      %get3A_270 = arith.constant 4 : i32
      %get3A_271 = arith.index_cast %get3A_270 : i32 to index
      %get3A_272 = arith.constant 32 : index
      %get3A_273 = tpu.vector_load %arg6[%get3A_271, %get3A_272] {strides = array<i32>} : memref<80x128xf32, #tpu.memory_space<vmem>>, vector<1x16xf32>,
      %get3A_274 = vector.shape_cast %get3A_273 : vector<1x16xf32> to vector<16xf32>
      %add3A_275 = arith.addf %get3A_269, %get3A_274 : vector<16xf32>
      %get3A_276 = arith.constant 8 : i32
      %get3A_277 = arith.index_cast %get3A_276 : i32 to index
      %get3A_278 = arith.constant 32 : index
      %get3A_279 = tpu.vector_load %arg6[%get3A_277, %get3A_278] {strides = array<i32>} : memref<80x128xf32, #tpu.memory_space<vmem>>, vector<1x16xf32>,
      %get3A_280 = vector.shape_cast %get3A_279 : vector<1x16xf32> to vector<16xf32>
      %add3A_281 = arith.addf %add3A_275, %get3A_280 : vector<16xf32>
      %get3A_282 = arith.constant 12 : i32
      %get3A_283 = arith.index_cast %get3A_282 : i32 to index
      %get3A_284 = arith.constant 32 : index
      %get3A_285 = tpu.vector_load %arg6[%get3A_283, %get3A_284] {strides = array<i32>} : memref<80x128xf32, #tpu.memory_space<vmem>>, vector<1x16xf32>,
      %get3A_286 = vector.shape_cast %get3A_285 : vector<1x16xf32> to vector<16xf32>
      %add3A_287 = arith.addf %add3A_281, %get3A_286 : vector<16xf32>
      %get3A_288 = arith.constant 16 : i32
      %get3A_289 = arith.index_cast %get3A_288 : i32 to index
      %get3A_290 = arith.constant 32 : index
      %get3A_291 = tpu.vector_load %arg6[%get3A_289, %get3A_290] {strides = array<i32>} : memref<80x128xf32, #tpu.memory_space<vmem>>, vector<1x16xf32>,
      %get3A_292 = vector.shape_cast %get3A_291 : vector<1x16xf32> to vector<16xf32>
      %add3A_293 = arith.addf %add3A_287, %get3A_292 : vector<16xf32>
      %get3A_294 = arith.constant 20 : i32
      %get3A_295 = arith.index_cast %get3A_294 : i32 to index
      %get3A_296 = arith.constant 32 : index
      %get3A_297 = tpu.vector_load %arg6[%get3A_295, %get3A_296] {strides = array<i32>} : memref<80x128xf32, #tpu.memory_space<vmem>>, vector<1x16xf32>,
      %get3A_298 = vector.shape_cast %get3A_297 : vector<1x16xf32> to vector<16xf32>
      %add3A_299 = arith.addf %add3A_293, %get3A_298 : vector<16xf32>
      %get3A_300 = arith.constant 24 : i32
      %get3A_301 = arith.index_cast %get3A_300 : i32 to index
      %get3A_302 = arith.constant 32 : index
      %get3A_303 = tpu.vector_load %arg6[%get3A_301, %get3A_302] {strides = array<i32>} : memref<80x128xf32, #tpu.memory_space<vmem>>, vector<1x16xf32>,
      %get3A_304 = vector.shape_cast %get3A_303 : vector<1x16xf32> to vector<16xf32>
      %add3A_305 = arith.addf %add3A_299, %get3A_304 : vector<16xf32>
      %get3A_306 = arith.constant 28 : i32
      %get3A_307 = arith.index_cast %get3A_306 : i32 to index
      %get3A_308 = arith.constant 32 : index
      %get3A_309 = tpu.vector_load %arg6[%get3A_307, %get3A_308] {strides = array<i32>} : memref<80x128xf32, #tpu.memory_space<vmem>>, vector<1x16xf32>,
      %get3A_310 = vector.shape_cast %get3A_309 : vector<1x16xf32> to vector<16xf32>
      %add3A_311 = arith.addf %add3A_305, %get3A_310 : vector<16xf32>
      %get3A_312 = arith.constant 32 : i32
      %get3A_313 = arith.index_cast %get3A_312 : i32 to index
      %get3A_314 = arith.constant 32 : index
      %get3A_315 = tpu.vector_load %arg6[%get3A_313, %get3A_314] {strides = array<i32>} : memref<80x128xf32, #tpu.memory_space<vmem>>, vector<1x16xf32>,
      %get3A_316 = vector.shape_cast %get3A_315 : vector<1x16xf32> to vector<16xf32>
      %add3A_317 = arith.addf %add3A_311, %get3A_316 : vector<16xf32>
      %get3A_318 = arith.constant 36 : i32
      %get3A_319 = arith.index_cast %get3A_318 : i32 to index
      %get3A_320 = arith.constant 32 : index
      %get3A_321 = tpu.vector_load %arg6[%get3A_319, %get3A_320] {strides = array<i32>} : memref<80x128xf32, #tpu.memory_space<vmem>>, vector<1x16xf32>,
      %get3A_322 = vector.shape_cast %get3A_321 : vector<1x16xf32> to vector<16xf32>
      %add3A_323 = arith.addf %add3A_317, %get3A_322 : vector<16xf32>
      %get3A_324 = arith.constant 40 : i32
      %get3A_325 = arith.index_cast %get3A_324 : i32 to index
      %get3A_326 = arith.constant 32 : index
      %get3A_327 = tpu.vector_load %arg6[%get3A_325, %get3A_326] {strides = array<i32>} : memref<80x128xf32, #tpu.memory_space<vmem>>, vector<1x16xf32>,
      %get3A_328 = vector.shape_cast %get3A_327 : vector<1x16xf32> to vector<16xf32>
      %add3A_329 = arith.addf %add3A_323, %get3A_328 : vector<16xf32>
      %get3A_330 = arith.constant 44 : i32
      %get3A_331 = arith.index_cast %get3A_330 : i32 to index
      %get3A_332 = arith.constant 32 : index
      %get3A_333 = tpu.vector_load %arg6[%get3A_331, %get3A_332] {strides = array<i32>} : memref<80x128xf32, #tpu.memory_space<vmem>>, vector<1x16xf32>,
      %get3A_334 = vector.shape_cast %get3A_333 : vector<1x16xf32> to vector<16xf32>
      %add3A_335 = arith.addf %add3A_329, %get3A_334 : vector<16xf32>
      %get3A_336 = arith.constant 48 : i32
      %get3A_337 = arith.index_cast %get3A_336 : i32 to index
      %get3A_338 = arith.constant 32 : index
      %get3A_339 = tpu.vector_load %arg6[%get3A_337, %get3A_338] {strides = array<i32>} : memref<80x128xf32, #tpu.memory_space<vmem>>, vector<1x16xf32>,
      %get3A_340 = vector.shape_cast %get3A_339 : vector<1x16xf32> to vector<16xf32>
      %add3A_341 = arith.addf %add3A_335, %get3A_340 : vector<16xf32>
      %get3A_342 = arith.constant 52 : i32
      %get3A_343 = arith.index_cast %get3A_342 : i32 to index
      %get3A_344 = arith.constant 32 : index
      %get3A_345 = tpu.vector_load %arg6[%get3A_343, %get3A_344] {strides = array<i32>} : memref<80x128xf32, #tpu.memory_space<vmem>>, vector<1x16xf32>,
      %get3A_346 = vector.shape_cast %get3A_345 : vector<1x16xf32> to vector<16xf32>
      %add3A_347 = arith.addf %add3A_341, %get3A_346 : vector<16xf32>
      %get3A_348 = arith.constant 56 : i32
      %get3A_349 = arith.index_cast %get3A_348 : i32 to index
      %get3A_350 = arith.constant 32 : index
      %get3A_351 = tpu.vector_load %arg6[%get3A_349, %get3A_350] {strides = array<i32>} : memref<80x128xf32, #tpu.memory_space<vmem>>, vector<1x16xf32>,
      %get3A_352 = vector.shape_cast %get3A_351 : vector<1x16xf32> to vector<16xf32>
      %add3A_353 = arith.addf %add3A_347, %get3A_352 : vector<16xf32>
      %get3A_354 = arith.constant 60 : i32
      %get3A_355 = arith.index_cast %get3A_354 : i32 to index
      %get3A_356 = arith.constant 32 : index
      %get3A_357 = tpu.vector_load %arg6[%get3A_355, %get3A_356] {strides = array<i32>} : memref<80x128xf32, #tpu.memory_space<vmem>>, vector<1x16xf32>,
      %get3A_358 = vector.shape_cast %get3A_357 : vector<1x16xf32> to vector<16xf32>
      %add3A_359 = arith.addf %add3A_353, %get3A_358 : vector<16xf32>
      %get3A_360 = arith.constant 64 : i32
      %get3A_361 = arith.index_cast %get3A_360 : i32 to index
      %get3A_362 = arith.constant 32 : index
      %get3A_363 = tpu.vector_load %arg6[%get3A_361, %get3A_362] {strides = array<i32>} : memref<80x128xf32, #tpu.memory_space<vmem>>, vector<1x16xf32>,
      %get3A_364 = vector.shape_cast %get3A_363 : vector<1x16xf32> to vector<16xf32>
      %add3A_365 = arith.addf %add3A_359, %get3A_364 : vector<16xf32>
      %get3A_366 = arith.constant 68 : i32
      %get3A_367 = arith.index_cast %get3A_366 : i32 to index
      %get3A_368 = arith.constant 32 : index
      %get3A_369 = tpu.vector_load %arg6[%get3A_367, %get3A_368] {strides = array<i32>} : memref<80x128xf32, #tpu.memory_space<vmem>>, vector<1x16xf32>,
      %get3A_370 = vector.shape_cast %get3A_369 : vector<1x16xf32> to vector<16xf32>
      %add3A_371 = arith.addf %add3A_365, %get3A_370 : vector<16xf32>
      %get3A_372 = arith.constant 72 : i32
      %get3A_373 = arith.index_cast %get3A_372 : i32 to index
      %get3A_374 = arith.constant 32 : index
      %get3A_375 = tpu.vector_load %arg6[%get3A_373, %get3A_374] {strides = array<i32>} : memref<80x128xf32, #tpu.memory_space<vmem>>, vector<1x16xf32>,
      %get3A_376 = vector.shape_cast %get3A_375 : vector<1x16xf32> to vector<16xf32>
      %add3A_377 = arith.addf %add3A_371, %get3A_376 : vector<16xf32>
      %get3A_378 = arith.constant 76 : i32
      %get3A_379 = arith.index_cast %get3A_378 : i32 to index
      %get3A_380 = arith.constant 32 : index
      %get3A_381 = tpu.vector_load %arg6[%get3A_379, %get3A_380] {strides = array<i32>} : memref<80x128xf32, #tpu.memory_space<vmem>>, vector<1x16xf32>,
      %get3A_382 = vector.shape_cast %get3A_381 : vector<1x16xf32> to vector<16xf32>
      %add3A_383 = arith.addf %add3A_377, %get3A_382 : vector<16xf32>
      %mul3A_384 = arith.constant 5.000000e-02 : f32
      %mul3A_385 = vector.broadcast %mul3A_384 : f32 to vector<16xf32>
      %mul3A_386 = arith.mulf %add3A_383, %mul3A_385 : vector<16xf32>
      %swap3A_387 = arith.constant 0 : i32
      %swap3A_388 = arith.index_cast %swap3A_387 : i32 to index
      %swap3A_389 = arith.constant 32 : index
      %swap3A_390 = tpu.vector_load %arg7[%swap3A_388, %swap3A_389] {strides = array<i32>} : memref<1x512xf32, #tpu.memory_space<vmem>>, vector<1x16xf32>,
      %swap3A_391 = vector.shape_cast %swap3A_390 : vector<1x16xf32> to vector<16xf32>
      %swap3A_392 = vector.shape_cast %mul3A_386 : vector<16xf32> to vector<1x16xf32>
      tpu.vector_store %arg7[%swap3A_388, %swap3A_389], %swap3A_392 {strides = array<i32>} : memref<1x512xf32, #tpu.memory_space<vmem>>, vector<1x16xf32>,
      %get3A_393 = arith.constant 0 : i32
      %get3A_394 = arith.index_cast %get3A_393 : i32 to index
      %get3A_395 = arith.constant 48 : index
      %get3A_396 = tpu.vector_load %arg6[%get3A_394, %get3A_395] {strides = array<i32>} : memref<80x128xf32, #tpu.memory_space<vmem>>, vector<1x16xf32>,
      %get3A_397 = vector.shape_cast %get3A_396 : vector<1x16xf32> to vector<16xf32>
      %get3A_398 = arith.constant 4 : i32
      %get3A_399 = arith.index_cast %get3A_398 : i32 to index
      %get3A_400 = arith.constant 48 : index
      %get3A_401 = tpu.vector_load %arg6[%get3A_399, %get3A_400] {strides = array<i32>} : memref<80x128xf32, #tpu.memory_space<vmem>>, vector<1x16xf32>,
      %get3A_402 = vector.shape_cast %get3A_401 : vector<1x16xf32> to vector<16xf32>
      %add3A_403 = arith.addf %get3A_397, %get3A_402 : vector<16xf32>
      %get3A_404 = arith.constant 8 : i32
      %get3A_405 = arith.index_cast %get3A_404 : i32 to index
      %get3A_406 = arith.constant 48 : index
      %get3A_407 = tpu.vector_load %arg6[%get3A_405, %get3A_406] {strides = array<i32>} : memref<80x128xf32, #tpu.memory_space<vmem>>, vector<1x16xf32>,
      %get3A_408 = vector.shape_cast %get3A_407 : vector<1x16xf32> to vector<16xf32>
      %add3A_409 = arith.addf %add3A_403, %get3A_408 : vector<16xf32>
      %get3A_410 = arith.constant 12 : i32
      %get3A_411 = arith.index_cast %get3A_410 : i32 to index
      %get3A_412 = arith.constant 48 : index
      %get3A_413 = tpu.vector_load %arg6[%get3A_411, %get3A_412] {strides = array<i32>} : memref<80x128xf32, #tpu.memory_space<vmem>>, vector<1x16xf32>,
      %get3A_414 = vector.shape_cast %get3A_413 : vector<1x16xf32> to vector<16xf32>
      %add3A_415 = arith.addf %add3A_409, %get3A_414 : vector<16xf32>
      %get3A_416 = arith.constant 16 : i32
      %get3A_417 = arith.index_cast %get3A_416 : i32 to index
      %get3A_418 = arith.constant 48 : index
      %get3A_419 = tpu.vector_load %arg6[%get3A_417, %get3A_418] {strides = array<i32>} : memref<80x128xf32, #tpu.memory_space<vmem>>, vector<1x16xf32>,
      %get3A_420 = vector.shape_cast %get3A_419 : vector<1x16xf32> to vector<16xf32>
      %add3A_421 = arith.addf %add3A_415, %get3A_420 : vector<16xf32>
      %get3A_422 = arith.constant 20 : i32
      %get3A_423 = arith.index_cast %get3A_422 : i32 to index
      %get3A_424 = arith.constant 48 : index
      %get3A_425 = tpu.vector_load %arg6[%get3A_423, %get3A_424] {strides = array<i32>} : memref<80x128xf32, #tpu.memory_space<vmem>>, vector<1x16xf32>,
      %get3A_426 = vector.shape_cast %get3A_425 : vector<1x16xf32> to vector<16xf32>
      %add3A_427 = arith.addf %add3A_421, %get3A_426 : vector<16xf32>
      %get3A_428 = arith.constant 24 : i32
      %get3A_429 = arith.index_cast %get3A_428 : i32 to index
      %get3A_430 = arith.constant 48 : index
      %get3A_431 = tpu.vector_load %arg6[%get3A_429, %get3A_430] {strides = array<i32>} : memref<80x128xf32, #tpu.memory_space<vmem>>, vector<1x16xf32>,
      %get3A_432 = vector.shape_cast %get3A_431 : vector<1x16xf32> to vector<16xf32>
      %add3A_433 = arith.addf %add3A_427, %get3A_432 : vector<16xf32>
      %get3A_434 = arith.constant 28 : i32
      %get3A_435 = arith.index_cast %get3A_434 : i32 to index
      %get3A_436 = arith.constant 48 : index
      %get3A_437 = tpu.vector_load %arg6[%get3A_435, %get3A_436] {strides = array<i32>} : memref<80x128xf32, #tpu.memory_space<vmem>>, vector<1x16xf32>,
      %get3A_438 = vector.shape_cast %get3A_437 : vector<1x16xf32> to vector<16xf32>
      %add3A_439 = arith.addf %add3A_433, %get3A_438 : vector<16xf32>
      %get3A_440 = arith.constant 32 : i32
      %get3A_441 = arith.index_cast %get3A_440 : i32 to index
      %get3A_442 = arith.constant 48 : index
      %get3A_443 = tpu.vector_load %arg6[%get3A_441, %get3A_442] {strides = array<i32>} : memref<80x128xf32, #tpu.memory_space<vmem>>, vector<1x16xf32>,
      %get3A_444 = vector.shape_cast %get3A_443 : vector<1x16xf32> to vector<16xf32>
      %add3A_445 = arith.addf %add3A_439, %get3A_444 : vector<16xf32>
      %get3A_446 = arith.constant 36 : i32
      %get3A_447 = arith.index_cast %get3A_446 : i32 to index
      %get3A_448 = arith.constant 48 : index
      %get3A_449 = tpu.vector_load %arg6[%get3A_447, %get3A_448] {strides = array<i32>} : memref<80x128xf32, #tpu.memory_space<vmem>>, vector<1x16xf32>,
      %get3A_450 = vector.shape_cast %get3A_449 : vector<1x16xf32> to vector<16xf32>
      %add3A_451 = arith.addf %add3A_445, %get3A_450 : vector<16xf32>
      %get3A_452 = arith.constant 40 : i32
      %get3A_453 = arith.index_cast %get3A_452 : i32 to index
      %get3A_454 = arith.constant 48 : index
      %get3A_455 = tpu.vector_load %arg6[%get3A_453, %get3A_454] {strides = array<i32>} : memref<80x128xf32, #tpu.memory_space<vmem>>, vector<1x16xf32>,
      %get3A_456 = vector.shape_cast %get3A_455 : vector<1x16xf32> to vector<16xf32>
      %add3A_457 = arith.addf %add3A_451, %get3A_456 : vector<16xf32>
      %get3A_458 = arith.constant 44 : i32
      %get3A_459 = arith.index_cast %get3A_458 : i32 to index
      %get3A_460 = arith.constant 48 : index
      %get3A_461 = tpu.vector_load %arg6[%get3A_459, %get3A_460] {strides = array<i32>} : memref<80x128xf32, #tpu.memory_space<vmem>>, vector<1x16xf32>,
      %get3A_462 = vector.shape_cast %get3A_461 : vector<1x16xf32> to vector<16xf32>
      %add3A_463 = arith.addf %add3A_457, %get3A_462 : vector<16xf32>
      %get3A_464 = arith.constant 48 : i32
      %get3A_465 = arith.index_cast %get3A_464 : i32 to index
      %get3A_466 = arith.constant 48 : index
      %get3A_467 = tpu.vector_load %arg6[%get3A_465, %get3A_466] {strides = array<i32>} : memref<80x128xf32, #tpu.memory_space<vmem>>, vector<1x16xf32>,
      %get3A_468 = vector.shape_cast %get3A_467 : vector<1x16xf32> to vector<16xf32>
      %add3A_469 = arith.addf %add3A_463, %get3A_468 : vector<16xf32>
      %get3A_470 = arith.constant 52 : i32
      %get3A_471 = arith.index_cast %get3A_470 : i32 to index
      %get3A_472 = arith.constant 48 : index
      %get3A_473 = tpu.vector_load %arg6[%get3A_471, %get3A_472] {strides = array<i32>} : memref<80x128xf32, #tpu.memory_space<vmem>>, vector<1x16xf32>,
      %get3A_474 = vector.shape_cast %get3A_473 : vector<1x16xf32> to vector<16xf32>
      %add3A_475 = arith.addf %add3A_469, %get3A_474 : vector<16xf32>
      %get3A_476 = arith.constant 56 : i32
      %get3A_477 = arith.index_cast %get3A_476 : i32 to index
      %get3A_478 = arith.constant 48 : index
      %get3A_479 = tpu.vector_load %arg6[%get3A_477, %get3A_478] {strides = array<i32>} : memref<80x128xf32, #tpu.memory_space<vmem>>, vector<1x16xf32>,
      %get3A_480 = vector.shape_cast %get3A_479 : vector<1x16xf32> to vector<16xf32>
      %add3A_481 = arith.addf %add3A_475, %get3A_480 : vector<16xf32>
      %get3A_482 = arith.constant 60 : i32
      %get3A_483 = arith.index_cast %get3A_482 : i32 to index
      %get3A_484 = arith.constant 48 : index
      %get3A_485 = tpu.vector_load %arg6[%get3A_483, %get3A_484] {strides = array<i32>} : memref<80x128xf32, #tpu.memory_space<vmem>>, vector<1x16xf32>,
      %get3A_486 = vector.shape_cast %get3A_485 : vector<1x16xf32> to vector<16xf32>
      %add3A_487 = arith.addf %add3A_481, %get3A_486 : vector<16xf32>
      %get3A_488 = arith.constant 64 : i32
      %get3A_489 = arith.index_cast %get3A_488 : i32 to index
      %get3A_490 = arith.constant 48 : index
      %get3A_491 = tpu.vector_load %arg6[%get3A_489, %get3A_490] {strides = array<i32>} : memref<80x128xf32, #tpu.memory_space<vmem>>, vector<1x16xf32>,
      %get3A_492 = vector.shape_cast %get3A_491 : vector<1x16xf32> to vector<16xf32>
      %add3A_493 = arith.addf %add3A_487, %get3A_492 : vector<16xf32>
      %get3A_494 = arith.constant 68 : i32
      %get3A_495 = arith.index_cast %get3A_494 : i32 to index
      %get3A_496 = arith.constant 48 : index
      %get3A_497 = tpu.vector_load %arg6[%get3A_495, %get3A_496] {strides = array<i32>} : memref<80x128xf32, #tpu.memory_space<vmem>>, vector<1x16xf32>,
      %get3A_498 = vector.shape_cast %get3A_497 : vector<1x16xf32> to vector<16xf32>
      %add3A_499 = arith.addf %add3A_493, %get3A_498 : vector<16xf32>
      %get3A_500 = arith.constant 72 : i32
      %get3A_501 = arith.index_cast %get3A_500 : i32 to index
      %get3A_502 = arith.constant 48 : index
      %get3A_503 = tpu.vector_load %arg6[%get3A_501, %get3A_502] {strides = array<i32>} : memref<80x128xf32, #tpu.memory_space<vmem>>, vector<1x16xf32>,
      %get3A_504 = vector.shape_cast %get3A_503 : vector<1x16xf32> to vector<16xf32>
      %add3A_505 = arith.addf %add3A_499, %get3A_504 : vector<16xf32>
      %get3A_506 = arith.constant 76 : i32
      %get3A_507 = arith.index_cast %get3A_506 : i32 to index
      %get3A_508 = arith.constant 48 : index
      %get3A_509 = tpu.vector_load %arg6[%get3A_507, %get3A_508] {strides = array<i32>} : memref<80x128xf32, #tpu.memory_space<vmem>>, vector<1x16xf32>,
      %get3A_510 = vector.shape_cast %get3A_509 : vector<1x16xf32> to vector<16xf32>
      %add3A_511 = arith.addf %add3A_505, %get3A_510 : vector<16xf32>
      %mul3A_512 = arith.constant 5.000000e-02 : f32
      %mul3A_513 = vector.broadcast %mul3A_512 : f32 to vector<16xf32>
      %mul3A_514 = arith.mulf %add3A_511, %mul3A_513 : vector<16xf32>
      %swap3A_515 = arith.constant 0 : i32
      %swap3A_516 = arith.index_cast %swap3A_515 : i32 to index
      %swap3A_517 = arith.constant 48 : index
      %swap3A_518 = tpu.vector_load %arg7[%swap3A_516, %swap3A_517] {strides = array<i32>} : memref<1x512xf32, #tpu.memory_space<vmem>>, vector<1x16xf32>,
      %swap3A_519 = vector.shape_cast %swap3A_518 : vector<1x16xf32> to vector<16xf32>
      %swap3A_520 = vector.shape_cast %mul3A_514 : vector<16xf32> to vector<1x16xf32>
      tpu.vector_store %arg7[%swap3A_516, %swap3A_517], %swap3A_520 {strides = array<i32>} : memref<1x512xf32, #tpu.memory_space<vmem>>, vector<1x16xf32>,
      %get3A_521 = arith.constant 0 : i32
      %get3A_522 = arith.index_cast %get3A_521 : i32 to index
      %get3A_523 = arith.constant 64 : index
      %get3A_524 = tpu.vector_load %arg6[%get3A_522, %get3A_523] {strides = array<i32>} : memref<80x128xf32, #tpu.memory_space<vmem>>, vector<1x16xf32>,
      %get3A_525 = vector.shape_cast %get3A_524 : vector<1x16xf32> to vector<16xf32>
      %get3A_526 = arith.constant 4 : i32
      %get3A_527 = arith.index_cast %get3A_526 : i32 to index
      %get3A_528 = arith.constant 64 : index
      %get3A_529 = tpu.vector_load %arg6[%get3A_527, %get3A_528] {strides = array<i32>} : memref<80x128xf32, #tpu.memory_space<vmem>>, vector<1x16xf32>,
      %get3A_530 = vector.shape_cast %get3A_529 : vector<1x16xf32> to vector<16xf32>
      %add3A_531 = arith.addf %get3A_525, %get3A_530 : vector<16xf32>
      %get3A_532 = arith.constant 8 : i32
      %get3A_533 = arith.index_cast %get3A_532 : i32 to index
      %get3A_534 = arith.constant 64 : index
      %get3A_535 = tpu.vector_load %arg6[%get3A_533, %get3A_534] {strides = array<i32>} : memref<80x128xf32, #tpu.memory_space<vmem>>, vector<1x16xf32>,
      %get3A_536 = vector.shape_cast %get3A_535 : vector<1x16xf32> to vector<16xf32>
      %add3A_537 = arith.addf %add3A_531, %get3A_536 : vector<16xf32>
      %get3A_538 = arith.constant 12 : i32
      %get3A_539 = arith.index_cast %get3A_538 : i32 to index
      %get3A_540 = arith.constant 64 : index
      %get3A_541 = tpu.vector_load %arg6[%get3A_539, %get3A_540] {strides = array<i32>} : memref<80x128xf32, #tpu.memory_space<vmem>>, vector<1x16xf32>,
      %get3A_542 = vector.shape_cast %get3A_541 : vector<1x16xf32> to vector<16xf32>
      %add3A_543 = arith.addf %add3A_537, %get3A_542 : vector<16xf32>
      %get3A_544 = arith.constant 16 : i32
      %get3A_545 = arith.index_cast %get3A_544 : i32 to index
      %get3A_546 = arith.constant 64 : index
      %get3A_547 = tpu.vector_load %arg6[%get3A_545, %get3A_546] {strides = array<i32>} : memref<80x128xf32, #tpu.memory_space<vmem>>, vector<1x16xf32>,
      %get3A_548 = vector.shape_cast %get3A_547 : vector<1x16xf32> to vector<16xf32>
      %add3A_549 = arith.addf %add3A_543, %get3A_548 : vector<16xf32>
      %get3A_550 = arith.constant 20 : i32
      %get3A_551 = arith.index_cast %get3A_550 : i32 to index
      %get3A_552 = arith.constant 64 : index
      %get3A_553 = tpu.vector_load %arg6[%get3A_551, %get3A_552] {strides = array<i32>} : memref<80x128xf32, #tpu.memory_space<vmem>>, vector<1x16xf32>,
      %get3A_554 = vector.shape_cast %get3A_553 : vector<1x16xf32> to vector<16xf32>
      %add3A_555 = arith.addf %add3A_549, %get3A_554 : vector<16xf32>
      %get3A_556 = arith.constant 24 : i32
      %get3A_557 = arith.index_cast %get3A_556 : i32 to index
      %get3A_558 = arith.constant 64 : index
      %get3A_559 = tpu.vector_load %arg6[%get3A_557, %get3A_558] {strides = array<i32>} : memref<80x128xf32, #tpu.memory_space<vmem>>, vector<1x16xf32>,
      %get3A_560 = vector.shape_cast %get3A_559 : vector<1x16xf32> to vector<16xf32>
      %add3A_561 = arith.addf %add3A_555, %get3A_560 : vector<16xf32>
      %get3A_562 = arith.constant 28 : i32
      %get3A_563 = arith.index_cast %get3A_562 : i32 to index
      %get3A_564 = arith.constant 64 : index
      %get3A_565 = tpu.vector_load %arg6[%get3A_563, %get3A_564] {strides = array<i32>} : memref<80x128xf32, #tpu.memory_space<vmem>>, vector<1x16xf32>,
      %get3A_566 = vector.shape_cast %get3A_565 : vector<1x16xf32> to vector<16xf32>
      %add3A_567 = arith.addf %add3A_561, %get3A_566 : vector<16xf32>
      %get3A_568 = arith.constant 32 : i32
      %get3A_569 = arith.index_cast %get3A_568 : i32 to index
      %get3A_570 = arith.constant 64 : index
      %get3A_571 = tpu.vector_load %arg6[%get3A_569, %get3A_570] {strides = array<i32>} : memref<80x128xf32, #tpu.memory_space<vmem>>, vector<1x16xf32>,
      %get3A_572 = vector.shape_cast %get3A_571 : vector<1x16xf32> to vector<16xf32>
      %add3A_573 = arith.addf %add3A_567, %get3A_572 : vector<16xf32>
      %get3A_574 = arith.constant 36 : i32
      %get3A_575 = arith.index_cast %get3A_574 : i32 to index
      %get3A_576 = arith.constant 64 : index
      %get3A_577 = tpu.vector_load %arg6[%get3A_575, %get3A_576] {strides = array<i32>} : memref<80x128xf32, #tpu.memory_space<vmem>>, vector<1x16xf32>,
      %get3A_578 = vector.shape_cast %get3A_577 : vector<1x16xf32> to vector<16xf32>
      %add3A_579 = arith.addf %add3A_573, %get3A_578 : vector<16xf32>
      %get3A_580 = arith.constant 40 : i32
      %get3A_581 = arith.index_cast %get3A_580 : i32 to index
      %get3A_582 = arith.constant 64 : index
      %get3A_583 = tpu.vector_load %arg6[%get3A_581, %get3A_582] {strides = array<i32>} : memref<80x128xf32, #tpu.memory_space<vmem>>, vector<1x16xf32>,
      %get3A_584 = vector.shape_cast %get3A_583 : vector<1x16xf32> to vector<16xf32>
      %add3A_585 = arith.addf %add3A_579, %get3A_584 : vector<16xf32>
      %get3A_586 = arith.constant 44 : i32
      %get3A_587 = arith.index_cast %get3A_586 : i32 to index
      %get3A_588 = arith.constant 64 : index
      %get3A_589 = tpu.vector_load %arg6[%get3A_587, %get3A_588] {strides = array<i32>} : memref<80x128xf32, #tpu.memory_space<vmem>>, vector<1x16xf32>,
      %get3A_590 = vector.shape_cast %get3A_589 : vector<1x16xf32> to vector<16xf32>
      %add3A_591 = arith.addf %add3A_585, %get3A_590 : vector<16xf32>
      %get3A_592 = arith.constant 48 : i32
      %get3A_593 = arith.index_cast %get3A_592 : i32 to index
      %get3A_594 = arith.constant 64 : index
      %get3A_595 = tpu.vector_load %arg6[%get3A_593, %get3A_594] {strides = array<i32>} : memref<80x128xf32, #tpu.memory_space<vmem>>, vector<1x16xf32>,
      %get3A_596 = vector.shape_cast %get3A_595 : vector<1x16xf32> to vector<16xf32>
      %add3A_597 = arith.addf %add3A_591, %get3A_596 : vector<16xf32>
      %get3A_598 = arith.constant 52 : i32
      %get3A_599 = arith.index_cast %get3A_598 : i32 to index
      %get3A_600 = arith.constant 64 : index
      %get3A_601 = tpu.vector_load %arg6[%get3A_599, %get3A_600] {strides = array<i32>} : memref<80x128xf32, #tpu.memory_space<vmem>>, vector<1x16xf32>,
      %get3A_602 = vector.shape_cast %get3A_601 : vector<1x16xf32> to vector<16xf32>
      %add3A_603 = arith.addf %add3A_597, %get3A_602 : vector<16xf32>
      %get3A_604 = arith.constant 56 : i32
      %get3A_605 = arith.index_cast %get3A_604 : i32 to index
      %get3A_606 = arith.constant 64 : index
      %get3A_607 = tpu.vector_load %arg6[%get3A_605, %get3A_606] {strides = array<i32>} : memref<80x128xf32, #tpu.memory_space<vmem>>, vector<1x16xf32>,
      %get3A_608 = vector.shape_cast %get3A_607 : vector<1x16xf32> to vector<16xf32>
      %add3A_609 = arith.addf %add3A_603, %get3A_608 : vector<16xf32>
      %get3A_610 = arith.constant 60 : i32
      %get3A_611 = arith.index_cast %get3A_610 : i32 to index
      %get3A_612 = arith.constant 64 : index
      %get3A_613 = tpu.vector_load %arg6[%get3A_611, %get3A_612] {strides = array<i32>} : memref<80x128xf32, #tpu.memory_space<vmem>>, vector<1x16xf32>,
      %get3A_614 = vector.shape_cast %get3A_613 : vector<1x16xf32> to vector<16xf32>
      %add3A_615 = arith.addf %add3A_609, %get3A_614 : vector<16xf32>
      %get3A_616 = arith.constant 64 : i32
      %get3A_617 = arith.index_cast %get3A_616 : i32 to index
      %get3A_618 = arith.constant 64 : index
      %get3A_619 = tpu.vector_load %arg6[%get3A_617, %get3A_618] {strides = array<i32>} : memref<80x128xf32, #tpu.memory_space<vmem>>, vector<1x16xf32>,
      %get3A_620 = vector.shape_cast %get3A_619 : vector<1x16xf32> to vector<16xf32>
      %add3A_621 = arith.addf %add3A_615, %get3A_620 : vector<16xf32>
      %get3A_622 = arith.constant 68 : i32
      %get3A_623 = arith.index_cast %get3A_622 : i32 to index
      %get3A_624 = arith.constant 64 : index
      %get3A_625 = tpu.vector_load %arg6[%get3A_623, %get3A_624] {strides = array<i32>} : memref<80x128xf32, #tpu.memory_space<vmem>>, vector<1x16xf32>,
      %get3A_626 = vector.shape_cast %get3A_625 : vector<1x16xf32> to vector<16xf32>
      %add3A_627 = arith.addf %add3A_621, %get3A_626 : vector<16xf32>
      %get3A_628 = arith.constant 72 : i32
      %get3A_629 = arith.index_cast %get3A_628 : i32 to index
      %get3A_630 = arith.constant 64 : index
      %get3A_631 = tpu.vector_load %arg6[%get3A_629, %get3A_630] {strides = array<i32>} : memref<80x128xf32, #tpu.memory_space<vmem>>, vector<1x16xf32>,
      %get3A_632 = vector.shape_cast %get3A_631 : vector<1x16xf32> to vector<16xf32>
      %add3A_633 = arith.addf %add3A_627, %get3A_632 : vector<16xf32>
      %get3A_634 = arith.constant 76 : i32
      %get3A_635 = arith.index_cast %get3A_634 : i32 to index
      %get3A_636 = arith.constant 64 : index
      %get3A_637 = tpu.vector_load %arg6[%get3A_635, %get3A_636] {strides = array<i32>} : memref<80x128xf32, #tpu.memory_space<vmem>>, vector<1x16xf32>,
      %get3A_638 = vector.shape_cast %get3A_637 : vector<1x16xf32> to vector<16xf32>
      %add3A_639 = arith.addf %add3A_633, %get3A_638 : vector<16xf32>
      %mul3A_640 = arith.constant 5.000000e-02 : f32
      %mul3A_641 = vector.broadcast %mul3A_640 : f32 to vector<16xf32>
      %mul3A_642 = arith.mulf %add3A_639, %mul3A_641 : vector<16xf32>
      %swap3A_643 = arith.constant 0 : i32
      %swap3A_644 = arith.index_cast %swap3A_643 : i32 to index
      %swap3A_645 = arith.constant 64 : index
      %swap3A_646 = tpu.vector_load %arg7[%swap3A_644, %swap3A_645] {strides = array<i32>} : memref<1x512xf32, #tpu.memory_space<vmem>>, vector<1x16xf32>,
      %swap3A_647 = vector.shape_cast %swap3A_646 : vector<1x16xf32> to vector<16xf32>
      %swap3A_648 = vector.shape_cast %mul3A_642 : vector<16xf32> to vector<1x16xf32>
      tpu.vector_store %arg7[%swap3A_644, %swap3A_645], %swap3A_648 {strides = array<i32>} : memref<1x512xf32, #tpu.memory_space<vmem>>, vector<1x16xf32>,
      %get3A_649 = arith.constant 0 : i32
      %get3A_650 = arith.index_cast %get3A_649 : i32 to index
      %get3A_651 = arith.constant 80 : index
      %get3A_652 = tpu.vector_load %arg6[%get3A_650, %get3A_651] {strides = array<i32>} : memref<80x128xf32, #tpu.memory_space<vmem>>, vector<1x16xf32>,
      %get3A_653 = vector.shape_cast %get3A_652 : vector<1x16xf32> to vector<16xf32>
      %get3A_654 = arith.constant 4 : i32
      %get3A_655 = arith.index_cast %get3A_654 : i32 to index
      %get3A_656 = arith.constant 80 : index
      %get3A_657 = tpu.vector_load %arg6[%get3A_655, %get3A_656] {strides = array<i32>} : memref<80x128xf32, #tpu.memory_space<vmem>>, vector<1x16xf32>,
      %get3A_658 = vector.shape_cast %get3A_657 : vector<1x16xf32> to vector<16xf32>
      %add3A_659 = arith.addf %get3A_653, %get3A_658 : vector<16xf32>
      %get3A_660 = arith.constant 8 : i32
      %get3A_661 = arith.index_cast %get3A_660 : i32 to index
      %get3A_662 = arith.constant 80 : index
      %get3A_663 = tpu.vector_load %arg6[%get3A_661, %get3A_662] {strides = array<i32>} : memref<80x128xf32, #tpu.memory_space<vmem>>, vector<1x16xf32>,
      %get3A_664 = vector.shape_cast %get3A_663 : vector<1x16xf32> to vector<16xf32>
      %add3A_665 = arith.addf %add3A_659, %get3A_664 : vector<16xf32>
      %get3A_666 = arith.constant 12 : i32
      %get3A_667 = arith.index_cast %get3A_666 : i32 to index
      %get3A_668 = arith.constant 80 : index
      %get3A_669 = tpu.vector_load %arg6[%get3A_667, %get3A_668] {strides = array<i32>} : memref<80x128xf32, #tpu.memory_space<vmem>>, vector<1x16xf32>,
      %get3A_670 = vector.shape_cast %get3A_669 : vector<1x16xf32> to vector<16xf32>
      %add3A_671 = arith.addf %add3A_665, %get3A_670 : vector<16xf32>
      %get3A_672 = arith.constant 16 : i32
      %get3A_673 = arith.index_cast %get3A_672 : i32 to index
      %get3A_674 = arith.constant 80 : index
      %get3A_675 = tpu.vector_load %arg6[%get3A_673, %get3A_674] {strides = array<i32>} : memref<80x128xf32, #tpu.memory_space<vmem>>, vector<1x16xf32>,
      %get3A_676 = vector.shape_cast %get3A_675 : vector<1x16xf32> to vector<16xf32>
      %add3A_677 = arith.addf %add3A_671, %get3A_676 : vector<16xf32>
      %get3A_678 = arith.constant 20 : i32
      %get3A_679 = arith.index_cast %get3A_678 : i32 to index
      %get3A_680 = arith.constant 80 : index
      %get3A_681 = tpu.vector_load %arg6[%get3A_679, %get3A_680] {strides = array<i32>} : memref<80x128xf32, #tpu.memory_space<vmem>>, vector<1x16xf32>,
      %get3A_682 = vector.shape_cast %get3A_681 : vector<1x16xf32> to vector<16xf32>
      %add3A_683 = arith.addf %add3A_677, %get3A_682 : vector<16xf32>
      %get3A_684 = arith.constant 24 : i32
      %get3A_685 = arith.index_cast %get3A_684 : i32 to index
      %get3A_686 = arith.constant 80 : index
      %get3A_687 = tpu.vector_load %arg6[%get3A_685, %get3A_686] {strides = array<i32>} : memref<80x128xf32, #tpu.memory_space<vmem>>, vector<1x16xf32>,
      %get3A_688 = vector.shape_cast %get3A_687 : vector<1x16xf32> to vector<16xf32>
      %add3A_689 = arith.addf %add3A_683, %get3A_688 : vector<16xf32>
      %get3A_690 = arith.constant 28 : i32
      %get3A_691 = arith.index_cast %get3A_690 : i32 to index
      %get3A_692 = arith.constant 80 : index
      %get3A_693 = tpu.vector_load %arg6[%get3A_691, %get3A_692] {strides = array<i32>} : memref<80x128xf32, #tpu.memory_space<vmem>>, vector<1x16xf32>,
      %get3A_694 = vector.shape_cast %get3A_693 : vector<1x16xf32> to vector<16xf32>
      %add3A_695 = arith.addf %add3A_689, %get3A_694 : vector<16xf32>
      %get3A_696 = arith.constant 32 : i32
      %get3A_697 = arith.index_cast %get3A_696 : i32 to index
      %get3A_698 = arith.constant 80 : index
      %get3A_699 = tpu.vector_load %arg6[%get3A_697, %get3A_698] {strides = array<i32>} : memref<80x128xf32, #tpu.memory_space<vmem>>, vector<1x16xf32>,
      %get3A_700 = vector.shape_cast %get3A_699 : vector<1x16xf32> to vector<16xf32>
      %add3A_701 = arith.addf %add3A_695, %get3A_700 : vector<16xf32>
      %get3A_702 = arith.constant 36 : i32
      %get3A_703 = arith.index_cast %get3A_702 : i32 to index
      %get3A_704 = arith.constant 80 : index
      %get3A_705 = tpu.vector_load %arg6[%get3A_703, %get3A_704] {strides = array<i32>} : memref<80x128xf32, #tpu.memory_space<vmem>>, vector<1x16xf32>,
      %get3A_706 = vector.shape_cast %get3A_705 : vector<1x16xf32> to vector<16xf32>
      %add3A_707 = arith.addf %add3A_701, %get3A_706 : vector<16xf32>
      %get3A_708 = arith.constant 40 : i32
      %get3A_709 = arith.index_cast %get3A_708 : i32 to index
      %get3A_710 = arith.constant 80 : index
      %get3A_711 = tpu.vector_load %arg6[%get3A_709, %get3A_710] {strides = array<i32>} : memref<80x128xf32, #tpu.memory_space<vmem>>, vector<1x16xf32>,
      %get3A_712 = vector.shape_cast %get3A_711 : vector<1x16xf32> to vector<16xf32>
      %add3A_713 = arith.addf %add3A_707, %get3A_712 : vector<16xf32>
      %get3A_714 = arith.constant 44 : i32
      %get3A_715 = arith.index_cast %get3A_714 : i32 to index
      %get3A_716 = arith.constant 80 : index
      %get3A_717 = tpu.vector_load %arg6[%get3A_715, %get3A_716] {strides = array<i32>} : memref<80x128xf32, #tpu.memory_space<vmem>>, vector<1x16xf32>,
      %get3A_718 = vector.shape_cast %get3A_717 : vector<1x16xf32> to vector<16xf32>
      %add3A_719 = arith.addf %add3A_713, %get3A_718 : vector<16xf32>
      %get3A_720 = arith.constant 48 : i32
      %get3A_721 = arith.index_cast %get3A_720 : i32 to index
      %get3A_722 = arith.constant 80 : index
      %get3A_723 = tpu.vector_load %arg6[%get3A_721, %get3A_722] {strides = array<i32>} : memref<80x128xf32, #tpu.memory_space<vmem>>, vector<1x16xf32>,
      %get3A_724 = vector.shape_cast %get3A_723 : vector<1x16xf32> to vector<16xf32>
      %add3A_725 = arith.addf %add3A_719, %get3A_724 : vector<16xf32>
      %get3A_726 = arith.constant 52 : i32
      %get3A_727 = arith.index_cast %get3A_726 : i32 to index
      %get3A_728 = arith.constant 80 : index
      %get3A_729 = tpu.vector_load %arg6[%get3A_727, %get3A_728] {strides = array<i32>} : memref<80x128xf32, #tpu.memory_space<vmem>>, vector<1x16xf32>,
      %get3A_730 = vector.shape_cast %get3A_729 : vector<1x16xf32> to vector<16xf32>
      %add3A_731 = arith.addf %add3A_725, %get3A_730 : vector<16xf32>
      %get3A_732 = arith.constant 56 : i32
      %get3A_733 = arith.index_cast %get3A_732 : i32 to index
      %get3A_734 = arith.constant 80 : index
      %get3A_735 = tpu.vector_load %arg6[%get3A_733, %get3A_734] {strides = array<i32>} : memref<80x128xf32, #tpu.memory_space<vmem>>, vector<1x16xf32>,
      %get3A_736 = vector.shape_cast %get3A_735 : vector<1x16xf32> to vector<16xf32>
      %add3A_737 = arith.addf %add3A_731, %get3A_736 : vector<16xf32>
      %get3A_738 = arith.constant 60 : i32
      %get3A_739 = arith.index_cast %get3A_738 : i32 to index
      %get3A_740 = arith.constant 80 : index
      %get3A_741 = tpu.vector_load %arg6[%get3A_739, %get3A_740] {strides = array<i32>} : memref<80x128xf32, #tpu.memory_space<vmem>>, vector<1x16xf32>,
      %get3A_742 = vector.shape_cast %get3A_741 : vector<1x16xf32> to vector<16xf32>
      %add3A_743 = arith.addf %add3A_737, %get3A_742 : vector<16xf32>
      %get3A_744 = arith.constant 64 : i32
      %get3A_745 = arith.index_cast %get3A_744 : i32 to index
      %get3A_746 = arith.constant 80 : index
      %get3A_747 = tpu.vector_load %arg6[%get3A_745, %get3A_746] {strides = array<i32>} : memref<80x128xf32, #tpu.memory_space<vmem>>, vector<1x16xf32>,
      %get3A_748 = vector.shape_cast %get3A_747 : vector<1x16xf32> to vector<16xf32>
      %add3A_749 = arith.addf %add3A_743, %get3A_748 : vector<16xf32>
      %get3A_750 = arith.constant 68 : i32
      %get3A_751 = arith.index_cast %get3A_750 : i32 to index
      %get3A_752 = arith.constant 80 : index
      %get3A_753 = tpu.vector_load %arg6[%get3A_751, %get3A_752] {strides = array<i32>} : memref<80x128xf32, #tpu.memory_space<vmem>>, vector<1x16xf32>,
      %get3A_754 = vector.shape_cast %get3A_753 : vector<1x16xf32> to vector<16xf32>
      %add3A_755 = arith.addf %add3A_749, %get3A_754 : vector<16xf32>
      %get3A_756 = arith.constant 72 : i32
      %get3A_757 = arith.index_cast %get3A_756 : i32 to index
      %get3A_758 = arith.constant 80 : index
      %get3A_759 = tpu.vector_load %arg6[%get3A_757, %get3A_758] {strides = array<i32>} : memref<80x128xf32, #tpu.memory_space<vmem>>, vector<1x16xf32>,
      %get3A_760 = vector.shape_cast %get3A_759 : vector<1x16xf32> to vector<16xf32>
      %add3A_761 = arith.addf %add3A_755, %get3A_760 : vector<16xf32>
      %get3A_762 = arith.constant 76 : i32
      %get3A_763 = arith.index_cast %get3A_762 : i32 to index
      %get3A_764 = arith.constant 80 : index
      %get3A_765 = tpu.vector_load %arg6[%get3A_763, %get3A_764] {strides = array<i32>} : memref<80x128xf32, #tpu.memory_space<vmem>>, vector<1x16xf32>,
      %get3A_766 = vector.shape_cast %get3A_765 : vector<1x16xf32> to vector<16xf32>
      %add3A_767 = arith.addf %add3A_761, %get3A_766 : vector<16xf32>
      %mul3A_768 = arith.constant 5.000000e-02 : f32
      %mul3A_769 = vector.broadcast %mul3A_768 : f32 to vector<16xf32>
      %mul3A_770 = arith.mulf %add3A_767, %mul3A_769 : vector<16xf32>
      %swap3A_771 = arith.constant 0 : i32
      %swap3A_772 = arith.index_cast %swap3A_771 : i32 to index
      %swap3A_773 = arith.constant 80 : index
      %swap3A_774 = tpu.vector_load %arg7[%swap3A_772, %swap3A_773] {strides = array<i32>} : memref<1x512xf32, #tpu.memory_space<vmem>>, vector<1x16xf32>,
      %swap3A_775 = vector.shape_cast %swap3A_774 : vector<1x16xf32> to vector<16xf32>
      %swap3A_776 = vector.shape_cast %mul3A_770 : vector<16xf32> to vector<1x16xf32>
      tpu.vector_store %arg7[%swap3A_772, %swap3A_773], %swap3A_776 {strides = array<i32>} : memref<1x512xf32, #tpu.memory_space<vmem>>, vector<1x16xf32>,
      %get3A_777 = arith.constant 0 : i32
      %get3A_778 = arith.index_cast %get3A_777 : i32 to index
      %get3A_779 = arith.constant 96 : index
      %get3A_780 = tpu.vector_load %arg6[%get3A_778, %get3A_779] {strides = array<i32>} : memref<80x128xf32, #tpu.memory_space<vmem>>, vector<1x16xf32>,
      %get3A_781 = vector.shape_cast %get3A_780 : vector<1x16xf32> to vector<16xf32>
      %get3A_782 = arith.constant 4 : i32
      %get3A_783 = arith.index_cast %get3A_782 : i32 to index
      %get3A_784 = arith.constant 96 : index
      %get3A_785 = tpu.vector_load %arg6[%get3A_783, %get3A_784] {strides = array<i32>} : memref<80x128xf32, #tpu.memory_space<vmem>>, vector<1x16xf32>,
      %get3A_786 = vector.shape_cast %get3A_785 : vector<1x16xf32> to vector<16xf32>
      %add3A_787 = arith.addf %get3A_781, %get3A_786 : vector<16xf32>
      %get3A_788 = arith.constant 8 : i32
      %get3A_789 = arith.index_cast %get3A_788 : i32 to index
      %get3A_790 = arith.constant 96 : index
      %get3A_791 = tpu.vector_load %arg6[%get3A_789, %get3A_790] {strides = array<i32>} : memref<80x128xf32, #tpu.memory_space<vmem>>, vector<1x16xf32>,
      %get3A_792 = vector.shape_cast %get3A_791 : vector<1x16xf32> to vector<16xf32>
      %add3A_793 = arith.addf %add3A_787, %get3A_792 : vector<16xf32>
      %get3A_794 = arith.constant 12 : i32
      %get3A_795 = arith.index_cast %get3A_794 : i32 to index
      %get3A_796 = arith.constant 96 : index
      %get3A_797 = tpu.vector_load %arg6[%get3A_795, %get3A_796] {strides = array<i32>} : memref<80x128xf32, #tpu.memory_space<vmem>>, vector<1x16xf32>,
      %get3A_798 = vector.shape_cast %get3A_797 : vector<1x16xf32> to vector<16xf32>
      %add3A_799 = arith.addf %add3A_793, %get3A_798 : vector<16xf32>
      %get3A_800 = arith.constant 16 : i32
      %get3A_801 = arith.index_cast %get3A_800 : i32 to index
      %get3A_802 = arith.constant 96 : index
      %get3A_803 = tpu.vector_load %arg6[%get3A_801, %get3A_802] {strides = array<i32>} : memref<80x128xf32, #tpu.memory_space<vmem>>, vector<1x16xf32>,
      %get3A_804 = vector.shape_cast %get3A_803 : vector<1x16xf32> to vector<16xf32>
      %add3A_805 = arith.addf %add3A_799, %get3A_804 : vector<16xf32>
      %get3A_806 = arith.constant 20 : i32
      %get3A_807 = arith.index_cast %get3A_806 : i32 to index
      %get3A_808 = arith.constant 96 : index
      %get3A_809 = tpu.vector_load %arg6[%get3A_807, %get3A_808] {strides = array<i32>} : memref<80x128xf32, #tpu.memory_space<vmem>>, vector<1x16xf32>,
      %get3A_810 = vector.shape_cast %get3A_809 : vector<1x16xf32> to vector<16xf32>
      %add3A_811 = arith.addf %add3A_805, %get3A_810 : vector<16xf32>
      %get3A_812 = arith.constant 24 : i32
      %get3A_813 = arith.index_cast %get3A_812 : i32 to index
      %get3A_814 = arith.constant 96 : index
      %get3A_815 = tpu.vector_load %arg6[%get3A_813, %get3A_814] {strides = array<i32>} : memref<80x128xf32, #tpu.memory_space<vmem>>, vector<1x16xf32>,
      %get3A_816 = vector.shape_cast %get3A_815 : vector<1x16xf32> to vector<16xf32>
      %add3A_817 = arith.addf %add3A_811, %get3A_816 : vector<16xf32>
      %get3A_818 = arith.constant 28 : i32
      %get3A_819 = arith.index_cast %get3A_818 : i32 to index
      %get3A_820 = arith.constant 96 : index
      %get3A_821 = tpu.vector_load %arg6[%get3A_819, %get3A_820] {strides = array<i32>} : memref<80x128xf32, #tpu.memory_space<vmem>>, vector<1x16xf32>,
      %get3A_822 = vector.shape_cast %get3A_821 : vector<1x16xf32> to vector<16xf32>
      %add3A_823 = arith.addf %add3A_817, %get3A_822 : vector<16xf32>
      %get3A_824 = arith.constant 32 : i32
      %get3A_825 = arith.index_cast %get3A_824 : i32 to index
      %get3A_826 = arith.constant 96 : index
      %get3A_827 = tpu.vector_load %arg6[%get3A_825, %get3A_826] {strides = array<i32>} : memref<80x128xf32, #tpu.memory_space<vmem>>, vector<1x16xf32>,
      %get3A_828 = vector.shape_cast %get3A_827 : vector<1x16xf32> to vector<16xf32>
      %add3A_829 = arith.addf %add3A_823, %get3A_828 : vector<16xf32>
      %get3A_830 = arith.constant 36 : i32
      %get3A_831 = arith.index_cast %get3A_830 : i32 to index
      %get3A_832 = arith.constant 96 : index
      %get3A_833 = tpu.vector_load %arg6[%get3A_831, %get3A_832] {strides = array<i32>} : memref<80x128xf32, #tpu.memory_space<vmem>>, vector<1x16xf32>,
      %get3A_834 = vector.shape_cast %get3A_833 : vector<1x16xf32> to vector<16xf32>
      %add3A_835 = arith.addf %add3A_829, %get3A_834 : vector<16xf32>
      %get3A_836 = arith.constant 40 : i32
      %get3A_837 = arith.index_cast %get3A_836 : i32 to index
      %get3A_838 = arith.constant 96 : index
      %get3A_839 = tpu.vector_load %arg6[%get3A_837, %get3A_838] {strides = array<i32>} : memref<80x128xf32, #tpu.memory_space<vmem>>, vector<1x16xf32>,
      %get3A_840 = vector.shape_cast %get3A_839 : vector<1x16xf32> to vector<16xf32>
      %add3A_841 = arith.addf %add3A_835, %get3A_840 : vector<16xf32>
      %get3A_842 = arith.constant 44 : i32
      %get3A_843 = arith.index_cast %get3A_842 : i32 to index
      %get3A_844 = arith.constant 96 : index
      %get3A_845 = tpu.vector_load %arg6[%get3A_843, %get3A_844] {strides = array<i32>} : memref<80x128xf32, #tpu.memory_space<vmem>>, vector<1x16xf32>,
      %get3A_846 = vector.shape_cast %get3A_845 : vector<1x16xf32> to vector<16xf32>
      %add3A_847 = arith.addf %add3A_841, %get3A_846 : vector<16xf32>
      %get3A_848 = arith.constant 48 : i32
      %get3A_849 = arith.index_cast %get3A_848 : i32 to index
      %get3A_850 = arith.constant 96 : index
      %get3A_851 = tpu.vector_load %arg6[%get3A_849, %get3A_850] {strides = array<i32>} : memref<80x128xf32, #tpu.memory_space<vmem>>, vector<1x16xf32>,
      %get3A_852 = vector.shape_cast %get3A_851 : vector<1x16xf32> to vector<16xf32>
      %add3A_853 = arith.addf %add3A_847, %get3A_852 : vector<16xf32>
      %get3A_854 = arith.constant 52 : i32
      %get3A_855 = arith.index_cast %get3A_854 : i32 to index
      %get3A_856 = arith.constant 96 : index
      %get3A_857 = tpu.vector_load %arg6[%get3A_855, %get3A_856] {strides = array<i32>} : memref<80x128xf32, #tpu.memory_space<vmem>>, vector<1x16xf32>,
      %get3A_858 = vector.shape_cast %get3A_857 : vector<1x16xf32> to vector<16xf32>
      %add3A_859 = arith.addf %add3A_853, %get3A_858 : vector<16xf32>
      %get3A_860 = arith.constant 56 : i32
      %get3A_861 = arith.index_cast %get3A_860 : i32 to index
      %get3A_862 = arith.constant 96 : index
      %get3A_863 = tpu.vector_load %arg6[%get3A_861, %get3A_862] {strides = array<i32>} : memref<80x128xf32, #tpu.memory_space<vmem>>, vector<1x16xf32>,
      %get3A_864 = vector.shape_cast %get3A_863 : vector<1x16xf32> to vector<16xf32>
      %add3A_865 = arith.addf %add3A_859, %get3A_864 : vector<16xf32>
      %get3A_866 = arith.constant 60 : i32
      %get3A_867 = arith.index_cast %get3A_866 : i32 to index
      %get3A_868 = arith.constant 96 : index
      %get3A_869 = tpu.vector_load %arg6[%get3A_867, %get3A_868] {strides = array<i32>} : memref<80x128xf32, #tpu.memory_space<vmem>>, vector<1x16xf32>,
      %get3A_870 = vector.shape_cast %get3A_869 : vector<1x16xf32> to vector<16xf32>
      %add3A_871 = arith.addf %add3A_865, %get3A_870 : vector<16xf32>
      %get3A_872 = arith.constant 64 : i32
      %get3A_873 = arith.index_cast %get3A_872 : i32 to index
      %get3A_874 = arith.constant 96 : index
      %get3A_875 = tpu.vector_load %arg6[%get3A_873, %get3A_874] {strides = array<i32>} : memref<80x128xf32, #tpu.memory_space<vmem>>, vector<1x16xf32>,
      %get3A_876 = vector.shape_cast %get3A_875 : vector<1x16xf32> to vector<16xf32>
      %add3A_877 = arith.addf %add3A_871, %get3A_876 : vector<16xf32>
      %get3A_878 = arith.constant 68 : i32
      %get3A_879 = arith.index_cast %get3A_878 : i32 to index
      %get3A_880 = arith.constant 96 : index
      %get3A_881 = tpu.vector_load %arg6[%get3A_879, %get3A_880] {strides = array<i32>} : memref<80x128xf32, #tpu.memory_space<vmem>>, vector<1x16xf32>,
      %get3A_882 = vector.shape_cast %get3A_881 : vector<1x16xf32> to vector<16xf32>
      %add3A_883 = arith.addf %add3A_877, %get3A_882 : vector<16xf32>
      %get3A_884 = arith.constant 72 : i32
      %get3A_885 = arith.index_cast %get3A_884 : i32 to index
      %get3A_886 = arith.constant 96 : index
      %get3A_887 = tpu.vector_load %arg6[%get3A_885, %get3A_886] {strides = array<i32>} : memref<80x128xf32, #tpu.memory_space<vmem>>, vector<1x16xf32>,
      %get3A_888 = vector.shape_cast %get3A_887 : vector<1x16xf32> to vector<16xf32>
      %add3A_889 = arith.addf %add3A_883, %get3A_888 : vector<16xf32>
      %get3A_890 = arith.constant 76 : i32
      %get3A_891 = arith.index_cast %get3A_890 : i32 to index
      %get3A_892 = arith.constant 96 : index
      %get3A_893 = tpu.vector_load %arg6[%get3A_891, %get3A_892] {strides = array<i32>} : memref<80x128xf32, #tpu.memory_space<vmem>>, vector<1x16xf32>,
      %get3A_894 = vector.shape_cast %get3A_893 : vector<1x16xf32> to vector<16xf32>
      %add3A_895 = arith.addf %add3A_889, %get3A_894 : vector<16xf32>
      %mul3A_896 = arith.constant 5.000000e-02 : f32
      %mul3A_897 = vector.broadcast %mul3A_896 : f32 to vector<16xf32>
      %mul3A_898 = arith.mulf %add3A_895, %mul3A_897 : vector<16xf32>
      %swap3A_899 = arith.constant 0 : i32
      %swap3A_900 = arith.index_cast %swap3A_899 : i32 to index
      %swap3A_901 = arith.constant 96 : index
      %swap3A_902 = tpu.vector_load %arg7[%swap3A_900, %swap3A_901] {strides = array<i32>} : memref<1x512xf32, #tpu.memory_space<vmem>>, vector<1x16xf32>,
      %swap3A_903 = vector.shape_cast %swap3A_902 : vector<1x16xf32> to vector<16xf32>
      %swap3A_904 = vector.shape_cast %mul3A_898 : vector<16xf32> to vector<1x16xf32>
      tpu.vector_store %arg7[%swap3A_900, %swap3A_901], %swap3A_904 {strides = array<i32>} : memref<1x512xf32, #tpu.memory_space<vmem>>, vector<1x16xf32>,
      %get3A_905 = arith.constant 0 : i32
      %get3A_906 = arith.index_cast %get3A_905 : i32 to index
      %get3A_907 = arith.constant 112 : index
      %get3A_908 = tpu.vector_load %arg6[%get3A_906, %get3A_907] {strides = array<i32>} : memref<80x128xf32, #tpu.memory_space<vmem>>, vector<1x16xf32>,
      %get3A_909 = vector.shape_cast %get3A_908 : vector<1x16xf32> to vector<16xf32>
      %get3A_910 = arith.constant 4 : i32
      %get3A_911 = arith.index_cast %get3A_910 : i32 to index
      %get3A_912 = arith.constant 112 : index
      %get3A_913 = tpu.vector_load %arg6[%get3A_911, %get3A_912] {strides = array<i32>} : memref<80x128xf32, #tpu.memory_space<vmem>>, vector<1x16xf32>,
      %get3A_914 = vector.shape_cast %get3A_913 : vector<1x16xf32> to vector<16xf32>
      %add3A_915 = arith.addf %get3A_909, %get3A_914 : vector<16xf32>
      %get3A_916 = arith.constant 8 : i32
      %get3A_917 = arith.index_cast %get3A_916 : i32 to index
      %get3A_918 = arith.constant 112 : index
      %get3A_919 = tpu.vector_load %arg6[%get3A_917, %get3A_918] {strides = array<i32>} : memref<80x128xf32, #tpu.memory_space<vmem>>, vector<1x16xf32>,
      %get3A_920 = vector.shape_cast %get3A_919 : vector<1x16xf32> to vector<16xf32>
      %add3A_921 = arith.addf %add3A_915, %get3A_920 : vector<16xf32>
      %get3A_922 = arith.constant 12 : i32
      %get3A_923 = arith.index_cast %get3A_922 : i32 to index
      %get3A_924 = arith.constant 112 : index
      %get3A_925 = tpu.vector_load %arg6[%get3A_923, %get3A_924] {strides = array<i32>} : memref<80x128xf32, #tpu.memory_space<vmem>>, vector<1x16xf32>,
      %get3A_926 = vector.shape_cast %get3A_925 : vector<1x16xf32> to vector<16xf32>
      %add3A_927 = arith.addf %add3A_921, %get3A_926 : vector<16xf32>
      %get3A_928 = arith.constant 16 : i32
      %get3A_929 = arith.index_cast %get3A_928 : i32 to index
      %get3A_930 = arith.constant 112 : index
      %get3A_931 = tpu.vector_load %arg6[%get3A_929, %get3A_930] {strides = array<i32>} : memref<80x128xf32, #tpu.memory_space<vmem>>, vector<1x16xf32>,
      %get3A_932 = vector.shape_cast %get3A_931 : vector<1x16xf32> to vector<16xf32>
      %add3A_933 = arith.addf %add3A_927, %get3A_932 : vector<16xf32>
      %get3A_934 = arith.constant 20 : i32
      %get3A_935 = arith.index_cast %get3A_934 : i32 to index
      %get3A_936 = arith.constant 112 : index
      %get3A_937 = tpu.vector_load %arg6[%get3A_935, %get3A_936] {strides = array<i32>} : memref<80x128xf32, #tpu.memory_space<vmem>>, vector<1x16xf32>,
      %get3A_938 = vector.shape_cast %get3A_937 : vector<1x16xf32> to vector<16xf32>
      %add3A_939 = arith.addf %add3A_933, %get3A_938 : vector<16xf32>
      %get3A_940 = arith.constant 24 : i32
      %get3A_941 = arith.index_cast %get3A_940 : i32 to index
      %get3A_942 = arith.constant 112 : index
      %get3A_943 = tpu.vector_load %arg6[%get3A_941, %get3A_942] {strides = array<i32>} : memref<80x128xf32, #tpu.memory_space<vmem>>, vector<1x16xf32>,
      %get3A_944 = vector.shape_cast %get3A_943 : vector<1x16xf32> to vector<16xf32>
      %add3A_945 = arith.addf %add3A_939, %get3A_944 : vector<16xf32>
      %get3A_946 = arith.constant 28 : i32
      %get3A_947 = arith.index_cast %get3A_946 : i32 to index
      %get3A_948 = arith.constant 112 : index
      %get3A_949 = tpu.vector_load %arg6[%get3A_947, %get3A_948] {strides = array<i32>} : memref<80x128xf32, #tpu.memory_space<vmem>>, vector<1x16xf32>,
      %get3A_950 = vector.shape_cast %get3A_949 : vector<1x16xf32> to vector<16xf32>
      %add3A_951 = arith.addf %add3A_945, %get3A_950 : vector<16xf32>
      %get3A_952 = arith.constant 32 : i32
      %get3A_953 = arith.index_cast %get3A_952 : i32 to index
      %get3A_954 = arith.constant 112 : index
      %get3A_955 = tpu.vector_load %arg6[%get3A_953, %get3A_954] {strides = array<i32>} : memref<80x128xf32, #tpu.memory_space<vmem>>, vector<1x16xf32>,
      %get3A_956 = vector.shape_cast %get3A_955 : vector<1x16xf32> to vector<16xf32>
      %add3A_957 = arith.addf %add3A_951, %get3A_956 : vector<16xf32>
      %get3A_958 = arith.constant 36 : i32
      %get3A_959 = arith.index_cast %get3A_958 : i32 to index
      %get3A_960 = arith.constant 112 : index
      %get3A_961 = tpu.vector_load %arg6[%get3A_959, %get3A_960] {strides = array<i32>} : memref<80x128xf32, #tpu.memory_space<vmem>>, vector<1x16xf32>,
      %get3A_962 = vector.shape_cast %get3A_961 : vector<1x16xf32> to vector<16xf32>
      %add3A_963 = arith.addf %add3A_957, %get3A_962 : vector<16xf32>
      %get3A_964 = arith.constant 40 : i32
      %get3A_965 = arith.index_cast %get3A_964 : i32 to index
      %get3A_966 = arith.constant 112 : index
      %get3A_967 = tpu.vector_load %arg6[%get3A_965, %get3A_966] {strides = array<i32>} : memref<80x128xf32, #tpu.memory_space<vmem>>, vector<1x16xf32>,
      %get3A_968 = vector.shape_cast %get3A_967 : vector<1x16xf32> to vector<16xf32>
      %add3A_969 = arith.addf %add3A_963, %get3A_968 : vector<16xf32>
      %get3A_970 = arith.constant 44 : i32
      %get3A_971 = arith.index_cast %get3A_970 : i32 to index
      %get3A_972 = arith.constant 112 : index
      %get3A_973 = tpu.vector_load %arg6[%get3A_971, %get3A_972] {strides = array<i32>} : memref<80x128xf32, #tpu.memory_space<vmem>>, vector<1x16xf32>,
      %get3A_974 = vector.shape_cast %get3A_973 : vector<1x16xf32> to vector<16xf32>
      %add3A_975 = arith.addf %add3A_969, %get3A_974 : vector<16xf32>
      %get3A_976 = arith.constant 48 : i32
      %get3A_977 = arith.index_cast %get3A_976 : i32 to index
      %get3A_978 = arith.constant 112 : index
      %get3A_979 = tpu.vector_load %arg6[%get3A_977, %get3A_978] {strides = array<i32>} : memref<80x128xf32, #tpu.memory_space<vmem>>, vector<1x16xf32>,
      %get3A_980 = vector.shape_cast %get3A_979 : vector<1x16xf32> to vector<16xf32>
      %add3A_981 = arith.addf %add3A_975, %get3A_980 : vector<16xf32>
      %get3A_982 = arith.constant 52 : i32
      %get3A_983 = arith.index_cast %get3A_982 : i32 to index
      %get3A_984 = arith.constant 112 : index
      %get3A_985 = tpu.vector_load %arg6[%get3A_983, %get3A_984] {strides = array<i32>} : memref<80x128xf32, #tpu.memory_space<vmem>>, vector<1x16xf32>,
      %get3A_986 = vector.shape_cast %get3A_985 : vector<1x16xf32> to vector<16xf32>
      %add3A_987 = arith.addf %add3A_981, %get3A_986 : vector<16xf32>
      %get3A_988 = arith.constant 56 : i32
      %get3A_989 = arith.index_cast %get3A_988 : i32 to index
      %get3A_990 = arith.constant 112 : index
      %get3A_991 = tpu.vector_load %arg6[%get3A_989, %get3A_990] {strides = array<i32>} : memref<80x128xf32, #tpu.memory_space<vmem>>, vector<1x16xf32>,
      %get3A_992 = vector.shape_cast %get3A_991 : vector<1x16xf32> to vector<16xf32>
      %add3A_993 = arith.addf %add3A_987, %get3A_992 : vector<16xf32>
      %get3A_994 = arith.constant 60 : i32
      %get3A_995 = arith.index_cast %get3A_994 : i32 to index
      %get3A_996 = arith.constant 112 : index
      %get3A_997 = tpu.vector_load %arg6[%get3A_995, %get3A_996] {strides = array<i32>} : memref<80x128xf32, #tpu.memory_space<vmem>>, vector<1x16xf32>,
      %get3A_998 = vector.shape_cast %get3A_997 : vector<1x16xf32> to vector<16xf32>
      %add3A_999 = arith.addf %add3A_993, %get3A_998 : vector<16xf32>
      %get3A_1000 = arith.constant 64 : i32
      %get3A_1001 = arith.index_cast %get3A_1000 : i32 to index
      %get3A_1002 = arith.constant 112 : index
      %get3A_1003 = tpu.vector_load %arg6[%get3A_1001, %get3A_1002] {strides = array<i32>} : memref<80x128xf32, #tpu.memory_space<vmem>>, vector<1x16xf32>,
      %get3A_1004 = vector.shape_cast %get3A_1003 : vector<1x16xf32> to vector<16xf32>
      %add3A_1005 = arith.addf %add3A_999, %get3A_1004 : vector<16xf32>
      %get3A_1006 = arith.constant 68 : i32
      %get3A_1007 = arith.index_cast %get3A_1006 : i32 to index
      %get3A_1008 = arith.constant 112 : index
      %get3A_1009 = tpu.vector_load %arg6[%get3A_1007, %get3A_1008] {strides = array<i32>} : memref<80x128xf32, #tpu.memory_space<vmem>>, vector<1x16xf32>,
      %get3A_1010 = vector.shape_cast %get3A_1009 : vector<1x16xf32> to vector<16xf32>
      %add3A_1011 = arith.addf %add3A_1005, %get3A_1010 : vector<16xf32>
      %get3A_1012 = arith.constant 72 : i32
      %get3A_1013 = arith.index_cast %get3A_1012 : i32 to index
      %get3A_1014 = arith.constant 112 : index
      %get3A_1015 = tpu.vector_load %arg6[%get3A_1013, %get3A_1014] {strides = array<i32>} : memref<80x128xf32, #tpu.memory_space<vmem>>, vector<1x16xf32>,
      %get3A_1016 = vector.shape_cast %get3A_1015 : vector<1x16xf32> to vector<16xf32>
      %add3A_1017 = arith.addf %add3A_1011, %get3A_1016 : vector<16xf32>
      %get3A_1018 = arith.constant 76 : i32
      %get3A_1019 = arith.index_cast %get3A_1018 : i32 to index
      %get3A_1020 = arith.constant 112 : index
      %get3A_1021 = tpu.vector_load %arg6[%get3A_1019, %get3A_1020] {strides = array<i32>} : memref<80x128xf32, #tpu.memory_space<vmem>>, vector<1x16xf32>,
      %get3A_1022 = vector.shape_cast %get3A_1021 : vector<1x16xf32> to vector<16xf32>
      %add3A_1023 = arith.addf %add3A_1017, %get3A_1022 : vector<16xf32>
      %mul3A_1024 = arith.constant 5.000000e-02 : f32
      %mul3A_1025 = vector.broadcast %mul3A_1024 : f32 to vector<16xf32>
      %mul3A_1026 = arith.mulf %add3A_1023, %mul3A_1025 : vector<16xf32>
      %swap3A_1027 = arith.constant 0 : i32
      %swap3A_1028 = arith.index_cast %swap3A_1027 : i32 to index
      %swap3A_1029 = arith.constant 112 : index
      %swap3A_1030 = tpu.vector_load %arg7[%swap3A_1028, %swap3A_1029] {strides = array<i32>} : memref<1x512xf32, #tpu.memory_space<vmem>>, vector<1x16xf32>,
      %swap3A_1031 = vector.shape_cast %swap3A_1030 : vector<1x16xf32> to vector<16xf32>
      %swap3A_1032 = vector.shape_cast %mul3A_1026 : vector<16xf32> to vector<1x16xf32>
      tpu.vector_store %arg7[%swap3A_1028, %swap3A_1029], %swap3A_1032 {strides = array<i32>} : memref<1x512xf32, #tpu.memory_space<vmem>>, vector<1x16xf32>,
      %get3A_1033 = arith.constant 1 : i32
      %get3A_1034 = arith.index_cast %get3A_1033 : i32 to index
      %get3A_1035 = arith.constant 0 : index
      %get3A_1036 = tpu.vector_load %arg6[%get3A_1034, %get3A_1035] {strides = array<i32>} : memref<80x128xf32, #tpu.memory_space<vmem>>, vector<1x16xf32>,
      %get3A_1037 = vector.shape_cast %get3A_1036 : vector<1x16xf32> to vector<16xf32>
      %get3A_1038 = arith.constant 5 : i32
      %get3A_1039 = arith.index_cast %get3A_1038 : i32 to index
      %get3A_1040 = arith.constant 0 : index
      %get3A_1041 = tpu.vector_load %arg6[%get3A_1039, %get3A_1040] {strides = array<i32>} : memref<80x128xf32, #tpu.memory_space<vmem>>, vector<1x16xf32>,
      %get3A_1042 = vector.shape_cast %get3A_1041 : vector<1x16xf32> to vector<16xf32>
      %add3A_1043 = arith.addf %get3A_1037, %get3A_1042 : vector<16xf32>
      %get3A_1044 = arith.constant 9 : i32
      %get3A_1045 = arith.index_cast %get3A_1044 : i32 to index
      %get3A_1046 = arith.constant 0 : index
      %get3A_1047 = tpu.vector_load %arg6[%get3A_1045, %get3A_1046] {strides = array<i32>} : memref<80x128xf32, #tpu.memory_space<vmem>>, vector<1x16xf32>,
      %get3A_1048 = vector.shape_cast %get3A_1047 : vector<1x16xf32> to vector<16xf32>
      %add3A_1049 = arith.addf %add3A_1043, %get3A_1048 : vector<16xf32>
      %get3A_1050 = arith.constant 13 : i32
      %get3A_1051 = arith.index_cast %get3A_1050 : i32 to index
      %get3A_1052 = arith.constant 0 : index
      %get3A_1053 = tpu.vector_load %arg6[%get3A_1051, %get3A_1052] {strides = array<i32>} : memref<80x128xf32, #tpu.memory_space<vmem>>, vector<1x16xf32>,
      %get3A_1054 = vector.shape_cast %get3A_1053 : vector<1x16xf32> to vector<16xf32>
      %add3A_1055 = arith.addf %add3A_1049, %get3A_1054 : vector<16xf32>
      %get3A_1056 = arith.constant 17 : i32
      %get3A_1057 = arith.index_cast %get3A_1056 : i32 to index
      %get3A_1058 = arith.constant 0 : index
      %get3A_1059 = tpu.vector_load %arg6[%get3A_1057, %get3A_1058] {strides = array<i32>} : memref<80x128xf32, #tpu.memory_space<vmem>>, vector<1x16xf32>,
      %get3A_1060 = vector.shape_cast %get3A_1059 : vector<1x16xf32> to vector<16xf32>
      %add3A_1061 = arith.addf %add3A_1055, %get3A_1060 : vector<16xf32>
      %get3A_1062 = arith.constant 21 : i32
      %get3A_1063 = arith.index_cast %get3A_1062 : i32 to index
      %get3A_1064 = arith.constant 0 : index
      %get3A_1065 = tpu.vector_load %arg6[%get3A_1063, %get3A_1064] {strides = array<i32>} : memref<80x128xf32, #tpu.memory_space<vmem>>, vector<1x16xf32>,
      %get3A_1066 = vector.shape_cast %get3A_1065 : vector<1x16xf32> to vector<16xf32>
      %add3A_1067 = arith.addf %add3A_1061, %get3A_1066 : vector<16xf32>
      %get3A_1068 = arith.constant 25 : i32
      %get3A_1069 = arith.index_cast %get3A_1068 : i32 to index
      %get3A_1070 = arith.constant 0 : index
      %get3A_1071 = tpu.vector_load %arg6[%get3A_1069, %get3A_1070] {strides = array<i32>} : memref<80x128xf32, #tpu.memory_space<vmem>>, vector<1x16xf32>,
      %get3A_1072 = vector.shape_cast %get3A_1071 : vector<1x16xf32> to vector<16xf32>
      %add3A_1073 = arith.addf %add3A_1067, %get3A_1072 : vector<16xf32>
      %get3A_1074 = arith.constant 29 : i32
      %get3A_1075 = arith.index_cast %get3A_1074 : i32 to index
      %get3A_1076 = arith.constant 0 : index
      %get3A_1077 = tpu.vector_load %arg6[%get3A_1075, %get3A_1076] {strides = array<i32>} : memref<80x128xf32, #tpu.memory_space<vmem>>, vector<1x16xf32>,
      %get3A_1078 = vector.shape_cast %get3A_1077 : vector<1x16xf32> to vector<16xf32>
      %add3A_1079 = arith.addf %add3A_1073, %get3A_1078 : vector<16xf32>
      %get3A_1080 = arith.constant 33 : i32
      %get3A_1081 = arith.index_cast %get3A_1080 : i32 to index
      %get3A_1082 = arith.constant 0 : index
      %get3A_1083 = tpu.vector_load %arg6[%get3A_1081, %get3A_1082] {strides = array<i32>} : memref<80x128xf32, #tpu.memory_space<vmem>>, vector<1x16xf32>,
      %get3A_1084 = vector.shape_cast %get3A_1083 : vector<1x16xf32> to vector<16xf32>
      %add3A_1085 = arith.addf %add3A_1079, %get3A_1084 : vector<16xf32>
      %get3A_1086 = arith.constant 37 : i32
      %get3A_1087 = arith.index_cast %get3A_1086 : i32 to index
      %get3A_1088 = arith.constant 0 : index
      %get3A_1089 = tpu.vector_load %arg6[%get3A_1087, %get3A_1088] {strides = array<i32>} : memref<80x128xf32, #tpu.memory_space<vmem>>, vector<1x16xf32>,
      %get3A_1090 = vector.shape_cast %get3A_1089 : vector<1x16xf32> to vector<16xf32>
      %add3A_1091 = arith.addf %add3A_1085, %get3A_1090 : vector<16xf32>
      %get3A_1092 = arith.constant 41 : i32
      %get3A_1093 = arith.index_cast %get3A_1092 : i32 to index
      %get3A_1094 = arith.constant 0 : index
      %get3A_1095 = tpu.vector_load %arg6[%get3A_1093, %get3A_1094] {strides = array<i32>} : memref<80x128xf32, #tpu.memory_space<vmem>>, vector<1x16xf32>,
      %get3A_1096 = vector.shape_cast %get3A_1095 : vector<1x16xf32> to vector<16xf32>
      %add3A_1097 = arith.addf %add3A_1091, %get3A_1096 : vector<16xf32>
      %get3A_1098 = arith.constant 45 : i32
      %get3A_1099 = arith.index_cast %get3A_1098 : i32 to index
      %get3A_1100 = arith.constant 0 : index
      %get3A_1101 = tpu.vector_load %arg6[%get3A_1099, %get3A_1100] {strides = array<i32>} : memref<80x128xf32, #tpu.memory_space<vmem>>, vector<1x16xf32>,
      %get3A_1102 = vector.shape_cast %get3A_1101 : vector<1x16xf32> to vector<16xf32>
      %add3A_1103 = arith.addf %add3A_1097, %get3A_1102 : vector<16xf32>
      %get3A_1104 = arith.constant 49 : i32
      %get3A_1105 = arith.index_cast %get3A_1104 : i32 to index
      %get3A_1106 = arith.constant 0 : index
      %get3A_1107 = tpu.vector_load %arg6[%get3A_1105, %get3A_1106] {strides = array<i32>} : memref<80x128xf32, #tpu.memory_space<vmem>>, vector<1x16xf32>,
      %get3A_1108 = vector.shape_cast %get3A_1107 : vector<1x16xf32> to vector<16xf32>
      %add3A_1109 = arith.addf %add3A_1103, %get3A_1108 : vector<16xf32>
      %get3A_1110 = arith.constant 53 : i32
      %get3A_1111 = arith.index_cast %get3A_1110 : i32 to index
      %get3A_1112 = arith.constant 0 : index
      %get3A_1113 = tpu.vector_load %arg6[%get3A_1111, %get3A_1112] {strides = array<i32>} : memref<80x128xf32, #tpu.memory_space<vmem>>, vector<1x16xf32>,
      %get3A_1114 = vector.shape_cast %get3A_1113 : vector<1x16xf32> to vector<16xf32>
      %add3A_1115 = arith.addf %add3A_1109, %get3A_1114 : vector<16xf32>
      %get3A_1116 = arith.constant 57 : i32
      %get3A_1117 = arith.index_cast %get3A_1116 : i32 to index
      %get3A_1118 = arith.constant 0 : index
      %get3A_1119 = tpu.vector_load %arg6[%get3A_1117, %get3A_1118] {strides = array<i32>} : memref<80x128xf32, #tpu.memory_space<vmem>>, vector<1x16xf32>,
      %get3A_1120 = vector.shape_cast %get3A_1119 : vector<1x16xf32> to vector<16xf32>
      %add3A_1121 = arith.addf %add3A_1115, %get3A_1120 : vector<16xf32>
      %get3A_1122 = arith.constant 61 : i32
      %get3A_1123 = arith.index_cast %get3A_1122 : i32 to index
      %get3A_1124 = arith.constant 0 : index
      %get3A_1125 = tpu.vector_load %arg6[%get3A_1123, %get3A_1124] {strides = array<i32>} : memref<80x128xf32, #tpu.memory_space<vmem>>, vector<1x16xf32>,
      %get3A_1126 = vector.shape_cast %get3A_1125 : vector<1x16xf32> to vector<16xf32>
      %add3A_1127 = arith.addf %add3A_1121, %get3A_1126 : vector<16xf32>
      %get3A_1128 = arith.constant 65 : i32
      %get3A_1129 = arith.index_cast %get3A_1128 : i32 to index
      %get3A_1130 = arith.constant 0 : index
      %get3A_1131 = tpu.vector_load %arg6[%get3A_1129, %get3A_1130] {strides = array<i32>} : memref<80x128xf32, #tpu.memory_space<vmem>>, vector<1x16xf32>,
      %get3A_1132 = vector.shape_cast %get3A_1131 : vector<1x16xf32> to vector<16xf32>
      %add3A_1133 = arith.addf %add3A_1127, %get3A_1132 : vector<16xf32>
      %get3A_1134 = arith.constant 69 : i32
      %get3A_1135 = arith.index_cast %get3A_1134 : i32 to index
      %get3A_1136 = arith.constant 0 : index
      %get3A_1137 = tpu.vector_load %arg6[%get3A_1135, %get3A_1136] {strides = array<i32>} : memref<80x128xf32, #tpu.memory_space<vmem>>, vector<1x16xf32>,
      %get3A_1138 = vector.shape_cast %get3A_1137 : vector<1x16xf32> to vector<16xf32>
      %add3A_1139 = arith.addf %add3A_1133, %get3A_1138 : vector<16xf32>
      %get3A_1140 = arith.constant 73 : i32
      %get3A_1141 = arith.index_cast %get3A_1140 : i32 to index
      %get3A_1142 = arith.constant 0 : index
      %get3A_1143 = tpu.vector_load %arg6[%get3A_1141, %get3A_1142] {strides = array<i32>} : memref<80x128xf32, #tpu.memory_space<vmem>>, vector<1x16xf32>,
      %get3A_1144 = vector.shape_cast %get3A_1143 : vector<1x16xf32> to vector<16xf32>
      %add3A_1145 = arith.addf %add3A_1139, %get3A_1144 : vector<16xf32>
      %get3A_1146 = arith.constant 77 : i32
      %get3A_1147 = arith.index_cast %get3A_1146 : i32 to index
      %get3A_1148 = arith.constant 0 : index
      %get3A_1149 = tpu.vector_load %arg6[%get3A_1147, %get3A_1148] {strides = array<i32>} : memref<80x128xf32, #tpu.memory_space<vmem>>, vector<1x16xf32>,
      %get3A_1150 = vector.shape_cast %get3A_1149 : vector<1x16xf32> to vector<16xf32>
      %add3A_1151 = arith.addf %add3A_1145, %get3A_1150 : vector<16xf32>
      %mul3A_1152 = arith.constant 5.000000e-02 : f32
      %mul3A_1153 = vector.broadcast %mul3A_1152 : f32 to vector<16xf32>
      %mul3A_1154 = arith.mulf %add3A_1151, %mul3A_1153 : vector<16xf32>
      %swap3A_1155 = arith.constant 0 : i32
      %swap3A_1156 = arith.index_cast %swap3A_1155 : i32 to index
      %swap3A_1157 = arith.constant 128 : index
      %swap3A_1158 = tpu.vector_load %arg7[%swap3A_1156, %swap3A_1157] {strides = array<i32>} : memref<1x512xf32, #tpu.memory_space<vmem>>, vector<1x16xf32>,
      %swap3A_1159 = vector.shape_cast %swap3A_1158 : vector<1x16xf32> to vector<16xf32>
      %swap3A_1160 = vector.shape_cast %mul3A_1154 : vector<16xf32> to vector<1x16xf32>
      tpu.vector_store %arg7[%swap3A_1156, %swap3A_1157], %swap3A_1160 {strides = array<i32>} : memref<1x512xf32, #tpu.memory_space<vmem>>, vector<1x16xf32>,
      %get3A_1161 = arith.constant 1 : i32
      %get3A_1162 = arith.index_cast %get3A_1161 : i32 to index
      %get3A_1163 = arith.constant 16 : index
      %get3A_1164 = tpu.vector_load %arg6[%get3A_1162, %get3A_1163] {strides = array<i32>} : memref<80x128xf32, #tpu.memory_space<vmem>>, vector<1x16xf32>,
      %get3A_1165 = vector.shape_cast %get3A_1164 : vector<1x16xf32> to vector<16xf32>
      %get3A_1166 = arith.constant 5 : i32
      %get3A_1167 = arith.index_cast %get3A_1166 : i32 to index
      %get3A_1168 = arith.constant 16 : index
      %get3A_1169 = tpu.vector_load %arg6[%get3A_1167, %get3A_1168] {strides = array<i32>} : memref<80x128xf32, #tpu.memory_space<vmem>>, vector<1x16xf32>,
      %get3A_1170 = vector.shape_cast %get3A_1169 : vector<1x16xf32> to vector<16xf32>
      %add3A_1171 = arith.addf %get3A_1165, %get3A_1170 : vector<16xf32>
      %get3A_1172 = arith.constant 9 : i32
      %get3A_1173 = arith.index_cast %get3A_1172 : i32 to index
      %get3A_1174 = arith.constant 16 : index
      %get3A_1175 = tpu.vector_load %arg6[%get3A_1173, %get3A_1174] {strides = array<i32>} : memref<80x128xf32, #tpu.memory_space<vmem>>, vector<1x16xf32>,
      %get3A_1176 = vector.shape_cast %get3A_1175 : vector<1x16xf32> to vector<16xf32>
      %add3A_1177 = arith.addf %add3A_1171, %get3A_1176 : vector<16xf32>
      %get3A_1178 = arith.constant 13 : i32
      %get3A_1179 = arith.index_cast %get3A_1178 : i32 to index
      %get3A_1180 = arith.constant 16 : index
      %get3A_1181 = tpu.vector_load %arg6[%get3A_1179, %get3A_1180] {strides = array<i32>} : memref<80x128xf32, #tpu.memory_space<vmem>>, vector<1x16xf32>,
      %get3A_1182 = vector.shape_cast %get3A_1181 : vector<1x16xf32> to vector<16xf32>
      %add3A_1183 = arith.addf %add3A_1177, %get3A_1182 : vector<16xf32>
      %get3A_1184 = arith.constant 17 : i32
      %get3A_1185 = arith.index_cast %get3A_1184 : i32 to index
      %get3A_1186 = arith.constant 16 : index
      %get3A_1187 = tpu.vector_load %arg6[%get3A_1185, %get3A_1186] {strides = array<i32>} : memref<80x128xf32, #tpu.memory_space<vmem>>, vector<1x16xf32>,
      %get3A_1188 = vector.shape_cast %get3A_1187 : vector<1x16xf32> to vector<16xf32>
      %add3A_1189 = arith.addf %add3A_1183, %get3A_1188 : vector<16xf32>
      %get3A_1190 = arith.constant 21 : i32
      %get3A_1191 = arith.index_cast %get3A_1190 : i32 to index
      %get3A_1192 = arith.constant 16 : index
      %get3A_1193 = tpu.vector_load %arg6[%get3A_1191, %get3A_1192] {strides = array<i32>} : memref<80x128xf32, #tpu.memory_space<vmem>>, vector<1x16xf32>,
      %get3A_1194 = vector.shape_cast %get3A_1193 : vector<1x16xf32> to vector<16xf32>
      %add3A_1195 = arith.addf %add3A_1189, %get3A_1194 : vector<16xf32>
      %get3A_1196 = arith.constant 25 : i32
      %get3A_1197 = arith.index_cast %get3A_1196 : i32 to index
      %get3A_1198 = arith.constant 16 : index
      %get3A_1199 = tpu.vector_load %arg6[%get3A_1197, %get3A_1198] {strides = array<i32>} : memref<80x128xf32, #tpu.memory_space<vmem>>, vector<1x16xf32>,
      %get3A_1200 = vector.shape_cast %get3A_1199 : vector<1x16xf32> to vector<16xf32>
      %add3A_1201 = arith.addf %add3A_1195, %get3A_1200 : vector<16xf32>
      %get3A_1202 = arith.constant 29 : i32
      %get3A_1203 = arith.index_cast %get3A_1202 : i32 to index
      %get3A_1204 = arith.constant 16 : index
      %get3A_1205 = tpu.vector_load %arg6[%get3A_1203, %get3A_1204] {strides = array<i32>} : memref<80x128xf32, #tpu.memory_space<vmem>>, vector<1x16xf32>,
      %get3A_1206 = vector.shape_cast %get3A_1205 : vector<1x16xf32> to vector<16xf32>
      %add3A_1207 = arith.addf %add3A_1201, %get3A_1206 : vector<16xf32>
      %get3A_1208 = arith.constant 33 : i32
      %get3A_1209 = arith.index_cast %get3A_1208 : i32 to index
      %get3A_1210 = arith.constant 16 : index
      %get3A_1211 = tpu.vector_load %arg6[%get3A_1209, %get3A_1210] {strides = array<i32>} : memref<80x128xf32, #tpu.memory_space<vmem>>, vector<1x16xf32>,
      %get3A_1212 = vector.shape_cast %get3A_1211 : vector<1x16xf32> to vector<16xf32>
      %add3A_1213 = arith.addf %add3A_1207, %get3A_1212 : vector<16xf32>
      %get3A_1214 = arith.constant 37 : i32
      %get3A_1215 = arith.index_cast %get3A_1214 : i32 to index
      %get3A_1216 = arith.constant 16 : index
      %get3A_1217 = tpu.vector_load %arg6[%get3A_1215, %get3A_1216] {strides = array<i32>} : memref<80x128xf32, #tpu.memory_space<vmem>>, vector<1x16xf32>,
      %get3A_1218 = vector.shape_cast %get3A_1217 : vector<1x16xf32> to vector<16xf32>
      %add3A_1219 = arith.addf %add3A_1213, %get3A_1218 : vector<16xf32>
      %get3A_1220 = arith.constant 41 : i32
      %get3A_1221 = arith.index_cast %get3A_1220 : i32 to index
      %get3A_1222 = arith.constant 16 : index
      %get3A_1223 = tpu.vector_load %arg6[%get3A_1221, %get3A_1222] {strides = array<i32>} : memref<80x128xf32, #tpu.memory_space<vmem>>, vector<1x16xf32>,
      %get3A_1224 = vector.shape_cast %get3A_1223 : vector<1x16xf32> to vector<16xf32>
      %add3A_1225 = arith.addf %add3A_1219, %get3A_1224 : vector<16xf32>
      %get3A_1226 = arith.constant 45 : i32
      %get3A_1227 = arith.index_cast %get3A_1226 : i32 to index
      %get3A_1228 = arith.constant 16 : index
      %get3A_1229 = tpu.vector_load %arg6[%get3A_1227, %get3A_1228] {strides = array<i32>} : memref<80x128xf32, #tpu.memory_space<vmem>>, vector<1x16xf32>,
      %get3A_1230 = vector.shape_cast %get3A_1229 : vector<1x16xf32> to vector<16xf32>
      %add3A_1231 = arith.addf %add3A_1225, %get3A_1230 : vector<16xf32>
      %get3A_1232 = arith.constant 49 : i32
      %get3A_1233 = arith.index_cast %get3A_1232 : i32 to index
      %get3A_1234 = arith.constant 16 : index
      %get3A_1235 = tpu.vector_load %arg6[%get3A_1233, %get3A_1234] {strides = array<i32>} : memref<80x128xf32, #tpu.memory_space<vmem>>, vector<1x16xf32>,
      %get3A_1236 = vector.shape_cast %get3A_1235 : vector<1x16xf32> to vector<16xf32>
      %add3A_1237 = arith.addf %add3A_1231, %get3A_1236 : vector<16xf32>
      %get3A_1238 = arith.constant 53 : i32
      %get3A_1239 = arith.index_cast %get3A_1238 : i32 to index
      %get3A_1240 = arith.constant 16 : index
      %get3A_1241 = tpu.vector_load %arg6[%get3A_1239, %get3A_1240] {strides = array<i32>} : memref<80x128xf32, #tpu.memory_space<vmem>>, vector<1x16xf32>,
      %get3A_1242 = vector.shape_cast %get3A_1241 : vector<1x16xf32> to vector<16xf32>
      %add3A_1243 = arith.addf %add3A_1237, %get3A_1242 : vector<16xf32>
      %get3A_1244 = arith.constant 57 : i32
      %get3A_1245 = arith.index_cast %get3A_1244 : i32 to index
      %get3A_1246 = arith.constant 16 : index
      %get3A_1247 = tpu.vector_load %arg6[%get3A_1245, %get3A_1246] {strides = array<i32>} : memref<80x128xf32, #tpu.memory_space<vmem>>, vector<1x16xf32>,
      %get3A_1248 = vector.shape_cast %get3A_1247 : vector<1x16xf32> to vector<16xf32>
      %add3A_1249 = arith.addf %add3A_1243, %get3A_1248 : vector<16xf32>
      %get3A_1250 = arith.constant 61 : i32
      %get3A_1251 = arith.index_cast %get3A_1250 : i32 to index
      %get3A_1252 = arith.constant 16 : index
      %get3A_1253 = tpu.vector_load %arg6[%get3A_1251, %get3A_1252] {strides = array<i32>} : memref<80x128xf32, #tpu.memory_space<vmem>>, vector<1x16xf32>,
      %get3A_1254 = vector.shape_cast %get3A_1253 : vector<1x16xf32> to vector<16xf32>
      %add3A_1255 = arith.addf %add3A_1249, %get3A_1254 : vector<16xf32>
      %get3A_1256 = arith.constant 65 : i32
      %get3A_1257 = arith.index_cast %get3A_1256 : i32 to index
      %get3A_1258 = arith.constant 16 : index
      %get3A_1259 = tpu.vector_load %arg6[%get3A_1257, %get3A_1258] {strides = array<i32>} : memref<80x128xf32, #tpu.memory_space<vmem>>, vector<1x16xf32>,
      %get3A_1260 = vector.shape_cast %get3A_1259 : vector<1x16xf32> to vector<16xf32>
      %add3A_1261 = arith.addf %add3A_1255, %get3A_1260 : vector<16xf32>
      %get3A_1262 = arith.constant 69 : i32
      %get3A_1263 = arith.index_cast %get3A_1262 : i32 to index
      %get3A_1264 = arith.constant 16 : index
      %get3A_1265 = tpu.vector_load %arg6[%get3A_1263, %get3A_1264] {strides = array<i32>} : memref<80x128xf32, #tpu.memory_space<vmem>>, vector<1x16xf32>,
      %get3A_1266 = vector.shape_cast %get3A_1265 : vector<1x16xf32> to vector<16xf32>
      %add3A_1267 = arith.addf %add3A_1261, %get3A_1266 : vector<16xf32>
      %get3A_1268 = arith.constant 73 : i32
      %get3A_1269 = arith.index_cast %get3A_1268 : i32 to index
      %get3A_1270 = arith.constant 16 : index
      %get3A_1271 = tpu.vector_load %arg6[%get3A_1269, %get3A_1270] {strides = array<i32>} : memref<80x128xf32, #tpu.memory_space<vmem>>, vector<1x16xf32>,
      %get3A_1272 = vector.shape_cast %get3A_1271 : vector<1x16xf32> to vector<16xf32>
      %add3A_1273 = arith.addf %add3A_1267, %get3A_1272 : vector<16xf32>
      %get3A_1274 = arith.constant 77 : i32
      %get3A_1275 = arith.index_cast %get3A_1274 : i32 to index
      %get3A_1276 = arith.constant 16 : index
      %get3A_1277 = tpu.vector_load %arg6[%get3A_1275, %get3A_1276] {strides = array<i32>} : memref<80x128xf32, #tpu.memory_space<vmem>>, vector<1x16xf32>,
      %get3A_1278 = vector.shape_cast %get3A_1277 : vector<1x16xf32> to vector<16xf32>
      %add3A_1279 = arith.addf %add3A_1273, %get3A_1278 : vector<16xf32>
      %mul3A_1280 = arith.constant 5.000000e-02 : f32
      %mul3A_1281 = vector.broadcast %mul3A_1280 : f32 to vector<16xf32>
      %mul3A_1282 = arith.mulf %add3A_1279, %mul3A_1281 : vector<16xf32>
      %swap3A_1283 = arith.constant 0 : i32
      %swap3A_1284 = arith.index_cast %swap3A_1283 : i32 to index
      %swap3A_1285 = arith.constant 144 : index
      %swap3A_1286 = tpu.vector_load %arg7[%swap3A_1284, %swap3A_1285] {strides = array<i32>} : memref<1x512xf32, #tpu.memory_space<vmem>>, vector<1x16xf32>,
      %swap3A_1287 = vector.shape_cast %swap3A_1286 : vector<1x16xf32> to vector<16xf32>
      %swap3A_1288 = vector.shape_cast %mul3A_1282 : vector<16xf32> to vector<1x16xf32>
      tpu.vector_store %arg7[%swap3A_1284, %swap3A_1285], %swap3A_1288 {strides = array<i32>} : memref<1x512xf32, #tpu.memory_space<vmem>>, vector<1x16xf32>,
      %get3A_1289 = arith.constant 1 : i32
      %get3A_1290 = arith.index_cast %get3A_1289 : i32 to index
      %get3A_1291 = arith.constant 32 : index
      %get3A_1292 = tpu.vector_load %arg6[%get3A_1290, %get3A_1291] {strides = array<i32>} : memref<80x128xf32, #tpu.memory_space<vmem>>, vector<1x16xf32>,
      %get3A_1293 = vector.shape_cast %get3A_1292 : vector<1x16xf32> to vector<16xf32>
      %get3A_1294 = arith.constant 5 : i32
      %get3A_1295 = arith.index_cast %get3A_1294 : i32 to index
      %get3A_1296 = arith.constant 32 : index
      %get3A_1297 = tpu.vector_load %arg6[%get3A_1295, %get3A_1296] {strides = array<i32>} : memref<80x128xf32, #tpu.memory_space<vmem>>, vector<1x16xf32>,
      %get3A_1298 = vector.shape_cast %get3A_1297 : vector<1x16xf32> to vector<16xf32>
      %add3A_1299 = arith.addf %get3A_1293, %get3A_1298 : vector<16xf32>
      %get3A_1300 = arith.constant 9 : i32
      %get3A_1301 = arith.index_cast %get3A_1300 : i32 to index
      %get3A_1302 = arith.constant 32 : index
      %get3A_1303 = tpu.vector_load %arg6[%get3A_1301, %get3A_1302] {strides = array<i32>} : memref<80x128xf32, #tpu.memory_space<vmem>>, vector<1x16xf32>,
      %get3A_1304 = vector.shape_cast %get3A_1303 : vector<1x16xf32> to vector<16xf32>
      %add3A_1305 = arith.addf %add3A_1299, %get3A_1304 : vector<16xf32>
      %get3A_1306 = arith.constant 13 : i32
      %get3A_1307 = arith.index_cast %get3A_1306 : i32 to index
      %get3A_1308 = arith.constant 32 : index
      %get3A_1309 = tpu.vector_load %arg6[%get3A_1307, %get3A_1308] {strides = array<i32>} : memref<80x128xf32, #tpu.memory_space<vmem>>, vector<1x16xf32>,
      %get3A_1310 = vector.shape_cast %get3A_1309 : vector<1x16xf32> to vector<16xf32>
      %add3A_1311 = arith.addf %add3A_1305, %get3A_1310 : vector<16xf32>
      %get3A_1312 = arith.constant 17 : i32
      %get3A_1313 = arith.index_cast %get3A_1312 : i32 to index
      %get3A_1314 = arith.constant 32 : index
      %get3A_1315 = tpu.vector_load %arg6[%get3A_1313, %get3A_1314] {strides = array<i32>} : memref<80x128xf32, #tpu.memory_space<vmem>>, vector<1x16xf32>,
      %get3A_1316 = vector.shape_cast %get3A_1315 : vector<1x16xf32> to vector<16xf32>
      %add3A_1317 = arith.addf %add3A_1311, %get3A_1316 : vector<16xf32>
      %get3A_1318 = arith.constant 21 : i32
      %get3A_1319 = arith.index_cast %get3A_1318 : i32 to index
      %get3A_1320 = arith.constant 32 : index
      %get3A_1321 = tpu.vector_load %arg6[%get3A_1319, %get3A_1320] {strides = array<i32>} : memref<80x128xf32, #tpu.memory_space<vmem>>, vector<1x16xf32>,
      %get3A_1322 = vector.shape_cast %get3A_1321 : vector<1x16xf32> to vector<16xf32>
      %add3A_1323 = arith.addf %add3A_1317, %get3A_1322 : vector<16xf32>
      %get3A_1324 = arith.constant 25 : i32
      %get3A_1325 = arith.index_cast %get3A_1324 : i32 to index
      %get3A_1326 = arith.constant 32 : index
      %get3A_1327 = tpu.vector_load %arg6[%get3A_1325, %get3A_1326] {strides = array<i32>} : memref<80x128xf32, #tpu.memory_space<vmem>>, vector<1x16xf32>,
      %get3A_1328 = vector.shape_cast %get3A_1327 : vector<1x16xf32> to vector<16xf32>
      %add3A_1329 = arith.addf %add3A_1323, %get3A_1328 : vector<16xf32>
      %get3A_1330 = arith.constant 29 : i32
      %get3A_1331 = arith.index_cast %get3A_1330 : i32 to index
      %get3A_1332 = arith.constant 32 : index
      %get3A_1333 = tpu.vector_load %arg6[%get3A_1331, %get3A_1332] {strides = array<i32>} : memref<80x128xf32, #tpu.memory_space<vmem>>, vector<1x16xf32>,
      %get3A_1334 = vector.shape_cast %get3A_1333 : vector<1x16xf32> to vector<16xf32>
      %add3A_1335 = arith.addf %add3A_1329, %get3A_1334 : vector<16xf32>
      %get3A_1336 = arith.constant 33 : i32
      %get3A_1337 = arith.index_cast %get3A_1336 : i32 to index
      %get3A_1338 = arith.constant 32 : index
      %get3A_1339 = tpu.vector_load %arg6[%get3A_1337, %get3A_1338] {strides = array<i32>} : memref<80x128xf32, #tpu.memory_space<vmem>>, vector<1x16xf32>,
      %get3A_1340 = vector.shape_cast %get3A_1339 : vector<1x16xf32> to vector<16xf32>
      %add3A_1341 = arith.addf %add3A_1335, %get3A_1340 : vector<16xf32>
      %get3A_1342 = arith.constant 37 : i32
      %get3A_1343 = arith.index_cast %get3A_1342 : i32 to index
      %get3A_1344 = arith.constant 32 : index
      %get3A_1345 = tpu.vector_load %arg6[%get3A_1343, %get3A_1344] {strides = array<i32>} : memref<80x128xf32, #tpu.memory_space<vmem>>, vector<1x16xf32>,
      %get3A_1346 = vector.shape_cast %get3A_1345 : vector<1x16xf32> to vector<16xf32>
      %add3A_1347 = arith.addf %add3A_1341, %get3A_1346 : vector<16xf32>
      %get3A_1348 = arith.constant 41 : i32
      %get3A_1349 = arith.index_cast %get3A_1348 : i32 to index
      %get3A_1350 = arith.constant 32 : index
      %get3A_1351 = tpu.vector_load %arg6[%get3A_1349, %get3A_1350] {strides = array<i32>} : memref<80x128xf32, #tpu.memory_space<vmem>>, vector<1x16xf32>,
      %get3A_1352 = vector.shape_cast %get3A_1351 : vector<1x16xf32> to vector<16xf32>
      %add3A_1353 = arith.addf %add3A_1347, %get3A_1352 : vector<16xf32>
      %get3A_1354 = arith.constant 45 : i32
      %get3A_1355 = arith.index_cast %get3A_1354 : i32 to index
      %get3A_1356 = arith.constant 32 : index
      %get3A_1357 = tpu.vector_load %arg6[%get3A_1355, %get3A_1356] {strides = array<i32>} : memref<80x128xf32, #tpu.memory_space<vmem>>, vector<1x16xf32>,
      %get3A_1358 = vector.shape_cast %get3A_1357 : vector<1x16xf32> to vector<16xf32>
      %add3A_1359 = arith.addf %add3A_1353, %get3A_1358 : vector<16xf32>
      %get3A_1360 = arith.constant 49 : i32
      %get3A_1361 = arith.index_cast %get3A_1360 : i32 to index
      %get3A_1362 = arith.constant 32 : index
      %get3A_1363 = tpu.vector_load %arg6[%get3A_1361, %get3A_1362] {strides = array<i32>} : memref<80x128xf32, #tpu.memory_space<vmem>>, vector<1x16xf32>,
      %get3A_1364 = vector.shape_cast %get3A_1363 : vector<1x16xf32> to vector<16xf32>
      %add3A_1365 = arith.addf %add3A_1359, %get3A_1364 : vector<16xf32>
      %get3A_1366 = arith.constant 53 : i32
      %get3A_1367 = arith.index_cast %get3A_1366 : i32 to index
      %get3A_1368 = arith.constant 32 : index
      %get3A_1369 = tpu.vector_load %arg6[%get3A_1367, %get3A_1368] {strides = array<i32>} : memref<80x128xf32, #tpu.memory_space<vmem>>, vector<1x16xf32>,
      %get3A_1370 = vector.shape_cast %get3A_1369 : vector<1x16xf32> to vector<16xf32>
      %add3A_1371 = arith.addf %add3A_1365, %get3A_1370 : vector<16xf32>
      %get3A_1372 = arith.constant 57 : i32
      %get3A_1373 = arith.index_cast %get3A_1372 : i32 to index
      %get3A_1374 = arith.constant 32 : index
      %get3A_1375 = tpu.vector_load %arg6[%get3A_1373, %get3A_1374] {strides = array<i32>} : memref<80x128xf32, #tpu.memory_space<vmem>>, vector<1x16xf32>,
      %get3A_1376 = vector.shape_cast %get3A_1375 : vector<1x16xf32> to vector<16xf32>
      %add3A_1377 = arith.addf %add3A_1371, %get3A_1376 : vector<16xf32>
      %get3A_1378 = arith.constant 61 : i32
      %get3A_1379 = arith.index_cast %get3A_1378 : i32 to index
      %get3A_1380 = arith.constant 32 : index
      %get3A_1381 = tpu.vector_load %arg6[%get3A_1379, %get3A_1380] {strides = array<i32>} : memref<80x128xf32, #tpu.memory_space<vmem>>, vector<1x16xf32>,
      %get3A_1382 = vector.shape_cast %get3A_1381 : vector<1x16xf32> to vector<16xf32>
      %add3A_1383 = arith.addf %add3A_1377, %get3A_1382 : vector<16xf32>
      %get3A_1384 = arith.constant 65 : i32
      %get3A_1385 = arith.index_cast %get3A_1384 : i32 to index
      %get3A_1386 = arith.constant 32 : index
      %get3A_1387 = tpu.vector_load %arg6[%get3A_1385, %get3A_1386] {strides = array<i32>} : memref<80x128xf32, #tpu.memory_space<vmem>>, vector<1x16xf32>,
      %get3A_1388 = vector.shape_cast %get3A_1387 : vector<1x16xf32> to vector<16xf32>
      %add3A_1389 = arith.addf %add3A_1383, %get3A_1388 : vector<16xf32>
      %get3A_1390 = arith.constant 69 : i32
      %get3A_1391 = arith.index_cast %get3A_1390 : i32 to index
      %get3A_1392 = arith.constant 32 : index
      %get3A_1393 = tpu.vector_load %arg6[%get3A_1391, %get3A_1392] {strides = array<i32>} : memref<80x128xf32, #tpu.memory_space<vmem>>, vector<1x16xf32>,
      %get3A_1394 = vector.shape_cast %get3A_1393 : vector<1x16xf32> to vector<16xf32>
      %add3A_1395 = arith.addf %add3A_1389, %get3A_1394 : vector<16xf32>
      %get3A_1396 = arith.constant 73 : i32
      %get3A_1397 = arith.index_cast %get3A_1396 : i32 to index
      %get3A_1398 = arith.constant 32 : index
      %get3A_1399 = tpu.vector_load %arg6[%get3A_1397, %get3A_1398] {strides = array<i32>} : memref<80x128xf32, #tpu.memory_space<vmem>>, vector<1x16xf32>,
      %get3A_1400 = vector.shape_cast %get3A_1399 : vector<1x16xf32> to vector<16xf32>
      %add3A_1401 = arith.addf %add3A_1395, %get3A_1400 : vector<16xf32>
      %get3A_1402 = arith.constant 77 : i32
      %get3A_1403 = arith.index_cast %get3A_1402 : i32 to index
      %get3A_1404 = arith.constant 32 : index
      %get3A_1405 = tpu.vector_load %arg6[%get3A_1403, %get3A_1404] {strides = array<i32>} : memref<80x128xf32, #tpu.memory_space<vmem>>, vector<1x16xf32>,
      %get3A_1406 = vector.shape_cast %get3A_1405 : vector<1x16xf32> to vector<16xf32>
      %add3A_1407 = arith.addf %add3A_1401, %get3A_1406 : vector<16xf32>
      %mul3A_1408 = arith.constant 5.000000e-02 : f32
      %mul3A_1409 = vector.broadcast %mul3A_1408 : f32 to vector<16xf32>
      %mul3A_1410 = arith.mulf %add3A_1407, %mul3A_1409 : vector<16xf32>
      %swap3A_1411 = arith.constant 0 : i32
      %swap3A_1412 = arith.index_cast %swap3A_1411 : i32 to index
      %swap3A_1413 = arith.constant 160 : index
      %swap3A_1414 = tpu.vector_load %arg7[%swap3A_1412, %swap3A_1413] {strides = array<i32>} : memref<1x512xf32, #tpu.memory_space<vmem>>, vector<1x16xf32>,
      %swap3A_1415 = vector.shape_cast %swap3A_1414 : vector<1x16xf32> to vector<16xf32>
      %swap3A_1416 = vector.shape_cast %mul3A_1410 : vector<16xf32> to vector<1x16xf32>
      tpu.vector_store %arg7[%swap3A_1412, %swap3A_1413], %swap3A_1416 {strides = array<i32>} : memref<1x512xf32, #tpu.memory_space<vmem>>, vector<1x16xf32>,
      %get3A_1417 = arith.constant 1 : i32
      %get3A_1418 = arith.index_cast %get3A_1417 : i32 to index
      %get3A_1419 = arith.constant 48 : index
      %get3A_1420 = tpu.vector_load %arg6[%get3A_1418, %get3A_1419] {strides = array<i32>} : memref<80x128xf32, #tpu.memory_space<vmem>>, vector<1x16xf32>,
      %get3A_1421 = vector.shape_cast %get3A_1420 : vector<1x16xf32> to vector<16xf32>
      %get3A_1422 = arith.constant 5 : i32
      %get3A_1423 = arith.index_cast %get3A_1422 : i32 to index
      %get3A_1424 = arith.constant 48 : index
      %get3A_1425 = tpu.vector_load %arg6[%get3A_1423, %get3A_1424] {strides = array<i32>} : memref<80x128xf32, #tpu.memory_space<vmem>>, vector<1x16xf32>,
      %get3A_1426 = vector.shape_cast %get3A_1425 : vector<1x16xf32> to vector<16xf32>
      %add3A_1427 = arith.addf %get3A_1421, %get3A_1426 : vector<16xf32>
      %get3A_1428 = arith.constant 9 : i32
      %get3A_1429 = arith.index_cast %get3A_1428 : i32 to index
      %get3A_1430 = arith.constant 48 : index
      %get3A_1431 = tpu.vector_load %arg6[%get3A_1429, %get3A_1430] {strides = array<i32>} : memref<80x128xf32, #tpu.memory_space<vmem>>, vector<1x16xf32>,
      %get3A_1432 = vector.shape_cast %get3A_1431 : vector<1x16xf32> to vector<16xf32>
      %add3A_1433 = arith.addf %add3A_1427, %get3A_1432 : vector<16xf32>
      %get3A_1434 = arith.constant 13 : i32
      %get3A_1435 = arith.index_cast %get3A_1434 : i32 to index
      %get3A_1436 = arith.constant 48 : index
      %get3A_1437 = tpu.vector_load %arg6[%get3A_1435, %get3A_1436] {strides = array<i32>} : memref<80x128xf32, #tpu.memory_space<vmem>>, vector<1x16xf32>,
      %get3A_1438 = vector.shape_cast %get3A_1437 : vector<1x16xf32> to vector<16xf32>
      %add3A_1439 = arith.addf %add3A_1433, %get3A_1438 : vector<16xf32>
      %get3A_1440 = arith.constant 17 : i32
      %get3A_1441 = arith.index_cast %get3A_1440 : i32 to index
      %get3A_1442 = arith.constant 48 : index
      %get3A_1443 = tpu.vector_load %arg6[%get3A_1441, %get3A_1442] {strides = array<i32>} : memref<80x128xf32, #tpu.memory_space<vmem>>, vector<1x16xf32>,
      %get3A_1444 = vector.shape_cast %get3A_1443 : vector<1x16xf32> to vector<16xf32>
      %add3A_1445 = arith.addf %add3A_1439, %get3A_1444 : vector<16xf32>
      %get3A_1446 = arith.constant 21 : i32
      %get3A_1447 = arith.index_cast %get3A_1446 : i32 to index
      %get3A_1448 = arith.constant 48 : index
      %get3A_1449 = tpu.vector_load %arg6[%get3A_1447, %get3A_1448] {strides = array<i32>} : memref<80x128xf32, #tpu.memory_space<vmem>>, vector<1x16xf32>,
      %get3A_1450 = vector.shape_cast %get3A_1449 : vector<1x16xf32> to vector<16xf32>
      %add3A_1451 = arith.addf %add3A_1445, %get3A_1450 : vector<16xf32>
      %get3A_1452 = arith.constant 25 : i32
      %get3A_1453 = arith.index_cast %get3A_1452 : i32 to index
      %get3A_1454 = arith.constant 48 : index
      %get3A_1455 = tpu.vector_load %arg6[%get3A_1453, %get3A_1454] {strides = array<i32>} : memref<80x128xf32, #tpu.memory_space<vmem>>, vector<1x16xf32>,
      %get3A_1456 = vector.shape_cast %get3A_1455 : vector<1x16xf32> to vector<16xf32>
      %add3A_1457 = arith.addf %add3A_1451, %get3A_1456 : vector<16xf32>
      %get3A_1458 = arith.constant 29 : i32
      %get3A_1459 = arith.index_cast %get3A_1458 : i32 to index
      %get3A_1460 = arith.constant 48 : index
      %get3A_1461 = tpu.vector_load %arg6[%get3A_1459, %get3A_1460] {strides = array<i32>} : memref<80x128xf32, #tpu.memory_space<vmem>>, vector<1x16xf32>,
      %get3A_1462 = vector.shape_cast %get3A_1461 : vector<1x16xf32> to vector<16xf32>
      %add3A_1463 = arith.addf %add3A_1457, %get3A_1462 : vector<16xf32>
      %get3A_1464 = arith.constant 33 : i32
      %get3A_1465 = arith.index_cast %get3A_1464 : i32 to index
      %get3A_1466 = arith.constant 48 : index
      %get3A_1467 = tpu.vector_load %arg6[%get3A_1465, %get3A_1466] {strides = array<i32>} : memref<80x128xf32, #tpu.memory_space<vmem>>, vector<1x16xf32>,
      %get3A_1468 = vector.shape_cast %get3A_1467 : vector<1x16xf32> to vector<16xf32>
      %add3A_1469 = arith.addf %add3A_1463, %get3A_1468 : vector<16xf32>
      %get3A_1470 = arith.constant 37 : i32
      %get3A_1471 = arith.index_cast %get3A_1470 : i32 to index
      %get3A_1472 = arith.constant 48 : index
      %get3A_1473 = tpu.vector_load %arg6[%get3A_1471, %get3A_1472] {strides = array<i32>} : memref<80x128xf32, #tpu.memory_space<vmem>>, vector<1x16xf32>,
      %get3A_1474 = vector.shape_cast %get3A_1473 : vector<1x16xf32> to vector<16xf32>
      %add3A_1475 = arith.addf %add3A_1469, %get3A_1474 : vector<16xf32>
      %get3A_1476 = arith.constant 41 : i32
      %get3A_1477 = arith.index_cast %get3A_1476 : i32 to index
      %get3A_1478 = arith.constant 48 : index
      %get3A_1479 = tpu.vector_load %arg6[%get3A_1477, %get3A_1478] {strides = array<i32>} : memref<80x128xf32, #tpu.memory_space<vmem>>, vector<1x16xf32>,
      %get3A_1480 = vector.shape_cast %get3A_1479 : vector<1x16xf32> to vector<16xf32>
      %add3A_1481 = arith.addf %add3A_1475, %get3A_1480 : vector<16xf32>
      %get3A_1482 = arith.constant 45 : i32
      %get3A_1483 = arith.index_cast %get3A_1482 : i32 to index
      %get3A_1484 = arith.constant 48 : index
      %get3A_1485 = tpu.vector_load %arg6[%get3A_1483, %get3A_1484] {strides = array<i32>} : memref<80x128xf32, #tpu.memory_space<vmem>>, vector<1x16xf32>,
      %get3A_1486 = vector.shape_cast %get3A_1485 : vector<1x16xf32> to vector<16xf32>
      %add3A_1487 = arith.addf %add3A_1481, %get3A_1486 : vector<16xf32>
      %get3A_1488 = arith.constant 49 : i32
      %get3A_1489 = arith.index_cast %get3A_1488 : i32 to index
      %get3A_1490 = arith.constant 48 : index
      %get3A_1491 = tpu.vector_load %arg6[%get3A_1489, %get3A_1490] {strides = array<i32>} : memref<80x128xf32, #tpu.memory_space<vmem>>, vector<1x16xf32>,
      %get3A_1492 = vector.shape_cast %get3A_1491 : vector<1x16xf32> to vector<16xf32>
      %add3A_1493 = arith.addf %add3A_1487, %get3A_1492 : vector<16xf32>
      %get3A_1494 = arith.constant 53 : i32
      %get3A_1495 = arith.index_cast %get3A_1494 : i32 to index
      %get3A_1496 = arith.constant 48 : index
      %get3A_1497 = tpu.vector_load %arg6[%get3A_1495, %get3A_1496] {strides = array<i32>} : memref<80x128xf32, #tpu.memory_space<vmem>>, vector<1x16xf32>,
      %get3A_1498 = vector.shape_cast %get3A_1497 : vector<1x16xf32> to vector<16xf32>
      %add3A_1499 = arith.addf %add3A_1493, %get3A_1498 : vector<16xf32>
      %get3A_1500 = arith.constant 57 : i32
      %get3A_1501 = arith.index_cast %get3A_1500 : i32 to index
      %get3A_1502 = arith.constant 48 : index
      %get3A_1503 = tpu.vector_load %arg6[%get3A_1501, %get3A_1502] {strides = array<i32>} : memref<80x128xf32, #tpu.memory_space<vmem>>, vector<1x16xf32>,
      %get3A_1504 = vector.shape_cast %get3A_1503 : vector<1x16xf32> to vector<16xf32>
      %add3A_1505 = arith.addf %add3A_1499, %get3A_1504 : vector<16xf32>
      %get3A_1506 = arith.constant 61 : i32
      %get3A_1507 = arith.index_cast %get3A_1506 : i32 to index
      %get3A_1508 = arith.constant 48 : index
      %get3A_1509 = tpu.vector_load %arg6[%get3A_1507, %get3A_1508] {strides = array<i32>} : memref<80x128xf32, #tpu.memory_space<vmem>>, vector<1x16xf32>,
      %get3A_1510 = vector.shape_cast %get3A_1509 : vector<1x16xf32> to vector<16xf32>
      %add3A_1511 = arith.addf %add3A_1505, %get3A_1510 : vector<16xf32>
      %get3A_1512 = arith.constant 65 : i32
      %get3A_1513 = arith.index_cast %get3A_1512 : i32 to index
      %get3A_1514 = arith.constant 48 : index
      %get3A_1515 = tpu.vector_load %arg6[%get3A_1513, %get3A_1514] {strides = array<i32>} : memref<80x128xf32, #tpu.memory_space<vmem>>, vector<1x16xf32>,
      %get3A_1516 = vector.shape_cast %get3A_1515 : vector<1x16xf32> to vector<16xf32>
      %add3A_1517 = arith.addf %add3A_1511, %get3A_1516 : vector<16xf32>
      %get3A_1518 = arith.constant 69 : i32
      %get3A_1519 = arith.index_cast %get3A_1518 : i32 to index
      %get3A_1520 = arith.constant 48 : index
      %get3A_1521 = tpu.vector_load %arg6[%get3A_1519, %get3A_1520] {strides = array<i32>} : memref<80x128xf32, #tpu.memory_space<vmem>>, vector<1x16xf32>,
      %get3A_1522 = vector.shape_cast %get3A_1521 : vector<1x16xf32> to vector<16xf32>
      %add3A_1523 = arith.addf %add3A_1517, %get3A_1522 : vector<16xf32>
      %get3A_1524 = arith.constant 73 : i32
      %get3A_1525 = arith.index_cast %get3A_1524 : i32 to index
      %get3A_1526 = arith.constant 48 : index
      %get3A_1527 = tpu.vector_load %arg6[%get3A_1525, %get3A_1526] {strides = array<i32>} : memref<80x128xf32, #tpu.memory_space<vmem>>, vector<1x16xf32>,
      %get3A_1528 = vector.shape_cast %get3A_1527 : vector<1x16xf32> to vector<16xf32>
      %add3A_1529 = arith.addf %add3A_1523, %get3A_1528 : vector<16xf32>
      %get3A_1530 = arith.constant 77 : i32
      %get3A_1531 = arith.index_cast %get3A_1530 : i32 to index
      %get3A_1532 = arith.constant 48 : index
      %get3A_1533 = tpu.vector_load %arg6[%get3A_1531, %get3A_1532] {strides = array<i32>} : memref<80x128xf32, #tpu.memory_space<vmem>>, vector<1x16xf32>,
      %get3A_1534 = vector.shape_cast %get3A_1533 : vector<1x16xf32> to vector<16xf32>
      %add3A_1535 = arith.addf %add3A_1529, %get3A_1534 : vector<16xf32>
      %mul3A_1536 = arith.constant 5.000000e-02 : f32
      %mul3A_1537 = vector.broadcast %mul3A_1536 : f32 to vector<16xf32>
      %mul3A_1538 = arith.mulf %add3A_1535, %mul3A_1537 : vector<16xf32>
      %swap3A_1539 = arith.constant 0 : i32
      %swap3A_1540 = arith.index_cast %swap3A_1539 : i32 to index
      %swap3A_1541 = arith.constant 176 : index
      %swap3A_1542 = tpu.vector_load %arg7[%swap3A_1540, %swap3A_1541] {strides = array<i32>} : memref<1x512xf32, #tpu.memory_space<vmem>>, vector<1x16xf32>,
      %swap3A_1543 = vector.shape_cast %swap3A_1542 : vector<1x16xf32> to vector<16xf32>
      %swap3A_1544 = vector.shape_cast %mul3A_1538 : vector<16xf32> to vector<1x16xf32>
      tpu.vector_store %arg7[%swap3A_1540, %swap3A_1541], %swap3A_1544 {strides = array<i32>} : memref<1x512xf32, #tpu.memory_space<vmem>>, vector<1x16xf32>,
      %get3A_1545 = arith.constant 1 : i32
      %get3A_1546 = arith.index_cast %get3A_1545 : i32 to index
      %get3A_1547 = arith.constant 64 : index
      %get3A_1548 = tpu.vector_load %arg6[%get3A_1546, %get3A_1547] {strides = array<i32>} : memref<80x128xf32, #tpu.memory_space<vmem>>, vector<1x16xf32>,
      %get3A_1549 = vector.shape_cast %get3A_1548 : vector<1x16xf32> to vector<16xf32>
      %get3A_1550 = arith.constant 5 : i32
      %get3A_1551 = arith.index_cast %get3A_1550 : i32 to index
      %get3A_1552 = arith.constant 64 : index
      %get3A_1553 = tpu.vector_load %arg6[%get3A_1551, %get3A_1552] {strides = array<i32>} : memref<80x128xf32, #tpu.memory_space<vmem>>, vector<1x16xf32>,
      %get3A_1554 = vector.shape_cast %get3A_1553 : vector<1x16xf32> to vector<16xf32>
      %add3A_1555 = arith.addf %get3A_1549, %get3A_1554 : vector<16xf32>
      %get3A_1556 = arith.constant 9 : i32
      %get3A_1557 = arith.index_cast %get3A_1556 : i32 to index
      %get3A_1558 = arith.constant 64 : index
      %get3A_1559 = tpu.vector_load %arg6[%get3A_1557, %get3A_1558] {strides = array<i32>} : memref<80x128xf32, #tpu.memory_space<vmem>>, vector<1x16xf32>,
      %get3A_1560 = vector.shape_cast %get3A_1559 : vector<1x16xf32> to vector<16xf32>
      %add3A_1561 = arith.addf %add3A_1555, %get3A_1560 : vector<16xf32>
      %get3A_1562 = arith.constant 13 : i32
      %get3A_1563 = arith.index_cast %get3A_1562 : i32 to index
      %get3A_1564 = arith.constant 64 : index
      %get3A_1565 = tpu.vector_load %arg6[%get3A_1563, %get3A_1564] {strides = array<i32>} : memref<80x128xf32, #tpu.memory_space<vmem>>, vector<1x16xf32>,
      %get3A_1566 = vector.shape_cast %get3A_1565 : vector<1x16xf32> to vector<16xf32>
      %add3A_1567 = arith.addf %add3A_1561, %get3A_1566 : vector<16xf32>
      %get3A_1568 = arith.constant 17 : i32
      %get3A_1569 = arith.index_cast %get3A_1568 : i32 to index
      %get3A_1570 = arith.constant 64 : index
      %get3A_1571 = tpu.vector_load %arg6[%get3A_1569, %get3A_1570] {strides = array<i32>} : memref<80x128xf32, #tpu.memory_space<vmem>>, vector<1x16xf32>,
      %get3A_1572 = vector.shape_cast %get3A_1571 : vector<1x16xf32> to vector<16xf32>
      %add3A_1573 = arith.addf %add3A_1567, %get3A_1572 : vector<16xf32>
      %get3A_1574 = arith.constant 21 : i32
      %get3A_1575 = arith.index_cast %get3A_1574 : i32 to index
      %get3A_1576 = arith.constant 64 : index
      %get3A_1577 = tpu.vector_load %arg6[%get3A_1575, %get3A_1576] {strides = array<i32>} : memref<80x128xf32, #tpu.memory_space<vmem>>, vector<1x16xf32>,
      %get3A_1578 = vector.shape_cast %get3A_1577 : vector<1x16xf32> to vector<16xf32>
      %add3A_1579 = arith.addf %add3A_1573, %get3A_1578 : vector<16xf32>
      %get3A_1580 = arith.constant 25 : i32
      %get3A_1581 = arith.index_cast %get3A_1580 : i32 to index
      %get3A_1582 = arith.constant 64 : index
      %get3A_1583 = tpu.vector_load %arg6[%get3A_1581, %get3A_1582] {strides = array<i32>} : memref<80x128xf32, #tpu.memory_space<vmem>>, vector<1x16xf32>,
      %get3A_1584 = vector.shape_cast %get3A_1583 : vector<1x16xf32> to vector<16xf32>
      %add3A_1585 = arith.addf %add3A_1579, %get3A_1584 : vector<16xf32>
      %get3A_1586 = arith.constant 29 : i32
      %get3A_1587 = arith.index_cast %get3A_1586 : i32 to index
      %get3A_1588 = arith.constant 64 : index
      %get3A_1589 = tpu.vector_load %arg6[%get3A_1587, %get3A_1588] {strides = array<i32>} : memref<80x128xf32, #tpu.memory_space<vmem>>, vector<1x16xf32>,
      %get3A_1590 = vector.shape_cast %get3A_1589 : vector<1x16xf32> to vector<16xf32>
      %add3A_1591 = arith.addf %add3A_1585, %get3A_1590 : vector<16xf32>
      %get3A_1592 = arith.constant 33 : i32
      %get3A_1593 = arith.index_cast %get3A_1592 : i32 to index
      %get3A_1594 = arith.constant 64 : index
      %get3A_1595 = tpu.vector_load %arg6[%get3A_1593, %get3A_1594] {strides = array<i32>} : memref<80x128xf32, #tpu.memory_space<vmem>>, vector<1x16xf32>,
      %get3A_1596 = vector.shape_cast %get3A_1595 : vector<1x16xf32> to vector<16xf32>
      %add3A_1597 = arith.addf %add3A_1591, %get3A_1596 : vector<16xf32>
      %get3A_1598 = arith.constant 37 : i32
      %get3A_1599 = arith.index_cast %get3A_1598 : i32 to index
      %get3A_1600 = arith.constant 64 : index
      %get3A_1601 = tpu.vector_load %arg6[%get3A_1599, %get3A_1600] {strides = array<i32>} : memref<80x128xf32, #tpu.memory_space<vmem>>, vector<1x16xf32>,
      %get3A_1602 = vector.shape_cast %get3A_1601 : vector<1x16xf32> to vector<16xf32>
      %add3A_1603 = arith.addf %add3A_1597, %get3A_1602 : vector<16xf32>
      %get3A_1604 = arith.constant 41 : i32
      %get3A_1605 = arith.index_cast %get3A_1604 : i32 to index
      %get3A_1606 = arith.constant 64 : index
      %get3A_1607 = tpu.vector_load %arg6[%get3A_1605, %get3A_1606] {strides = array<i32>} : memref<80x128xf32, #tpu.memory_space<vmem>>, vector<1x16xf32>,
      %get3A_1608 = vector.shape_cast %get3A_1607 : vector<1x16xf32> to vector<16xf32>
      %add3A_1609 = arith.addf %add3A_1603, %get3A_1608 : vector<16xf32>
      %get3A_1610 = arith.constant 45 : i32
      %get3A_1611 = arith.index_cast %get3A_1610 : i32 to index
      %get3A_1612 = arith.constant 64 : index
      %get3A_1613 = tpu.vector_load %arg6[%get3A_1611, %get3A_1612] {strides = array<i32>} : memref<80x128xf32, #tpu.memory_space<vmem>>, vector<1x16xf32>,
      %get3A_1614 = vector.shape_cast %get3A_1613 : vector<1x16xf32> to vector<16xf32>
      %add3A_1615 = arith.addf %add3A_1609, %get3A_1614 : vector<16xf32>
      %get3A_1616 = arith.constant 49 : i32
      %get3A_1617 = arith.index_cast %get3A_1616 : i32 to index
      %get3A_1618 = arith.constant 64 : index
      %get3A_1619 = tpu.vector_load %arg6[%get3A_1617, %get3A_1618] {strides = array<i32>} : memref<80x128xf32, #tpu.memory_space<vmem>>, vector<1x16xf32>,
      %get3A_1620 = vector.shape_cast %get3A_1619 : vector<1x16xf32> to vector<16xf32>
      %add3A_1621 = arith.addf %add3A_1615, %get3A_1620 : vector<16xf32>
      %get3A_1622 = arith.constant 53 : i32
      %get3A_1623 = arith.index_cast %get3A_1622 : i32 to index
      %get3A_1624 = arith.constant 64 : index
      %get3A_1625 = tpu.vector_load %arg6[%get3A_1623, %get3A_1624] {strides = array<i32>} : memref<80x128xf32, #tpu.memory_space<vmem>>, vector<1x16xf32>,
      %get3A_1626 = vector.shape_cast %get3A_1625 : vector<1x16xf32> to vector<16xf32>
      %add3A_1627 = arith.addf %add3A_1621, %get3A_1626 : vector<16xf32>
      %get3A_1628 = arith.constant 57 : i32
      %get3A_1629 = arith.index_cast %get3A_1628 : i32 to index
      %get3A_1630 = arith.constant 64 : index
      %get3A_1631 = tpu.vector_load %arg6[%get3A_1629, %get3A_1630] {strides = array<i32>} : memref<80x128xf32, #tpu.memory_space<vmem>>, vector<1x16xf32>,
      %get3A_1632 = vector.shape_cast %get3A_1631 : vector<1x16xf32> to vector<16xf32>
      %add3A_1633 = arith.addf %add3A_1627, %get3A_1632 : vector<16xf32>
      %get3A_1634 = arith.constant 61 : i32
      %get3A_1635 = arith.index_cast %get3A_1634 : i32 to index
      %get3A_1636 = arith.constant 64 : index
      %get3A_1637 = tpu.vector_load %arg6[%get3A_1635, %get3A_1636] {strides = array<i32>} : memref<80x128xf32, #tpu.memory_space<vmem>>, vector<1x16xf32>,
      %get3A_1638 = vector.shape_cast %get3A_1637 : vector<1x16xf32> to vector<16xf32>
      %add3A_1639 = arith.addf %add3A_1633, %get3A_1638 : vector<16xf32>
      %get3A_1640 = arith.constant 65 : i32
      %get3A_1641 = arith.index_cast %get3A_1640 : i32 to index
      %get3A_1642 = arith.constant 64 : index
      %get3A_1643 = tpu.vector_load %arg6[%get3A_1641, %get3A_1642] {strides = array<i32>} : memref<80x128xf32, #tpu.memory_space<vmem>>, vector<1x16xf32>,
      %get3A_1644 = vector.shape_cast %get3A_1643 : vector<1x16xf32> to vector<16xf32>
      %add3A_1645 = arith.addf %add3A_1639, %get3A_1644 : vector<16xf32>
      %get3A_1646 = arith.constant 69 : i32
      %get3A_1647 = arith.index_cast %get3A_1646 : i32 to index
      %get3A_1648 = arith.constant 64 : index
      %get3A_1649 = tpu.vector_load %arg6[%get3A_1647, %get3A_1648] {strides = array<i32>} : memref<80x128xf32, #tpu.memory_space<vmem>>, vector<1x16xf32>,
      %get3A_1650 = vector.shape_cast %get3A_1649 : vector<1x16xf32> to vector<16xf32>
      %add3A_1651 = arith.addf %add3A_1645, %get3A_1650 : vector<16xf32>
      %get3A_1652 = arith.constant 73 : i32
      %get3A_1653 = arith.index_cast %get3A_1652 : i32 to index
      %get3A_1654 = arith.constant 64 : index
      %get3A_1655 = tpu.vector_load %arg6[%get3A_1653, %get3A_1654] {strides = array<i32>} : memref<80x128xf32, #tpu.memory_space<vmem>>, vector<1x16xf32>,
      %get3A_1656 = vector.shape_cast %get3A_1655 : vector<1x16xf32> to vector<16xf32>
      %add3A_1657 = arith.addf %add3A_1651, %get3A_1656 : vector<16xf32>
      %get3A_1658 = arith.constant 77 : i32
      %get3A_1659 = arith.index_cast %get3A_1658 : i32 to index
      %get3A_1660 = arith.constant 64 : index
      %get3A_1661 = tpu.vector_load %arg6[%get3A_1659, %get3A_1660] {strides = array<i32>} : memref<80x128xf32, #tpu.memory_space<vmem>>, vector<1x16xf32>,
      %get3A_1662 = vector.shape_cast %get3A_1661 : vector<1x16xf32> to vector<16xf32>
      %add3A_1663 = arith.addf %add3A_1657, %get3A_1662 : vector<16xf32>
      %mul3A_1664 = arith.constant 5.000000e-02 : f32
      %mul3A_1665 = vector.broadcast %mul3A_1664 : f32 to vector<16xf32>
      %mul3A_1666 = arith.mulf %add3A_1663, %mul3A_1665 : vector<16xf32>
      %swap3A_1667 = arith.constant 0 : i32
      %swap3A_1668 = arith.index_cast %swap3A_1667 : i32 to index
      %swap3A_1669 = arith.constant 192 : index
      %swap3A_1670 = tpu.vector_load %arg7[%swap3A_1668, %swap3A_1669] {strides = array<i32>} : memref<1x512xf32, #tpu.memory_space<vmem>>, vector<1x16xf32>,
      %swap3A_1671 = vector.shape_cast %swap3A_1670 : vector<1x16xf32> to vector<16xf32>
      %swap3A_1672 = vector.shape_cast %mul3A_1666 : vector<16xf32> to vector<1x16xf32>
      tpu.vector_store %arg7[%swap3A_1668, %swap3A_1669], %swap3A_1672 {strides = array<i32>} : memref<1x512xf32, #tpu.memory_space<vmem>>, vector<1x16xf32>,
      %get3A_1673 = arith.constant 1 : i32
      %get3A_1674 = arith.index_cast %get3A_1673 : i32 to index
      %get3A_1675 = arith.constant 80 : index
      %get3A_1676 = tpu.vector_load %arg6[%get3A_1674, %get3A_1675] {strides = array<i32>} : memref<80x128xf32, #tpu.memory_space<vmem>>, vector<1x16xf32>,
      %get3A_1677 = vector.shape_cast %get3A_1676 : vector<1x16xf32> to vector<16xf32>
      %get3A_1678 = arith.constant 5 : i32
      %get3A_1679 = arith.index_cast %get3A_1678 : i32 to index
      %get3A_1680 = arith.constant 80 : index
      %get3A_1681 = tpu.vector_load %arg6[%get3A_1679, %get3A_1680] {strides = array<i32>} : memref<80x128xf32, #tpu.memory_space<vmem>>, vector<1x16xf32>,
      %get3A_1682 = vector.shape_cast %get3A_1681 : vector<1x16xf32> to vector<16xf32>
      %add3A_1683 = arith.addf %get3A_1677, %get3A_1682 : vector<16xf32>
      %get3A_1684 = arith.constant 9 : i32
      %get3A_1685 = arith.index_cast %get3A_1684 : i32 to index
      %get3A_1686 = arith.constant 80 : index
      %get3A_1687 = tpu.vector_load %arg6[%get3A_1685, %get3A_1686] {strides = array<i32>} : memref<80x128xf32, #tpu.memory_space<vmem>>, vector<1x16xf32>,
      %get3A_1688 = vector.shape_cast %get3A_1687 : vector<1x16xf32> to vector<16xf32>
      %add3A_1689 = arith.addf %add3A_1683, %get3A_1688 : vector<16xf32>
      %get3A_1690 = arith.constant 13 : i32
      %get3A_1691 = arith.index_cast %get3A_1690 : i32 to index
      %get3A_1692 = arith.constant 80 : index
      %get3A_1693 = tpu.vector_load %arg6[%get3A_1691, %get3A_1692] {strides = array<i32>} : memref<80x128xf32, #tpu.memory_space<vmem>>, vector<1x16xf32>,
      %get3A_1694 = vector.shape_cast %get3A_1693 : vector<1x16xf32> to vector<16xf32>
      %add3A_1695 = arith.addf %add3A_1689, %get3A_1694 : vector<16xf32>
      %get3A_1696 = arith.constant 17 : i32
      %get3A_1697 = arith.index_cast %get3A_1696 : i32 to index
      %get3A_1698 = arith.constant 80 : index
      %get3A_1699 = tpu.vector_load %arg6[%get3A_1697, %get3A_1698] {strides = array<i32>} : memref<80x128xf32, #tpu.memory_space<vmem>>, vector<1x16xf32>,
      %get3A_1700 = vector.shape_cast %get3A_1699 : vector<1x16xf32> to vector<16xf32>
      %add3A_1701 = arith.addf %add3A_1695, %get3A_1700 : vector<16xf32>
      %get3A_1702 = arith.constant 21 : i32
      %get3A_1703 = arith.index_cast %get3A_1702 : i32 to index
      %get3A_1704 = arith.constant 80 : index
      %get3A_1705 = tpu.vector_load %arg6[%get3A_1703, %get3A_1704] {strides = array<i32>} : memref<80x128xf32, #tpu.memory_space<vmem>>, vector<1x16xf32>,
      %get3A_1706 = vector.shape_cast %get3A_1705 : vector<1x16xf32> to vector<16xf32>
      %add3A_1707 = arith.addf %add3A_1701, %get3A_1706 : vector<16xf32>
      %get3A_1708 = arith.constant 25 : i32
      %get3A_1709 = arith.index_cast %get3A_1708 : i32 to index
      %get3A_1710 = arith.constant 80 : index
      %get3A_1711 = tpu.vector_load %arg6[%get3A_1709, %get3A_1710] {strides = array<i32>} : memref<80x128xf32, #tpu.memory_space<vmem>>, vector<1x16xf32>,
      %get3A_1712 = vector.shape_cast %get3A_1711 : vector<1x16xf32> to vector<16xf32>
      %add3A_1713 = arith.addf %add3A_1707, %get3A_1712 : vector<16xf32>
      %get3A_1714 = arith.constant 29 : i32
      %get3A_1715 = arith.index_cast %get3A_1714 : i32 to index
      %get3A_1716 = arith.constant 80 : index
      %get3A_1717 = tpu.vector_load %arg6[%get3A_1715, %get3A_1716] {strides = array<i32>} : memref<80x128xf32, #tpu.memory_space<vmem>>, vector<1x16xf32>,
      %get3A_1718 = vector.shape_cast %get3A_1717 : vector<1x16xf32> to vector<16xf32>
      %add3A_1719 = arith.addf %add3A_1713, %get3A_1718 : vector<16xf32>
      %get3A_1720 = arith.constant 33 : i32
      %get3A_1721 = arith.index_cast %get3A_1720 : i32 to index
      %get3A_1722 = arith.constant 80 : index
      %get3A_1723 = tpu.vector_load %arg6[%get3A_1721, %get3A_1722] {strides = array<i32>} : memref<80x128xf32, #tpu.memory_space<vmem>>, vector<1x16xf32>,
      %get3A_1724 = vector.shape_cast %get3A_1723 : vector<1x16xf32> to vector<16xf32>
      %add3A_1725 = arith.addf %add3A_1719, %get3A_1724 : vector<16xf32>
      %get3A_1726 = arith.constant 37 : i32
      %get3A_1727 = arith.index_cast %get3A_1726 : i32 to index
      %get3A_1728 = arith.constant 80 : index
      %get3A_1729 = tpu.vector_load %arg6[%get3A_1727, %get3A_1728] {strides = array<i32>} : memref<80x128xf32, #tpu.memory_space<vmem>>, vector<1x16xf32>,
      %get3A_1730 = vector.shape_cast %get3A_1729 : vector<1x16xf32> to vector<16xf32>
      %add3A_1731 = arith.addf %add3A_1725, %get3A_1730 : vector<16xf32>
      %get3A_1732 = arith.constant 41 : i32
      %get3A_1733 = arith.index_cast %get3A_1732 : i32 to index
      %get3A_1734 = arith.constant 80 : index
      %get3A_1735 = tpu.vector_load %arg6[%get3A_1733, %get3A_1734] {strides = array<i32>} : memref<80x128xf32, #tpu.memory_space<vmem>>, vector<1x16xf32>,
      %get3A_1736 = vector.shape_cast %get3A_1735 : vector<1x16xf32> to vector<16xf32>
      %add3A_1737 = arith.addf %add3A_1731, %get3A_1736 : vector<16xf32>
      %get3A_1738 = arith.constant 45 : i32
      %get3A_1739 = arith.index_cast %get3A_1738 : i32 to index
      %get3A_1740 = arith.constant 80 : index
      %get3A_1741 = tpu.vector_load %arg6[%get3A_1739, %get3A_1740] {strides = array<i32>} : memref<80x128xf32, #tpu.memory_space<vmem>>, vector<1x16xf32>,
      %get3A_1742 = vector.shape_cast %get3A_1741 : vector<1x16xf32> to vector<16xf32>
      %add3A_1743 = arith.addf %add3A_1737, %get3A_1742 : vector<16xf32>
      %get3A_1744 = arith.constant 49 : i32
      %get3A_1745 = arith.index_cast %get3A_1744 : i32 to index
      %get3A_1746 = arith.constant 80 : index
      %get3A_1747 = tpu.vector_load %arg6[%get3A_1745, %get3A_1746] {strides = array<i32>} : memref<80x128xf32, #tpu.memory_space<vmem>>, vector<1x16xf32>,
      %get3A_1748 = vector.shape_cast %get3A_1747 : vector<1x16xf32> to vector<16xf32>
      %add3A_1749 = arith.addf %add3A_1743, %get3A_1748 : vector<16xf32>
      %get3A_1750 = arith.constant 53 : i32
      %get3A_1751 = arith.index_cast %get3A_1750 : i32 to index
      %get3A_1752 = arith.constant 80 : index
      %get3A_1753 = tpu.vector_load %arg6[%get3A_1751, %get3A_1752] {strides = array<i32>} : memref<80x128xf32, #tpu.memory_space<vmem>>, vector<1x16xf32>,
      %get3A_1754 = vector.shape_cast %get3A_1753 : vector<1x16xf32> to vector<16xf32>
      %add3A_1755 = arith.addf %add3A_1749, %get3A_1754 : vector<16xf32>
      %get3A_1756 = arith.constant 57 : i32
      %get3A_1757 = arith.index_cast %get3A_1756 : i32 to index
      %get3A_1758 = arith.constant 80 : index
      %get3A_1759 = tpu.vector_load %arg6[%get3A_1757, %get3A_1758] {strides = array<i32>} : memref<80x128xf32, #tpu.memory_space<vmem>>, vector<1x16xf32>,
      %get3A_1760 = vector.shape_cast %get3A_1759 : vector<1x16xf32> to vector<16xf32>
      %add3A_1761 = arith.addf %add3A_1755, %get3A_1760 : vector<16xf32>
      %get3A_1762 = arith.constant 61 : i32
      %get3A_1763 = arith.index_cast %get3A_1762 : i32 to index
      %get3A_1764 = arith.constant 80 : index
      %get3A_1765 = tpu.vector_load %arg6[%get3A_1763, %get3A_1764] {strides = array<i32>} : memref<80x128xf32, #tpu.memory_space<vmem>>, vector<1x16xf32>,
      %get3A_1766 = vector.shape_cast %get3A_1765 : vector<1x16xf32> to vector<16xf32>
      %add3A_1767 = arith.addf %add3A_1761, %get3A_1766 : vector<16xf32>
      %get3A_1768 = arith.constant 65 : i32
      %get3A_1769 = arith.index_cast %get3A_1768 : i32 to index
      %get3A_1770 = arith.constant 80 : index
      %get3A_1771 = tpu.vector_load %arg6[%get3A_1769, %get3A_1770] {strides = array<i32>} : memref<80x128xf32, #tpu.memory_space<vmem>>, vector<1x16xf32>,
      %get3A_1772 = vector.shape_cast %get3A_1771 : vector<1x16xf32> to vector<16xf32>
      %add3A_1773 = arith.addf %add3A_1767, %get3A_1772 : vector<16xf32>
      %get3A_1774 = arith.constant 69 : i32
      %get3A_1775 = arith.index_cast %get3A_1774 : i32 to index
      %get3A_1776 = arith.constant 80 : index
      %get3A_1777 = tpu.vector_load %arg6[%get3A_1775, %get3A_1776] {strides = array<i32>} : memref<80x128xf32, #tpu.memory_space<vmem>>, vector<1x16xf32>,
      %get3A_1778 = vector.shape_cast %get3A_1777 : vector<1x16xf32> to vector<16xf32>
      %add3A_1779 = arith.addf %add3A_1773, %get3A_1778 : vector<16xf32>
      %get3A_1780 = arith.constant 73 : i32
      %get3A_1781 = arith.index_cast %get3A_1780 : i32 to index
      %get3A_1782 = arith.constant 80 : index
      %get3A_1783 = tpu.vector_load %arg6[%get3A_1781, %get3A_1782] {strides = array<i32>} : memref<80x128xf32, #tpu.memory_space<vmem>>, vector<1x16xf32>,
      %get3A_1784 = vector.shape_cast %get3A_1783 : vector<1x16xf32> to vector<16xf32>
      %add3A_1785 = arith.addf %add3A_1779, %get3A_1784 : vector<16xf32>
      %get3A_1786 = arith.constant 77 : i32
      %get3A_1787 = arith.index_cast %get3A_1786 : i32 to index
      %get3A_1788 = arith.constant 80 : index
      %get3A_1789 = tpu.vector_load %arg6[%get3A_1787, %get3A_1788] {strides = array<i32>} : memref<80x128xf32, #tpu.memory_space<vmem>>, vector<1x16xf32>,
      %get3A_1790 = vector.shape_cast %get3A_1789 : vector<1x16xf32> to vector<16xf32>
      %add3A_1791 = arith.addf %add3A_1785, %get3A_1790 : vector<16xf32>
      %mul3A_1792 = arith.constant 5.000000e-02 : f32
      %mul3A_1793 = vector.broadcast %mul3A_1792 : f32 to vector<16xf32>
      %mul3A_1794 = arith.mulf %add3A_1791, %mul3A_1793 : vector<16xf32>
      %swap3A_1795 = arith.constant 0 : i32
      %swap3A_1796 = arith.index_cast %swap3A_1795 : i32 to index
      %swap3A_1797 = arith.constant 208 : index
      %swap3A_1798 = tpu.vector_load %arg7[%swap3A_1796, %swap3A_1797] {strides = array<i32>} : memref<1x512xf32, #tpu.memory_space<vmem>>, vector<1x16xf32>,
      %swap3A_1799 = vector.shape_cast %swap3A_1798 : vector<1x16xf32> to vector<16xf32>
      %swap3A_1800 = vector.shape_cast %mul3A_1794 : vector<16xf32> to vector<1x16xf32>
      tpu.vector_store %arg7[%swap3A_1796, %swap3A_1797], %swap3A_1800 {strides = array<i32>} : memref<1x512xf32, #tpu.memory_space<vmem>>, vector<1x16xf32>,
      %get3A_1801 = arith.constant 1 : i32
      %get3A_1802 = arith.index_cast %get3A_1801 : i32 to index
      %get3A_1803 = arith.constant 96 : index
      %get3A_1804 = tpu.vector_load %arg6[%get3A_1802, %get3A_1803] {strides = array<i32>} : memref<80x128xf32, #tpu.memory_space<vmem>>, vector<1x16xf32>,
      %get3A_1805 = vector.shape_cast %get3A_1804 : vector<1x16xf32> to vector<16xf32>
      %get3A_1806 = arith.constant 5 : i32
      %get3A_1807 = arith.index_cast %get3A_1806 : i32 to index
      %get3A_1808 = arith.constant 96 : index
      %get3A_1809 = tpu.vector_load %arg6[%get3A_1807, %get3A_1808] {strides = array<i32>} : memref<80x128xf32, #tpu.memory_space<vmem>>, vector<1x16xf32>,
      %get3A_1810 = vector.shape_cast %get3A_1809 : vector<1x16xf32> to vector<16xf32>
      %add3A_1811 = arith.addf %get3A_1805, %get3A_1810 : vector<16xf32>
      %get3A_1812 = arith.constant 9 : i32
      %get3A_1813 = arith.index_cast %get3A_1812 : i32 to index
      %get3A_1814 = arith.constant 96 : index
      %get3A_1815 = tpu.vector_load %arg6[%get3A_1813, %get3A_1814] {strides = array<i32>} : memref<80x128xf32, #tpu.memory_space<vmem>>, vector<1x16xf32>,
      %get3A_1816 = vector.shape_cast %get3A_1815 : vector<1x16xf32> to vector<16xf32>
      %add3A_1817 = arith.addf %add3A_1811, %get3A_1816 : vector<16xf32>
      %get3A_1818 = arith.constant 13 : i32
      %get3A_1819 = arith.index_cast %get3A_1818 : i32 to index
      %get3A_1820 = arith.constant 96 : index
      %get3A_1821 = tpu.vector_load %arg6[%get3A_1819, %get3A_1820] {strides = array<i32>} : memref<80x128xf32, #tpu.memory_space<vmem>>, vector<1x16xf32>,
      %get3A_1822 = vector.shape_cast %get3A_1821 : vector<1x16xf32> to vector<16xf32>
      %add3A_1823 = arith.addf %add3A_1817, %get3A_1822 : vector<16xf32>
      %get3A_1824 = arith.constant 17 : i32
      %get3A_1825 = arith.index_cast %get3A_1824 : i32 to index
      %get3A_1826 = arith.constant 96 : index
      %get3A_1827 = tpu.vector_load %arg6[%get3A_1825, %get3A_1826] {strides = array<i32>} : memref<80x128xf32, #tpu.memory_space<vmem>>, vector<1x16xf32>,
      %get3A_1828 = vector.shape_cast %get3A_1827 : vector<1x16xf32> to vector<16xf32>
      %add3A_1829 = arith.addf %add3A_1823, %get3A_1828 : vector<16xf32>
      %get3A_1830 = arith.constant 21 : i32
      %get3A_1831 = arith.index_cast %get3A_1830 : i32 to index
      %get3A_1832 = arith.constant 96 : index
      %get3A_1833 = tpu.vector_load %arg6[%get3A_1831, %get3A_1832] {strides = array<i32>} : memref<80x128xf32, #tpu.memory_space<vmem>>, vector<1x16xf32>,
      %get3A_1834 = vector.shape_cast %get3A_1833 : vector<1x16xf32> to vector<16xf32>
      %add3A_1835 = arith.addf %add3A_1829, %get3A_1834 : vector<16xf32>
      %get3A_1836 = arith.constant 25 : i32
      %get3A_1837 = arith.index_cast %get3A_1836 : i32 to index
      %get3A_1838 = arith.constant 96 : index
      %get3A_1839 = tpu.vector_load %arg6[%get3A_1837, %get3A_1838] {strides = array<i32>} : memref<80x128xf32, #tpu.memory_space<vmem>>, vector<1x16xf32>,
      %get3A_1840 = vector.shape_cast %get3A_1839 : vector<1x16xf32> to vector<16xf32>
      %add3A_1841 = arith.addf %add3A_1835, %get3A_1840 : vector<16xf32>
      %get3A_1842 = arith.constant 29 : i32
      %get3A_1843 = arith.index_cast %get3A_1842 : i32 to index
      %get3A_1844 = arith.constant 96 : index
      %get3A_1845 = tpu.vector_load %arg6[%get3A_1843, %get3A_1844] {strides = array<i32>} : memref<80x128xf32, #tpu.memory_space<vmem>>, vector<1x16xf32>,
      %get3A_1846 = vector.shape_cast %get3A_1845 : vector<1x16xf32> to vector<16xf32>
      %add3A_1847 = arith.addf %add3A_1841, %get3A_1846 : vector<16xf32>
      %get3A_1848 = arith.constant 33 : i32
      %get3A_1849 = arith.index_cast %get3A_1848 : i32 to index
      %get3A_1850 = arith.constant 96 : index
      %get3A_1851 = tpu.vector_load %arg6[%get3A_1849, %get3A_1850] {strides = array<i32>} : memref<80x128xf32, #tpu.memory_space<vmem>>, vector<1x16xf32>,
      %get3A_1852 = vector.shape_cast %get3A_1851 : vector<1x16xf32> to vector<16xf32>
      %add3A_1853 = arith.addf %add3A_1847, %get3A_1852 : vector<16xf32>
      %get3A_1854 = arith.constant 37 : i32
      %get3A_1855 = arith.index_cast %get3A_1854 : i32 to index
      %get3A_1856 = arith.constant 96 : index
      %get3A_1857 = tpu.vector_load %arg6[%get3A_1855, %get3A_1856] {strides = array<i32>} : memref<80x128xf32, #tpu.memory_space<vmem>>, vector<1x16xf32>,
      %get3A_1858 = vector.shape_cast %get3A_1857 : vector<1x16xf32> to vector<16xf32>
      %add3A_1859 = arith.addf %add3A_1853, %get3A_1858 : vector<16xf32>
      %get3A_1860 = arith.constant 41 : i32
      %get3A_1861 = arith.index_cast %get3A_1860 : i32 to index
      %get3A_1862 = arith.constant 96 : index
      %get3A_1863 = tpu.vector_load %arg6[%get3A_1861, %get3A_1862] {strides = array<i32>} : memref<80x128xf32, #tpu.memory_space<vmem>>, vector<1x16xf32>,
      %get3A_1864 = vector.shape_cast %get3A_1863 : vector<1x16xf32> to vector<16xf32>
      %add3A_1865 = arith.addf %add3A_1859, %get3A_1864 : vector<16xf32>
      %get3A_1866 = arith.constant 45 : i32
      %get3A_1867 = arith.index_cast %get3A_1866 : i32 to index
      %get3A_1868 = arith.constant 96 : index
      %get3A_1869 = tpu.vector_load %arg6[%get3A_1867, %get3A_1868] {strides = array<i32>} : memref<80x128xf32, #tpu.memory_space<vmem>>, vector<1x16xf32>,
      %get3A_1870 = vector.shape_cast %get3A_1869 : vector<1x16xf32> to vector<16xf32>
      %add3A_1871 = arith.addf %add3A_1865, %get3A_1870 : vector<16xf32>
      %get3A_1872 = arith.constant 49 : i32
      %get3A_1873 = arith.index_cast %get3A_1872 : i32 to index
      %get3A_1874 = arith.constant 96 : index
      %get3A_1875 = tpu.vector_load %arg6[%get3A_1873, %get3A_1874] {strides = array<i32>} : memref<80x128xf32, #tpu.memory_space<vmem>>, vector<1x16xf32>,
      %get3A_1876 = vector.shape_cast %get3A_1875 : vector<1x16xf32> to vector<16xf32>
      %add3A_1877 = arith.addf %add3A_1871, %get3A_1876 : vector<16xf32>
      %get3A_1878 = arith.constant 53 : i32
      %get3A_1879 = arith.index_cast %get3A_1878 : i32 to index
      %get3A_1880 = arith.constant 96 : index
      %get3A_1881 = tpu.vector_load %arg6[%get3A_1879, %get3A_1880] {strides = array<i32>} : memref<80x128xf32, #tpu.memory_space<vmem>>, vector<1x16xf32>,
      %get3A_1882 = vector.shape_cast %get3A_1881 : vector<1x16xf32> to vector<16xf32>
      %add3A_1883 = arith.addf %add3A_1877, %get3A_1882 : vector<16xf32>
      %get3A_1884 = arith.constant 57 : i32
      %get3A_1885 = arith.index_cast %get3A_1884 : i32 to index
      %get3A_1886 = arith.constant 96 : index
      %get3A_1887 = tpu.vector_load %arg6[%get3A_1885, %get3A_1886] {strides = array<i32>} : memref<80x128xf32, #tpu.memory_space<vmem>>, vector<1x16xf32>,
      %get3A_1888 = vector.shape_cast %get3A_1887 : vector<1x16xf32> to vector<16xf32>
      %add3A_1889 = arith.addf %add3A_1883, %get3A_1888 : vector<16xf32>
      %get3A_1890 = arith.constant 61 : i32
      %get3A_1891 = arith.index_cast %get3A_1890 : i32 to index
      %get3A_1892 = arith.constant 96 : index
      %get3A_1893 = tpu.vector_load %arg6[%get3A_1891, %get3A_1892] {strides = array<i32>} : memref<80x128xf32, #tpu.memory_space<vmem>>, vector<1x16xf32>,
      %get3A_1894 = vector.shape_cast %get3A_1893 : vector<1x16xf32> to vector<16xf32>
      %add3A_1895 = arith.addf %add3A_1889, %get3A_1894 : vector<16xf32>
      %get3A_1896 = arith.constant 65 : i32
      %get3A_1897 = arith.index_cast %get3A_1896 : i32 to index
      %get3A_1898 = arith.constant 96 : index
      %get3A_1899 = tpu.vector_load %arg6[%get3A_1897, %get3A_1898] {strides = array<i32>} : memref<80x128xf32, #tpu.memory_space<vmem>>, vector<1x16xf32>,
      %get3A_1900 = vector.shape_cast %get3A_1899 : vector<1x16xf32> to vector<16xf32>
      %add3A_1901 = arith.addf %add3A_1895, %get3A_1900 : vector<16xf32>
      %get3A_1902 = arith.constant 69 : i32
      %get3A_1903 = arith.index_cast %get3A_1902 : i32 to index
      %get3A_1904 = arith.constant 96 : index
      %get3A_1905 = tpu.vector_load %arg6[%get3A_1903, %get3A_1904] {strides = array<i32>} : memref<80x128xf32, #tpu.memory_space<vmem>>, vector<1x16xf32>,
      %get3A_1906 = vector.shape_cast %get3A_1905 : vector<1x16xf32> to vector<16xf32>
      %add3A_1907 = arith.addf %add3A_1901, %get3A_1906 : vector<16xf32>
      %get3A_1908 = arith.constant 73 : i32
      %get3A_1909 = arith.index_cast %get3A_1908 : i32 to index
      %get3A_1910 = arith.constant 96 : index
      %get3A_1911 = tpu.vector_load %arg6[%get3A_1909, %get3A_1910] {strides = array<i32>} : memref<80x128xf32, #tpu.memory_space<vmem>>, vector<1x16xf32>,
      %get3A_1912 = vector.shape_cast %get3A_1911 : vector<1x16xf32> to vector<16xf32>
      %add3A_1913 = arith.addf %add3A_1907, %get3A_1912 : vector<16xf32>
      %get3A_1914 = arith.constant 77 : i32
      %get3A_1915 = arith.index_cast %get3A_1914 : i32 to index
      %get3A_1916 = arith.constant 96 : index
      %get3A_1917 = tpu.vector_load %arg6[%get3A_1915, %get3A_1916] {strides = array<i32>} : memref<80x128xf32, #tpu.memory_space<vmem>>, vector<1x16xf32>,
      %get3A_1918 = vector.shape_cast %get3A_1917 : vector<1x16xf32> to vector<16xf32>
      %add3A_1919 = arith.addf %add3A_1913, %get3A_1918 : vector<16xf32>
      %mul3A_1920 = arith.constant 5.000000e-02 : f32
      %mul3A_1921 = vector.broadcast %mul3A_1920 : f32 to vector<16xf32>
      %mul3A_1922 = arith.mulf %add3A_1919, %mul3A_1921 : vector<16xf32>
      %swap3A_1923 = arith.constant 0 : i32
      %swap3A_1924 = arith.index_cast %swap3A_1923 : i32 to index
      %swap3A_1925 = arith.constant 224 : index
      %swap3A_1926 = tpu.vector_load %arg7[%swap3A_1924, %swap3A_1925] {strides = array<i32>} : memref<1x512xf32, #tpu.memory_space<vmem>>, vector<1x16xf32>,
      %swap3A_1927 = vector.shape_cast %swap3A_1926 : vector<1x16xf32> to vector<16xf32>
      %swap3A_1928 = vector.shape_cast %mul3A_1922 : vector<16xf32> to vector<1x16xf32>
      tpu.vector_store %arg7[%swap3A_1924, %swap3A_1925], %swap3A_1928 {strides = array<i32>} : memref<1x512xf32, #tpu.memory_space<vmem>>, vector<1x16xf32>,
      %get3A_1929 = arith.constant 1 : i32
      %get3A_1930 = arith.index_cast %get3A_1929 : i32 to index
      %get3A_1931 = arith.constant 112 : index
      %get3A_1932 = tpu.vector_load %arg6[%get3A_1930, %get3A_1931] {strides = array<i32>} : memref<80x128xf32, #tpu.memory_space<vmem>>, vector<1x16xf32>,
      %get3A_1933 = vector.shape_cast %get3A_1932 : vector<1x16xf32> to vector<16xf32>
      %get3A_1934 = arith.constant 5 : i32
      %get3A_1935 = arith.index_cast %get3A_1934 : i32 to index
      %get3A_1936 = arith.constant 112 : index
      %get3A_1937 = tpu.vector_load %arg6[%get3A_1935, %get3A_1936] {strides = array<i32>} : memref<80x128xf32, #tpu.memory_space<vmem>>, vector<1x16xf32>,
      %get3A_1938 = vector.shape_cast %get3A_1937 : vector<1x16xf32> to vector<16xf32>
      %add3A_1939 = arith.addf %get3A_1933, %get3A_1938 : vector<16xf32>
      %get3A_1940 = arith.constant 9 : i32
      %get3A_1941 = arith.index_cast %get3A_1940 : i32 to index
      %get3A_1942 = arith.constant 112 : index
      %get3A_1943 = tpu.vector_load %arg6[%get3A_1941, %get3A_1942] {strides = array<i32>} : memref<80x128xf32, #tpu.memory_space<vmem>>, vector<1x16xf32>,
      %get3A_1944 = vector.shape_cast %get3A_1943 : vector<1x16xf32> to vector<16xf32>
      %add3A_1945 = arith.addf %add3A_1939, %get3A_1944 : vector<16xf32>
      %get3A_1946 = arith.constant 13 : i32
      %get3A_1947 = arith.index_cast %get3A_1946 : i32 to index
      %get3A_1948 = arith.constant 112 : index
      %get3A_1949 = tpu.vector_load %arg6[%get3A_1947, %get3A_1948] {strides = array<i32>} : memref<80x128xf32, #tpu.memory_space<vmem>>, vector<1x16xf32>,
      %get3A_1950 = vector.shape_cast %get3A_1949 : vector<1x16xf32> to vector<16xf32>
      %add3A_1951 = arith.addf %add3A_1945, %get3A_1950 : vector<16xf32>
      %get3A_1952 = arith.constant 17 : i32
      %get3A_1953 = arith.index_cast %get3A_1952 : i32 to index
      %get3A_1954 = arith.constant 112 : index
      %get3A_1955 = tpu.vector_load %arg6[%get3A_1953, %get3A_1954] {strides = array<i32>} : memref<80x128xf32, #tpu.memory_space<vmem>>, vector<1x16xf32>,
      %get3A_1956 = vector.shape_cast %get3A_1955 : vector<1x16xf32> to vector<16xf32>
      %add3A_1957 = arith.addf %add3A_1951, %get3A_1956 : vector<16xf32>
      %get3A_1958 = arith.constant 21 : i32
      %get3A_1959 = arith.index_cast %get3A_1958 : i32 to index
      %get3A_1960 = arith.constant 112 : index
      %get3A_1961 = tpu.vector_load %arg6[%get3A_1959, %get3A_1960] {strides = array<i32>} : memref<80x128xf32, #tpu.memory_space<vmem>>, vector<1x16xf32>,
      %get3A_1962 = vector.shape_cast %get3A_1961 : vector<1x16xf32> to vector<16xf32>
      %add3A_1963 = arith.addf %add3A_1957, %get3A_1962 : vector<16xf32>
      %get3A_1964 = arith.constant 25 : i32
      %get3A_1965 = arith.index_cast %get3A_1964 : i32 to index
      %get3A_1966 = arith.constant 112 : index
      %get3A_1967 = tpu.vector_load %arg6[%get3A_1965, %get3A_1966] {strides = array<i32>} : memref<80x128xf32, #tpu.memory_space<vmem>>, vector<1x16xf32>,
      %get3A_1968 = vector.shape_cast %get3A_1967 : vector<1x16xf32> to vector<16xf32>
      %add3A_1969 = arith.addf %add3A_1963, %get3A_1968 : vector<16xf32>
      %get3A_1970 = arith.constant 29 : i32
      %get3A_1971 = arith.index_cast %get3A_1970 : i32 to index
      %get3A_1972 = arith.constant 112 : index
      %get3A_1973 = tpu.vector_load %arg6[%get3A_1971, %get3A_1972] {strides = array<i32>} : memref<80x128xf32, #tpu.memory_space<vmem>>, vector<1x16xf32>,
      %get3A_1974 = vector.shape_cast %get3A_1973 : vector<1x16xf32> to vector<16xf32>
      %add3A_1975 = arith.addf %add3A_1969, %get3A_1974 : vector<16xf32>
      %get3A_1976 = arith.constant 33 : i32
      %get3A_1977 = arith.index_cast %get3A_1976 : i32 to index
      %get3A_1978 = arith.constant 112 : index
      %get3A_1979 = tpu.vector_load %arg6[%get3A_1977, %get3A_1978] {strides = array<i32>} : memref<80x128xf32, #tpu.memory_space<vmem>>, vector<1x16xf32>,
      %get3A_1980 = vector.shape_cast %get3A_1979 : vector<1x16xf32> to vector<16xf32>
      %add3A_1981 = arith.addf %add3A_1975, %get3A_1980 : vector<16xf32>
      %get3A_1982 = arith.constant 37 : i32
      %get3A_1983 = arith.index_cast %get3A_1982 : i32 to index
      %get3A_1984 = arith.constant 112 : index
      %get3A_1985 = tpu.vector_load %arg6[%get3A_1983, %get3A_1984] {strides = array<i32>} : memref<80x128xf32, #tpu.memory_space<vmem>>, vector<1x16xf32>,
      %get3A_1986 = vector.shape_cast %get3A_1985 : vector<1x16xf32> to vector<16xf32>
      %add3A_1987 = arith.addf %add3A_1981, %get3A_1986 : vector<16xf32>
      %get3A_1988 = arith.constant 41 : i32
      %get3A_1989 = arith.index_cast %get3A_1988 : i32 to index
      %get3A_1990 = arith.constant 112 : index
      %get3A_1991 = tpu.vector_load %arg6[%get3A_1989, %get3A_1990] {strides = array<i32>} : memref<80x128xf32, #tpu.memory_space<vmem>>, vector<1x16xf32>,
      %get3A_1992 = vector.shape_cast %get3A_1991 : vector<1x16xf32> to vector<16xf32>
      %add3A_1993 = arith.addf %add3A_1987, %get3A_1992 : vector<16xf32>
      %get3A_1994 = arith.constant 45 : i32
      %get3A_1995 = arith.index_cast %get3A_1994 : i32 to index
      %get3A_1996 = arith.constant 112 : index
      %get3A_1997 = tpu.vector_load %arg6[%get3A_1995, %get3A_1996] {strides = array<i32>} : memref<80x128xf32, #tpu.memory_space<vmem>>, vector<1x16xf32>,
      %get3A_1998 = vector.shape_cast %get3A_1997 : vector<1x16xf32> to vector<16xf32>
      %add3A_1999 = arith.addf %add3A_1993, %get3A_1998 : vector<16xf32>
      %get3A_2000 = arith.constant 49 : i32
      %get3A_2001 = arith.index_cast %get3A_2000 : i32 to index
      %get3A_2002 = arith.constant 112 : index
      %get3A_2003 = tpu.vector_load %arg6[%get3A_2001, %get3A_2002] {strides = array<i32>} : memref<80x128xf32, #tpu.memory_space<vmem>>, vector<1x16xf32>,
      %get3A_2004 = vector.shape_cast %get3A_2003 : vector<1x16xf32> to vector<16xf32>
      %add3A_2005 = arith.addf %add3A_1999, %get3A_2004 : vector<16xf32>
      %get3A_2006 = arith.constant 53 : i32
      %get3A_2007 = arith.index_cast %get3A_2006 : i32 to index
      %get3A_2008 = arith.constant 112 : index
      %get3A_2009 = tpu.vector_load %arg6[%get3A_2007, %get3A_2008] {strides = array<i32>} : memref<80x128xf32, #tpu.memory_space<vmem>>, vector<1x16xf32>,
      %get3A_2010 = vector.shape_cast %get3A_2009 : vector<1x16xf32> to vector<16xf32>
      %add3A_2011 = arith.addf %add3A_2005, %get3A_2010 : vector<16xf32>
      %get3A_2012 = arith.constant 57 : i32
      %get3A_2013 = arith.index_cast %get3A_2012 : i32 to index
      %get3A_2014 = arith.constant 112 : index
      %get3A_2015 = tpu.vector_load %arg6[%get3A_2013, %get3A_2014] {strides = array<i32>} : memref<80x128xf32, #tpu.memory_space<vmem>>, vector<1x16xf32>,
      %get3A_2016 = vector.shape_cast %get3A_2015 : vector<1x16xf32> to vector<16xf32>
      %add3A_2017 = arith.addf %add3A_2011, %get3A_2016 : vector<16xf32>
      %get3A_2018 = arith.constant 61 : i32
      %get3A_2019 = arith.index_cast %get3A_2018 : i32 to index
      %get3A_2020 = arith.constant 112 : index
      %get3A_2021 = tpu.vector_load %arg6[%get3A_2019, %get3A_2020] {strides = array<i32>} : memref<80x128xf32, #tpu.memory_space<vmem>>, vector<1x16xf32>,
      %get3A_2022 = vector.shape_cast %get3A_2021 : vector<1x16xf32> to vector<16xf32>
      %add3A_2023 = arith.addf %add3A_2017, %get3A_2022 : vector<16xf32>
      %get3A_2024 = arith.constant 65 : i32
      %get3A_2025 = arith.index_cast %get3A_2024 : i32 to index
      %get3A_2026 = arith.constant 112 : index
      %get3A_2027 = tpu.vector_load %arg6[%get3A_2025, %get3A_2026] {strides = array<i32>} : memref<80x128xf32, #tpu.memory_space<vmem>>, vector<1x16xf32>,
      %get3A_2028 = vector.shape_cast %get3A_2027 : vector<1x16xf32> to vector<16xf32>
      %add3A_2029 = arith.addf %add3A_2023, %get3A_2028 : vector<16xf32>
      %get3A_2030 = arith.constant 69 : i32
      %get3A_2031 = arith.index_cast %get3A_2030 : i32 to index
      %get3A_2032 = arith.constant 112 : index
      %get3A_2033 = tpu.vector_load %arg6[%get3A_2031, %get3A_2032] {strides = array<i32>} : memref<80x128xf32, #tpu.memory_space<vmem>>, vector<1x16xf32>,
      %get3A_2034 = vector.shape_cast %get3A_2033 : vector<1x16xf32> to vector<16xf32>
      %add3A_2035 = arith.addf %add3A_2029, %get3A_2034 : vector<16xf32>
      %get3A_2036 = arith.constant 73 : i32
      %get3A_2037 = arith.index_cast %get3A_2036 : i32 to index
      %get3A_2038 = arith.constant 112 : index
      %get3A_2039 = tpu.vector_load %arg6[%get3A_2037, %get3A_2038] {strides = array<i32>} : memref<80x128xf32, #tpu.memory_space<vmem>>, vector<1x16xf32>,
      %get3A_2040 = vector.shape_cast %get3A_2039 : vector<1x16xf32> to vector<16xf32>
      %add3A_2041 = arith.addf %add3A_2035, %get3A_2040 : vector<16xf32>
      %get3A_2042 = arith.constant 77 : i32
      %get3A_2043 = arith.index_cast %get3A_2042 : i32 to index
      %get3A_2044 = arith.constant 112 : index
      %get3A_2045 = tpu.vector_load %arg6[%get3A_2043, %get3A_2044] {strides = array<i32>} : memref<80x128xf32, #tpu.memory_space<vmem>>, vector<1x16xf32>,
      %get3A_2046 = vector.shape_cast %get3A_2045 : vector<1x16xf32> to vector<16xf32>
      %add3A_2047 = arith.addf %add3A_2041, %get3A_2046 : vector<16xf32>
      %mul3A_2048 = arith.constant 5.000000e-02 : f32
      %mul3A_2049 = vector.broadcast %mul3A_2048 : f32 to vector<16xf32>
      %mul3A_2050 = arith.mulf %add3A_2047, %mul3A_2049 : vector<16xf32>
      %swap3A_2051 = arith.constant 0 : i32
      %swap3A_2052 = arith.index_cast %swap3A_2051 : i32 to index
      %swap3A_2053 = arith.constant 240 : index
      %swap3A_2054 = tpu.vector_load %arg7[%swap3A_2052, %swap3A_2053] {strides = array<i32>} : memref<1x512xf32, #tpu.memory_space<vmem>>, vector<1x16xf32>,
      %swap3A_2055 = vector.shape_cast %swap3A_2054 : vector<1x16xf32> to vector<16xf32>
      %swap3A_2056 = vector.shape_cast %mul3A_2050 : vector<16xf32> to vector<1x16xf32>
      tpu.vector_store %arg7[%swap3A_2052, %swap3A_2053], %swap3A_2056 {strides = array<i32>} : memref<1x512xf32, #tpu.memory_space<vmem>>, vector<1x16xf32>,
      %get3A_2057 = arith.constant 2 : i32
      %get3A_2058 = arith.index_cast %get3A_2057 : i32 to index
      %get3A_2059 = arith.constant 0 : index
      %get3A_2060 = tpu.vector_load %arg6[%get3A_2058, %get3A_2059] {strides = array<i32>} : memref<80x128xf32, #tpu.memory_space<vmem>>, vector<1x16xf32>,
      %get3A_2061 = vector.shape_cast %get3A_2060 : vector<1x16xf32> to vector<16xf32>
      %get3A_2062 = arith.constant 6 : i32
      %get3A_2063 = arith.index_cast %get3A_2062 : i32 to index
      %get3A_2064 = arith.constant 0 : index
      %get3A_2065 = tpu.vector_load %arg6[%get3A_2063, %get3A_2064] {strides = array<i32>} : memref<80x128xf32, #tpu.memory_space<vmem>>, vector<1x16xf32>,
      %get3A_2066 = vector.shape_cast %get3A_2065 : vector<1x16xf32> to vector<16xf32>
      %add3A_2067 = arith.addf %get3A_2061, %get3A_2066 : vector<16xf32>
      %get3A_2068 = arith.constant 10 : i32
      %get3A_2069 = arith.index_cast %get3A_2068 : i32 to index
      %get3A_2070 = arith.constant 0 : index
      %get3A_2071 = tpu.vector_load %arg6[%get3A_2069, %get3A_2070] {strides = array<i32>} : memref<80x128xf32, #tpu.memory_space<vmem>>, vector<1x16xf32>,
      %get3A_2072 = vector.shape_cast %get3A_2071 : vector<1x16xf32> to vector<16xf32>
      %add3A_2073 = arith.addf %add3A_2067, %get3A_2072 : vector<16xf32>
      %get3A_2074 = arith.constant 14 : i32
      %get3A_2075 = arith.index_cast %get3A_2074 : i32 to index
      %get3A_2076 = arith.constant 0 : index
      %get3A_2077 = tpu.vector_load %arg6[%get3A_2075, %get3A_2076] {strides = array<i32>} : memref<80x128xf32, #tpu.memory_space<vmem>>, vector<1x16xf32>,
      %get3A_2078 = vector.shape_cast %get3A_2077 : vector<1x16xf32> to vector<16xf32>
      %add3A_2079 = arith.addf %add3A_2073, %get3A_2078 : vector<16xf32>
      %get3A_2080 = arith.constant 18 : i32
      %get3A_2081 = arith.index_cast %get3A_2080 : i32 to index
      %get3A_2082 = arith.constant 0 : index
      %get3A_2083 = tpu.vector_load %arg6[%get3A_2081, %get3A_2082] {strides = array<i32>} : memref<80x128xf32, #tpu.memory_space<vmem>>, vector<1x16xf32>,
      %get3A_2084 = vector.shape_cast %get3A_2083 : vector<1x16xf32> to vector<16xf32>
      %add3A_2085 = arith.addf %add3A_2079, %get3A_2084 : vector<16xf32>
      %get3A_2086 = arith.constant 22 : i32
      %get3A_2087 = arith.index_cast %get3A_2086 : i32 to index
      %get3A_2088 = arith.constant 0 : index
      %get3A_2089 = tpu.vector_load %arg6[%get3A_2087, %get3A_2088] {strides = array<i32>} : memref<80x128xf32, #tpu.memory_space<vmem>>, vector<1x16xf32>,
      %get3A_2090 = vector.shape_cast %get3A_2089 : vector<1x16xf32> to vector<16xf32>
      %add3A_2091 = arith.addf %add3A_2085, %get3A_2090 : vector<16xf32>
      %get3A_2092 = arith.constant 26 : i32
      %get3A_2093 = arith.index_cast %get3A_2092 : i32 to index
      %get3A_2094 = arith.constant 0 : index
      %get3A_2095 = tpu.vector_load %arg6[%get3A_2093, %get3A_2094] {strides = array<i32>} : memref<80x128xf32, #tpu.memory_space<vmem>>, vector<1x16xf32>,
      %get3A_2096 = vector.shape_cast %get3A_2095 : vector<1x16xf32> to vector<16xf32>
      %add3A_2097 = arith.addf %add3A_2091, %get3A_2096 : vector<16xf32>
      %get3A_2098 = arith.constant 30 : i32
      %get3A_2099 = arith.index_cast %get3A_2098 : i32 to index
      %get3A_2100 = arith.constant 0 : index
      %get3A_2101 = tpu.vector_load %arg6[%get3A_2099, %get3A_2100] {strides = array<i32>} : memref<80x128xf32, #tpu.memory_space<vmem>>, vector<1x16xf32>,
      %get3A_2102 = vector.shape_cast %get3A_2101 : vector<1x16xf32> to vector<16xf32>
      %add3A_2103 = arith.addf %add3A_2097, %get3A_2102 : vector<16xf32>
      %get3A_2104 = arith.constant 34 : i32
      %get3A_2105 = arith.index_cast %get3A_2104 : i32 to index
      %get3A_2106 = arith.constant 0 : index
      %get3A_2107 = tpu.vector_load %arg6[%get3A_2105, %get3A_2106] {strides = array<i32>} : memref<80x128xf32, #tpu.memory_space<vmem>>, vector<1x16xf32>,
      %get3A_2108 = vector.shape_cast %get3A_2107 : vector<1x16xf32> to vector<16xf32>
      %add3A_2109 = arith.addf %add3A_2103, %get3A_2108 : vector<16xf32>
      %get3A_2110 = arith.constant 38 : i32
      %get3A_2111 = arith.index_cast %get3A_2110 : i32 to index
      %get3A_2112 = arith.constant 0 : index
      %get3A_2113 = tpu.vector_load %arg6[%get3A_2111, %get3A_2112] {strides = array<i32>} : memref<80x128xf32, #tpu.memory_space<vmem>>, vector<1x16xf32>,
      %get3A_2114 = vector.shape_cast %get3A_2113 : vector<1x16xf32> to vector<16xf32>
      %add3A_2115 = arith.addf %add3A_2109, %get3A_2114 : vector<16xf32>
      %get3A_2116 = arith.constant 42 : i32
      %get3A_2117 = arith.index_cast %get3A_2116 : i32 to index
      %get3A_2118 = arith.constant 0 : index
      %get3A_2119 = tpu.vector_load %arg6[%get3A_2117, %get3A_2118] {strides = array<i32>} : memref<80x128xf32, #tpu.memory_space<vmem>>, vector<1x16xf32>,
      %get3A_2120 = vector.shape_cast %get3A_2119 : vector<1x16xf32> to vector<16xf32>
      %add3A_2121 = arith.addf %add3A_2115, %get3A_2120 : vector<16xf32>
      %get3A_2122 = arith.constant 46 : i32
      %get3A_2123 = arith.index_cast %get3A_2122 : i32 to index
      %get3A_2124 = arith.constant 0 : index
      %get3A_2125 = tpu.vector_load %arg6[%get3A_2123, %get3A_2124] {strides = array<i32>} : memref<80x128xf32, #tpu.memory_space<vmem>>, vector<1x16xf32>,
      %get3A_2126 = vector.shape_cast %get3A_2125 : vector<1x16xf32> to vector<16xf32>
      %add3A_2127 = arith.addf %add3A_2121, %get3A_2126 : vector<16xf32>
      %get3A_2128 = arith.constant 50 : i32
      %get3A_2129 = arith.index_cast %get3A_2128 : i32 to index
      %get3A_2130 = arith.constant 0 : index
      %get3A_2131 = tpu.vector_load %arg6[%get3A_2129, %get3A_2130] {strides = array<i32>} : memref<80x128xf32, #tpu.memory_space<vmem>>, vector<1x16xf32>,
      %get3A_2132 = vector.shape_cast %get3A_2131 : vector<1x16xf32> to vector<16xf32>
      %add3A_2133 = arith.addf %add3A_2127, %get3A_2132 : vector<16xf32>
      %get3A_2134 = arith.constant 54 : i32
      %get3A_2135 = arith.index_cast %get3A_2134 : i32 to index
      %get3A_2136 = arith.constant 0 : index
      %get3A_2137 = tpu.vector_load %arg6[%get3A_2135, %get3A_2136] {strides = array<i32>} : memref<80x128xf32, #tpu.memory_space<vmem>>, vector<1x16xf32>,
      %get3A_2138 = vector.shape_cast %get3A_2137 : vector<1x16xf32> to vector<16xf32>
      %add3A_2139 = arith.addf %add3A_2133, %get3A_2138 : vector<16xf32>
      %get3A_2140 = arith.constant 58 : i32
      %get3A_2141 = arith.index_cast %get3A_2140 : i32 to index
      %get3A_2142 = arith.constant 0 : index
      %get3A_2143 = tpu.vector_load %arg6[%get3A_2141, %get3A_2142] {strides = array<i32>} : memref<80x128xf32, #tpu.memory_space<vmem>>, vector<1x16xf32>,
      %get3A_2144 = vector.shape_cast %get3A_2143 : vector<1x16xf32> to vector<16xf32>
      %add3A_2145 = arith.addf %add3A_2139, %get3A_2144 : vector<16xf32>
      %get3A_2146 = arith.constant 62 : i32
      %get3A_2147 = arith.index_cast %get3A_2146 : i32 to index
      %get3A_2148 = arith.constant 0 : index
      %get3A_2149 = tpu.vector_load %arg6[%get3A_2147, %get3A_2148] {strides = array<i32>} : memref<80x128xf32, #tpu.memory_space<vmem>>, vector<1x16xf32>,
      %get3A_2150 = vector.shape_cast %get3A_2149 : vector<1x16xf32> to vector<16xf32>
      %add3A_2151 = arith.addf %add3A_2145, %get3A_2150 : vector<16xf32>
      %get3A_2152 = arith.constant 66 : i32
      %get3A_2153 = arith.index_cast %get3A_2152 : i32 to index
      %get3A_2154 = arith.constant 0 : index
      %get3A_2155 = tpu.vector_load %arg6[%get3A_2153, %get3A_2154] {strides = array<i32>} : memref<80x128xf32, #tpu.memory_space<vmem>>, vector<1x16xf32>,
      %get3A_2156 = vector.shape_cast %get3A_2155 : vector<1x16xf32> to vector<16xf32>
      %add3A_2157 = arith.addf %add3A_2151, %get3A_2156 : vector<16xf32>
      %get3A_2158 = arith.constant 70 : i32
      %get3A_2159 = arith.index_cast %get3A_2158 : i32 to index
      %get3A_2160 = arith.constant 0 : index
      %get3A_2161 = tpu.vector_load %arg6[%get3A_2159, %get3A_2160] {strides = array<i32>} : memref<80x128xf32, #tpu.memory_space<vmem>>, vector<1x16xf32>,
      %get3A_2162 = vector.shape_cast %get3A_2161 : vector<1x16xf32> to vector<16xf32>
      %add3A_2163 = arith.addf %add3A_2157, %get3A_2162 : vector<16xf32>
      %get3A_2164 = arith.constant 74 : i32
      %get3A_2165 = arith.index_cast %get3A_2164 : i32 to index
      %get3A_2166 = arith.constant 0 : index
      %get3A_2167 = tpu.vector_load %arg6[%get3A_2165, %get3A_2166] {strides = array<i32>} : memref<80x128xf32, #tpu.memory_space<vmem>>, vector<1x16xf32>,
      %get3A_2168 = vector.shape_cast %get3A_2167 : vector<1x16xf32> to vector<16xf32>
      %add3A_2169 = arith.addf %add3A_2163, %get3A_2168 : vector<16xf32>
      %get3A_2170 = arith.constant 78 : i32
      %get3A_2171 = arith.index_cast %get3A_2170 : i32 to index
      %get3A_2172 = arith.constant 0 : index
      %get3A_2173 = tpu.vector_load %arg6[%get3A_2171, %get3A_2172] {strides = array<i32>} : memref<80x128xf32, #tpu.memory_space<vmem>>, vector<1x16xf32>,
      %get3A_2174 = vector.shape_cast %get3A_2173 : vector<1x16xf32> to vector<16xf32>
      %add3A_2175 = arith.addf %add3A_2169, %get3A_2174 : vector<16xf32>
      %mul3A_2176 = arith.constant 5.000000e-02 : f32
      %mul3A_2177 = vector.broadcast %mul3A_2176 : f32 to vector<16xf32>
      %mul3A_2178 = arith.mulf %add3A_2175, %mul3A_2177 : vector<16xf32>
      %swap3A_2179 = arith.constant 0 : i32
      %swap3A_2180 = arith.index_cast %swap3A_2179 : i32 to index
      %swap3A_2181 = arith.constant 256 : index
      %swap3A_2182 = tpu.vector_load %arg7[%swap3A_2180, %swap3A_2181] {strides = array<i32>} : memref<1x512xf32, #tpu.memory_space<vmem>>, vector<1x16xf32>,
      %swap3A_2183 = vector.shape_cast %swap3A_2182 : vector<1x16xf32> to vector<16xf32>
      %swap3A_2184 = vector.shape_cast %mul3A_2178 : vector<16xf32> to vector<1x16xf32>
      tpu.vector_store %arg7[%swap3A_2180, %swap3A_2181], %swap3A_2184 {strides = array<i32>} : memref<1x512xf32, #tpu.memory_space<vmem>>, vector<1x16xf32>,
      %get3A_2185 = arith.constant 2 : i32
      %get3A_2186 = arith.index_cast %get3A_2185 : i32 to index
      %get3A_2187 = arith.constant 16 : index
      %get3A_2188 = tpu.vector_load %arg6[%get3A_2186, %get3A_2187] {strides = array<i32>} : memref<80x128xf32, #tpu.memory_space<vmem>>, vector<1x16xf32>,
      %get3A_2189 = vector.shape_cast %get3A_2188 : vector<1x16xf32> to vector<16xf32>
      %get3A_2190 = arith.constant 6 : i32
      %get3A_2191 = arith.index_cast %get3A_2190 : i32 to index
      %get3A_2192 = arith.constant 16 : index
      %get3A_2193 = tpu.vector_load %arg6[%get3A_2191, %get3A_2192] {strides = array<i32>} : memref<80x128xf32, #tpu.memory_space<vmem>>, vector<1x16xf32>,
      %get3A_2194 = vector.shape_cast %get3A_2193 : vector<1x16xf32> to vector<16xf32>
      %add3A_2195 = arith.addf %get3A_2189, %get3A_2194 : vector<16xf32>
      %get3A_2196 = arith.constant 10 : i32
      %get3A_2197 = arith.index_cast %get3A_2196 : i32 to index
      %get3A_2198 = arith.constant 16 : index
      %get3A_2199 = tpu.vector_load %arg6[%get3A_2197, %get3A_2198] {strides = array<i32>} : memref<80x128xf32, #tpu.memory_space<vmem>>, vector<1x16xf32>,
      %get3A_2200 = vector.shape_cast %get3A_2199 : vector<1x16xf32> to vector<16xf32>
      %add3A_2201 = arith.addf %add3A_2195, %get3A_2200 : vector<16xf32>
      %get3A_2202 = arith.constant 14 : i32
      %get3A_2203 = arith.index_cast %get3A_2202 : i32 to index
      %get3A_2204 = arith.constant 16 : index
      %get3A_2205 = tpu.vector_load %arg6[%get3A_2203, %get3A_2204] {strides = array<i32>} : memref<80x128xf32, #tpu.memory_space<vmem>>, vector<1x16xf32>,
      %get3A_2206 = vector.shape_cast %get3A_2205 : vector<1x16xf32> to vector<16xf32>
      %add3A_2207 = arith.addf %add3A_2201, %get3A_2206 : vector<16xf32>
      %get3A_2208 = arith.constant 18 : i32
      %get3A_2209 = arith.index_cast %get3A_2208 : i32 to index
      %get3A_2210 = arith.constant 16 : index
      %get3A_2211 = tpu.vector_load %arg6[%get3A_2209, %get3A_2210] {strides = array<i32>} : memref<80x128xf32, #tpu.memory_space<vmem>>, vector<1x16xf32>,
      %get3A_2212 = vector.shape_cast %get3A_2211 : vector<1x16xf32> to vector<16xf32>
      %add3A_2213 = arith.addf %add3A_2207, %get3A_2212 : vector<16xf32>
      %get3A_2214 = arith.constant 22 : i32
      %get3A_2215 = arith.index_cast %get3A_2214 : i32 to index
      %get3A_2216 = arith.constant 16 : index
      %get3A_2217 = tpu.vector_load %arg6[%get3A_2215, %get3A_2216] {strides = array<i32>} : memref<80x128xf32, #tpu.memory_space<vmem>>, vector<1x16xf32>,
      %get3A_2218 = vector.shape_cast %get3A_2217 : vector<1x16xf32> to vector<16xf32>
      %add3A_2219 = arith.addf %add3A_2213, %get3A_2218 : vector<16xf32>
      %get3A_2220 = arith.constant 26 : i32
      %get3A_2221 = arith.index_cast %get3A_2220 : i32 to index
      %get3A_2222 = arith.constant 16 : index
      %get3A_2223 = tpu.vector_load %arg6[%get3A_2221, %get3A_2222] {strides = array<i32>} : memref<80x128xf32, #tpu.memory_space<vmem>>, vector<1x16xf32>,
      %get3A_2224 = vector.shape_cast %get3A_2223 : vector<1x16xf32> to vector<16xf32>
      %add3A_2225 = arith.addf %add3A_2219, %get3A_2224 : vector<16xf32>
      %get3A_2226 = arith.constant 30 : i32
      %get3A_2227 = arith.index_cast %get3A_2226 : i32 to index
      %get3A_2228 = arith.constant 16 : index
      %get3A_2229 = tpu.vector_load %arg6[%get3A_2227, %get3A_2228] {strides = array<i32>} : memref<80x128xf32, #tpu.memory_space<vmem>>, vector<1x16xf32>,
      %get3A_2230 = vector.shape_cast %get3A_2229 : vector<1x16xf32> to vector<16xf32>
      %add3A_2231 = arith.addf %add3A_2225, %get3A_2230 : vector<16xf32>
      %get3A_2232 = arith.constant 34 : i32
      %get3A_2233 = arith.index_cast %get3A_2232 : i32 to index
      %get3A_2234 = arith.constant 16 : index
      %get3A_2235 = tpu.vector_load %arg6[%get3A_2233, %get3A_2234] {strides = array<i32>} : memref<80x128xf32, #tpu.memory_space<vmem>>, vector<1x16xf32>,
      %get3A_2236 = vector.shape_cast %get3A_2235 : vector<1x16xf32> to vector<16xf32>
      %add3A_2237 = arith.addf %add3A_2231, %get3A_2236 : vector<16xf32>
      %get3A_2238 = arith.constant 38 : i32
      %get3A_2239 = arith.index_cast %get3A_2238 : i32 to index
      %get3A_2240 = arith.constant 16 : index
      %get3A_2241 = tpu.vector_load %arg6[%get3A_2239, %get3A_2240] {strides = array<i32>} : memref<80x128xf32, #tpu.memory_space<vmem>>, vector<1x16xf32>,
      %get3A_2242 = vector.shape_cast %get3A_2241 : vector<1x16xf32> to vector<16xf32>
      %add3A_2243 = arith.addf %add3A_2237, %get3A_2242 : vector<16xf32>
      %get3A_2244 = arith.constant 42 : i32
      %get3A_2245 = arith.index_cast %get3A_2244 : i32 to index
      %get3A_2246 = arith.constant 16 : index
      %get3A_2247 = tpu.vector_load %arg6[%get3A_2245, %get3A_2246] {strides = array<i32>} : memref<80x128xf32, #tpu.memory_space<vmem>>, vector<1x16xf32>,
      %get3A_2248 = vector.shape_cast %get3A_2247 : vector<1x16xf32> to vector<16xf32>
      %add3A_2249 = arith.addf %add3A_2243, %get3A_2248 : vector<16xf32>
      %get3A_2250 = arith.constant 46 : i32
      %get3A_2251 = arith.index_cast %get3A_2250 : i32 to index
      %get3A_2252 = arith.constant 16 : index
      %get3A_2253 = tpu.vector_load %arg6[%get3A_2251, %get3A_2252] {strides = array<i32>} : memref<80x128xf32, #tpu.memory_space<vmem>>, vector<1x16xf32>,
      %get3A_2254 = vector.shape_cast %get3A_2253 : vector<1x16xf32> to vector<16xf32>
      %add3A_2255 = arith.addf %add3A_2249, %get3A_2254 : vector<16xf32>
      %get3A_2256 = arith.constant 50 : i32
      %get3A_2257 = arith.index_cast %get3A_2256 : i32 to index
      %get3A_2258 = arith.constant 16 : index
      %get3A_2259 = tpu.vector_load %arg6[%get3A_2257, %get3A_2258] {strides = array<i32>} : memref<80x128xf32, #tpu.memory_space<vmem>>, vector<1x16xf32>,
      %get3A_2260 = vector.shape_cast %get3A_2259 : vector<1x16xf32> to vector<16xf32>
      %add3A_2261 = arith.addf %add3A_2255, %get3A_2260 : vector<16xf32>
      %get3A_2262 = arith.constant 54 : i32
      %get3A_2263 = arith.index_cast %get3A_2262 : i32 to index
      %get3A_2264 = arith.constant 16 : index
      %get3A_2265 = tpu.vector_load %arg6[%get3A_2263, %get3A_2264] {strides = array<i32>} : memref<80x128xf32, #tpu.memory_space<vmem>>, vector<1x16xf32>,
      %get3A_2266 = vector.shape_cast %get3A_2265 : vector<1x16xf32> to vector<16xf32>
      %add3A_2267 = arith.addf %add3A_2261, %get3A_2266 : vector<16xf32>
      %get3A_2268 = arith.constant 58 : i32
      %get3A_2269 = arith.index_cast %get3A_2268 : i32 to index
      %get3A_2270 = arith.constant 16 : index
      %get3A_2271 = tpu.vector_load %arg6[%get3A_2269, %get3A_2270] {strides = array<i32>} : memref<80x128xf32, #tpu.memory_space<vmem>>, vector<1x16xf32>,
      %get3A_2272 = vector.shape_cast %get3A_2271 : vector<1x16xf32> to vector<16xf32>
      %add3A_2273 = arith.addf %add3A_2267, %get3A_2272 : vector<16xf32>
      %get3A_2274 = arith.constant 62 : i32
      %get3A_2275 = arith.index_cast %get3A_2274 : i32 to index
      %get3A_2276 = arith.constant 16 : index
      %get3A_2277 = tpu.vector_load %arg6[%get3A_2275, %get3A_2276] {strides = array<i32>} : memref<80x128xf32, #tpu.memory_space<vmem>>, vector<1x16xf32>,
      %get3A_2278 = vector.shape_cast %get3A_2277 : vector<1x16xf32> to vector<16xf32>
      %add3A_2279 = arith.addf %add3A_2273, %get3A_2278 : vector<16xf32>
      %get3A_2280 = arith.constant 66 : i32
      %get3A_2281 = arith.index_cast %get3A_2280 : i32 to index
      %get3A_2282 = arith.constant 16 : index
      %get3A_2283 = tpu.vector_load %arg6[%get3A_2281, %get3A_2282] {strides = array<i32>} : memref<80x128xf32, #tpu.memory_space<vmem>>, vector<1x16xf32>,
      %get3A_2284 = vector.shape_cast %get3A_2283 : vector<1x16xf32> to vector<16xf32>
      %add3A_2285 = arith.addf %add3A_2279, %get3A_2284 : vector<16xf32>
      %get3A_2286 = arith.constant 70 : i32
      %get3A_2287 = arith.index_cast %get3A_2286 : i32 to index
      %get3A_2288 = arith.constant 16 : index
      %get3A_2289 = tpu.vector_load %arg6[%get3A_2287, %get3A_2288] {strides = array<i32>} : memref<80x128xf32, #tpu.memory_space<vmem>>, vector<1x16xf32>,
      %get3A_2290 = vector.shape_cast %get3A_2289 : vector<1x16xf32> to vector<16xf32>
      %add3A_2291 = arith.addf %add3A_2285, %get3A_2290 : vector<16xf32>
      %get3A_2292 = arith.constant 74 : i32
      %get3A_2293 = arith.index_cast %get3A_2292 : i32 to index
      %get3A_2294 = arith.constant 16 : index
      %get3A_2295 = tpu.vector_load %arg6[%get3A_2293, %get3A_2294] {strides = array<i32>} : memref<80x128xf32, #tpu.memory_space<vmem>>, vector<1x16xf32>,
      %get3A_2296 = vector.shape_cast %get3A_2295 : vector<1x16xf32> to vector<16xf32>
      %add3A_2297 = arith.addf %add3A_2291, %get3A_2296 : vector<16xf32>
      %get3A_2298 = arith.constant 78 : i32
      %get3A_2299 = arith.index_cast %get3A_2298 : i32 to index
      %get3A_2300 = arith.constant 16 : index
      %get3A_2301 = tpu.vector_load %arg6[%get3A_2299, %get3A_2300] {strides = array<i32>} : memref<80x128xf32, #tpu.memory_space<vmem>>, vector<1x16xf32>,
      %get3A_2302 = vector.shape_cast %get3A_2301 : vector<1x16xf32> to vector<16xf32>
      %add3A_2303 = arith.addf %add3A_2297, %get3A_2302 : vector<16xf32>
      %mul3A_2304 = arith.constant 5.000000e-02 : f32
      %mul3A_2305 = vector.broadcast %mul3A_2304 : f32 to vector<16xf32>
      %mul3A_2306 = arith.mulf %add3A_2303, %mul3A_2305 : vector<16xf32>
      %swap3A_2307 = arith.constant 0 : i32
      %swap3A_2308 = arith.index_cast %swap3A_2307 : i32 to index
      %swap3A_2309 = arith.constant 272 : index
      %swap3A_2310 = tpu.vector_load %arg7[%swap3A_2308, %swap3A_2309] {strides = array<i32>} : memref<1x512xf32, #tpu.memory_space<vmem>>, vector<1x16xf32>,
      %swap3A_2311 = vector.shape_cast %swap3A_2310 : vector<1x16xf32> to vector<16xf32>
      %swap3A_2312 = vector.shape_cast %mul3A_2306 : vector<16xf32> to vector<1x16xf32>
      tpu.vector_store %arg7[%swap3A_2308, %swap3A_2309], %swap3A_2312 {strides = array<i32>} : memref<1x512xf32, #tpu.memory_space<vmem>>, vector<1x16xf32>,
      %get3A_2313 = arith.constant 2 : i32
      %get3A_2314 = arith.index_cast %get3A_2313 : i32 to index
      %get3A_2315 = arith.constant 32 : index
      %get3A_2316 = tpu.vector_load %arg6[%get3A_2314, %get3A_2315] {strides = array<i32>} : memref<80x128xf32, #tpu.memory_space<vmem>>, vector<1x16xf32>,
      %get3A_2317 = vector.shape_cast %get3A_2316 : vector<1x16xf32> to vector<16xf32>
      %get3A_2318 = arith.constant 6 : i32
      %get3A_2319 = arith.index_cast %get3A_2318 : i32 to index
      %get3A_2320 = arith.constant 32 : index
      %get3A_2321 = tpu.vector_load %arg6[%get3A_2319, %get3A_2320] {strides = array<i32>} : memref<80x128xf32, #tpu.memory_space<vmem>>, vector<1x16xf32>,
      %get3A_2322 = vector.shape_cast %get3A_2321 : vector<1x16xf32> to vector<16xf32>
      %add3A_2323 = arith.addf %get3A_2317, %get3A_2322 : vector<16xf32>
      %get3A_2324 = arith.constant 10 : i32
      %get3A_2325 = arith.index_cast %get3A_2324 : i32 to index
      %get3A_2326 = arith.constant 32 : index
      %get3A_2327 = tpu.vector_load %arg6[%get3A_2325, %get3A_2326] {strides = array<i32>} : memref<80x128xf32, #tpu.memory_space<vmem>>, vector<1x16xf32>,
      %get3A_2328 = vector.shape_cast %get3A_2327 : vector<1x16xf32> to vector<16xf32>
      %add3A_2329 = arith.addf %add3A_2323, %get3A_2328 : vector<16xf32>
      %get3A_2330 = arith.constant 14 : i32
      %get3A_2331 = arith.index_cast %get3A_2330 : i32 to index
      %get3A_2332 = arith.constant 32 : index
      %get3A_2333 = tpu.vector_load %arg6[%get3A_2331, %get3A_2332] {strides = array<i32>} : memref<80x128xf32, #tpu.memory_space<vmem>>, vector<1x16xf32>,
      %get3A_2334 = vector.shape_cast %get3A_2333 : vector<1x16xf32> to vector<16xf32>
      %add3A_2335 = arith.addf %add3A_2329, %get3A_2334 : vector<16xf32>
      %get3A_2336 = arith.constant 18 : i32
      %get3A_2337 = arith.index_cast %get3A_2336 : i32 to index
      %get3A_2338 = arith.constant 32 : index
      %get3A_2339 = tpu.vector_load %arg6[%get3A_2337, %get3A_2338] {strides = array<i32>} : memref<80x128xf32, #tpu.memory_space<vmem>>, vector<1x16xf32>,
      %get3A_2340 = vector.shape_cast %get3A_2339 : vector<1x16xf32> to vector<16xf32>
      %add3A_2341 = arith.addf %add3A_2335, %get3A_2340 : vector<16xf32>
      %get3A_2342 = arith.constant 22 : i32
      %get3A_2343 = arith.index_cast %get3A_2342 : i32 to index
      %get3A_2344 = arith.constant 32 : index
      %get3A_2345 = tpu.vector_load %arg6[%get3A_2343, %get3A_2344] {strides = array<i32>} : memref<80x128xf32, #tpu.memory_space<vmem>>, vector<1x16xf32>,
      %get3A_2346 = vector.shape_cast %get3A_2345 : vector<1x16xf32> to vector<16xf32>
      %add3A_2347 = arith.addf %add3A_2341, %get3A_2346 : vector<16xf32>
      %get3A_2348 = arith.constant 26 : i32
      %get3A_2349 = arith.index_cast %get3A_2348 : i32 to index
      %get3A_2350 = arith.constant 32 : index
      %get3A_2351 = tpu.vector_load %arg6[%get3A_2349, %get3A_2350] {strides = array<i32>} : memref<80x128xf32, #tpu.memory_space<vmem>>, vector<1x16xf32>,
      %get3A_2352 = vector.shape_cast %get3A_2351 : vector<1x16xf32> to vector<16xf32>
      %add3A_2353 = arith.addf %add3A_2347, %get3A_2352 : vector<16xf32>
      %get3A_2354 = arith.constant 30 : i32
      %get3A_2355 = arith.index_cast %get3A_2354 : i32 to index
      %get3A_2356 = arith.constant 32 : index
      %get3A_2357 = tpu.vector_load %arg6[%get3A_2355, %get3A_2356] {strides = array<i32>} : memref<80x128xf32, #tpu.memory_space<vmem>>, vector<1x16xf32>,
      %get3A_2358 = vector.shape_cast %get3A_2357 : vector<1x16xf32> to vector<16xf32>
      %add3A_2359 = arith.addf %add3A_2353, %get3A_2358 : vector<16xf32>
      %get3A_2360 = arith.constant 34 : i32
      %get3A_2361 = arith.index_cast %get3A_2360 : i32 to index
      %get3A_2362 = arith.constant 32 : index
      %get3A_2363 = tpu.vector_load %arg6[%get3A_2361, %get3A_2362] {strides = array<i32>} : memref<80x128xf32, #tpu.memory_space<vmem>>, vector<1x16xf32>,
      %get3A_2364 = vector.shape_cast %get3A_2363 : vector<1x16xf32> to vector<16xf32>
      %add3A_2365 = arith.addf %add3A_2359, %get3A_2364 : vector<16xf32>
      %get3A_2366 = arith.constant 38 : i32
      %get3A_2367 = arith.index_cast %get3A_2366 : i32 to index
      %get3A_2368 = arith.constant 32 : index
      %get3A_2369 = tpu.vector_load %arg6[%get3A_2367, %get3A_2368] {strides = array<i32>} : memref<80x128xf32, #tpu.memory_space<vmem>>, vector<1x16xf32>,
      %get3A_2370 = vector.shape_cast %get3A_2369 : vector<1x16xf32> to vector<16xf32>
      %add3A_2371 = arith.addf %add3A_2365, %get3A_2370 : vector<16xf32>
      %get3A_2372 = arith.constant 42 : i32
      %get3A_2373 = arith.index_cast %get3A_2372 : i32 to index
      %get3A_2374 = arith.constant 32 : index
      %get3A_2375 = tpu.vector_load %arg6[%get3A_2373, %get3A_2374] {strides = array<i32>} : memref<80x128xf32, #tpu.memory_space<vmem>>, vector<1x16xf32>,
      %get3A_2376 = vector.shape_cast %get3A_2375 : vector<1x16xf32> to vector<16xf32>
      %add3A_2377 = arith.addf %add3A_2371, %get3A_2376 : vector<16xf32>
      %get3A_2378 = arith.constant 46 : i32
      %get3A_2379 = arith.index_cast %get3A_2378 : i32 to index
      %get3A_2380 = arith.constant 32 : index
      %get3A_2381 = tpu.vector_load %arg6[%get3A_2379, %get3A_2380] {strides = array<i32>} : memref<80x128xf32, #tpu.memory_space<vmem>>, vector<1x16xf32>,
      %get3A_2382 = vector.shape_cast %get3A_2381 : vector<1x16xf32> to vector<16xf32>
      %add3A_2383 = arith.addf %add3A_2377, %get3A_2382 : vector<16xf32>
      %get3A_2384 = arith.constant 50 : i32
      %get3A_2385 = arith.index_cast %get3A_2384 : i32 to index
      %get3A_2386 = arith.constant 32 : index
      %get3A_2387 = tpu.vector_load %arg6[%get3A_2385, %get3A_2386] {strides = array<i32>} : memref<80x128xf32, #tpu.memory_space<vmem>>, vector<1x16xf32>,
      %get3A_2388 = vector.shape_cast %get3A_2387 : vector<1x16xf32> to vector<16xf32>
      %add3A_2389 = arith.addf %add3A_2383, %get3A_2388 : vector<16xf32>
      %get3A_2390 = arith.constant 54 : i32
      %get3A_2391 = arith.index_cast %get3A_2390 : i32 to index
      %get3A_2392 = arith.constant 32 : index
      %get3A_2393 = tpu.vector_load %arg6[%get3A_2391, %get3A_2392] {strides = array<i32>} : memref<80x128xf32, #tpu.memory_space<vmem>>, vector<1x16xf32>,
      %get3A_2394 = vector.shape_cast %get3A_2393 : vector<1x16xf32> to vector<16xf32>
      %add3A_2395 = arith.addf %add3A_2389, %get3A_2394 : vector<16xf32>
      %get3A_2396 = arith.constant 58 : i32
      %get3A_2397 = arith.index_cast %get3A_2396 : i32 to index
      %get3A_2398 = arith.constant 32 : index
      %get3A_2399 = tpu.vector_load %arg6[%get3A_2397, %get3A_2398] {strides = array<i32>} : memref<80x128xf32, #tpu.memory_space<vmem>>, vector<1x16xf32>,
      %get3A_2400 = vector.shape_cast %get3A_2399 : vector<1x16xf32> to vector<16xf32>
      %add3A_2401 = arith.addf %add3A_2395, %get3A_2400 : vector<16xf32>
      %get3A_2402 = arith.constant 62 : i32
      %get3A_2403 = arith.index_cast %get3A_2402 : i32 to index
      %get3A_2404 = arith.constant 32 : index
      %get3A_2405 = tpu.vector_load %arg6[%get3A_2403, %get3A_2404] {strides = array<i32>} : memref<80x128xf32, #tpu.memory_space<vmem>>, vector<1x16xf32>,
      %get3A_2406 = vector.shape_cast %get3A_2405 : vector<1x16xf32> to vector<16xf32>
      %add3A_2407 = arith.addf %add3A_2401, %get3A_2406 : vector<16xf32>
      %get3A_2408 = arith.constant 66 : i32
      %get3A_2409 = arith.index_cast %get3A_2408 : i32 to index
      %get3A_2410 = arith.constant 32 : index
      %get3A_2411 = tpu.vector_load %arg6[%get3A_2409, %get3A_2410] {strides = array<i32>} : memref<80x128xf32, #tpu.memory_space<vmem>>, vector<1x16xf32>,
      %get3A_2412 = vector.shape_cast %get3A_2411 : vector<1x16xf32> to vector<16xf32>
      %add3A_2413 = arith.addf %add3A_2407, %get3A_2412 : vector<16xf32>
      %get3A_2414 = arith.constant 70 : i32
      %get3A_2415 = arith.index_cast %get3A_2414 : i32 to index
      %get3A_2416 = arith.constant 32 : index
      %get3A_2417 = tpu.vector_load %arg6[%get3A_2415, %get3A_2416] {strides = array<i32>} : memref<80x128xf32, #tpu.memory_space<vmem>>, vector<1x16xf32>,
      %get3A_2418 = vector.shape_cast %get3A_2417 : vector<1x16xf32> to vector<16xf32>
      %add3A_2419 = arith.addf %add3A_2413, %get3A_2418 : vector<16xf32>
      %get3A_2420 = arith.constant 74 : i32
      %get3A_2421 = arith.index_cast %get3A_2420 : i32 to index
      %get3A_2422 = arith.constant 32 : index
      %get3A_2423 = tpu.vector_load %arg6[%get3A_2421, %get3A_2422] {strides = array<i32>} : memref<80x128xf32, #tpu.memory_space<vmem>>, vector<1x16xf32>,
      %get3A_2424 = vector.shape_cast %get3A_2423 : vector<1x16xf32> to vector<16xf32>
      %add3A_2425 = arith.addf %add3A_2419, %get3A_2424 : vector<16xf32>
      %get3A_2426 = arith.constant 78 : i32
      %get3A_2427 = arith.index_cast %get3A_2426 : i32 to index
      %get3A_2428 = arith.constant 32 : index
      %get3A_2429 = tpu.vector_load %arg6[%get3A_2427, %get3A_2428] {strides = array<i32>} : memref<80x128xf32, #tpu.memory_space<vmem>>, vector<1x16xf32>,
      %get3A_2430 = vector.shape_cast %get3A_2429 : vector<1x16xf32> to vector<16xf32>
      %add3A_2431 = arith.addf %add3A_2425, %get3A_2430 : vector<16xf32>
      %mul3A_2432 = arith.constant 5.000000e-02 : f32
      %mul3A_2433 = vector.broadcast %mul3A_2432 : f32 to vector<16xf32>
      %mul3A_2434 = arith.mulf %add3A_2431, %mul3A_2433 : vector<16xf32>
      %swap3A_2435 = arith.constant 0 : i32
      %swap3A_2436 = arith.index_cast %swap3A_2435 : i32 to index
      %swap3A_2437 = arith.constant 288 : index
      %swap3A_2438 = tpu.vector_load %arg7[%swap3A_2436, %swap3A_2437] {strides = array<i32>} : memref<1x512xf32, #tpu.memory_space<vmem>>, vector<1x16xf32>,
      %swap3A_2439 = vector.shape_cast %swap3A_2438 : vector<1x16xf32> to vector<16xf32>
      %swap3A_2440 = vector.shape_cast %mul3A_2434 : vector<16xf32> to vector<1x16xf32>
      tpu.vector_store %arg7[%swap3A_2436, %swap3A_2437], %swap3A_2440 {strides = array<i32>} : memref<1x512xf32, #tpu.memory_space<vmem>>, vector<1x16xf32>,
      %get3A_2441 = arith.constant 2 : i32
      %get3A_2442 = arith.index_cast %get3A_2441 : i32 to index
      %get3A_2443 = arith.constant 48 : index
      %get3A_2444 = tpu.vector_load %arg6[%get3A_2442, %get3A_2443] {strides = array<i32>} : memref<80x128xf32, #tpu.memory_space<vmem>>, vector<1x16xf32>,
      %get3A_2445 = vector.shape_cast %get3A_2444 : vector<1x16xf32> to vector<16xf32>
      %get3A_2446 = arith.constant 6 : i32
      %get3A_2447 = arith.index_cast %get3A_2446 : i32 to index
      %get3A_2448 = arith.constant 48 : index
      %get3A_2449 = tpu.vector_load %arg6[%get3A_2447, %get3A_2448] {strides = array<i32>} : memref<80x128xf32, #tpu.memory_space<vmem>>, vector<1x16xf32>,
      %get3A_2450 = vector.shape_cast %get3A_2449 : vector<1x16xf32> to vector<16xf32>
      %add3A_2451 = arith.addf %get3A_2445, %get3A_2450 : vector<16xf32>
      %get3A_2452 = arith.constant 10 : i32
      %get3A_2453 = arith.index_cast %get3A_2452 : i32 to index
      %get3A_2454 = arith.constant 48 : index
      %get3A_2455 = tpu.vector_load %arg6[%get3A_2453, %get3A_2454] {strides = array<i32>} : memref<80x128xf32, #tpu.memory_space<vmem>>, vector<1x16xf32>,
      %get3A_2456 = vector.shape_cast %get3A_2455 : vector<1x16xf32> to vector<16xf32>
      %add3A_2457 = arith.addf %add3A_2451, %get3A_2456 : vector<16xf32>
      %get3A_2458 = arith.constant 14 : i32
      %get3A_2459 = arith.index_cast %get3A_2458 : i32 to index
      %get3A_2460 = arith.constant 48 : index
      %get3A_2461 = tpu.vector_load %arg6[%get3A_2459, %get3A_2460] {strides = array<i32>} : memref<80x128xf32, #tpu.memory_space<vmem>>, vector<1x16xf32>,
      %get3A_2462 = vector.shape_cast %get3A_2461 : vector<1x16xf32> to vector<16xf32>
      %add3A_2463 = arith.addf %add3A_2457, %get3A_2462 : vector<16xf32>
      %get3A_2464 = arith.constant 18 : i32
      %get3A_2465 = arith.index_cast %get3A_2464 : i32 to index
      %get3A_2466 = arith.constant 48 : index
      %get3A_2467 = tpu.vector_load %arg6[%get3A_2465, %get3A_2466] {strides = array<i32>} : memref<80x128xf32, #tpu.memory_space<vmem>>, vector<1x16xf32>,
      %get3A_2468 = vector.shape_cast %get3A_2467 : vector<1x16xf32> to vector<16xf32>
      %add3A_2469 = arith.addf %add3A_2463, %get3A_2468 : vector<16xf32>
      %get3A_2470 = arith.constant 22 : i32
      %get3A_2471 = arith.index_cast %get3A_2470 : i32 to index
      %get3A_2472 = arith.constant 48 : index
      %get3A_2473 = tpu.vector_load %arg6[%get3A_2471, %get3A_2472] {strides = array<i32>} : memref<80x128xf32, #tpu.memory_space<vmem>>, vector<1x16xf32>,
      %get3A_2474 = vector.shape_cast %get3A_2473 : vector<1x16xf32> to vector<16xf32>
      %add3A_2475 = arith.addf %add3A_2469, %get3A_2474 : vector<16xf32>
      %get3A_2476 = arith.constant 26 : i32
      %get3A_2477 = arith.index_cast %get3A_2476 : i32 to index
      %get3A_2478 = arith.constant 48 : index
      %get3A_2479 = tpu.vector_load %arg6[%get3A_2477, %get3A_2478] {strides = array<i32>} : memref<80x128xf32, #tpu.memory_space<vmem>>, vector<1x16xf32>,
      %get3A_2480 = vector.shape_cast %get3A_2479 : vector<1x16xf32> to vector<16xf32>
      %add3A_2481 = arith.addf %add3A_2475, %get3A_2480 : vector<16xf32>
      %get3A_2482 = arith.constant 30 : i32
      %get3A_2483 = arith.index_cast %get3A_2482 : i32 to index
      %get3A_2484 = arith.constant 48 : index
      %get3A_2485 = tpu.vector_load %arg6[%get3A_2483, %get3A_2484] {strides = array<i32>} : memref<80x128xf32, #tpu.memory_space<vmem>>, vector<1x16xf32>,
      %get3A_2486 = vector.shape_cast %get3A_2485 : vector<1x16xf32> to vector<16xf32>
      %add3A_2487 = arith.addf %add3A_2481, %get3A_2486 : vector<16xf32>
      %get3A_2488 = arith.constant 34 : i32
      %get3A_2489 = arith.index_cast %get3A_2488 : i32 to index
      %get3A_2490 = arith.constant 48 : index
      %get3A_2491 = tpu.vector_load %arg6[%get3A_2489, %get3A_2490] {strides = array<i32>} : memref<80x128xf32, #tpu.memory_space<vmem>>, vector<1x16xf32>,
      %get3A_2492 = vector.shape_cast %get3A_2491 : vector<1x16xf32> to vector<16xf32>
      %add3A_2493 = arith.addf %add3A_2487, %get3A_2492 : vector<16xf32>
      %get3A_2494 = arith.constant 38 : i32
      %get3A_2495 = arith.index_cast %get3A_2494 : i32 to index
      %get3A_2496 = arith.constant 48 : index
      %get3A_2497 = tpu.vector_load %arg6[%get3A_2495, %get3A_2496] {strides = array<i32>} : memref<80x128xf32, #tpu.memory_space<vmem>>, vector<1x16xf32>,
      %get3A_2498 = vector.shape_cast %get3A_2497 : vector<1x16xf32> to vector<16xf32>
      %add3A_2499 = arith.addf %add3A_2493, %get3A_2498 : vector<16xf32>
      %get3A_2500 = arith.constant 42 : i32
      %get3A_2501 = arith.index_cast %get3A_2500 : i32 to index
      %get3A_2502 = arith.constant 48 : index
      %get3A_2503 = tpu.vector_load %arg6[%get3A_2501, %get3A_2502] {strides = array<i32>} : memref<80x128xf32, #tpu.memory_space<vmem>>, vector<1x16xf32>,
      %get3A_2504 = vector.shape_cast %get3A_2503 : vector<1x16xf32> to vector<16xf32>
      %add3A_2505 = arith.addf %add3A_2499, %get3A_2504 : vector<16xf32>
      %get3A_2506 = arith.constant 46 : i32
      %get3A_2507 = arith.index_cast %get3A_2506 : i32 to index
      %get3A_2508 = arith.constant 48 : index
      %get3A_2509 = tpu.vector_load %arg6[%get3A_2507, %get3A_2508] {strides = array<i32>} : memref<80x128xf32, #tpu.memory_space<vmem>>, vector<1x16xf32>,
      %get3A_2510 = vector.shape_cast %get3A_2509 : vector<1x16xf32> to vector<16xf32>
      %add3A_2511 = arith.addf %add3A_2505, %get3A_2510 : vector<16xf32>
      %get3A_2512 = arith.constant 50 : i32
      %get3A_2513 = arith.index_cast %get3A_2512 : i32 to index
      %get3A_2514 = arith.constant 48 : index
      %get3A_2515 = tpu.vector_load %arg6[%get3A_2513, %get3A_2514] {strides = array<i32>} : memref<80x128xf32, #tpu.memory_space<vmem>>, vector<1x16xf32>,
      %get3A_2516 = vector.shape_cast %get3A_2515 : vector<1x16xf32> to vector<16xf32>
      %add3A_2517 = arith.addf %add3A_2511, %get3A_2516 : vector<16xf32>
      %get3A_2518 = arith.constant 54 : i32
      %get3A_2519 = arith.index_cast %get3A_2518 : i32 to index
      %get3A_2520 = arith.constant 48 : index
      %get3A_2521 = tpu.vector_load %arg6[%get3A_2519, %get3A_2520] {strides = array<i32>} : memref<80x128xf32, #tpu.memory_space<vmem>>, vector<1x16xf32>,
      %get3A_2522 = vector.shape_cast %get3A_2521 : vector<1x16xf32> to vector<16xf32>
      %add3A_2523 = arith.addf %add3A_2517, %get3A_2522 : vector<16xf32>
      %get3A_2524 = arith.constant 58 : i32
      %get3A_2525 = arith.index_cast %get3A_2524 : i32 to index
      %get3A_2526 = arith.constant 48 : index
      %get3A_2527 = tpu.vector_load %arg6[%get3A_2525, %get3A_2526] {strides = array<i32>} : memref<80x128xf32, #tpu.memory_space<vmem>>, vector<1x16xf32>,
      %get3A_2528 = vector.shape_cast %get3A_2527 : vector<1x16xf32> to vector<16xf32>
      %add3A_2529 = arith.addf %add3A_2523, %get3A_2528 : vector<16xf32>
      %get3A_2530 = arith.constant 62 : i32
      %get3A_2531 = arith.index_cast %get3A_2530 : i32 to index
      %get3A_2532 = arith.constant 48 : index
      %get3A_2533 = tpu.vector_load %arg6[%get3A_2531, %get3A_2532] {strides = array<i32>} : memref<80x128xf32, #tpu.memory_space<vmem>>, vector<1x16xf32>,
      %get3A_2534 = vector.shape_cast %get3A_2533 : vector<1x16xf32> to vector<16xf32>
      %add3A_2535 = arith.addf %add3A_2529, %get3A_2534 : vector<16xf32>
      %get3A_2536 = arith.constant 66 : i32
      %get3A_2537 = arith.index_cast %get3A_2536 : i32 to index
      %get3A_2538 = arith.constant 48 : index
      %get3A_2539 = tpu.vector_load %arg6[%get3A_2537, %get3A_2538] {strides = array<i32>} : memref<80x128xf32, #tpu.memory_space<vmem>>, vector<1x16xf32>,
      %get3A_2540 = vector.shape_cast %get3A_2539 : vector<1x16xf32> to vector<16xf32>
      %add3A_2541 = arith.addf %add3A_2535, %get3A_2540 : vector<16xf32>
      %get3A_2542 = arith.constant 70 : i32
      %get3A_2543 = arith.index_cast %get3A_2542 : i32 to index
      %get3A_2544 = arith.constant 48 : index
      %get3A_2545 = tpu.vector_load %arg6[%get3A_2543, %get3A_2544] {strides = array<i32>} : memref<80x128xf32, #tpu.memory_space<vmem>>, vector<1x16xf32>,
      %get3A_2546 = vector.shape_cast %get3A_2545 : vector<1x16xf32> to vector<16xf32>
      %add3A_2547 = arith.addf %add3A_2541, %get3A_2546 : vector<16xf32>
      %get3A_2548 = arith.constant 74 : i32
      %get3A_2549 = arith.index_cast %get3A_2548 : i32 to index
      %get3A_2550 = arith.constant 48 : index
      %get3A_2551 = tpu.vector_load %arg6[%get3A_2549, %get3A_2550] {strides = array<i32>} : memref<80x128xf32, #tpu.memory_space<vmem>>, vector<1x16xf32>,
      %get3A_2552 = vector.shape_cast %get3A_2551 : vector<1x16xf32> to vector<16xf32>
      %add3A_2553 = arith.addf %add3A_2547, %get3A_2552 : vector<16xf32>
      %get3A_2554 = arith.constant 78 : i32
      %get3A_2555 = arith.index_cast %get3A_2554 : i32 to index
      %get3A_2556 = arith.constant 48 : index
      %get3A_2557 = tpu.vector_load %arg6[%get3A_2555, %get3A_2556] {strides = array<i32>} : memref<80x128xf32, #tpu.memory_space<vmem>>, vector<1x16xf32>,
      %get3A_2558 = vector.shape_cast %get3A_2557 : vector<1x16xf32> to vector<16xf32>
      %add3A_2559 = arith.addf %add3A_2553, %get3A_2558 : vector<16xf32>
      %mul3A_2560 = arith.constant 5.000000e-02 : f32
      %mul3A_2561 = vector.broadcast %mul3A_2560 : f32 to vector<16xf32>
      %mul3A_2562 = arith.mulf %add3A_2559, %mul3A_2561 : vector<16xf32>
      %swap3A_2563 = arith.constant 0 : i32
      %swap3A_2564 = arith.index_cast %swap3A_2563 : i32 to index
      %swap3A_2565 = arith.constant 304 : index
      %swap3A_2566 = tpu.vector_load %arg7[%swap3A_2564, %swap3A_2565] {strides = array<i32>} : memref<1x512xf32, #tpu.memory_space<vmem>>, vector<1x16xf32>,
      %swap3A_2567 = vector.shape_cast %swap3A_2566 : vector<1x16xf32> to vector<16xf32>
      %swap3A_2568 = vector.shape_cast %mul3A_2562 : vector<16xf32> to vector<1x16xf32>
      tpu.vector_store %arg7[%swap3A_2564, %swap3A_2565], %swap3A_2568 {strides = array<i32>} : memref<1x512xf32, #tpu.memory_space<vmem>>, vector<1x16xf32>,
      %get3A_2569 = arith.constant 2 : i32
      %get3A_2570 = arith.index_cast %get3A_2569 : i32 to index
      %get3A_2571 = arith.constant 64 : index
      %get3A_2572 = tpu.vector_load %arg6[%get3A_2570, %get3A_2571] {strides = array<i32>} : memref<80x128xf32, #tpu.memory_space<vmem>>, vector<1x16xf32>,
      %get3A_2573 = vector.shape_cast %get3A_2572 : vector<1x16xf32> to vector<16xf32>
      %get3A_2574 = arith.constant 6 : i32
      %get3A_2575 = arith.index_cast %get3A_2574 : i32 to index
      %get3A_2576 = arith.constant 64 : index
      %get3A_2577 = tpu.vector_load %arg6[%get3A_2575, %get3A_2576] {strides = array<i32>} : memref<80x128xf32, #tpu.memory_space<vmem>>, vector<1x16xf32>,
      %get3A_2578 = vector.shape_cast %get3A_2577 : vector<1x16xf32> to vector<16xf32>
      %add3A_2579 = arith.addf %get3A_2573, %get3A_2578 : vector<16xf32>
      %get3A_2580 = arith.constant 10 : i32
      %get3A_2581 = arith.index_cast %get3A_2580 : i32 to index
      %get3A_2582 = arith.constant 64 : index
      %get3A_2583 = tpu.vector_load %arg6[%get3A_2581, %get3A_2582] {strides = array<i32>} : memref<80x128xf32, #tpu.memory_space<vmem>>, vector<1x16xf32>,
      %get3A_2584 = vector.shape_cast %get3A_2583 : vector<1x16xf32> to vector<16xf32>
      %add3A_2585 = arith.addf %add3A_2579, %get3A_2584 : vector<16xf32>
      %get3A_2586 = arith.constant 14 : i32
      %get3A_2587 = arith.index_cast %get3A_2586 : i32 to index
      %get3A_2588 = arith.constant 64 : index
      %get3A_2589 = tpu.vector_load %arg6[%get3A_2587, %get3A_2588] {strides = array<i32>} : memref<80x128xf32, #tpu.memory_space<vmem>>, vector<1x16xf32>,
      %get3A_2590 = vector.shape_cast %get3A_2589 : vector<1x16xf32> to vector<16xf32>
      %add3A_2591 = arith.addf %add3A_2585, %get3A_2590 : vector<16xf32>
      %get3A_2592 = arith.constant 18 : i32
      %get3A_2593 = arith.index_cast %get3A_2592 : i32 to index
      %get3A_2594 = arith.constant 64 : index
      %get3A_2595 = tpu.vector_load %arg6[%get3A_2593, %get3A_2594] {strides = array<i32>} : memref<80x128xf32, #tpu.memory_space<vmem>>, vector<1x16xf32>,
      %get3A_2596 = vector.shape_cast %get3A_2595 : vector<1x16xf32> to vector<16xf32>
      %add3A_2597 = arith.addf %add3A_2591, %get3A_2596 : vector<16xf32>
      %get3A_2598 = arith.constant 22 : i32
      %get3A_2599 = arith.index_cast %get3A_2598 : i32 to index
      %get3A_2600 = arith.constant 64 : index
      %get3A_2601 = tpu.vector_load %arg6[%get3A_2599, %get3A_2600] {strides = array<i32>} : memref<80x128xf32, #tpu.memory_space<vmem>>, vector<1x16xf32>,
      %get3A_2602 = vector.shape_cast %get3A_2601 : vector<1x16xf32> to vector<16xf32>
      %add3A_2603 = arith.addf %add3A_2597, %get3A_2602 : vector<16xf32>
      %get3A_2604 = arith.constant 26 : i32
      %get3A_2605 = arith.index_cast %get3A_2604 : i32 to index
      %get3A_2606 = arith.constant 64 : index
      %get3A_2607 = tpu.vector_load %arg6[%get3A_2605, %get3A_2606] {strides = array<i32>} : memref<80x128xf32, #tpu.memory_space<vmem>>, vector<1x16xf32>,
      %get3A_2608 = vector.shape_cast %get3A_2607 : vector<1x16xf32> to vector<16xf32>
      %add3A_2609 = arith.addf %add3A_2603, %get3A_2608 : vector<16xf32>
      %get3A_2610 = arith.constant 30 : i32
      %get3A_2611 = arith.index_cast %get3A_2610 : i32 to index
      %get3A_2612 = arith.constant 64 : index
      %get3A_2613 = tpu.vector_load %arg6[%get3A_2611, %get3A_2612] {strides = array<i32>} : memref<80x128xf32, #tpu.memory_space<vmem>>, vector<1x16xf32>,
      %get3A_2614 = vector.shape_cast %get3A_2613 : vector<1x16xf32> to vector<16xf32>
      %add3A_2615 = arith.addf %add3A_2609, %get3A_2614 : vector<16xf32>
      %get3A_2616 = arith.constant 34 : i32
      %get3A_2617 = arith.index_cast %get3A_2616 : i32 to index
      %get3A_2618 = arith.constant 64 : index
      %get3A_2619 = tpu.vector_load %arg6[%get3A_2617, %get3A_2618] {strides = array<i32>} : memref<80x128xf32, #tpu.memory_space<vmem>>, vector<1x16xf32>,
      %get3A_2620 = vector.shape_cast %get3A_2619 : vector<1x16xf32> to vector<16xf32>
      %add3A_2621 = arith.addf %add3A_2615, %get3A_2620 : vector<16xf32>
      %get3A_2622 = arith.constant 38 : i32
      %get3A_2623 = arith.index_cast %get3A_2622 : i32 to index
      %get3A_2624 = arith.constant 64 : index
      %get3A_2625 = tpu.vector_load %arg6[%get3A_2623, %get3A_2624] {strides = array<i32>} : memref<80x128xf32, #tpu.memory_space<vmem>>, vector<1x16xf32>,
      %get3A_2626 = vector.shape_cast %get3A_2625 : vector<1x16xf32> to vector<16xf32>
      %add3A_2627 = arith.addf %add3A_2621, %get3A_2626 : vector<16xf32>
      %get3A_2628 = arith.constant 42 : i32
      %get3A_2629 = arith.index_cast %get3A_2628 : i32 to index
      %get3A_2630 = arith.constant 64 : index
      %get3A_2631 = tpu.vector_load %arg6[%get3A_2629, %get3A_2630] {strides = array<i32>} : memref<80x128xf32, #tpu.memory_space<vmem>>, vector<1x16xf32>,
      %get3A_2632 = vector.shape_cast %get3A_2631 : vector<1x16xf32> to vector<16xf32>
      %add3A_2633 = arith.addf %add3A_2627, %get3A_2632 : vector<16xf32>
      %get3A_2634 = arith.constant 46 : i32
      %get3A_2635 = arith.index_cast %get3A_2634 : i32 to index
      %get3A_2636 = arith.constant 64 : index
      %get3A_2637 = tpu.vector_load %arg6[%get3A_2635, %get3A_2636] {strides = array<i32>} : memref<80x128xf32, #tpu.memory_space<vmem>>, vector<1x16xf32>,
      %get3A_2638 = vector.shape_cast %get3A_2637 : vector<1x16xf32> to vector<16xf32>
      %add3A_2639 = arith.addf %add3A_2633, %get3A_2638 : vector<16xf32>
      %get3A_2640 = arith.constant 50 : i32
      %get3A_2641 = arith.index_cast %get3A_2640 : i32 to index
      %get3A_2642 = arith.constant 64 : index
      %get3A_2643 = tpu.vector_load %arg6[%get3A_2641, %get3A_2642] {strides = array<i32>} : memref<80x128xf32, #tpu.memory_space<vmem>>, vector<1x16xf32>,
      %get3A_2644 = vector.shape_cast %get3A_2643 : vector<1x16xf32> to vector<16xf32>
      %add3A_2645 = arith.addf %add3A_2639, %get3A_2644 : vector<16xf32>
      %get3A_2646 = arith.constant 54 : i32
      %get3A_2647 = arith.index_cast %get3A_2646 : i32 to index
      %get3A_2648 = arith.constant 64 : index
      %get3A_2649 = tpu.vector_load %arg6[%get3A_2647, %get3A_2648] {strides = array<i32>} : memref<80x128xf32, #tpu.memory_space<vmem>>, vector<1x16xf32>,
      %get3A_2650 = vector.shape_cast %get3A_2649 : vector<1x16xf32> to vector<16xf32>
      %add3A_2651 = arith.addf %add3A_2645, %get3A_2650 : vector<16xf32>
      %get3A_2652 = arith.constant 58 : i32
      %get3A_2653 = arith.index_cast %get3A_2652 : i32 to index
      %get3A_2654 = arith.constant 64 : index
      %get3A_2655 = tpu.vector_load %arg6[%get3A_2653, %get3A_2654] {strides = array<i32>} : memref<80x128xf32, #tpu.memory_space<vmem>>, vector<1x16xf32>,
      %get3A_2656 = vector.shape_cast %get3A_2655 : vector<1x16xf32> to vector<16xf32>
      %add3A_2657 = arith.addf %add3A_2651, %get3A_2656 : vector<16xf32>
      %get3A_2658 = arith.constant 62 : i32
      %get3A_2659 = arith.index_cast %get3A_2658 : i32 to index
      %get3A_2660 = arith.constant 64 : index
      %get3A_2661 = tpu.vector_load %arg6[%get3A_2659, %get3A_2660] {strides = array<i32>} : memref<80x128xf32, #tpu.memory_space<vmem>>, vector<1x16xf32>,
      %get3A_2662 = vector.shape_cast %get3A_2661 : vector<1x16xf32> to vector<16xf32>
      %add3A_2663 = arith.addf %add3A_2657, %get3A_2662 : vector<16xf32>
      %get3A_2664 = arith.constant 66 : i32
      %get3A_2665 = arith.index_cast %get3A_2664 : i32 to index
      %get3A_2666 = arith.constant 64 : index
      %get3A_2667 = tpu.vector_load %arg6[%get3A_2665, %get3A_2666] {strides = array<i32>} : memref<80x128xf32, #tpu.memory_space<vmem>>, vector<1x16xf32>,
      %get3A_2668 = vector.shape_cast %get3A_2667 : vector<1x16xf32> to vector<16xf32>
      %add3A_2669 = arith.addf %add3A_2663, %get3A_2668 : vector<16xf32>
      %get3A_2670 = arith.constant 70 : i32
      %get3A_2671 = arith.index_cast %get3A_2670 : i32 to index
      %get3A_2672 = arith.constant 64 : index
      %get3A_2673 = tpu.vector_load %arg6[%get3A_2671, %get3A_2672] {strides = array<i32>} : memref<80x128xf32, #tpu.memory_space<vmem>>, vector<1x16xf32>,
      %get3A_2674 = vector.shape_cast %get3A_2673 : vector<1x16xf32> to vector<16xf32>
      %add3A_2675 = arith.addf %add3A_2669, %get3A_2674 : vector<16xf32>
      %get3A_2676 = arith.constant 74 : i32
      %get3A_2677 = arith.index_cast %get3A_2676 : i32 to index
      %get3A_2678 = arith.constant 64 : index
      %get3A_2679 = tpu.vector_load %arg6[%get3A_2677, %get3A_2678] {strides = array<i32>} : memref<80x128xf32, #tpu.memory_space<vmem>>, vector<1x16xf32>,
      %get3A_2680 = vector.shape_cast %get3A_2679 : vector<1x16xf32> to vector<16xf32>
      %add3A_2681 = arith.addf %add3A_2675, %get3A_2680 : vector<16xf32>
      %get3A_2682 = arith.constant 78 : i32
      %get3A_2683 = arith.index_cast %get3A_2682 : i32 to index
      %get3A_2684 = arith.constant 64 : index
      %get3A_2685 = tpu.vector_load %arg6[%get3A_2683, %get3A_2684] {strides = array<i32>} : memref<80x128xf32, #tpu.memory_space<vmem>>, vector<1x16xf32>,
      %get3A_2686 = vector.shape_cast %get3A_2685 : vector<1x16xf32> to vector<16xf32>
      %add3A_2687 = arith.addf %add3A_2681, %get3A_2686 : vector<16xf32>
      %mul3A_2688 = arith.constant 5.000000e-02 : f32
      %mul3A_2689 = vector.broadcast %mul3A_2688 : f32 to vector<16xf32>
      %mul3A_2690 = arith.mulf %add3A_2687, %mul3A_2689 : vector<16xf32>
      %swap3A_2691 = arith.constant 0 : i32
      %swap3A_2692 = arith.index_cast %swap3A_2691 : i32 to index
      %swap3A_2693 = arith.constant 320 : index
      %swap3A_2694 = tpu.vector_load %arg7[%swap3A_2692, %swap3A_2693] {strides = array<i32>} : memref<1x512xf32, #tpu.memory_space<vmem>>, vector<1x16xf32>,
      %swap3A_2695 = vector.shape_cast %swap3A_2694 : vector<1x16xf32> to vector<16xf32>
      %swap3A_2696 = vector.shape_cast %mul3A_2690 : vector<16xf32> to vector<1x16xf32>
      tpu.vector_store %arg7[%swap3A_2692, %swap3A_2693], %swap3A_2696 {strides = array<i32>} : memref<1x512xf32, #tpu.memory_space<vmem>>, vector<1x16xf32>,
      %get3A_2697 = arith.constant 2 : i32
      %get3A_2698 = arith.index_cast %get3A_2697 : i32 to index
      %get3A_2699 = arith.constant 80 : index
      %get3A_2700 = tpu.vector_load %arg6[%get3A_2698, %get3A_2699] {strides = array<i32>} : memref<80x128xf32, #tpu.memory_space<vmem>>, vector<1x16xf32>,
      %get3A_2701 = vector.shape_cast %get3A_2700 : vector<1x16xf32> to vector<16xf32>
      %get3A_2702 = arith.constant 6 : i32
      %get3A_2703 = arith.index_cast %get3A_2702 : i32 to index
      %get3A_2704 = arith.constant 80 : index
      %get3A_2705 = tpu.vector_load %arg6[%get3A_2703, %get3A_2704] {strides = array<i32>} : memref<80x128xf32, #tpu.memory_space<vmem>>, vector<1x16xf32>,
      %get3A_2706 = vector.shape_cast %get3A_2705 : vector<1x16xf32> to vector<16xf32>
      %add3A_2707 = arith.addf %get3A_2701, %get3A_2706 : vector<16xf32>
      %get3A_2708 = arith.constant 10 : i32
      %get3A_2709 = arith.index_cast %get3A_2708 : i32 to index
      %get3A_2710 = arith.constant 80 : index
      %get3A_2711 = tpu.vector_load %arg6[%get3A_2709, %get3A_2710] {strides = array<i32>} : memref<80x128xf32, #tpu.memory_space<vmem>>, vector<1x16xf32>,
      %get3A_2712 = vector.shape_cast %get3A_2711 : vector<1x16xf32> to vector<16xf32>
      %add3A_2713 = arith.addf %add3A_2707, %get3A_2712 : vector<16xf32>
      %get3A_2714 = arith.constant 14 : i32
      %get3A_2715 = arith.index_cast %get3A_2714 : i32 to index
      %get3A_2716 = arith.constant 80 : index
      %get3A_2717 = tpu.vector_load %arg6[%get3A_2715, %get3A_2716] {strides = array<i32>} : memref<80x128xf32, #tpu.memory_space<vmem>>, vector<1x16xf32>,
      %get3A_2718 = vector.shape_cast %get3A_2717 : vector<1x16xf32> to vector<16xf32>
      %add3A_2719 = arith.addf %add3A_2713, %get3A_2718 : vector<16xf32>
      %get3A_2720 = arith.constant 18 : i32
      %get3A_2721 = arith.index_cast %get3A_2720 : i32 to index
      %get3A_2722 = arith.constant 80 : index
      %get3A_2723 = tpu.vector_load %arg6[%get3A_2721, %get3A_2722] {strides = array<i32>} : memref<80x128xf32, #tpu.memory_space<vmem>>, vector<1x16xf32>,
      %get3A_2724 = vector.shape_cast %get3A_2723 : vector<1x16xf32> to vector<16xf32>
      %add3A_2725 = arith.addf %add3A_2719, %get3A_2724 : vector<16xf32>
      %get3A_2726 = arith.constant 22 : i32
      %get3A_2727 = arith.index_cast %get3A_2726 : i32 to index
      %get3A_2728 = arith.constant 80 : index
      %get3A_2729 = tpu.vector_load %arg6[%get3A_2727, %get3A_2728] {strides = array<i32>} : memref<80x128xf32, #tpu.memory_space<vmem>>, vector<1x16xf32>,
      %get3A_2730 = vector.shape_cast %get3A_2729 : vector<1x16xf32> to vector<16xf32>
      %add3A_2731 = arith.addf %add3A_2725, %get3A_2730 : vector<16xf32>
      %get3A_2732 = arith.constant 26 : i32
      %get3A_2733 = arith.index_cast %get3A_2732 : i32 to index
      %get3A_2734 = arith.constant 80 : index
      %get3A_2735 = tpu.vector_load %arg6[%get3A_2733, %get3A_2734] {strides = array<i32>} : memref<80x128xf32, #tpu.memory_space<vmem>>, vector<1x16xf32>,
      %get3A_2736 = vector.shape_cast %get3A_2735 : vector<1x16xf32> to vector<16xf32>
      %add3A_2737 = arith.addf %add3A_2731, %get3A_2736 : vector<16xf32>
      %get3A_2738 = arith.constant 30 : i32
      %get3A_2739 = arith.index_cast %get3A_2738 : i32 to index
      %get3A_2740 = arith.constant 80 : index
      %get3A_2741 = tpu.vector_load %arg6[%get3A_2739, %get3A_2740] {strides = array<i32>} : memref<80x128xf32, #tpu.memory_space<vmem>>, vector<1x16xf32>,
      %get3A_2742 = vector.shape_cast %get3A_2741 : vector<1x16xf32> to vector<16xf32>
      %add3A_2743 = arith.addf %add3A_2737, %get3A_2742 : vector<16xf32>
      %get3A_2744 = arith.constant 34 : i32
      %get3A_2745 = arith.index_cast %get3A_2744 : i32 to index
      %get3A_2746 = arith.constant 80 : index
      %get3A_2747 = tpu.vector_load %arg6[%get3A_2745, %get3A_2746] {strides = array<i32>} : memref<80x128xf32, #tpu.memory_space<vmem>>, vector<1x16xf32>,
      %get3A_2748 = vector.shape_cast %get3A_2747 : vector<1x16xf32> to vector<16xf32>
      %add3A_2749 = arith.addf %add3A_2743, %get3A_2748 : vector<16xf32>
      %get3A_2750 = arith.constant 38 : i32
      %get3A_2751 = arith.index_cast %get3A_2750 : i32 to index
      %get3A_2752 = arith.constant 80 : index
      %get3A_2753 = tpu.vector_load %arg6[%get3A_2751, %get3A_2752] {strides = array<i32>} : memref<80x128xf32, #tpu.memory_space<vmem>>, vector<1x16xf32>,
      %get3A_2754 = vector.shape_cast %get3A_2753 : vector<1x16xf32> to vector<16xf32>
      %add3A_2755 = arith.addf %add3A_2749, %get3A_2754 : vector<16xf32>
      %get3A_2756 = arith.constant 42 : i32
      %get3A_2757 = arith.index_cast %get3A_2756 : i32 to index
      %get3A_2758 = arith.constant 80 : index
      %get3A_2759 = tpu.vector_load %arg6[%get3A_2757, %get3A_2758] {strides = array<i32>} : memref<80x128xf32, #tpu.memory_space<vmem>>, vector<1x16xf32>,
      %get3A_2760 = vector.shape_cast %get3A_2759 : vector<1x16xf32> to vector<16xf32>
      %add3A_2761 = arith.addf %add3A_2755, %get3A_2760 : vector<16xf32>
      %get3A_2762 = arith.constant 46 : i32
      %get3A_2763 = arith.index_cast %get3A_2762 : i32 to index
      %get3A_2764 = arith.constant 80 : index
      %get3A_2765 = tpu.vector_load %arg6[%get3A_2763, %get3A_2764] {strides = array<i32>} : memref<80x128xf32, #tpu.memory_space<vmem>>, vector<1x16xf32>,
      %get3A_2766 = vector.shape_cast %get3A_2765 : vector<1x16xf32> to vector<16xf32>
      %add3A_2767 = arith.addf %add3A_2761, %get3A_2766 : vector<16xf32>
      %get3A_2768 = arith.constant 50 : i32
      %get3A_2769 = arith.index_cast %get3A_2768 : i32 to index
      %get3A_2770 = arith.constant 80 : index
      %get3A_2771 = tpu.vector_load %arg6[%get3A_2769, %get3A_2770] {strides = array<i32>} : memref<80x128xf32, #tpu.memory_space<vmem>>, vector<1x16xf32>,
      %get3A_2772 = vector.shape_cast %get3A_2771 : vector<1x16xf32> to vector<16xf32>
      %add3A_2773 = arith.addf %add3A_2767, %get3A_2772 : vector<16xf32>
      %get3A_2774 = arith.constant 54 : i32
      %get3A_2775 = arith.index_cast %get3A_2774 : i32 to index
      %get3A_2776 = arith.constant 80 : index
      %get3A_2777 = tpu.vector_load %arg6[%get3A_2775, %get3A_2776] {strides = array<i32>} : memref<80x128xf32, #tpu.memory_space<vmem>>, vector<1x16xf32>,
      %get3A_2778 = vector.shape_cast %get3A_2777 : vector<1x16xf32> to vector<16xf32>
      %add3A_2779 = arith.addf %add3A_2773, %get3A_2778 : vector<16xf32>
      %get3A_2780 = arith.constant 58 : i32
      %get3A_2781 = arith.index_cast %get3A_2780 : i32 to index
      %get3A_2782 = arith.constant 80 : index
      %get3A_2783 = tpu.vector_load %arg6[%get3A_2781, %get3A_2782] {strides = array<i32>} : memref<80x128xf32, #tpu.memory_space<vmem>>, vector<1x16xf32>,
      %get3A_2784 = vector.shape_cast %get3A_2783 : vector<1x16xf32> to vector<16xf32>
      %add3A_2785 = arith.addf %add3A_2779, %get3A_2784 : vector<16xf32>
      %get3A_2786 = arith.constant 62 : i32
      %get3A_2787 = arith.index_cast %get3A_2786 : i32 to index
      %get3A_2788 = arith.constant 80 : index
      %get3A_2789 = tpu.vector_load %arg6[%get3A_2787, %get3A_2788] {strides = array<i32>} : memref<80x128xf32, #tpu.memory_space<vmem>>, vector<1x16xf32>,
      %get3A_2790 = vector.shape_cast %get3A_2789 : vector<1x16xf32> to vector<16xf32>
      %add3A_2791 = arith.addf %add3A_2785, %get3A_2790 : vector<16xf32>
      %get3A_2792 = arith.constant 66 : i32
      %get3A_2793 = arith.index_cast %get3A_2792 : i32 to index
      %get3A_2794 = arith.constant 80 : index
      %get3A_2795 = tpu.vector_load %arg6[%get3A_2793, %get3A_2794] {strides = array<i32>} : memref<80x128xf32, #tpu.memory_space<vmem>>, vector<1x16xf32>,
      %get3A_2796 = vector.shape_cast %get3A_2795 : vector<1x16xf32> to vector<16xf32>
      %add3A_2797 = arith.addf %add3A_2791, %get3A_2796 : vector<16xf32>
      %get3A_2798 = arith.constant 70 : i32
      %get3A_2799 = arith.index_cast %get3A_2798 : i32 to index
      %get3A_2800 = arith.constant 80 : index
      %get3A_2801 = tpu.vector_load %arg6[%get3A_2799, %get3A_2800] {strides = array<i32>} : memref<80x128xf32, #tpu.memory_space<vmem>>, vector<1x16xf32>,
      %get3A_2802 = vector.shape_cast %get3A_2801 : vector<1x16xf32> to vector<16xf32>
      %add3A_2803 = arith.addf %add3A_2797, %get3A_2802 : vector<16xf32>
      %get3A_2804 = arith.constant 74 : i32
      %get3A_2805 = arith.index_cast %get3A_2804 : i32 to index
      %get3A_2806 = arith.constant 80 : index
      %get3A_2807 = tpu.vector_load %arg6[%get3A_2805, %get3A_2806] {strides = array<i32>} : memref<80x128xf32, #tpu.memory_space<vmem>>, vector<1x16xf32>,
      %get3A_2808 = vector.shape_cast %get3A_2807 : vector<1x16xf32> to vector<16xf32>
      %add3A_2809 = arith.addf %add3A_2803, %get3A_2808 : vector<16xf32>
      %get3A_2810 = arith.constant 78 : i32
      %get3A_2811 = arith.index_cast %get3A_2810 : i32 to index
      %get3A_2812 = arith.constant 80 : index
      %get3A_2813 = tpu.vector_load %arg6[%get3A_2811, %get3A_2812] {strides = array<i32>} : memref<80x128xf32, #tpu.memory_space<vmem>>, vector<1x16xf32>,
      %get3A_2814 = vector.shape_cast %get3A_2813 : vector<1x16xf32> to vector<16xf32>
      %add3A_2815 = arith.addf %add3A_2809, %get3A_2814 : vector<16xf32>
      %mul3A_2816 = arith.constant 5.000000e-02 : f32
      %mul3A_2817 = vector.broadcast %mul3A_2816 : f32 to vector<16xf32>
      %mul3A_2818 = arith.mulf %add3A_2815, %mul3A_2817 : vector<16xf32>
      %swap3A_2819 = arith.constant 0 : i32
      %swap3A_2820 = arith.index_cast %swap3A_2819 : i32 to index
      %swap3A_2821 = arith.constant 336 : index
      %swap3A_2822 = tpu.vector_load %arg7[%swap3A_2820, %swap3A_2821] {strides = array<i32>} : memref<1x512xf32, #tpu.memory_space<vmem>>, vector<1x16xf32>,
      %swap3A_2823 = vector.shape_cast %swap3A_2822 : vector<1x16xf32> to vector<16xf32>
      %swap3A_2824 = vector.shape_cast %mul3A_2818 : vector<16xf32> to vector<1x16xf32>
      tpu.vector_store %arg7[%swap3A_2820, %swap3A_2821], %swap3A_2824 {strides = array<i32>} : memref<1x512xf32, #tpu.memory_space<vmem>>, vector<1x16xf32>,
      %get3A_2825 = arith.constant 2 : i32
      %get3A_2826 = arith.index_cast %get3A_2825 : i32 to index
      %get3A_2827 = arith.constant 96 : index
      %get3A_2828 = tpu.vector_load %arg6[%get3A_2826, %get3A_2827] {strides = array<i32>} : memref<80x128xf32, #tpu.memory_space<vmem>>, vector<1x16xf32>,
      %get3A_2829 = vector.shape_cast %get3A_2828 : vector<1x16xf32> to vector<16xf32>
      %get3A_2830 = arith.constant 6 : i32
      %get3A_2831 = arith.index_cast %get3A_2830 : i32 to index
      %get3A_2832 = arith.constant 96 : index
      %get3A_2833 = tpu.vector_load %arg6[%get3A_2831, %get3A_2832] {strides = array<i32>} : memref<80x128xf32, #tpu.memory_space<vmem>>, vector<1x16xf32>,
      %get3A_2834 = vector.shape_cast %get3A_2833 : vector<1x16xf32> to vector<16xf32>
      %add3A_2835 = arith.addf %get3A_2829, %get3A_2834 : vector<16xf32>
      %get3A_2836 = arith.constant 10 : i32
      %get3A_2837 = arith.index_cast %get3A_2836 : i32 to index
      %get3A_2838 = arith.constant 96 : index
      %get3A_2839 = tpu.vector_load %arg6[%get3A_2837, %get3A_2838] {strides = array<i32>} : memref<80x128xf32, #tpu.memory_space<vmem>>, vector<1x16xf32>,
      %get3A_2840 = vector.shape_cast %get3A_2839 : vector<1x16xf32> to vector<16xf32>
      %add3A_2841 = arith.addf %add3A_2835, %get3A_2840 : vector<16xf32>
      %get3A_2842 = arith.constant 14 : i32
      %get3A_2843 = arith.index_cast %get3A_2842 : i32 to index
      %get3A_2844 = arith.constant 96 : index
      %get3A_2845 = tpu.vector_load %arg6[%get3A_2843, %get3A_2844] {strides = array<i32>} : memref<80x128xf32, #tpu.memory_space<vmem>>, vector<1x16xf32>,
      %get3A_2846 = vector.shape_cast %get3A_2845 : vector<1x16xf32> to vector<16xf32>
      %add3A_2847 = arith.addf %add3A_2841, %get3A_2846 : vector<16xf32>
      %get3A_2848 = arith.constant 18 : i32
      %get3A_2849 = arith.index_cast %get3A_2848 : i32 to index
      %get3A_2850 = arith.constant 96 : index
      %get3A_2851 = tpu.vector_load %arg6[%get3A_2849, %get3A_2850] {strides = array<i32>} : memref<80x128xf32, #tpu.memory_space<vmem>>, vector<1x16xf32>,
      %get3A_2852 = vector.shape_cast %get3A_2851 : vector<1x16xf32> to vector<16xf32>
      %add3A_2853 = arith.addf %add3A_2847, %get3A_2852 : vector<16xf32>
      %get3A_2854 = arith.constant 22 : i32
      %get3A_2855 = arith.index_cast %get3A_2854 : i32 to index
      %get3A_2856 = arith.constant 96 : index
      %get3A_2857 = tpu.vector_load %arg6[%get3A_2855, %get3A_2856] {strides = array<i32>} : memref<80x128xf32, #tpu.memory_space<vmem>>, vector<1x16xf32>,
      %get3A_2858 = vector.shape_cast %get3A_2857 : vector<1x16xf32> to vector<16xf32>
      %add3A_2859 = arith.addf %add3A_2853, %get3A_2858 : vector<16xf32>
      %get3A_2860 = arith.constant 26 : i32
      %get3A_2861 = arith.index_cast %get3A_2860 : i32 to index
      %get3A_2862 = arith.constant 96 : index
      %get3A_2863 = tpu.vector_load %arg6[%get3A_2861, %get3A_2862] {strides = array<i32>} : memref<80x128xf32, #tpu.memory_space<vmem>>, vector<1x16xf32>,
      %get3A_2864 = vector.shape_cast %get3A_2863 : vector<1x16xf32> to vector<16xf32>
      %add3A_2865 = arith.addf %add3A_2859, %get3A_2864 : vector<16xf32>
      %get3A_2866 = arith.constant 30 : i32
      %get3A_2867 = arith.index_cast %get3A_2866 : i32 to index
      %get3A_2868 = arith.constant 96 : index
      %get3A_2869 = tpu.vector_load %arg6[%get3A_2867, %get3A_2868] {strides = array<i32>} : memref<80x128xf32, #tpu.memory_space<vmem>>, vector<1x16xf32>,
      %get3A_2870 = vector.shape_cast %get3A_2869 : vector<1x16xf32> to vector<16xf32>
      %add3A_2871 = arith.addf %add3A_2865, %get3A_2870 : vector<16xf32>
      %get3A_2872 = arith.constant 34 : i32
      %get3A_2873 = arith.index_cast %get3A_2872 : i32 to index
      %get3A_2874 = arith.constant 96 : index
      %get3A_2875 = tpu.vector_load %arg6[%get3A_2873, %get3A_2874] {strides = array<i32>} : memref<80x128xf32, #tpu.memory_space<vmem>>, vector<1x16xf32>,
      %get3A_2876 = vector.shape_cast %get3A_2875 : vector<1x16xf32> to vector<16xf32>
      %add3A_2877 = arith.addf %add3A_2871, %get3A_2876 : vector<16xf32>
      %get3A_2878 = arith.constant 38 : i32
      %get3A_2879 = arith.index_cast %get3A_2878 : i32 to index
      %get3A_2880 = arith.constant 96 : index
      %get3A_2881 = tpu.vector_load %arg6[%get3A_2879, %get3A_2880] {strides = array<i32>} : memref<80x128xf32, #tpu.memory_space<vmem>>, vector<1x16xf32>,
      %get3A_2882 = vector.shape_cast %get3A_2881 : vector<1x16xf32> to vector<16xf32>
      %add3A_2883 = arith.addf %add3A_2877, %get3A_2882 : vector<16xf32>
      %get3A_2884 = arith.constant 42 : i32
      %get3A_2885 = arith.index_cast %get3A_2884 : i32 to index
      %get3A_2886 = arith.constant 96 : index
      %get3A_2887 = tpu.vector_load %arg6[%get3A_2885, %get3A_2886] {strides = array<i32>} : memref<80x128xf32, #tpu.memory_space<vmem>>, vector<1x16xf32>,
      %get3A_2888 = vector.shape_cast %get3A_2887 : vector<1x16xf32> to vector<16xf32>
      %add3A_2889 = arith.addf %add3A_2883, %get3A_2888 : vector<16xf32>
      %get3A_2890 = arith.constant 46 : i32
      %get3A_2891 = arith.index_cast %get3A_2890 : i32 to index
      %get3A_2892 = arith.constant 96 : index
      %get3A_2893 = tpu.vector_load %arg6[%get3A_2891, %get3A_2892] {strides = array<i32>} : memref<80x128xf32, #tpu.memory_space<vmem>>, vector<1x16xf32>,
      %get3A_2894 = vector.shape_cast %get3A_2893 : vector<1x16xf32> to vector<16xf32>
      %add3A_2895 = arith.addf %add3A_2889, %get3A_2894 : vector<16xf32>
      %get3A_2896 = arith.constant 50 : i32
      %get3A_2897 = arith.index_cast %get3A_2896 : i32 to index
      %get3A_2898 = arith.constant 96 : index
      %get3A_2899 = tpu.vector_load %arg6[%get3A_2897, %get3A_2898] {strides = array<i32>} : memref<80x128xf32, #tpu.memory_space<vmem>>, vector<1x16xf32>,
      %get3A_2900 = vector.shape_cast %get3A_2899 : vector<1x16xf32> to vector<16xf32>
      %add3A_2901 = arith.addf %add3A_2895, %get3A_2900 : vector<16xf32>
      %get3A_2902 = arith.constant 54 : i32
      %get3A_2903 = arith.index_cast %get3A_2902 : i32 to index
      %get3A_2904 = arith.constant 96 : index
      %get3A_2905 = tpu.vector_load %arg6[%get3A_2903, %get3A_2904] {strides = array<i32>} : memref<80x128xf32, #tpu.memory_space<vmem>>, vector<1x16xf32>,
      %get3A_2906 = vector.shape_cast %get3A_2905 : vector<1x16xf32> to vector<16xf32>
      %add3A_2907 = arith.addf %add3A_2901, %get3A_2906 : vector<16xf32>
      %get3A_2908 = arith.constant 58 : i32
      %get3A_2909 = arith.index_cast %get3A_2908 : i32 to index
      %get3A_2910 = arith.constant 96 : index
      %get3A_2911 = tpu.vector_load %arg6[%get3A_2909, %get3A_2910] {strides = array<i32>} : memref<80x128xf32, #tpu.memory_space<vmem>>, vector<1x16xf32>,
      %get3A_2912 = vector.shape_cast %get3A_2911 : vector<1x16xf32> to vector<16xf32>
      %add3A_2913 = arith.addf %add3A_2907, %get3A_2912 : vector<16xf32>
      %get3A_2914 = arith.constant 62 : i32
      %get3A_2915 = arith.index_cast %get3A_2914 : i32 to index
      %get3A_2916 = arith.constant 96 : index
      %get3A_2917 = tpu.vector_load %arg6[%get3A_2915, %get3A_2916] {strides = array<i32>} : memref<80x128xf32, #tpu.memory_space<vmem>>, vector<1x16xf32>,
      %get3A_2918 = vector.shape_cast %get3A_2917 : vector<1x16xf32> to vector<16xf32>
      %add3A_2919 = arith.addf %add3A_2913, %get3A_2918 : vector<16xf32>
      %get3A_2920 = arith.constant 66 : i32
      %get3A_2921 = arith.index_cast %get3A_2920 : i32 to index
      %get3A_2922 = arith.constant 96 : index
      %get3A_2923 = tpu.vector_load %arg6[%get3A_2921, %get3A_2922] {strides = array<i32>} : memref<80x128xf32, #tpu.memory_space<vmem>>, vector<1x16xf32>,
      %get3A_2924 = vector.shape_cast %get3A_2923 : vector<1x16xf32> to vector<16xf32>
      %add3A_2925 = arith.addf %add3A_2919, %get3A_2924 : vector<16xf32>
      %get3A_2926 = arith.constant 70 : i32
      %get3A_2927 = arith.index_cast %get3A_2926 : i32 to index
      %get3A_2928 = arith.constant 96 : index
      %get3A_2929 = tpu.vector_load %arg6[%get3A_2927, %get3A_2928] {strides = array<i32>} : memref<80x128xf32, #tpu.memory_space<vmem>>, vector<1x16xf32>,
      %get3A_2930 = vector.shape_cast %get3A_2929 : vector<1x16xf32> to vector<16xf32>
      %add3A_2931 = arith.addf %add3A_2925, %get3A_2930 : vector<16xf32>
      %get3A_2932 = arith.constant 74 : i32
      %get3A_2933 = arith.index_cast %get3A_2932 : i32 to index
      %get3A_2934 = arith.constant 96 : index
      %get3A_2935 = tpu.vector_load %arg6[%get3A_2933, %get3A_2934] {strides = array<i32>} : memref<80x128xf32, #tpu.memory_space<vmem>>, vector<1x16xf32>,
      %get3A_2936 = vector.shape_cast %get3A_2935 : vector<1x16xf32> to vector<16xf32>
      %add3A_2937 = arith.addf %add3A_2931, %get3A_2936 : vector<16xf32>
      %get3A_2938 = arith.constant 78 : i32
      %get3A_2939 = arith.index_cast %get3A_2938 : i32 to index
      %get3A_2940 = arith.constant 96 : index
      %get3A_2941 = tpu.vector_load %arg6[%get3A_2939, %get3A_2940] {strides = array<i32>} : memref<80x128xf32, #tpu.memory_space<vmem>>, vector<1x16xf32>,
      %get3A_2942 = vector.shape_cast %get3A_2941 : vector<1x16xf32> to vector<16xf32>
      %add3A_2943 = arith.addf %add3A_2937, %get3A_2942 : vector<16xf32>
      %mul3A_2944 = arith.constant 5.000000e-02 : f32
      %mul3A_2945 = vector.broadcast %mul3A_2944 : f32 to vector<16xf32>
      %mul3A_2946 = arith.mulf %add3A_2943, %mul3A_2945 : vector<16xf32>
      %swap3A_2947 = arith.constant 0 : i32
      %swap3A_2948 = arith.index_cast %swap3A_2947 : i32 to index
      %swap3A_2949 = arith.constant 352 : index
      %swap3A_2950 = tpu.vector_load %arg7[%swap3A_2948, %swap3A_2949] {strides = array<i32>} : memref<1x512xf32, #tpu.memory_space<vmem>>, vector<1x16xf32>,
      %swap3A_2951 = vector.shape_cast %swap3A_2950 : vector<1x16xf32> to vector<16xf32>
      %swap3A_2952 = vector.shape_cast %mul3A_2946 : vector<16xf32> to vector<1x16xf32>
      tpu.vector_store %arg7[%swap3A_2948, %swap3A_2949], %swap3A_2952 {strides = array<i32>} : memref<1x512xf32, #tpu.memory_space<vmem>>, vector<1x16xf32>,
      %get3A_2953 = arith.constant 2 : i32
      %get3A_2954 = arith.index_cast %get3A_2953 : i32 to index
      %get3A_2955 = arith.constant 112 : index
      %get3A_2956 = tpu.vector_load %arg6[%get3A_2954, %get3A_2955] {strides = array<i32>} : memref<80x128xf32, #tpu.memory_space<vmem>>, vector<1x16xf32>,
      %get3A_2957 = vector.shape_cast %get3A_2956 : vector<1x16xf32> to vector<16xf32>
      %get3A_2958 = arith.constant 6 : i32
      %get3A_2959 = arith.index_cast %get3A_2958 : i32 to index
      %get3A_2960 = arith.constant 112 : index
      %get3A_2961 = tpu.vector_load %arg6[%get3A_2959, %get3A_2960] {strides = array<i32>} : memref<80x128xf32, #tpu.memory_space<vmem>>, vector<1x16xf32>,
      %get3A_2962 = vector.shape_cast %get3A_2961 : vector<1x16xf32> to vector<16xf32>
      %add3A_2963 = arith.addf %get3A_2957, %get3A_2962 : vector<16xf32>
      %get3A_2964 = arith.constant 10 : i32
      %get3A_2965 = arith.index_cast %get3A_2964 : i32 to index
      %get3A_2966 = arith.constant 112 : index
      %get3A_2967 = tpu.vector_load %arg6[%get3A_2965, %get3A_2966] {strides = array<i32>} : memref<80x128xf32, #tpu.memory_space<vmem>>, vector<1x16xf32>,
      %get3A_2968 = vector.shape_cast %get3A_2967 : vector<1x16xf32> to vector<16xf32>
      %add3A_2969 = arith.addf %add3A_2963, %get3A_2968 : vector<16xf32>
      %get3A_2970 = arith.constant 14 : i32
      %get3A_2971 = arith.index_cast %get3A_2970 : i32 to index
      %get3A_2972 = arith.constant 112 : index
      %get3A_2973 = tpu.vector_load %arg6[%get3A_2971, %get3A_2972] {strides = array<i32>} : memref<80x128xf32, #tpu.memory_space<vmem>>, vector<1x16xf32>,
      %get3A_2974 = vector.shape_cast %get3A_2973 : vector<1x16xf32> to vector<16xf32>
      %add3A_2975 = arith.addf %add3A_2969, %get3A_2974 : vector<16xf32>
      %get3A_2976 = arith.constant 18 : i32
      %get3A_2977 = arith.index_cast %get3A_2976 : i32 to index
      %get3A_2978 = arith.constant 112 : index
      %get3A_2979 = tpu.vector_load %arg6[%get3A_2977, %get3A_2978] {strides = array<i32>} : memref<80x128xf32, #tpu.memory_space<vmem>>, vector<1x16xf32>,
      %get3A_2980 = vector.shape_cast %get3A_2979 : vector<1x16xf32> to vector<16xf32>
      %add3A_2981 = arith.addf %add3A_2975, %get3A_2980 : vector<16xf32>
      %get3A_2982 = arith.constant 22 : i32
      %get3A_2983 = arith.index_cast %get3A_2982 : i32 to index
      %get3A_2984 = arith.constant 112 : index
      %get3A_2985 = tpu.vector_load %arg6[%get3A_2983, %get3A_2984] {strides = array<i32>} : memref<80x128xf32, #tpu.memory_space<vmem>>, vector<1x16xf32>,
      %get3A_2986 = vector.shape_cast %get3A_2985 : vector<1x16xf32> to vector<16xf32>
      %add3A_2987 = arith.addf %add3A_2981, %get3A_2986 : vector<16xf32>
      %get3A_2988 = arith.constant 26 : i32
      %get3A_2989 = arith.index_cast %get3A_2988 : i32 to index
      %get3A_2990 = arith.constant 112 : index
      %get3A_2991 = tpu.vector_load %arg6[%get3A_2989, %get3A_2990] {strides = array<i32>} : memref<80x128xf32, #tpu.memory_space<vmem>>, vector<1x16xf32>,
      %get3A_2992 = vector.shape_cast %get3A_2991 : vector<1x16xf32> to vector<16xf32>
      %add3A_2993 = arith.addf %add3A_2987, %get3A_2992 : vector<16xf32>
      %get3A_2994 = arith.constant 30 : i32
      %get3A_2995 = arith.index_cast %get3A_2994 : i32 to index
      %get3A_2996 = arith.constant 112 : index
      %get3A_2997 = tpu.vector_load %arg6[%get3A_2995, %get3A_2996] {strides = array<i32>} : memref<80x128xf32, #tpu.memory_space<vmem>>, vector<1x16xf32>,
      %get3A_2998 = vector.shape_cast %get3A_2997 : vector<1x16xf32> to vector<16xf32>
      %add3A_2999 = arith.addf %add3A_2993, %get3A_2998 : vector<16xf32>
      %get3A_3000 = arith.constant 34 : i32
      %get3A_3001 = arith.index_cast %get3A_3000 : i32 to index
      %get3A_3002 = arith.constant 112 : index
      %get3A_3003 = tpu.vector_load %arg6[%get3A_3001, %get3A_3002] {strides = array<i32>} : memref<80x128xf32, #tpu.memory_space<vmem>>, vector<1x16xf32>,
      %get3A_3004 = vector.shape_cast %get3A_3003 : vector<1x16xf32> to vector<16xf32>
      %add3A_3005 = arith.addf %add3A_2999, %get3A_3004 : vector<16xf32>
      %get3A_3006 = arith.constant 38 : i32
      %get3A_3007 = arith.index_cast %get3A_3006 : i32 to index
      %get3A_3008 = arith.constant 112 : index
      %get3A_3009 = tpu.vector_load %arg6[%get3A_3007, %get3A_3008] {strides = array<i32>} : memref<80x128xf32, #tpu.memory_space<vmem>>, vector<1x16xf32>,
      %get3A_3010 = vector.shape_cast %get3A_3009 : vector<1x16xf32> to vector<16xf32>
      %add3A_3011 = arith.addf %add3A_3005, %get3A_3010 : vector<16xf32>
      %get3A_3012 = arith.constant 42 : i32
      %get3A_3013 = arith.index_cast %get3A_3012 : i32 to index
      %get3A_3014 = arith.constant 112 : index
      %get3A_3015 = tpu.vector_load %arg6[%get3A_3013, %get3A_3014] {strides = array<i32>} : memref<80x128xf32, #tpu.memory_space<vmem>>, vector<1x16xf32>,
      %get3A_3016 = vector.shape_cast %get3A_3015 : vector<1x16xf32> to vector<16xf32>
      %add3A_3017 = arith.addf %add3A_3011, %get3A_3016 : vector<16xf32>
      %get3A_3018 = arith.constant 46 : i32
      %get3A_3019 = arith.index_cast %get3A_3018 : i32 to index
      %get3A_3020 = arith.constant 112 : index
      %get3A_3021 = tpu.vector_load %arg6[%get3A_3019, %get3A_3020] {strides = array<i32>} : memref<80x128xf32, #tpu.memory_space<vmem>>, vector<1x16xf32>,
      %get3A_3022 = vector.shape_cast %get3A_3021 : vector<1x16xf32> to vector<16xf32>
      %add3A_3023 = arith.addf %add3A_3017, %get3A_3022 : vector<16xf32>
      %get3A_3024 = arith.constant 50 : i32
      %get3A_3025 = arith.index_cast %get3A_3024 : i32 to index
      %get3A_3026 = arith.constant 112 : index
      %get3A_3027 = tpu.vector_load %arg6[%get3A_3025, %get3A_3026] {strides = array<i32>} : memref<80x128xf32, #tpu.memory_space<vmem>>, vector<1x16xf32>,
      %get3A_3028 = vector.shape_cast %get3A_3027 : vector<1x16xf32> to vector<16xf32>
      %add3A_3029 = arith.addf %add3A_3023, %get3A_3028 : vector<16xf32>
      %get3A_3030 = arith.constant 54 : i32
      %get3A_3031 = arith.index_cast %get3A_3030 : i32 to index
      %get3A_3032 = arith.constant 112 : index
      %get3A_3033 = tpu.vector_load %arg6[%get3A_3031, %get3A_3032] {strides = array<i32>} : memref<80x128xf32, #tpu.memory_space<vmem>>, vector<1x16xf32>,
      %get3A_3034 = vector.shape_cast %get3A_3033 : vector<1x16xf32> to vector<16xf32>
      %add3A_3035 = arith.addf %add3A_3029, %get3A_3034 : vector<16xf32>
      %get3A_3036 = arith.constant 58 : i32
      %get3A_3037 = arith.index_cast %get3A_3036 : i32 to index
      %get3A_3038 = arith.constant 112 : index
      %get3A_3039 = tpu.vector_load %arg6[%get3A_3037, %get3A_3038] {strides = array<i32>} : memref<80x128xf32, #tpu.memory_space<vmem>>, vector<1x16xf32>,
      %get3A_3040 = vector.shape_cast %get3A_3039 : vector<1x16xf32> to vector<16xf32>
      %add3A_3041 = arith.addf %add3A_3035, %get3A_3040 : vector<16xf32>
      %get3A_3042 = arith.constant 62 : i32
      %get3A_3043 = arith.index_cast %get3A_3042 : i32 to index
      %get3A_3044 = arith.constant 112 : index
      %get3A_3045 = tpu.vector_load %arg6[%get3A_3043, %get3A_3044] {strides = array<i32>} : memref<80x128xf32, #tpu.memory_space<vmem>>, vector<1x16xf32>,
      %get3A_3046 = vector.shape_cast %get3A_3045 : vector<1x16xf32> to vector<16xf32>
      %add3A_3047 = arith.addf %add3A_3041, %get3A_3046 : vector<16xf32>
      %get3A_3048 = arith.constant 66 : i32
      %get3A_3049 = arith.index_cast %get3A_3048 : i32 to index
      %get3A_3050 = arith.constant 112 : index
      %get3A_3051 = tpu.vector_load %arg6[%get3A_3049, %get3A_3050] {strides = array<i32>} : memref<80x128xf32, #tpu.memory_space<vmem>>, vector<1x16xf32>,
      %get3A_3052 = vector.shape_cast %get3A_3051 : vector<1x16xf32> to vector<16xf32>
      %add3A_3053 = arith.addf %add3A_3047, %get3A_3052 : vector<16xf32>
      %get3A_3054 = arith.constant 70 : i32
      %get3A_3055 = arith.index_cast %get3A_3054 : i32 to index
      %get3A_3056 = arith.constant 112 : index
      %get3A_3057 = tpu.vector_load %arg6[%get3A_3055, %get3A_3056] {strides = array<i32>} : memref<80x128xf32, #tpu.memory_space<vmem>>, vector<1x16xf32>,
      %get3A_3058 = vector.shape_cast %get3A_3057 : vector<1x16xf32> to vector<16xf32>
      %add3A_3059 = arith.addf %add3A_3053, %get3A_3058 : vector<16xf32>
      %get3A_3060 = arith.constant 74 : i32
      %get3A_3061 = arith.index_cast %get3A_3060 : i32 to index
      %get3A_3062 = arith.constant 112 : index
      %get3A_3063 = tpu.vector_load %arg6[%get3A_3061, %get3A_3062] {strides = array<i32>} : memref<80x128xf32, #tpu.memory_space<vmem>>, vector<1x16xf32>,
      %get3A_3064 = vector.shape_cast %get3A_3063 : vector<1x16xf32> to vector<16xf32>
      %add3A_3065 = arith.addf %add3A_3059, %get3A_3064 : vector<16xf32>
      %get3A_3066 = arith.constant 78 : i32
      %get3A_3067 = arith.index_cast %get3A_3066 : i32 to index
      %get3A_3068 = arith.constant 112 : index
      %get3A_3069 = tpu.vector_load %arg6[%get3A_3067, %get3A_3068] {strides = array<i32>} : memref<80x128xf32, #tpu.memory_space<vmem>>, vector<1x16xf32>,
      %get3A_3070 = vector.shape_cast %get3A_3069 : vector<1x16xf32> to vector<16xf32>
      %add3A_3071 = arith.addf %add3A_3065, %get3A_3070 : vector<16xf32>
      %mul3A_3072 = arith.constant 5.000000e-02 : f32
      %mul3A_3073 = vector.broadcast %mul3A_3072 : f32 to vector<16xf32>
      %mul3A_3074 = arith.mulf %add3A_3071, %mul3A_3073 : vector<16xf32>
      %swap3A_3075 = arith.constant 0 : i32
      %swap3A_3076 = arith.index_cast %swap3A_3075 : i32 to index
      %swap3A_3077 = arith.constant 368 : index
      %swap3A_3078 = tpu.vector_load %arg7[%swap3A_3076, %swap3A_3077] {strides = array<i32>} : memref<1x512xf32, #tpu.memory_space<vmem>>, vector<1x16xf32>,
      %swap3A_3079 = vector.shape_cast %swap3A_3078 : vector<1x16xf32> to vector<16xf32>
      %swap3A_3080 = vector.shape_cast %mul3A_3074 : vector<16xf32> to vector<1x16xf32>
      tpu.vector_store %arg7[%swap3A_3076, %swap3A_3077], %swap3A_3080 {strides = array<i32>} : memref<1x512xf32, #tpu.memory_space<vmem>>, vector<1x16xf32>,
      %get3A_3081 = arith.constant 3 : i32
      %get3A_3082 = arith.index_cast %get3A_3081 : i32 to index
      %get3A_3083 = arith.constant 0 : index
      %get3A_3084 = tpu.vector_load %arg6[%get3A_3082, %get3A_3083] {strides = array<i32>} : memref<80x128xf32, #tpu.memory_space<vmem>>, vector<1x16xf32>,
      %get3A_3085 = vector.shape_cast %get3A_3084 : vector<1x16xf32> to vector<16xf32>
      %get3A_3086 = arith.constant 7 : i32
      %get3A_3087 = arith.index_cast %get3A_3086 : i32 to index
      %get3A_3088 = arith.constant 0 : index
      %get3A_3089 = tpu.vector_load %arg6[%get3A_3087, %get3A_3088] {strides = array<i32>} : memref<80x128xf32, #tpu.memory_space<vmem>>, vector<1x16xf32>,
      %get3A_3090 = vector.shape_cast %get3A_3089 : vector<1x16xf32> to vector<16xf32>
      %add3A_3091 = arith.addf %get3A_3085, %get3A_3090 : vector<16xf32>
      %get3A_3092 = arith.constant 11 : i32
      %get3A_3093 = arith.index_cast %get3A_3092 : i32 to index
      %get3A_3094 = arith.constant 0 : index
      %get3A_3095 = tpu.vector_load %arg6[%get3A_3093, %get3A_3094] {strides = array<i32>} : memref<80x128xf32, #tpu.memory_space<vmem>>, vector<1x16xf32>,
      %get3A_3096 = vector.shape_cast %get3A_3095 : vector<1x16xf32> to vector<16xf32>
      %add3A_3097 = arith.addf %add3A_3091, %get3A_3096 : vector<16xf32>
      %get3A_3098 = arith.constant 15 : i32
      %get3A_3099 = arith.index_cast %get3A_3098 : i32 to index
      %get3A_3100 = arith.constant 0 : index
      %get3A_3101 = tpu.vector_load %arg6[%get3A_3099, %get3A_3100] {strides = array<i32>} : memref<80x128xf32, #tpu.memory_space<vmem>>, vector<1x16xf32>,
      %get3A_3102 = vector.shape_cast %get3A_3101 : vector<1x16xf32> to vector<16xf32>
      %add3A_3103 = arith.addf %add3A_3097, %get3A_3102 : vector<16xf32>
      %get3A_3104 = arith.constant 19 : i32
      %get3A_3105 = arith.index_cast %get3A_3104 : i32 to index
      %get3A_3106 = arith.constant 0 : index
      %get3A_3107 = tpu.vector_load %arg6[%get3A_3105, %get3A_3106] {strides = array<i32>} : memref<80x128xf32, #tpu.memory_space<vmem>>, vector<1x16xf32>,
      %get3A_3108 = vector.shape_cast %get3A_3107 : vector<1x16xf32> to vector<16xf32>
      %add3A_3109 = arith.addf %add3A_3103, %get3A_3108 : vector<16xf32>
      %get3A_3110 = arith.constant 23 : i32
      %get3A_3111 = arith.index_cast %get3A_3110 : i32 to index
      %get3A_3112 = arith.constant 0 : index
      %get3A_3113 = tpu.vector_load %arg6[%get3A_3111, %get3A_3112] {strides = array<i32>} : memref<80x128xf32, #tpu.memory_space<vmem>>, vector<1x16xf32>,
      %get3A_3114 = vector.shape_cast %get3A_3113 : vector<1x16xf32> to vector<16xf32>
      %add3A_3115 = arith.addf %add3A_3109, %get3A_3114 : vector<16xf32>
      %get3A_3116 = arith.constant 27 : i32
      %get3A_3117 = arith.index_cast %get3A_3116 : i32 to index
      %get3A_3118 = arith.constant 0 : index
      %get3A_3119 = tpu.vector_load %arg6[%get3A_3117, %get3A_3118] {strides = array<i32>} : memref<80x128xf32, #tpu.memory_space<vmem>>, vector<1x16xf32>,
      %get3A_3120 = vector.shape_cast %get3A_3119 : vector<1x16xf32> to vector<16xf32>
      %add3A_3121 = arith.addf %add3A_3115, %get3A_3120 : vector<16xf32>
      %get3A_3122 = arith.constant 31 : i32
      %get3A_3123 = arith.index_cast %get3A_3122 : i32 to index
      %get3A_3124 = arith.constant 0 : index
      %get3A_3125 = tpu.vector_load %arg6[%get3A_3123, %get3A_3124] {strides = array<i32>} : memref<80x128xf32, #tpu.memory_space<vmem>>, vector<1x16xf32>,
      %get3A_3126 = vector.shape_cast %get3A_3125 : vector<1x16xf32> to vector<16xf32>
      %add3A_3127 = arith.addf %add3A_3121, %get3A_3126 : vector<16xf32>
      %get3A_3128 = arith.constant 35 : i32
      %get3A_3129 = arith.index_cast %get3A_3128 : i32 to index
      %get3A_3130 = arith.constant 0 : index
      %get3A_3131 = tpu.vector_load %arg6[%get3A_3129, %get3A_3130] {strides = array<i32>} : memref<80x128xf32, #tpu.memory_space<vmem>>, vector<1x16xf32>,
      %get3A_3132 = vector.shape_cast %get3A_3131 : vector<1x16xf32> to vector<16xf32>
      %add3A_3133 = arith.addf %add3A_3127, %get3A_3132 : vector<16xf32>
      %get3A_3134 = arith.constant 39 : i32
      %get3A_3135 = arith.index_cast %get3A_3134 : i32 to index
      %get3A_3136 = arith.constant 0 : index
      %get3A_3137 = tpu.vector_load %arg6[%get3A_3135, %get3A_3136] {strides = array<i32>} : memref<80x128xf32, #tpu.memory_space<vmem>>, vector<1x16xf32>,
      %get3A_3138 = vector.shape_cast %get3A_3137 : vector<1x16xf32> to vector<16xf32>
      %add3A_3139 = arith.addf %add3A_3133, %get3A_3138 : vector<16xf32>
      %get3A_3140 = arith.constant 43 : i32
      %get3A_3141 = arith.index_cast %get3A_3140 : i32 to index
      %get3A_3142 = arith.constant 0 : index
      %get3A_3143 = tpu.vector_load %arg6[%get3A_3141, %get3A_3142] {strides = array<i32>} : memref<80x128xf32, #tpu.memory_space<vmem>>, vector<1x16xf32>,
      %get3A_3144 = vector.shape_cast %get3A_3143 : vector<1x16xf32> to vector<16xf32>
      %add3A_3145 = arith.addf %add3A_3139, %get3A_3144 : vector<16xf32>
      %get3A_3146 = arith.constant 47 : i32
      %get3A_3147 = arith.index_cast %get3A_3146 : i32 to index
      %get3A_3148 = arith.constant 0 : index
      %get3A_3149 = tpu.vector_load %arg6[%get3A_3147, %get3A_3148] {strides = array<i32>} : memref<80x128xf32, #tpu.memory_space<vmem>>, vector<1x16xf32>,
      %get3A_3150 = vector.shape_cast %get3A_3149 : vector<1x16xf32> to vector<16xf32>
      %add3A_3151 = arith.addf %add3A_3145, %get3A_3150 : vector<16xf32>
      %get3A_3152 = arith.constant 51 : i32
      %get3A_3153 = arith.index_cast %get3A_3152 : i32 to index
      %get3A_3154 = arith.constant 0 : index
      %get3A_3155 = tpu.vector_load %arg6[%get3A_3153, %get3A_3154] {strides = array<i32>} : memref<80x128xf32, #tpu.memory_space<vmem>>, vector<1x16xf32>,
      %get3A_3156 = vector.shape_cast %get3A_3155 : vector<1x16xf32> to vector<16xf32>
      %add3A_3157 = arith.addf %add3A_3151, %get3A_3156 : vector<16xf32>
      %get3A_3158 = arith.constant 55 : i32
      %get3A_3159 = arith.index_cast %get3A_3158 : i32 to index
      %get3A_3160 = arith.constant 0 : index
      %get3A_3161 = tpu.vector_load %arg6[%get3A_3159, %get3A_3160] {strides = array<i32>} : memref<80x128xf32, #tpu.memory_space<vmem>>, vector<1x16xf32>,
      %get3A_3162 = vector.shape_cast %get3A_3161 : vector<1x16xf32> to vector<16xf32>
      %add3A_3163 = arith.addf %add3A_3157, %get3A_3162 : vector<16xf32>
      %get3A_3164 = arith.constant 59 : i32
      %get3A_3165 = arith.index_cast %get3A_3164 : i32 to index
      %get3A_3166 = arith.constant 0 : index
      %get3A_3167 = tpu.vector_load %arg6[%get3A_3165, %get3A_3166] {strides = array<i32>} : memref<80x128xf32, #tpu.memory_space<vmem>>, vector<1x16xf32>,
      %get3A_3168 = vector.shape_cast %get3A_3167 : vector<1x16xf32> to vector<16xf32>
      %add3A_3169 = arith.addf %add3A_3163, %get3A_3168 : vector<16xf32>
      %get3A_3170 = arith.constant 63 : i32
      %get3A_3171 = arith.index_cast %get3A_3170 : i32 to index
      %get3A_3172 = arith.constant 0 : index
      %get3A_3173 = tpu.vector_load %arg6[%get3A_3171, %get3A_3172] {strides = array<i32>} : memref<80x128xf32, #tpu.memory_space<vmem>>, vector<1x16xf32>,
      %get3A_3174 = vector.shape_cast %get3A_3173 : vector<1x16xf32> to vector<16xf32>
      %add3A_3175 = arith.addf %add3A_3169, %get3A_3174 : vector<16xf32>
      %get3A_3176 = arith.constant 67 : i32
      %get3A_3177 = arith.index_cast %get3A_3176 : i32 to index
      %get3A_3178 = arith.constant 0 : index
      %get3A_3179 = tpu.vector_load %arg6[%get3A_3177, %get3A_3178] {strides = array<i32>} : memref<80x128xf32, #tpu.memory_space<vmem>>, vector<1x16xf32>,
      %get3A_3180 = vector.shape_cast %get3A_3179 : vector<1x16xf32> to vector<16xf32>
      %add3A_3181 = arith.addf %add3A_3175, %get3A_3180 : vector<16xf32>
      %get3A_3182 = arith.constant 71 : i32
      %get3A_3183 = arith.index_cast %get3A_3182 : i32 to index
      %get3A_3184 = arith.constant 0 : index
      %get3A_3185 = tpu.vector_load %arg6[%get3A_3183, %get3A_3184] {strides = array<i32>} : memref<80x128xf32, #tpu.memory_space<vmem>>, vector<1x16xf32>,
      %get3A_3186 = vector.shape_cast %get3A_3185 : vector<1x16xf32> to vector<16xf32>
      %add3A_3187 = arith.addf %add3A_3181, %get3A_3186 : vector<16xf32>
      %get3A_3188 = arith.constant 75 : i32
      %get3A_3189 = arith.index_cast %get3A_3188 : i32 to index
      %get3A_3190 = arith.constant 0 : index
      %get3A_3191 = tpu.vector_load %arg6[%get3A_3189, %get3A_3190] {strides = array<i32>} : memref<80x128xf32, #tpu.memory_space<vmem>>, vector<1x16xf32>,
      %get3A_3192 = vector.shape_cast %get3A_3191 : vector<1x16xf32> to vector<16xf32>
      %add3A_3193 = arith.addf %add3A_3187, %get3A_3192 : vector<16xf32>
      %get3A_3194 = arith.constant 79 : i32
      %get3A_3195 = arith.index_cast %get3A_3194 : i32 to index
      %get3A_3196 = arith.constant 0 : index
      %get3A_3197 = tpu.vector_load %arg6[%get3A_3195, %get3A_3196] {strides = array<i32>} : memref<80x128xf32, #tpu.memory_space<vmem>>, vector<1x16xf32>,
      %get3A_3198 = vector.shape_cast %get3A_3197 : vector<1x16xf32> to vector<16xf32>
      %add3A_3199 = arith.addf %add3A_3193, %get3A_3198 : vector<16xf32>
      %mul3A_3200 = arith.constant 5.000000e-02 : f32
      %mul3A_3201 = vector.broadcast %mul3A_3200 : f32 to vector<16xf32>
      %mul3A_3202 = arith.mulf %add3A_3199, %mul3A_3201 : vector<16xf32>
      %swap3A_3203 = arith.constant 0 : i32
      %swap3A_3204 = arith.index_cast %swap3A_3203 : i32 to index
      %swap3A_3205 = arith.constant 384 : index
      %swap3A_3206 = tpu.vector_load %arg7[%swap3A_3204, %swap3A_3205] {strides = array<i32>} : memref<1x512xf32, #tpu.memory_space<vmem>>, vector<1x16xf32>,
      %swap3A_3207 = vector.shape_cast %swap3A_3206 : vector<1x16xf32> to vector<16xf32>
      %swap3A_3208 = vector.shape_cast %mul3A_3202 : vector<16xf32> to vector<1x16xf32>
      tpu.vector_store %arg7[%swap3A_3204, %swap3A_3205], %swap3A_3208 {strides = array<i32>} : memref<1x512xf32, #tpu.memory_space<vmem>>, vector<1x16xf32>,
      %get3A_3209 = arith.constant 3 : i32
      %get3A_3210 = arith.index_cast %get3A_3209 : i32 to index
      %get3A_3211 = arith.constant 16 : index
      %get3A_3212 = tpu.vector_load %arg6[%get3A_3210, %get3A_3211] {strides = array<i32>} : memref<80x128xf32, #tpu.memory_space<vmem>>, vector<1x16xf32>,
      %get3A_3213 = vector.shape_cast %get3A_3212 : vector<1x16xf32> to vector<16xf32>
      %get3A_3214 = arith.constant 7 : i32
      %get3A_3215 = arith.index_cast %get3A_3214 : i32 to index
      %get3A_3216 = arith.constant 16 : index
      %get3A_3217 = tpu.vector_load %arg6[%get3A_3215, %get3A_3216] {strides = array<i32>} : memref<80x128xf32, #tpu.memory_space<vmem>>, vector<1x16xf32>,
      %get3A_3218 = vector.shape_cast %get3A_3217 : vector<1x16xf32> to vector<16xf32>
      %add3A_3219 = arith.addf %get3A_3213, %get3A_3218 : vector<16xf32>
      %get3A_3220 = arith.constant 11 : i32
      %get3A_3221 = arith.index_cast %get3A_3220 : i32 to index
      %get3A_3222 = arith.constant 16 : index
      %get3A_3223 = tpu.vector_load %arg6[%get3A_3221, %get3A_3222] {strides = array<i32>} : memref<80x128xf32, #tpu.memory_space<vmem>>, vector<1x16xf32>,
      %get3A_3224 = vector.shape_cast %get3A_3223 : vector<1x16xf32> to vector<16xf32>
      %add3A_3225 = arith.addf %add3A_3219, %get3A_3224 : vector<16xf32>
      %get3A_3226 = arith.constant 15 : i32
      %get3A_3227 = arith.index_cast %get3A_3226 : i32 to index
      %get3A_3228 = arith.constant 16 : index
      %get3A_3229 = tpu.vector_load %arg6[%get3A_3227, %get3A_3228] {strides = array<i32>} : memref<80x128xf32, #tpu.memory_space<vmem>>, vector<1x16xf32>,
      %get3A_3230 = vector.shape_cast %get3A_3229 : vector<1x16xf32> to vector<16xf32>
      %add3A_3231 = arith.addf %add3A_3225, %get3A_3230 : vector<16xf32>
      %get3A_3232 = arith.constant 19 : i32
      %get3A_3233 = arith.index_cast %get3A_3232 : i32 to index
      %get3A_3234 = arith.constant 16 : index
      %get3A_3235 = tpu.vector_load %arg6[%get3A_3233, %get3A_3234] {strides = array<i32>} : memref<80x128xf32, #tpu.memory_space<vmem>>, vector<1x16xf32>,
      %get3A_3236 = vector.shape_cast %get3A_3235 : vector<1x16xf32> to vector<16xf32>
      %add3A_3237 = arith.addf %add3A_3231, %get3A_3236 : vector<16xf32>
      %get3A_3238 = arith.constant 23 : i32
      %get3A_3239 = arith.index_cast %get3A_3238 : i32 to index
      %get3A_3240 = arith.constant 16 : index
      %get3A_3241 = tpu.vector_load %arg6[%get3A_3239, %get3A_3240] {strides = array<i32>} : memref<80x128xf32, #tpu.memory_space<vmem>>, vector<1x16xf32>,
      %get3A_3242 = vector.shape_cast %get3A_3241 : vector<1x16xf32> to vector<16xf32>
      %add3A_3243 = arith.addf %add3A_3237, %get3A_3242 : vector<16xf32>
      %get3A_3244 = arith.constant 27 : i32
      %get3A_3245 = arith.index_cast %get3A_3244 : i32 to index
      %get3A_3246 = arith.constant 16 : index
      %get3A_3247 = tpu.vector_load %arg6[%get3A_3245, %get3A_3246] {strides = array<i32>} : memref<80x128xf32, #tpu.memory_space<vmem>>, vector<1x16xf32>,
      %get3A_3248 = vector.shape_cast %get3A_3247 : vector<1x16xf32> to vector<16xf32>
      %add3A_3249 = arith.addf %add3A_3243, %get3A_3248 : vector<16xf32>
      %get3A_3250 = arith.constant 31 : i32
      %get3A_3251 = arith.index_cast %get3A_3250 : i32 to index
      %get3A_3252 = arith.constant 16 : index
      %get3A_3253 = tpu.vector_load %arg6[%get3A_3251, %get3A_3252] {strides = array<i32>} : memref<80x128xf32, #tpu.memory_space<vmem>>, vector<1x16xf32>,
      %get3A_3254 = vector.shape_cast %get3A_3253 : vector<1x16xf32> to vector<16xf32>
      %add3A_3255 = arith.addf %add3A_3249, %get3A_3254 : vector<16xf32>
      %get3A_3256 = arith.constant 35 : i32
      %get3A_3257 = arith.index_cast %get3A_3256 : i32 to index
      %get3A_3258 = arith.constant 16 : index
      %get3A_3259 = tpu.vector_load %arg6[%get3A_3257, %get3A_3258] {strides = array<i32>} : memref<80x128xf32, #tpu.memory_space<vmem>>, vector<1x16xf32>,
      %get3A_3260 = vector.shape_cast %get3A_3259 : vector<1x16xf32> to vector<16xf32>
      %add3A_3261 = arith.addf %add3A_3255, %get3A_3260 : vector<16xf32>
      %get3A_3262 = arith.constant 39 : i32
      %get3A_3263 = arith.index_cast %get3A_3262 : i32 to index
      %get3A_3264 = arith.constant 16 : index
      %get3A_3265 = tpu.vector_load %arg6[%get3A_3263, %get3A_3264] {strides = array<i32>} : memref<80x128xf32, #tpu.memory_space<vmem>>, vector<1x16xf32>,
      %get3A_3266 = vector.shape_cast %get3A_3265 : vector<1x16xf32> to vector<16xf32>
      %add3A_3267 = arith.addf %add3A_3261, %get3A_3266 : vector<16xf32>
      %get3A_3268 = arith.constant 43 : i32
      %get3A_3269 = arith.index_cast %get3A_3268 : i32 to index
      %get3A_3270 = arith.constant 16 : index
      %get3A_3271 = tpu.vector_load %arg6[%get3A_3269, %get3A_3270] {strides = array<i32>} : memref<80x128xf32, #tpu.memory_space<vmem>>, vector<1x16xf32>,
      %get3A_3272 = vector.shape_cast %get3A_3271 : vector<1x16xf32> to vector<16xf32>
      %add3A_3273 = arith.addf %add3A_3267, %get3A_3272 : vector<16xf32>
      %get3A_3274 = arith.constant 47 : i32
      %get3A_3275 = arith.index_cast %get3A_3274 : i32 to index
      %get3A_3276 = arith.constant 16 : index
      %get3A_3277 = tpu.vector_load %arg6[%get3A_3275, %get3A_3276] {strides = array<i32>} : memref<80x128xf32, #tpu.memory_space<vmem>>, vector<1x16xf32>,
      %get3A_3278 = vector.shape_cast %get3A_3277 : vector<1x16xf32> to vector<16xf32>
      %add3A_3279 = arith.addf %add3A_3273, %get3A_3278 : vector<16xf32>
      %get3A_3280 = arith.constant 51 : i32
      %get3A_3281 = arith.index_cast %get3A_3280 : i32 to index
      %get3A_3282 = arith.constant 16 : index
      %get3A_3283 = tpu.vector_load %arg6[%get3A_3281, %get3A_3282] {strides = array<i32>} : memref<80x128xf32, #tpu.memory_space<vmem>>, vector<1x16xf32>,
      %get3A_3284 = vector.shape_cast %get3A_3283 : vector<1x16xf32> to vector<16xf32>
      %add3A_3285 = arith.addf %add3A_3279, %get3A_3284 : vector<16xf32>
      %get3A_3286 = arith.constant 55 : i32
      %get3A_3287 = arith.index_cast %get3A_3286 : i32 to index
      %get3A_3288 = arith.constant 16 : index
      %get3A_3289 = tpu.vector_load %arg6[%get3A_3287, %get3A_3288] {strides = array<i32>} : memref<80x128xf32, #tpu.memory_space<vmem>>, vector<1x16xf32>,
      %get3A_3290 = vector.shape_cast %get3A_3289 : vector<1x16xf32> to vector<16xf32>
      %add3A_3291 = arith.addf %add3A_3285, %get3A_3290 : vector<16xf32>
      %get3A_3292 = arith.constant 59 : i32
      %get3A_3293 = arith.index_cast %get3A_3292 : i32 to index
      %get3A_3294 = arith.constant 16 : index
      %get3A_3295 = tpu.vector_load %arg6[%get3A_3293, %get3A_3294] {strides = array<i32>} : memref<80x128xf32, #tpu.memory_space<vmem>>, vector<1x16xf32>,
      %get3A_3296 = vector.shape_cast %get3A_3295 : vector<1x16xf32> to vector<16xf32>
      %add3A_3297 = arith.addf %add3A_3291, %get3A_3296 : vector<16xf32>
      %get3A_3298 = arith.constant 63 : i32
      %get3A_3299 = arith.index_cast %get3A_3298 : i32 to index
      %get3A_3300 = arith.constant 16 : index
      %get3A_3301 = tpu.vector_load %arg6[%get3A_3299, %get3A_3300] {strides = array<i32>} : memref<80x128xf32, #tpu.memory_space<vmem>>, vector<1x16xf32>,
      %get3A_3302 = vector.shape_cast %get3A_3301 : vector<1x16xf32> to vector<16xf32>
      %add3A_3303 = arith.addf %add3A_3297, %get3A_3302 : vector<16xf32>
      %get3A_3304 = arith.constant 67 : i32
      %get3A_3305 = arith.index_cast %get3A_3304 : i32 to index
      %get3A_3306 = arith.constant 16 : index
      %get3A_3307 = tpu.vector_load %arg6[%get3A_3305, %get3A_3306] {strides = array<i32>} : memref<80x128xf32, #tpu.memory_space<vmem>>, vector<1x16xf32>,
      %get3A_3308 = vector.shape_cast %get3A_3307 : vector<1x16xf32> to vector<16xf32>
      %add3A_3309 = arith.addf %add3A_3303, %get3A_3308 : vector<16xf32>
      %get3A_3310 = arith.constant 71 : i32
      %get3A_3311 = arith.index_cast %get3A_3310 : i32 to index
      %get3A_3312 = arith.constant 16 : index
      %get3A_3313 = tpu.vector_load %arg6[%get3A_3311, %get3A_3312] {strides = array<i32>} : memref<80x128xf32, #tpu.memory_space<vmem>>, vector<1x16xf32>,
      %get3A_3314 = vector.shape_cast %get3A_3313 : vector<1x16xf32> to vector<16xf32>
      %add3A_3315 = arith.addf %add3A_3309, %get3A_3314 : vector<16xf32>
      %get3A_3316 = arith.constant 75 : i32
      %get3A_3317 = arith.index_cast %get3A_3316 : i32 to index
      %get3A_3318 = arith.constant 16 : index
      %get3A_3319 = tpu.vector_load %arg6[%get3A_3317, %get3A_3318] {strides = array<i32>} : memref<80x128xf32, #tpu.memory_space<vmem>>, vector<1x16xf32>,
      %get3A_3320 = vector.shape_cast %get3A_3319 : vector<1x16xf32> to vector<16xf32>
      %add3A_3321 = arith.addf %add3A_3315, %get3A_3320 : vector<16xf32>
      %get3A_3322 = arith.constant 79 : i32
      %get3A_3323 = arith.index_cast %get3A_3322 : i32 to index
      %get3A_3324 = arith.constant 16 : index
      %get3A_3325 = tpu.vector_load %arg6[%get3A_3323, %get3A_3324] {strides = array<i32>} : memref<80x128xf32, #tpu.memory_space<vmem>>, vector<1x16xf32>,
      %get3A_3326 = vector.shape_cast %get3A_3325 : vector<1x16xf32> to vector<16xf32>
      %add3A_3327 = arith.addf %add3A_3321, %get3A_3326 : vector<16xf32>
      %mul3A_3328 = arith.constant 5.000000e-02 : f32
      %mul3A_3329 = vector.broadcast %mul3A_3328 : f32 to vector<16xf32>
      %mul3A_3330 = arith.mulf %add3A_3327, %mul3A_3329 : vector<16xf32>
      %swap3A_3331 = arith.constant 0 : i32
      %swap3A_3332 = arith.index_cast %swap3A_3331 : i32 to index
      %swap3A_3333 = arith.constant 400 : index
      %swap3A_3334 = tpu.vector_load %arg7[%swap3A_3332, %swap3A_3333] {strides = array<i32>} : memref<1x512xf32, #tpu.memory_space<vmem>>, vector<1x16xf32>,
      %swap3A_3335 = vector.shape_cast %swap3A_3334 : vector<1x16xf32> to vector<16xf32>
      %swap3A_3336 = vector.shape_cast %mul3A_3330 : vector<16xf32> to vector<1x16xf32>
      tpu.vector_store %arg7[%swap3A_3332, %swap3A_3333], %swap3A_3336 {strides = array<i32>} : memref<1x512xf32, #tpu.memory_space<vmem>>, vector<1x16xf32>,
      %get3A_3337 = arith.constant 3 : i32
      %get3A_3338 = arith.index_cast %get3A_3337 : i32 to index
      %get3A_3339 = arith.constant 32 : index
      %get3A_3340 = tpu.vector_load %arg6[%get3A_3338, %get3A_3339] {strides = array<i32>} : memref<80x128xf32, #tpu.memory_space<vmem>>, vector<1x16xf32>,
      %get3A_3341 = vector.shape_cast %get3A_3340 : vector<1x16xf32> to vector<16xf32>
      %get3A_3342 = arith.constant 7 : i32
      %get3A_3343 = arith.index_cast %get3A_3342 : i32 to index
      %get3A_3344 = arith.constant 32 : index
      %get3A_3345 = tpu.vector_load %arg6[%get3A_3343, %get3A_3344] {strides = array<i32>} : memref<80x128xf32, #tpu.memory_space<vmem>>, vector<1x16xf32>,
      %get3A_3346 = vector.shape_cast %get3A_3345 : vector<1x16xf32> to vector<16xf32>
      %add3A_3347 = arith.addf %get3A_3341, %get3A_3346 : vector<16xf32>
      %get3A_3348 = arith.constant 11 : i32
      %get3A_3349 = arith.index_cast %get3A_3348 : i32 to index
      %get3A_3350 = arith.constant 32 : index
      %get3A_3351 = tpu.vector_load %arg6[%get3A_3349, %get3A_3350] {strides = array<i32>} : memref<80x128xf32, #tpu.memory_space<vmem>>, vector<1x16xf32>,
      %get3A_3352 = vector.shape_cast %get3A_3351 : vector<1x16xf32> to vector<16xf32>
      %add3A_3353 = arith.addf %add3A_3347, %get3A_3352 : vector<16xf32>
      %get3A_3354 = arith.constant 15 : i32
      %get3A_3355 = arith.index_cast %get3A_3354 : i32 to index
      %get3A_3356 = arith.constant 32 : index
      %get3A_3357 = tpu.vector_load %arg6[%get3A_3355, %get3A_3356] {strides = array<i32>} : memref<80x128xf32, #tpu.memory_space<vmem>>, vector<1x16xf32>,
      %get3A_3358 = vector.shape_cast %get3A_3357 : vector<1x16xf32> to vector<16xf32>
      %add3A_3359 = arith.addf %add3A_3353, %get3A_3358 : vector<16xf32>
      %get3A_3360 = arith.constant 19 : i32
      %get3A_3361 = arith.index_cast %get3A_3360 : i32 to index
      %get3A_3362 = arith.constant 32 : index
      %get3A_3363 = tpu.vector_load %arg6[%get3A_3361, %get3A_3362] {strides = array<i32>} : memref<80x128xf32, #tpu.memory_space<vmem>>, vector<1x16xf32>,
      %get3A_3364 = vector.shape_cast %get3A_3363 : vector<1x16xf32> to vector<16xf32>
      %add3A_3365 = arith.addf %add3A_3359, %get3A_3364 : vector<16xf32>
      %get3A_3366 = arith.constant 23 : i32
      %get3A_3367 = arith.index_cast %get3A_3366 : i32 to index
      %get3A_3368 = arith.constant 32 : index
      %get3A_3369 = tpu.vector_load %arg6[%get3A_3367, %get3A_3368] {strides = array<i32>} : memref<80x128xf32, #tpu.memory_space<vmem>>, vector<1x16xf32>,
      %get3A_3370 = vector.shape_cast %get3A_3369 : vector<1x16xf32> to vector<16xf32>
      %add3A_3371 = arith.addf %add3A_3365, %get3A_3370 : vector<16xf32>
      %get3A_3372 = arith.constant 27 : i32
      %get3A_3373 = arith.index_cast %get3A_3372 : i32 to index
      %get3A_3374 = arith.constant 32 : index
      %get3A_3375 = tpu.vector_load %arg6[%get3A_3373, %get3A_3374] {strides = array<i32>} : memref<80x128xf32, #tpu.memory_space<vmem>>, vector<1x16xf32>,
      %get3A_3376 = vector.shape_cast %get3A_3375 : vector<1x16xf32> to vector<16xf32>
      %add3A_3377 = arith.addf %add3A_3371, %get3A_3376 : vector<16xf32>
      %get3A_3378 = arith.constant 31 : i32
      %get3A_3379 = arith.index_cast %get3A_3378 : i32 to index
      %get3A_3380 = arith.constant 32 : index
      %get3A_3381 = tpu.vector_load %arg6[%get3A_3379, %get3A_3380] {strides = array<i32>} : memref<80x128xf32, #tpu.memory_space<vmem>>, vector<1x16xf32>,
      %get3A_3382 = vector.shape_cast %get3A_3381 : vector<1x16xf32> to vector<16xf32>
      %add3A_3383 = arith.addf %add3A_3377, %get3A_3382 : vector<16xf32>
      %get3A_3384 = arith.constant 35 : i32
      %get3A_3385 = arith.index_cast %get3A_3384 : i32 to index
      %get3A_3386 = arith.constant 32 : index
      %get3A_3387 = tpu.vector_load %arg6[%get3A_3385, %get3A_3386] {strides = array<i32>} : memref<80x128xf32, #tpu.memory_space<vmem>>, vector<1x16xf32>,
      %get3A_3388 = vector.shape_cast %get3A_3387 : vector<1x16xf32> to vector<16xf32>
      %add3A_3389 = arith.addf %add3A_3383, %get3A_3388 : vector<16xf32>
      %get3A_3390 = arith.constant 39 : i32
      %get3A_3391 = arith.index_cast %get3A_3390 : i32 to index
      %get3A_3392 = arith.constant 32 : index
      %get3A_3393 = tpu.vector_load %arg6[%get3A_3391, %get3A_3392] {strides = array<i32>} : memref<80x128xf32, #tpu.memory_space<vmem>>, vector<1x16xf32>,
      %get3A_3394 = vector.shape_cast %get3A_3393 : vector<1x16xf32> to vector<16xf32>
      %add3A_3395 = arith.addf %add3A_3389, %get3A_3394 : vector<16xf32>
      %get3A_3396 = arith.constant 43 : i32
      %get3A_3397 = arith.index_cast %get3A_3396 : i32 to index
      %get3A_3398 = arith.constant 32 : index
      %get3A_3399 = tpu.vector_load %arg6[%get3A_3397, %get3A_3398] {strides = array<i32>} : memref<80x128xf32, #tpu.memory_space<vmem>>, vector<1x16xf32>,
      %get3A_3400 = vector.shape_cast %get3A_3399 : vector<1x16xf32> to vector<16xf32>
      %add3A_3401 = arith.addf %add3A_3395, %get3A_3400 : vector<16xf32>
      %get3A_3402 = arith.constant 47 : i32
      %get3A_3403 = arith.index_cast %get3A_3402 : i32 to index
      %get3A_3404 = arith.constant 32 : index
      %get3A_3405 = tpu.vector_load %arg6[%get3A_3403, %get3A_3404] {strides = array<i32>} : memref<80x128xf32, #tpu.memory_space<vmem>>, vector<1x16xf32>,
      %get3A_3406 = vector.shape_cast %get3A_3405 : vector<1x16xf32> to vector<16xf32>
      %add3A_3407 = arith.addf %add3A_3401, %get3A_3406 : vector<16xf32>
      %get3A_3408 = arith.constant 51 : i32
      %get3A_3409 = arith.index_cast %get3A_3408 : i32 to index
      %get3A_3410 = arith.constant 32 : index
      %get3A_3411 = tpu.vector_load %arg6[%get3A_3409, %get3A_3410] {strides = array<i32>} : memref<80x128xf32, #tpu.memory_space<vmem>>, vector<1x16xf32>,
      %get3A_3412 = vector.shape_cast %get3A_3411 : vector<1x16xf32> to vector<16xf32>
      %add3A_3413 = arith.addf %add3A_3407, %get3A_3412 : vector<16xf32>
      %get3A_3414 = arith.constant 55 : i32
      %get3A_3415 = arith.index_cast %get3A_3414 : i32 to index
      %get3A_3416 = arith.constant 32 : index
      %get3A_3417 = tpu.vector_load %arg6[%get3A_3415, %get3A_3416] {strides = array<i32>} : memref<80x128xf32, #tpu.memory_space<vmem>>, vector<1x16xf32>,
      %get3A_3418 = vector.shape_cast %get3A_3417 : vector<1x16xf32> to vector<16xf32>
      %add3A_3419 = arith.addf %add3A_3413, %get3A_3418 : vector<16xf32>
      %get3A_3420 = arith.constant 59 : i32
      %get3A_3421 = arith.index_cast %get3A_3420 : i32 to index
      %get3A_3422 = arith.constant 32 : index
      %get3A_3423 = tpu.vector_load %arg6[%get3A_3421, %get3A_3422] {strides = array<i32>} : memref<80x128xf32, #tpu.memory_space<vmem>>, vector<1x16xf32>,
      %get3A_3424 = vector.shape_cast %get3A_3423 : vector<1x16xf32> to vector<16xf32>
      %add3A_3425 = arith.addf %add3A_3419, %get3A_3424 : vector<16xf32>
      %get3A_3426 = arith.constant 63 : i32
      %get3A_3427 = arith.index_cast %get3A_3426 : i32 to index
      %get3A_3428 = arith.constant 32 : index
      %get3A_3429 = tpu.vector_load %arg6[%get3A_3427, %get3A_3428] {strides = array<i32>} : memref<80x128xf32, #tpu.memory_space<vmem>>, vector<1x16xf32>,
      %get3A_3430 = vector.shape_cast %get3A_3429 : vector<1x16xf32> to vector<16xf32>
      %add3A_3431 = arith.addf %add3A_3425, %get3A_3430 : vector<16xf32>
      %get3A_3432 = arith.constant 67 : i32
      %get3A_3433 = arith.index_cast %get3A_3432 : i32 to index
      %get3A_3434 = arith.constant 32 : index
      %get3A_3435 = tpu.vector_load %arg6[%get3A_3433, %get3A_3434] {strides = array<i32>} : memref<80x128xf32, #tpu.memory_space<vmem>>, vector<1x16xf32>,
      %get3A_3436 = vector.shape_cast %get3A_3435 : vector<1x16xf32> to vector<16xf32>
      %add3A_3437 = arith.addf %add3A_3431, %get3A_3436 : vector<16xf32>
      %get3A_3438 = arith.constant 71 : i32
      %get3A_3439 = arith.index_cast %get3A_3438 : i32 to index
      %get3A_3440 = arith.constant 32 : index
      %get3A_3441 = tpu.vector_load %arg6[%get3A_3439, %get3A_3440] {strides = array<i32>} : memref<80x128xf32, #tpu.memory_space<vmem>>, vector<1x16xf32>,
      %get3A_3442 = vector.shape_cast %get3A_3441 : vector<1x16xf32> to vector<16xf32>
      %add3A_3443 = arith.addf %add3A_3437, %get3A_3442 : vector<16xf32>
      %get3A_3444 = arith.constant 75 : i32
      %get3A_3445 = arith.index_cast %get3A_3444 : i32 to index
      %get3A_3446 = arith.constant 32 : index
      %get3A_3447 = tpu.vector_load %arg6[%get3A_3445, %get3A_3446] {strides = array<i32>} : memref<80x128xf32, #tpu.memory_space<vmem>>, vector<1x16xf32>,
      %get3A_3448 = vector.shape_cast %get3A_3447 : vector<1x16xf32> to vector<16xf32>
      %add3A_3449 = arith.addf %add3A_3443, %get3A_3448 : vector<16xf32>
      %get3A_3450 = arith.constant 79 : i32
      %get3A_3451 = arith.index_cast %get3A_3450 : i32 to index
      %get3A_3452 = arith.constant 32 : index
      %get3A_3453 = tpu.vector_load %arg6[%get3A_3451, %get3A_3452] {strides = array<i32>} : memref<80x128xf32, #tpu.memory_space<vmem>>, vector<1x16xf32>,
      %get3A_3454 = vector.shape_cast %get3A_3453 : vector<1x16xf32> to vector<16xf32>
      %add3A_3455 = arith.addf %add3A_3449, %get3A_3454 : vector<16xf32>
      %mul3A_3456 = arith.constant 5.000000e-02 : f32
      %mul3A_3457 = vector.broadcast %mul3A_3456 : f32 to vector<16xf32>
      %mul3A_3458 = arith.mulf %add3A_3455, %mul3A_3457 : vector<16xf32>
      %swap3A_3459 = arith.constant 0 : i32
      %swap3A_3460 = arith.index_cast %swap3A_3459 : i32 to index
      %swap3A_3461 = arith.constant 416 : index
      %swap3A_3462 = tpu.vector_load %arg7[%swap3A_3460, %swap3A_3461] {strides = array<i32>} : memref<1x512xf32, #tpu.memory_space<vmem>>, vector<1x16xf32>,
      %swap3A_3463 = vector.shape_cast %swap3A_3462 : vector<1x16xf32> to vector<16xf32>
      %swap3A_3464 = vector.shape_cast %mul3A_3458 : vector<16xf32> to vector<1x16xf32>
      tpu.vector_store %arg7[%swap3A_3460, %swap3A_3461], %swap3A_3464 {strides = array<i32>} : memref<1x512xf32, #tpu.memory_space<vmem>>, vector<1x16xf32>,
      %get3A_3465 = arith.constant 3 : i32
      %get3A_3466 = arith.index_cast %get3A_3465 : i32 to index
      %get3A_3467 = arith.constant 48 : index
      %get3A_3468 = tpu.vector_load %arg6[%get3A_3466, %get3A_3467] {strides = array<i32>} : memref<80x128xf32, #tpu.memory_space<vmem>>, vector<1x16xf32>,
      %get3A_3469 = vector.shape_cast %get3A_3468 : vector<1x16xf32> to vector<16xf32>
      %get3A_3470 = arith.constant 7 : i32
      %get3A_3471 = arith.index_cast %get3A_3470 : i32 to index
      %get3A_3472 = arith.constant 48 : index
      %get3A_3473 = tpu.vector_load %arg6[%get3A_3471, %get3A_3472] {strides = array<i32>} : memref<80x128xf32, #tpu.memory_space<vmem>>, vector<1x16xf32>,
      %get3A_3474 = vector.shape_cast %get3A_3473 : vector<1x16xf32> to vector<16xf32>
      %add3A_3475 = arith.addf %get3A_3469, %get3A_3474 : vector<16xf32>
      %get3A_3476 = arith.constant 11 : i32
      %get3A_3477 = arith.index_cast %get3A_3476 : i32 to index
      %get3A_3478 = arith.constant 48 : index
      %get3A_3479 = tpu.vector_load %arg6[%get3A_3477, %get3A_3478] {strides = array<i32>} : memref<80x128xf32, #tpu.memory_space<vmem>>, vector<1x16xf32>,
      %get3A_3480 = vector.shape_cast %get3A_3479 : vector<1x16xf32> to vector<16xf32>
      %add3A_3481 = arith.addf %add3A_3475, %get3A_3480 : vector<16xf32>
      %get3A_3482 = arith.constant 15 : i32
      %get3A_3483 = arith.index_cast %get3A_3482 : i32 to index
      %get3A_3484 = arith.constant 48 : index
      %get3A_3485 = tpu.vector_load %arg6[%get3A_3483, %get3A_3484] {strides = array<i32>} : memref<80x128xf32, #tpu.memory_space<vmem>>, vector<1x16xf32>,
      %get3A_3486 = vector.shape_cast %get3A_3485 : vector<1x16xf32> to vector<16xf32>
      %add3A_3487 = arith.addf %add3A_3481, %get3A_3486 : vector<16xf32>
      %get3A_3488 = arith.constant 19 : i32
      %get3A_3489 = arith.index_cast %get3A_3488 : i32 to index
      %get3A_3490 = arith.constant 48 : index
      %get3A_3491 = tpu.vector_load %arg6[%get3A_3489, %get3A_3490] {strides = array<i32>} : memref<80x128xf32, #tpu.memory_space<vmem>>, vector<1x16xf32>,
      %get3A_3492 = vector.shape_cast %get3A_3491 : vector<1x16xf32> to vector<16xf32>
      %add3A_3493 = arith.addf %add3A_3487, %get3A_3492 : vector<16xf32>
      %get3A_3494 = arith.constant 23 : i32
      %get3A_3495 = arith.index_cast %get3A_3494 : i32 to index
      %get3A_3496 = arith.constant 48 : index
      %get3A_3497 = tpu.vector_load %arg6[%get3A_3495, %get3A_3496] {strides = array<i32>} : memref<80x128xf32, #tpu.memory_space<vmem>>, vector<1x16xf32>,
      %get3A_3498 = vector.shape_cast %get3A_3497 : vector<1x16xf32> to vector<16xf32>
      %add3A_3499 = arith.addf %add3A_3493, %get3A_3498 : vector<16xf32>
      %get3A_3500 = arith.constant 27 : i32
      %get3A_3501 = arith.index_cast %get3A_3500 : i32 to index
      %get3A_3502 = arith.constant 48 : index
      %get3A_3503 = tpu.vector_load %arg6[%get3A_3501, %get3A_3502] {strides = array<i32>} : memref<80x128xf32, #tpu.memory_space<vmem>>, vector<1x16xf32>,
      %get3A_3504 = vector.shape_cast %get3A_3503 : vector<1x16xf32> to vector<16xf32>
      %add3A_3505 = arith.addf %add3A_3499, %get3A_3504 : vector<16xf32>
      %get3A_3506 = arith.constant 31 : i32
      %get3A_3507 = arith.index_cast %get3A_3506 : i32 to index
      %get3A_3508 = arith.constant 48 : index
      %get3A_3509 = tpu.vector_load %arg6[%get3A_3507, %get3A_3508] {strides = array<i32>} : memref<80x128xf32, #tpu.memory_space<vmem>>, vector<1x16xf32>,
      %get3A_3510 = vector.shape_cast %get3A_3509 : vector<1x16xf32> to vector<16xf32>
      %add3A_3511 = arith.addf %add3A_3505, %get3A_3510 : vector<16xf32>
      %get3A_3512 = arith.constant 35 : i32
      %get3A_3513 = arith.index_cast %get3A_3512 : i32 to index
      %get3A_3514 = arith.constant 48 : index
      %get3A_3515 = tpu.vector_load %arg6[%get3A_3513, %get3A_3514] {strides = array<i32>} : memref<80x128xf32, #tpu.memory_space<vmem>>, vector<1x16xf32>,
      %get3A_3516 = vector.shape_cast %get3A_3515 : vector<1x16xf32> to vector<16xf32>
      %add3A_3517 = arith.addf %add3A_3511, %get3A_3516 : vector<16xf32>
      %get3A_3518 = arith.constant 39 : i32
      %get3A_3519 = arith.index_cast %get3A_3518 : i32 to index
      %get3A_3520 = arith.constant 48 : index
      %get3A_3521 = tpu.vector_load %arg6[%get3A_3519, %get3A_3520] {strides = array<i32>} : memref<80x128xf32, #tpu.memory_space<vmem>>, vector<1x16xf32>,
      %get3A_3522 = vector.shape_cast %get3A_3521 : vector<1x16xf32> to vector<16xf32>
      %add3A_3523 = arith.addf %add3A_3517, %get3A_3522 : vector<16xf32>
      %get3A_3524 = arith.constant 43 : i32
      %get3A_3525 = arith.index_cast %get3A_3524 : i32 to index
      %get3A_3526 = arith.constant 48 : index
      %get3A_3527 = tpu.vector_load %arg6[%get3A_3525, %get3A_3526] {strides = array<i32>} : memref<80x128xf32, #tpu.memory_space<vmem>>, vector<1x16xf32>,
      %get3A_3528 = vector.shape_cast %get3A_3527 : vector<1x16xf32> to vector<16xf32>
      %add3A_3529 = arith.addf %add3A_3523, %get3A_3528 : vector<16xf32>
      %get3A_3530 = arith.constant 47 : i32
      %get3A_3531 = arith.index_cast %get3A_3530 : i32 to index
      %get3A_3532 = arith.constant 48 : index
      %get3A_3533 = tpu.vector_load %arg6[%get3A_3531, %get3A_3532] {strides = array<i32>} : memref<80x128xf32, #tpu.memory_space<vmem>>, vector<1x16xf32>,
      %get3A_3534 = vector.shape_cast %get3A_3533 : vector<1x16xf32> to vector<16xf32>
      %add3A_3535 = arith.addf %add3A_3529, %get3A_3534 : vector<16xf32>
      %get3A_3536 = arith.constant 51 : i32
      %get3A_3537 = arith.index_cast %get3A_3536 : i32 to index
      %get3A_3538 = arith.constant 48 : index
      %get3A_3539 = tpu.vector_load %arg6[%get3A_3537, %get3A_3538] {strides = array<i32>} : memref<80x128xf32, #tpu.memory_space<vmem>>, vector<1x16xf32>,
      %get3A_3540 = vector.shape_cast %get3A_3539 : vector<1x16xf32> to vector<16xf32>
      %add3A_3541 = arith.addf %add3A_3535, %get3A_3540 : vector<16xf32>
      %get3A_3542 = arith.constant 55 : i32
      %get3A_3543 = arith.index_cast %get3A_3542 : i32 to index
      %get3A_3544 = arith.constant 48 : index
      %get3A_3545 = tpu.vector_load %arg6[%get3A_3543, %get3A_3544] {strides = array<i32>} : memref<80x128xf32, #tpu.memory_space<vmem>>, vector<1x16xf32>,
      %get3A_3546 = vector.shape_cast %get3A_3545 : vector<1x16xf32> to vector<16xf32>
      %add3A_3547 = arith.addf %add3A_3541, %get3A_3546 : vector<16xf32>
      %get3A_3548 = arith.constant 59 : i32
      %get3A_3549 = arith.index_cast %get3A_3548 : i32 to index
      %get3A_3550 = arith.constant 48 : index
      %get3A_3551 = tpu.vector_load %arg6[%get3A_3549, %get3A_3550] {strides = array<i32>} : memref<80x128xf32, #tpu.memory_space<vmem>>, vector<1x16xf32>,
      %get3A_3552 = vector.shape_cast %get3A_3551 : vector<1x16xf32> to vector<16xf32>
      %add3A_3553 = arith.addf %add3A_3547, %get3A_3552 : vector<16xf32>
      %get3A_3554 = arith.constant 63 : i32
      %get3A_3555 = arith.index_cast %get3A_3554 : i32 to index
      %get3A_3556 = arith.constant 48 : index
      %get3A_3557 = tpu.vector_load %arg6[%get3A_3555, %get3A_3556] {strides = array<i32>} : memref<80x128xf32, #tpu.memory_space<vmem>>, vector<1x16xf32>,
      %get3A_3558 = vector.shape_cast %get3A_3557 : vector<1x16xf32> to vector<16xf32>
      %add3A_3559 = arith.addf %add3A_3553, %get3A_3558 : vector<16xf32>
      %get3A_3560 = arith.constant 67 : i32
      %get3A_3561 = arith.index_cast %get3A_3560 : i32 to index
      %get3A_3562 = arith.constant 48 : index
      %get3A_3563 = tpu.vector_load %arg6[%get3A_3561, %get3A_3562] {strides = array<i32>} : memref<80x128xf32, #tpu.memory_space<vmem>>, vector<1x16xf32>,
      %get3A_3564 = vector.shape_cast %get3A_3563 : vector<1x16xf32> to vector<16xf32>
      %add3A_3565 = arith.addf %add3A_3559, %get3A_3564 : vector<16xf32>
      %get3A_3566 = arith.constant 71 : i32
      %get3A_3567 = arith.index_cast %get3A_3566 : i32 to index
      %get3A_3568 = arith.constant 48 : index
      %get3A_3569 = tpu.vector_load %arg6[%get3A_3567, %get3A_3568] {strides = array<i32>} : memref<80x128xf32, #tpu.memory_space<vmem>>, vector<1x16xf32>,
      %get3A_3570 = vector.shape_cast %get3A_3569 : vector<1x16xf32> to vector<16xf32>
      %add3A_3571 = arith.addf %add3A_3565, %get3A_3570 : vector<16xf32>
      %get3A_3572 = arith.constant 75 : i32
      %get3A_3573 = arith.index_cast %get3A_3572 : i32 to index
      %get3A_3574 = arith.constant 48 : index
      %get3A_3575 = tpu.vector_load %arg6[%get3A_3573, %get3A_3574] {strides = array<i32>} : memref<80x128xf32, #tpu.memory_space<vmem>>, vector<1x16xf32>,
      %get3A_3576 = vector.shape_cast %get3A_3575 : vector<1x16xf32> to vector<16xf32>
      %add3A_3577 = arith.addf %add3A_3571, %get3A_3576 : vector<16xf32>
      %get3A_3578 = arith.constant 79 : i32
      %get3A_3579 = arith.index_cast %get3A_3578 : i32 to index
      %get3A_3580 = arith.constant 48 : index
      %get3A_3581 = tpu.vector_load %arg6[%get3A_3579, %get3A_3580] {strides = array<i32>} : memref<80x128xf32, #tpu.memory_space<vmem>>, vector<1x16xf32>,
      %get3A_3582 = vector.shape_cast %get3A_3581 : vector<1x16xf32> to vector<16xf32>
      %add3A_3583 = arith.addf %add3A_3577, %get3A_3582 : vector<16xf32>
      %mul3A_3584 = arith.constant 5.000000e-02 : f32
      %mul3A_3585 = vector.broadcast %mul3A_3584 : f32 to vector<16xf32>
      %mul3A_3586 = arith.mulf %add3A_3583, %mul3A_3585 : vector<16xf32>
      %swap3A_3587 = arith.constant 0 : i32
      %swap3A_3588 = arith.index_cast %swap3A_3587 : i32 to index
      %swap3A_3589 = arith.constant 432 : index
      %swap3A_3590 = tpu.vector_load %arg7[%swap3A_3588, %swap3A_3589] {strides = array<i32>} : memref<1x512xf32, #tpu.memory_space<vmem>>, vector<1x16xf32>,
      %swap3A_3591 = vector.shape_cast %swap3A_3590 : vector<1x16xf32> to vector<16xf32>
      %swap3A_3592 = vector.shape_cast %mul3A_3586 : vector<16xf32> to vector<1x16xf32>
      tpu.vector_store %arg7[%swap3A_3588, %swap3A_3589], %swap3A_3592 {strides = array<i32>} : memref<1x512xf32, #tpu.memory_space<vmem>>, vector<1x16xf32>,
      %get3A_3593 = arith.constant 3 : i32
      %get3A_3594 = arith.index_cast %get3A_3593 : i32 to index
      %get3A_3595 = arith.constant 64 : index
      %get3A_3596 = tpu.vector_load %arg6[%get3A_3594, %get3A_3595] {strides = array<i32>} : memref<80x128xf32, #tpu.memory_space<vmem>>, vector<1x16xf32>,
      %get3A_3597 = vector.shape_cast %get3A_3596 : vector<1x16xf32> to vector<16xf32>
      %get3A_3598 = arith.constant 7 : i32
      %get3A_3599 = arith.index_cast %get3A_3598 : i32 to index
      %get3A_3600 = arith.constant 64 : index
      %get3A_3601 = tpu.vector_load %arg6[%get3A_3599, %get3A_3600] {strides = array<i32>} : memref<80x128xf32, #tpu.memory_space<vmem>>, vector<1x16xf32>,
      %get3A_3602 = vector.shape_cast %get3A_3601 : vector<1x16xf32> to vector<16xf32>
      %add3A_3603 = arith.addf %get3A_3597, %get3A_3602 : vector<16xf32>
      %get3A_3604 = arith.constant 11 : i32
      %get3A_3605 = arith.index_cast %get3A_3604 : i32 to index
      %get3A_3606 = arith.constant 64 : index
      %get3A_3607 = tpu.vector_load %arg6[%get3A_3605, %get3A_3606] {strides = array<i32>} : memref<80x128xf32, #tpu.memory_space<vmem>>, vector<1x16xf32>,
      %get3A_3608 = vector.shape_cast %get3A_3607 : vector<1x16xf32> to vector<16xf32>
      %add3A_3609 = arith.addf %add3A_3603, %get3A_3608 : vector<16xf32>
      %get3A_3610 = arith.constant 15 : i32
      %get3A_3611 = arith.index_cast %get3A_3610 : i32 to index
      %get3A_3612 = arith.constant 64 : index
      %get3A_3613 = tpu.vector_load %arg6[%get3A_3611, %get3A_3612] {strides = array<i32>} : memref<80x128xf32, #tpu.memory_space<vmem>>, vector<1x16xf32>,
      %get3A_3614 = vector.shape_cast %get3A_3613 : vector<1x16xf32> to vector<16xf32>
      %add3A_3615 = arith.addf %add3A_3609, %get3A_3614 : vector<16xf32>
      %get3A_3616 = arith.constant 19 : i32
      %get3A_3617 = arith.index_cast %get3A_3616 : i32 to index
      %get3A_3618 = arith.constant 64 : index
      %get3A_3619 = tpu.vector_load %arg6[%get3A_3617, %get3A_3618] {strides = array<i32>} : memref<80x128xf32, #tpu.memory_space<vmem>>, vector<1x16xf32>,
      %get3A_3620 = vector.shape_cast %get3A_3619 : vector<1x16xf32> to vector<16xf32>
      %add3A_3621 = arith.addf %add3A_3615, %get3A_3620 : vector<16xf32>
      %get3A_3622 = arith.constant 23 : i32
      %get3A_3623 = arith.index_cast %get3A_3622 : i32 to index
      %get3A_3624 = arith.constant 64 : index
      %get3A_3625 = tpu.vector_load %arg6[%get3A_3623, %get3A_3624] {strides = array<i32>} : memref<80x128xf32, #tpu.memory_space<vmem>>, vector<1x16xf32>,
      %get3A_3626 = vector.shape_cast %get3A_3625 : vector<1x16xf32> to vector<16xf32>
      %add3A_3627 = arith.addf %add3A_3621, %get3A_3626 : vector<16xf32>
      %get3A_3628 = arith.constant 27 : i32
      %get3A_3629 = arith.index_cast %get3A_3628 : i32 to index
      %get3A_3630 = arith.constant 64 : index
      %get3A_3631 = tpu.vector_load %arg6[%get3A_3629, %get3A_3630] {strides = array<i32>} : memref<80x128xf32, #tpu.memory_space<vmem>>, vector<1x16xf32>,
      %get3A_3632 = vector.shape_cast %get3A_3631 : vector<1x16xf32> to vector<16xf32>
      %add3A_3633 = arith.addf %add3A_3627, %get3A_3632 : vector<16xf32>
      %get3A_3634 = arith.constant 31 : i32
      %get3A_3635 = arith.index_cast %get3A_3634 : i32 to index
      %get3A_3636 = arith.constant 64 : index
      %get3A_3637 = tpu.vector_load %arg6[%get3A_3635, %get3A_3636] {strides = array<i32>} : memref<80x128xf32, #tpu.memory_space<vmem>>, vector<1x16xf32>,
      %get3A_3638 = vector.shape_cast %get3A_3637 : vector<1x16xf32> to vector<16xf32>
      %add3A_3639 = arith.addf %add3A_3633, %get3A_3638 : vector<16xf32>
      %get3A_3640 = arith.constant 35 : i32
      %get3A_3641 = arith.index_cast %get3A_3640 : i32 to index
      %get3A_3642 = arith.constant 64 : index
      %get3A_3643 = tpu.vector_load %arg6[%get3A_3641, %get3A_3642] {strides = array<i32>} : memref<80x128xf32, #tpu.memory_space<vmem>>, vector<1x16xf32>,
      %get3A_3644 = vector.shape_cast %get3A_3643 : vector<1x16xf32> to vector<16xf32>
      %add3A_3645 = arith.addf %add3A_3639, %get3A_3644 : vector<16xf32>
      %get3A_3646 = arith.constant 39 : i32
      %get3A_3647 = arith.index_cast %get3A_3646 : i32 to index
      %get3A_3648 = arith.constant 64 : index
      %get3A_3649 = tpu.vector_load %arg6[%get3A_3647, %get3A_3648] {strides = array<i32>} : memref<80x128xf32, #tpu.memory_space<vmem>>, vector<1x16xf32>,
      %get3A_3650 = vector.shape_cast %get3A_3649 : vector<1x16xf32> to vector<16xf32>
      %add3A_3651 = arith.addf %add3A_3645, %get3A_3650 : vector<16xf32>
      %get3A_3652 = arith.constant 43 : i32
      %get3A_3653 = arith.index_cast %get3A_3652 : i32 to index
      %get3A_3654 = arith.constant 64 : index
      %get3A_3655 = tpu.vector_load %arg6[%get3A_3653, %get3A_3654] {strides = array<i32>} : memref<80x128xf32, #tpu.memory_space<vmem>>, vector<1x16xf32>,
      %get3A_3656 = vector.shape_cast %get3A_3655 : vector<1x16xf32> to vector<16xf32>
      %add3A_3657 = arith.addf %add3A_3651, %get3A_3656 : vector<16xf32>
      %get3A_3658 = arith.constant 47 : i32
      %get3A_3659 = arith.index_cast %get3A_3658 : i32 to index
      %get3A_3660 = arith.constant 64 : index
      %get3A_3661 = tpu.vector_load %arg6[%get3A_3659, %get3A_3660] {strides = array<i32>} : memref<80x128xf32, #tpu.memory_space<vmem>>, vector<1x16xf32>,
      %get3A_3662 = vector.shape_cast %get3A_3661 : vector<1x16xf32> to vector<16xf32>
      %add3A_3663 = arith.addf %add3A_3657, %get3A_3662 : vector<16xf32>
      %get3A_3664 = arith.constant 51 : i32
      %get3A_3665 = arith.index_cast %get3A_3664 : i32 to index
      %get3A_3666 = arith.constant 64 : index
      %get3A_3667 = tpu.vector_load %arg6[%get3A_3665, %get3A_3666] {strides = array<i32>} : memref<80x128xf32, #tpu.memory_space<vmem>>, vector<1x16xf32>,
      %get3A_3668 = vector.shape_cast %get3A_3667 : vector<1x16xf32> to vector<16xf32>
      %add3A_3669 = arith.addf %add3A_3663, %get3A_3668 : vector<16xf32>
      %get3A_3670 = arith.constant 55 : i32
      %get3A_3671 = arith.index_cast %get3A_3670 : i32 to index
      %get3A_3672 = arith.constant 64 : index
      %get3A_3673 = tpu.vector_load %arg6[%get3A_3671, %get3A_3672] {strides = array<i32>} : memref<80x128xf32, #tpu.memory_space<vmem>>, vector<1x16xf32>,
      %get3A_3674 = vector.shape_cast %get3A_3673 : vector<1x16xf32> to vector<16xf32>
      %add3A_3675 = arith.addf %add3A_3669, %get3A_3674 : vector<16xf32>
      %get3A_3676 = arith.constant 59 : i32
      %get3A_3677 = arith.index_cast %get3A_3676 : i32 to index
      %get3A_3678 = arith.constant 64 : index
      %get3A_3679 = tpu.vector_load %arg6[%get3A_3677, %get3A_3678] {strides = array<i32>} : memref<80x128xf32, #tpu.memory_space<vmem>>, vector<1x16xf32>,
      %get3A_3680 = vector.shape_cast %get3A_3679 : vector<1x16xf32> to vector<16xf32>
      %add3A_3681 = arith.addf %add3A_3675, %get3A_3680 : vector<16xf32>
      %get3A_3682 = arith.constant 63 : i32
      %get3A_3683 = arith.index_cast %get3A_3682 : i32 to index
      %get3A_3684 = arith.constant 64 : index
      %get3A_3685 = tpu.vector_load %arg6[%get3A_3683, %get3A_3684] {strides = array<i32>} : memref<80x128xf32, #tpu.memory_space<vmem>>, vector<1x16xf32>,
      %get3A_3686 = vector.shape_cast %get3A_3685 : vector<1x16xf32> to vector<16xf32>
      %add3A_3687 = arith.addf %add3A_3681, %get3A_3686 : vector<16xf32>
      %get3A_3688 = arith.constant 67 : i32
      %get3A_3689 = arith.index_cast %get3A_3688 : i32 to index
      %get3A_3690 = arith.constant 64 : index
      %get3A_3691 = tpu.vector_load %arg6[%get3A_3689, %get3A_3690] {strides = array<i32>} : memref<80x128xf32, #tpu.memory_space<vmem>>, vector<1x16xf32>,
      %get3A_3692 = vector.shape_cast %get3A_3691 : vector<1x16xf32> to vector<16xf32>
      %add3A_3693 = arith.addf %add3A_3687, %get3A_3692 : vector<16xf32>
      %get3A_3694 = arith.constant 71 : i32
      %get3A_3695 = arith.index_cast %get3A_3694 : i32 to index
      %get3A_3696 = arith.constant 64 : index
      %get3A_3697 = tpu.vector_load %arg6[%get3A_3695, %get3A_3696] {strides = array<i32>} : memref<80x128xf32, #tpu.memory_space<vmem>>, vector<1x16xf32>,
      %get3A_3698 = vector.shape_cast %get3A_3697 : vector<1x16xf32> to vector<16xf32>
      %add3A_3699 = arith.addf %add3A_3693, %get3A_3698 : vector<16xf32>
      %get3A_3700 = arith.constant 75 : i32
      %get3A_3701 = arith.index_cast %get3A_3700 : i32 to index
      %get3A_3702 = arith.constant 64 : index
      %get3A_3703 = tpu.vector_load %arg6[%get3A_3701, %get3A_3702] {strides = array<i32>} : memref<80x128xf32, #tpu.memory_space<vmem>>, vector<1x16xf32>,
      %get3A_3704 = vector.shape_cast %get3A_3703 : vector<1x16xf32> to vector<16xf32>
      %add3A_3705 = arith.addf %add3A_3699, %get3A_3704 : vector<16xf32>
      %get3A_3706 = arith.constant 79 : i32
      %get3A_3707 = arith.index_cast %get3A_3706 : i32 to index
      %get3A_3708 = arith.constant 64 : index
      %get3A_3709 = tpu.vector_load %arg6[%get3A_3707, %get3A_3708] {strides = array<i32>} : memref<80x128xf32, #tpu.memory_space<vmem>>, vector<1x16xf32>,
      %get3A_3710 = vector.shape_cast %get3A_3709 : vector<1x16xf32> to vector<16xf32>
      %add3A_3711 = arith.addf %add3A_3705, %get3A_3710 : vector<16xf32>
      %mul3A_3712 = arith.constant 5.000000e-02 : f32
      %mul3A_3713 = vector.broadcast %mul3A_3712 : f32 to vector<16xf32>
      %mul3A_3714 = arith.mulf %add3A_3711, %mul3A_3713 : vector<16xf32>
      %swap3A_3715 = arith.constant 0 : i32
      %swap3A_3716 = arith.index_cast %swap3A_3715 : i32 to index
      %swap3A_3717 = arith.constant 448 : index
      %swap3A_3718 = tpu.vector_load %arg7[%swap3A_3716, %swap3A_3717] {strides = array<i32>} : memref<1x512xf32, #tpu.memory_space<vmem>>, vector<1x16xf32>,
      %swap3A_3719 = vector.shape_cast %swap3A_3718 : vector<1x16xf32> to vector<16xf32>
      %swap3A_3720 = vector.shape_cast %mul3A_3714 : vector<16xf32> to vector<1x16xf32>
      tpu.vector_store %arg7[%swap3A_3716, %swap3A_3717], %swap3A_3720 {strides = array<i32>} : memref<1x512xf32, #tpu.memory_space<vmem>>, vector<1x16xf32>,
      %get3A_3721 = arith.constant 3 : i32
      %get3A_3722 = arith.index_cast %get3A_3721 : i32 to index
      %get3A_3723 = arith.constant 80 : index
      %get3A_3724 = tpu.vector_load %arg6[%get3A_3722, %get3A_3723] {strides = array<i32>} : memref<80x128xf32, #tpu.memory_space<vmem>>, vector<1x16xf32>,
      %get3A_3725 = vector.shape_cast %get3A_3724 : vector<1x16xf32> to vector<16xf32>
      %get3A_3726 = arith.constant 7 : i32
      %get3A_3727 = arith.index_cast %get3A_3726 : i32 to index
      %get3A_3728 = arith.constant 80 : index
      %get3A_3729 = tpu.vector_load %arg6[%get3A_3727, %get3A_3728] {strides = array<i32>} : memref<80x128xf32, #tpu.memory_space<vmem>>, vector<1x16xf32>,
      %get3A_3730 = vector.shape_cast %get3A_3729 : vector<1x16xf32> to vector<16xf32>
      %add3A_3731 = arith.addf %get3A_3725, %get3A_3730 : vector<16xf32>
      %get3A_3732 = arith.constant 11 : i32
      %get3A_3733 = arith.index_cast %get3A_3732 : i32 to index
      %get3A_3734 = arith.constant 80 : index
      %get3A_3735 = tpu.vector_load %arg6[%get3A_3733, %get3A_3734] {strides = array<i32>} : memref<80x128xf32, #tpu.memory_space<vmem>>, vector<1x16xf32>,
      %get3A_3736 = vector.shape_cast %get3A_3735 : vector<1x16xf32> to vector<16xf32>
      %add3A_3737 = arith.addf %add3A_3731, %get3A_3736 : vector<16xf32>
      %get3A_3738 = arith.constant 15 : i32
      %get3A_3739 = arith.index_cast %get3A_3738 : i32 to index
      %get3A_3740 = arith.constant 80 : index
      %get3A_3741 = tpu.vector_load %arg6[%get3A_3739, %get3A_3740] {strides = array<i32>} : memref<80x128xf32, #tpu.memory_space<vmem>>, vector<1x16xf32>,
      %get3A_3742 = vector.shape_cast %get3A_3741 : vector<1x16xf32> to vector<16xf32>
      %add3A_3743 = arith.addf %add3A_3737, %get3A_3742 : vector<16xf32>
      %get3A_3744 = arith.constant 19 : i32
      %get3A_3745 = arith.index_cast %get3A_3744 : i32 to index
      %get3A_3746 = arith.constant 80 : index
      %get3A_3747 = tpu.vector_load %arg6[%get3A_3745, %get3A_3746] {strides = array<i32>} : memref<80x128xf32, #tpu.memory_space<vmem>>, vector<1x16xf32>,
      %get3A_3748 = vector.shape_cast %get3A_3747 : vector<1x16xf32> to vector<16xf32>
      %add3A_3749 = arith.addf %add3A_3743, %get3A_3748 : vector<16xf32>
      %get3A_3750 = arith.constant 23 : i32
      %get3A_3751 = arith.index_cast %get3A_3750 : i32 to index
      %get3A_3752 = arith.constant 80 : index
      %get3A_3753 = tpu.vector_load %arg6[%get3A_3751, %get3A_3752] {strides = array<i32>} : memref<80x128xf32, #tpu.memory_space<vmem>>, vector<1x16xf32>,
      %get3A_3754 = vector.shape_cast %get3A_3753 : vector<1x16xf32> to vector<16xf32>
      %add3A_3755 = arith.addf %add3A_3749, %get3A_3754 : vector<16xf32>
      %get3A_3756 = arith.constant 27 : i32
      %get3A_3757 = arith.index_cast %get3A_3756 : i32 to index
      %get3A_3758 = arith.constant 80 : index
      %get3A_3759 = tpu.vector_load %arg6[%get3A_3757, %get3A_3758] {strides = array<i32>} : memref<80x128xf32, #tpu.memory_space<vmem>>, vector<1x16xf32>,
      %get3A_3760 = vector.shape_cast %get3A_3759 : vector<1x16xf32> to vector<16xf32>
      %add3A_3761 = arith.addf %add3A_3755, %get3A_3760 : vector<16xf32>
      %get3A_3762 = arith.constant 31 : i32
      %get3A_3763 = arith.index_cast %get3A_3762 : i32 to index
      %get3A_3764 = arith.constant 80 : index
      %get3A_3765 = tpu.vector_load %arg6[%get3A_3763, %get3A_3764] {strides = array<i32>} : memref<80x128xf32, #tpu.memory_space<vmem>>, vector<1x16xf32>,
      %get3A_3766 = vector.shape_cast %get3A_3765 : vector<1x16xf32> to vector<16xf32>
      %add3A_3767 = arith.addf %add3A_3761, %get3A_3766 : vector<16xf32>
      %get3A_3768 = arith.constant 35 : i32
      %get3A_3769 = arith.index_cast %get3A_3768 : i32 to index
      %get3A_3770 = arith.constant 80 : index
      %get3A_3771 = tpu.vector_load %arg6[%get3A_3769, %get3A_3770] {strides = array<i32>} : memref<80x128xf32, #tpu.memory_space<vmem>>, vector<1x16xf32>,
      %get3A_3772 = vector.shape_cast %get3A_3771 : vector<1x16xf32> to vector<16xf32>
      %add3A_3773 = arith.addf %add3A_3767, %get3A_3772 : vector<16xf32>
      %get3A_3774 = arith.constant 39 : i32
      %get3A_3775 = arith.index_cast %get3A_3774 : i32 to index
      %get3A_3776 = arith.constant 80 : index
      %get3A_3777 = tpu.vector_load %arg6[%get3A_3775, %get3A_3776] {strides = array<i32>} : memref<80x128xf32, #tpu.memory_space<vmem>>, vector<1x16xf32>,
      %get3A_3778 = vector.shape_cast %get3A_3777 : vector<1x16xf32> to vector<16xf32>
      %add3A_3779 = arith.addf %add3A_3773, %get3A_3778 : vector<16xf32>
      %get3A_3780 = arith.constant 43 : i32
      %get3A_3781 = arith.index_cast %get3A_3780 : i32 to index
      %get3A_3782 = arith.constant 80 : index
      %get3A_3783 = tpu.vector_load %arg6[%get3A_3781, %get3A_3782] {strides = array<i32>} : memref<80x128xf32, #tpu.memory_space<vmem>>, vector<1x16xf32>,
      %get3A_3784 = vector.shape_cast %get3A_3783 : vector<1x16xf32> to vector<16xf32>
      %add3A_3785 = arith.addf %add3A_3779, %get3A_3784 : vector<16xf32>
      %get3A_3786 = arith.constant 47 : i32
      %get3A_3787 = arith.index_cast %get3A_3786 : i32 to index
      %get3A_3788 = arith.constant 80 : index
      %get3A_3789 = tpu.vector_load %arg6[%get3A_3787, %get3A_3788] {strides = array<i32>} : memref<80x128xf32, #tpu.memory_space<vmem>>, vector<1x16xf32>,
      %get3A_3790 = vector.shape_cast %get3A_3789 : vector<1x16xf32> to vector<16xf32>
      %add3A_3791 = arith.addf %add3A_3785, %get3A_3790 : vector<16xf32>
      %get3A_3792 = arith.constant 51 : i32
      %get3A_3793 = arith.index_cast %get3A_3792 : i32 to index
      %get3A_3794 = arith.constant 80 : index
      %get3A_3795 = tpu.vector_load %arg6[%get3A_3793, %get3A_3794] {strides = array<i32>} : memref<80x128xf32, #tpu.memory_space<vmem>>, vector<1x16xf32>,
      %get3A_3796 = vector.shape_cast %get3A_3795 : vector<1x16xf32> to vector<16xf32>
      %add3A_3797 = arith.addf %add3A_3791, %get3A_3796 : vector<16xf32>
      %get3A_3798 = arith.constant 55 : i32
      %get3A_3799 = arith.index_cast %get3A_3798 : i32 to index
      %get3A_3800 = arith.constant 80 : index
      %get3A_3801 = tpu.vector_load %arg6[%get3A_3799, %get3A_3800] {strides = array<i32>} : memref<80x128xf32, #tpu.memory_space<vmem>>, vector<1x16xf32>,
      %get3A_3802 = vector.shape_cast %get3A_3801 : vector<1x16xf32> to vector<16xf32>
      %add3A_3803 = arith.addf %add3A_3797, %get3A_3802 : vector<16xf32>
      %get3A_3804 = arith.constant 59 : i32
      %get3A_3805 = arith.index_cast %get3A_3804 : i32 to index
      %get3A_3806 = arith.constant 80 : index
      %get3A_3807 = tpu.vector_load %arg6[%get3A_3805, %get3A_3806] {strides = array<i32>} : memref<80x128xf32, #tpu.memory_space<vmem>>, vector<1x16xf32>,
      %get3A_3808 = vector.shape_cast %get3A_3807 : vector<1x16xf32> to vector<16xf32>
      %add3A_3809 = arith.addf %add3A_3803, %get3A_3808 : vector<16xf32>
      %get3A_3810 = arith.constant 63 : i32
      %get3A_3811 = arith.index_cast %get3A_3810 : i32 to index
      %get3A_3812 = arith.constant 80 : index
      %get3A_3813 = tpu.vector_load %arg6[%get3A_3811, %get3A_3812] {strides = array<i32>} : memref<80x128xf32, #tpu.memory_space<vmem>>, vector<1x16xf32>,
      %get3A_3814 = vector.shape_cast %get3A_3813 : vector<1x16xf32> to vector<16xf32>
      %add3A_3815 = arith.addf %add3A_3809, %get3A_3814 : vector<16xf32>
      %get3A_3816 = arith.constant 67 : i32
      %get3A_3817 = arith.index_cast %get3A_3816 : i32 to index
      %get3A_3818 = arith.constant 80 : index
      %get3A_3819 = tpu.vector_load %arg6[%get3A_3817, %get3A_3818] {strides = array<i32>} : memref<80x128xf32, #tpu.memory_space<vmem>>, vector<1x16xf32>,
      %get3A_3820 = vector.shape_cast %get3A_3819 : vector<1x16xf32> to vector<16xf32>
      %add3A_3821 = arith.addf %add3A_3815, %get3A_3820 : vector<16xf32>
      %get3A_3822 = arith.constant 71 : i32
      %get3A_3823 = arith.index_cast %get3A_3822 : i32 to index
      %get3A_3824 = arith.constant 80 : index
      %get3A_3825 = tpu.vector_load %arg6[%get3A_3823, %get3A_3824] {strides = array<i32>} : memref<80x128xf32, #tpu.memory_space<vmem>>, vector<1x16xf32>,
      %get3A_3826 = vector.shape_cast %get3A_3825 : vector<1x16xf32> to vector<16xf32>
      %add3A_3827 = arith.addf %add3A_3821, %get3A_3826 : vector<16xf32>
      %get3A_3828 = arith.constant 75 : i32
      %get3A_3829 = arith.index_cast %get3A_3828 : i32 to index
      %get3A_3830 = arith.constant 80 : index
      %get3A_3831 = tpu.vector_load %arg6[%get3A_3829, %get3A_3830] {strides = array<i32>} : memref<80x128xf32, #tpu.memory_space<vmem>>, vector<1x16xf32>,
      %get3A_3832 = vector.shape_cast %get3A_3831 : vector<1x16xf32> to vector<16xf32>
      %add3A_3833 = arith.addf %add3A_3827, %get3A_3832 : vector<16xf32>
      %get3A_3834 = arith.constant 79 : i32
      %get3A_3835 = arith.index_cast %get3A_3834 : i32 to index
      %get3A_3836 = arith.constant 80 : index
      %get3A_3837 = tpu.vector_load %arg6[%get3A_3835, %get3A_3836] {strides = array<i32>} : memref<80x128xf32, #tpu.memory_space<vmem>>, vector<1x16xf32>,
      %get3A_3838 = vector.shape_cast %get3A_3837 : vector<1x16xf32> to vector<16xf32>
      %add3A_3839 = arith.addf %add3A_3833, %get3A_3838 : vector<16xf32>
      %mul3A_3840 = arith.constant 5.000000e-02 : f32
      %mul3A_3841 = vector.broadcast %mul3A_3840 : f32 to vector<16xf32>
      %mul3A_3842 = arith.mulf %add3A_3839, %mul3A_3841 : vector<16xf32>
      %swap3A_3843 = arith.constant 0 : i32
      %swap3A_3844 = arith.index_cast %swap3A_3843 : i32 to index
      %swap3A_3845 = arith.constant 464 : index
      %swap3A_3846 = tpu.vector_load %arg7[%swap3A_3844, %swap3A_3845] {strides = array<i32>} : memref<1x512xf32, #tpu.memory_space<vmem>>, vector<1x16xf32>,
      %swap3A_3847 = vector.shape_cast %swap3A_3846 : vector<1x16xf32> to vector<16xf32>
      %swap3A_3848 = vector.shape_cast %mul3A_3842 : vector<16xf32> to vector<1x16xf32>
      tpu.vector_store %arg7[%swap3A_3844, %swap3A_3845], %swap3A_3848 {strides = array<i32>} : memref<1x512xf32, #tpu.memory_space<vmem>>, vector<1x16xf32>,
      %get3A_3849 = arith.constant 3 : i32
      %get3A_3850 = arith.index_cast %get3A_3849 : i32 to index
      %get3A_3851 = arith.constant 96 : index
      %get3A_3852 = tpu.vector_load %arg6[%get3A_3850, %get3A_3851] {strides = array<i32>} : memref<80x128xf32, #tpu.memory_space<vmem>>, vector<1x16xf32>,
      %get3A_3853 = vector.shape_cast %get3A_3852 : vector<1x16xf32> to vector<16xf32>
      %get3A_3854 = arith.constant 7 : i32
      %get3A_3855 = arith.index_cast %get3A_3854 : i32 to index
      %get3A_3856 = arith.constant 96 : index
      %get3A_3857 = tpu.vector_load %arg6[%get3A_3855, %get3A_3856] {strides = array<i32>} : memref<80x128xf32, #tpu.memory_space<vmem>>, vector<1x16xf32>,
      %get3A_3858 = vector.shape_cast %get3A_3857 : vector<1x16xf32> to vector<16xf32>
      %add3A_3859 = arith.addf %get3A_3853, %get3A_3858 : vector<16xf32>
      %get3A_3860 = arith.constant 11 : i32
      %get3A_3861 = arith.index_cast %get3A_3860 : i32 to index
      %get3A_3862 = arith.constant 96 : index
      %get3A_3863 = tpu.vector_load %arg6[%get3A_3861, %get3A_3862] {strides = array<i32>} : memref<80x128xf32, #tpu.memory_space<vmem>>, vector<1x16xf32>,
      %get3A_3864 = vector.shape_cast %get3A_3863 : vector<1x16xf32> to vector<16xf32>
      %add3A_3865 = arith.addf %add3A_3859, %get3A_3864 : vector<16xf32>
      %get3A_3866 = arith.constant 15 : i32
      %get3A_3867 = arith.index_cast %get3A_3866 : i32 to index
      %get3A_3868 = arith.constant 96 : index
      %get3A_3869 = tpu.vector_load %arg6[%get3A_3867, %get3A_3868] {strides = array<i32>} : memref<80x128xf32, #tpu.memory_space<vmem>>, vector<1x16xf32>,
      %get3A_3870 = vector.shape_cast %get3A_3869 : vector<1x16xf32> to vector<16xf32>
      %add3A_3871 = arith.addf %add3A_3865, %get3A_3870 : vector<16xf32>
      %get3A_3872 = arith.constant 19 : i32
      %get3A_3873 = arith.index_cast %get3A_3872 : i32 to index
      %get3A_3874 = arith.constant 96 : index
      %get3A_3875 = tpu.vector_load %arg6[%get3A_3873, %get3A_3874] {strides = array<i32>} : memref<80x128xf32, #tpu.memory_space<vmem>>, vector<1x16xf32>,
      %get3A_3876 = vector.shape_cast %get3A_3875 : vector<1x16xf32> to vector<16xf32>
      %add3A_3877 = arith.addf %add3A_3871, %get3A_3876 : vector<16xf32>
      %get3A_3878 = arith.constant 23 : i32
      %get3A_3879 = arith.index_cast %get3A_3878 : i32 to index
      %get3A_3880 = arith.constant 96 : index
      %get3A_3881 = tpu.vector_load %arg6[%get3A_3879, %get3A_3880] {strides = array<i32>} : memref<80x128xf32, #tpu.memory_space<vmem>>, vector<1x16xf32>,
      %get3A_3882 = vector.shape_cast %get3A_3881 : vector<1x16xf32> to vector<16xf32>
      %add3A_3883 = arith.addf %add3A_3877, %get3A_3882 : vector<16xf32>
      %get3A_3884 = arith.constant 27 : i32
      %get3A_3885 = arith.index_cast %get3A_3884 : i32 to index
      %get3A_3886 = arith.constant 96 : index
      %get3A_3887 = tpu.vector_load %arg6[%get3A_3885, %get3A_3886] {strides = array<i32>} : memref<80x128xf32, #tpu.memory_space<vmem>>, vector<1x16xf32>,
      %get3A_3888 = vector.shape_cast %get3A_3887 : vector<1x16xf32> to vector<16xf32>
      %add3A_3889 = arith.addf %add3A_3883, %get3A_3888 : vector<16xf32>
      %get3A_3890 = arith.constant 31 : i32
      %get3A_3891 = arith.index_cast %get3A_3890 : i32 to index
      %get3A_3892 = arith.constant 96 : index
      %get3A_3893 = tpu.vector_load %arg6[%get3A_3891, %get3A_3892] {strides = array<i32>} : memref<80x128xf32, #tpu.memory_space<vmem>>, vector<1x16xf32>,
      %get3A_3894 = vector.shape_cast %get3A_3893 : vector<1x16xf32> to vector<16xf32>
      %add3A_3895 = arith.addf %add3A_3889, %get3A_3894 : vector<16xf32>
      %get3A_3896 = arith.constant 35 : i32
      %get3A_3897 = arith.index_cast %get3A_3896 : i32 to index
      %get3A_3898 = arith.constant 96 : index
      %get3A_3899 = tpu.vector_load %arg6[%get3A_3897, %get3A_3898] {strides = array<i32>} : memref<80x128xf32, #tpu.memory_space<vmem>>, vector<1x16xf32>,
      %get3A_3900 = vector.shape_cast %get3A_3899 : vector<1x16xf32> to vector<16xf32>
      %add3A_3901 = arith.addf %add3A_3895, %get3A_3900 : vector<16xf32>
      %get3A_3902 = arith.constant 39 : i32
      %get3A_3903 = arith.index_cast %get3A_3902 : i32 to index
      %get3A_3904 = arith.constant 96 : index
      %get3A_3905 = tpu.vector_load %arg6[%get3A_3903, %get3A_3904] {strides = array<i32>} : memref<80x128xf32, #tpu.memory_space<vmem>>, vector<1x16xf32>,
      %get3A_3906 = vector.shape_cast %get3A_3905 : vector<1x16xf32> to vector<16xf32>
      %add3A_3907 = arith.addf %add3A_3901, %get3A_3906 : vector<16xf32>
      %get3A_3908 = arith.constant 43 : i32
      %get3A_3909 = arith.index_cast %get3A_3908 : i32 to index
      %get3A_3910 = arith.constant 96 : index
      %get3A_3911 = tpu.vector_load %arg6[%get3A_3909, %get3A_3910] {strides = array<i32>} : memref<80x128xf32, #tpu.memory_space<vmem>>, vector<1x16xf32>,
      %get3A_3912 = vector.shape_cast %get3A_3911 : vector<1x16xf32> to vector<16xf32>
      %add3A_3913 = arith.addf %add3A_3907, %get3A_3912 : vector<16xf32>
      %get3A_3914 = arith.constant 47 : i32
      %get3A_3915 = arith.index_cast %get3A_3914 : i32 to index
      %get3A_3916 = arith.constant 96 : index
      %get3A_3917 = tpu.vector_load %arg6[%get3A_3915, %get3A_3916] {strides = array<i32>} : memref<80x128xf32, #tpu.memory_space<vmem>>, vector<1x16xf32>,
      %get3A_3918 = vector.shape_cast %get3A_3917 : vector<1x16xf32> to vector<16xf32>
      %add3A_3919 = arith.addf %add3A_3913, %get3A_3918 : vector<16xf32>
      %get3A_3920 = arith.constant 51 : i32
      %get3A_3921 = arith.index_cast %get3A_3920 : i32 to index
      %get3A_3922 = arith.constant 96 : index
      %get3A_3923 = tpu.vector_load %arg6[%get3A_3921, %get3A_3922] {strides = array<i32>} : memref<80x128xf32, #tpu.memory_space<vmem>>, vector<1x16xf32>,
      %get3A_3924 = vector.shape_cast %get3A_3923 : vector<1x16xf32> to vector<16xf32>
      %add3A_3925 = arith.addf %add3A_3919, %get3A_3924 : vector<16xf32>
      %get3A_3926 = arith.constant 55 : i32
      %get3A_3927 = arith.index_cast %get3A_3926 : i32 to index
      %get3A_3928 = arith.constant 96 : index
      %get3A_3929 = tpu.vector_load %arg6[%get3A_3927, %get3A_3928] {strides = array<i32>} : memref<80x128xf32, #tpu.memory_space<vmem>>, vector<1x16xf32>,
      %get3A_3930 = vector.shape_cast %get3A_3929 : vector<1x16xf32> to vector<16xf32>
      %add3A_3931 = arith.addf %add3A_3925, %get3A_3930 : vector<16xf32>
      %get3A_3932 = arith.constant 59 : i32
      %get3A_3933 = arith.index_cast %get3A_3932 : i32 to index
      %get3A_3934 = arith.constant 96 : index
      %get3A_3935 = tpu.vector_load %arg6[%get3A_3933, %get3A_3934] {strides = array<i32>} : memref<80x128xf32, #tpu.memory_space<vmem>>, vector<1x16xf32>,
      %get3A_3936 = vector.shape_cast %get3A_3935 : vector<1x16xf32> to vector<16xf32>
      %add3A_3937 = arith.addf %add3A_3931, %get3A_3936 : vector<16xf32>
      %get3A_3938 = arith.constant 63 : i32
      %get3A_3939 = arith.index_cast %get3A_3938 : i32 to index
      %get3A_3940 = arith.constant 96 : index
      %get3A_3941 = tpu.vector_load %arg6[%get3A_3939, %get3A_3940] {strides = array<i32>} : memref<80x128xf32, #tpu.memory_space<vmem>>, vector<1x16xf32>,
      %get3A_3942 = vector.shape_cast %get3A_3941 : vector<1x16xf32> to vector<16xf32>
      %add3A_3943 = arith.addf %add3A_3937, %get3A_3942 : vector<16xf32>
      %get3A_3944 = arith.constant 67 : i32
      %get3A_3945 = arith.index_cast %get3A_3944 : i32 to index
      %get3A_3946 = arith.constant 96 : index
      %get3A_3947 = tpu.vector_load %arg6[%get3A_3945, %get3A_3946] {strides = array<i32>} : memref<80x128xf32, #tpu.memory_space<vmem>>, vector<1x16xf32>,
      %get3A_3948 = vector.shape_cast %get3A_3947 : vector<1x16xf32> to vector<16xf32>
      %add3A_3949 = arith.addf %add3A_3943, %get3A_3948 : vector<16xf32>
      %get3A_3950 = arith.constant 71 : i32
      %get3A_3951 = arith.index_cast %get3A_3950 : i32 to index
      %get3A_3952 = arith.constant 96 : index
      %get3A_3953 = tpu.vector_load %arg6[%get3A_3951, %get3A_3952] {strides = array<i32>} : memref<80x128xf32, #tpu.memory_space<vmem>>, vector<1x16xf32>,
      %get3A_3954 = vector.shape_cast %get3A_3953 : vector<1x16xf32> to vector<16xf32>
      %add3A_3955 = arith.addf %add3A_3949, %get3A_3954 : vector<16xf32>
      %get3A_3956 = arith.constant 75 : i32
      %get3A_3957 = arith.index_cast %get3A_3956 : i32 to index
      %get3A_3958 = arith.constant 96 : index
      %get3A_3959 = tpu.vector_load %arg6[%get3A_3957, %get3A_3958] {strides = array<i32>} : memref<80x128xf32, #tpu.memory_space<vmem>>, vector<1x16xf32>,
      %get3A_3960 = vector.shape_cast %get3A_3959 : vector<1x16xf32> to vector<16xf32>
      %add3A_3961 = arith.addf %add3A_3955, %get3A_3960 : vector<16xf32>
      %get3A_3962 = arith.constant 79 : i32
      %get3A_3963 = arith.index_cast %get3A_3962 : i32 to index
      %get3A_3964 = arith.constant 96 : index
      %get3A_3965 = tpu.vector_load %arg6[%get3A_3963, %get3A_3964] {strides = array<i32>} : memref<80x128xf32, #tpu.memory_space<vmem>>, vector<1x16xf32>,
      %get3A_3966 = vector.shape_cast %get3A_3965 : vector<1x16xf32> to vector<16xf32>
      %add3A_3967 = arith.addf %add3A_3961, %get3A_3966 : vector<16xf32>
      %mul3A_3968 = arith.constant 5.000000e-02 : f32
      %mul3A_3969 = vector.broadcast %mul3A_3968 : f32 to vector<16xf32>
      %mul3A_3970 = arith.mulf %add3A_3967, %mul3A_3969 : vector<16xf32>
      %swap3A_3971 = arith.constant 0 : i32
      %swap3A_3972 = arith.index_cast %swap3A_3971 : i32 to index
      %swap3A_3973 = arith.constant 480 : index
      %swap3A_3974 = tpu.vector_load %arg7[%swap3A_3972, %swap3A_3973] {strides = array<i32>} : memref<1x512xf32, #tpu.memory_space<vmem>>, vector<1x16xf32>,
      %swap3A_3975 = vector.shape_cast %swap3A_3974 : vector<1x16xf32> to vector<16xf32>
      %swap3A_3976 = vector.shape_cast %mul3A_3970 : vector<16xf32> to vector<1x16xf32>
      tpu.vector_store %arg7[%swap3A_3972, %swap3A_3973], %swap3A_3976 {strides = array<i32>} : memref<1x512xf32, #tpu.memory_space<vmem>>, vector<1x16xf32>,
      %get3A_3977 = arith.constant 3 : i32
      %get3A_3978 = arith.index_cast %get3A_3977 : i32 to index
      %get3A_3979 = arith.constant 112 : index
      %get3A_3980 = tpu.vector_load %arg6[%get3A_3978, %get3A_3979] {strides = array<i32>} : memref<80x128xf32, #tpu.memory_space<vmem>>, vector<1x16xf32>,
      %get3A_3981 = vector.shape_cast %get3A_3980 : vector<1x16xf32> to vector<16xf32>
      %get3A_3982 = arith.constant 7 : i32
      %get3A_3983 = arith.index_cast %get3A_3982 : i32 to index
      %get3A_3984 = arith.constant 112 : index
      %get3A_3985 = tpu.vector_load %arg6[%get3A_3983, %get3A_3984] {strides = array<i32>} : memref<80x128xf32, #tpu.memory_space<vmem>>, vector<1x16xf32>,
      %get3A_3986 = vector.shape_cast %get3A_3985 : vector<1x16xf32> to vector<16xf32>
      %add3A_3987 = arith.addf %get3A_3981, %get3A_3986 : vector<16xf32>
      %get3A_3988 = arith.constant 11 : i32
      %get3A_3989 = arith.index_cast %get3A_3988 : i32 to index
      %get3A_3990 = arith.constant 112 : index
      %get3A_3991 = tpu.vector_load %arg6[%get3A_3989, %get3A_3990] {strides = array<i32>} : memref<80x128xf32, #tpu.memory_space<vmem>>, vector<1x16xf32>,
      %get3A_3992 = vector.shape_cast %get3A_3991 : vector<1x16xf32> to vector<16xf32>
      %add3A_3993 = arith.addf %add3A_3987, %get3A_3992 : vector<16xf32>
      %get3A_3994 = arith.constant 15 : i32
      %get3A_3995 = arith.index_cast %get3A_3994 : i32 to index
      %get3A_3996 = arith.constant 112 : index
      %get3A_3997 = tpu.vector_load %arg6[%get3A_3995, %get3A_3996] {strides = array<i32>} : memref<80x128xf32, #tpu.memory_space<vmem>>, vector<1x16xf32>,
      %get3A_3998 = vector.shape_cast %get3A_3997 : vector<1x16xf32> to vector<16xf32>
      %add3A_3999 = arith.addf %add3A_3993, %get3A_3998 : vector<16xf32>
      %get3A_4000 = arith.constant 19 : i32
      %get3A_4001 = arith.index_cast %get3A_4000 : i32 to index
      %get3A_4002 = arith.constant 112 : index
      %get3A_4003 = tpu.vector_load %arg6[%get3A_4001, %get3A_4002] {strides = array<i32>} : memref<80x128xf32, #tpu.memory_space<vmem>>, vector<1x16xf32>,
      %get3A_4004 = vector.shape_cast %get3A_4003 : vector<1x16xf32> to vector<16xf32>
      %add3A_4005 = arith.addf %add3A_3999, %get3A_4004 : vector<16xf32>
      %get3A_4006 = arith.constant 23 : i32
      %get3A_4007 = arith.index_cast %get3A_4006 : i32 to index
      %get3A_4008 = arith.constant 112 : index
      %get3A_4009 = tpu.vector_load %arg6[%get3A_4007, %get3A_4008] {strides = array<i32>} : memref<80x128xf32, #tpu.memory_space<vmem>>, vector<1x16xf32>,
      %get3A_4010 = vector.shape_cast %get3A_4009 : vector<1x16xf32> to vector<16xf32>
      %add3A_4011 = arith.addf %add3A_4005, %get3A_4010 : vector<16xf32>
      %get3A_4012 = arith.constant 27 : i32
      %get3A_4013 = arith.index_cast %get3A_4012 : i32 to index
      %get3A_4014 = arith.constant 112 : index
      %get3A_4015 = tpu.vector_load %arg6[%get3A_4013, %get3A_4014] {strides = array<i32>} : memref<80x128xf32, #tpu.memory_space<vmem>>, vector<1x16xf32>,
      %get3A_4016 = vector.shape_cast %get3A_4015 : vector<1x16xf32> to vector<16xf32>
      %add3A_4017 = arith.addf %add3A_4011, %get3A_4016 : vector<16xf32>
      %get3A_4018 = arith.constant 31 : i32
      %get3A_4019 = arith.index_cast %get3A_4018 : i32 to index
      %get3A_4020 = arith.constant 112 : index
      %get3A_4021 = tpu.vector_load %arg6[%get3A_4019, %get3A_4020] {strides = array<i32>} : memref<80x128xf32, #tpu.memory_space<vmem>>, vector<1x16xf32>,
      %get3A_4022 = vector.shape_cast %get3A_4021 : vector<1x16xf32> to vector<16xf32>
      %add3A_4023 = arith.addf %add3A_4017, %get3A_4022 : vector<16xf32>
      %get3A_4024 = arith.constant 35 : i32
      %get3A_4025 = arith.index_cast %get3A_4024 : i32 to index
      %get3A_4026 = arith.constant 112 : index
      %get3A_4027 = tpu.vector_load %arg6[%get3A_4025, %get3A_4026] {strides = array<i32>} : memref<80x128xf32, #tpu.memory_space<vmem>>, vector<1x16xf32>,
      %get3A_4028 = vector.shape_cast %get3A_4027 : vector<1x16xf32> to vector<16xf32>
      %add3A_4029 = arith.addf %add3A_4023, %get3A_4028 : vector<16xf32>
      %get3A_4030 = arith.constant 39 : i32
      %get3A_4031 = arith.index_cast %get3A_4030 : i32 to index
      %get3A_4032 = arith.constant 112 : index
      %get3A_4033 = tpu.vector_load %arg6[%get3A_4031, %get3A_4032] {strides = array<i32>} : memref<80x128xf32, #tpu.memory_space<vmem>>, vector<1x16xf32>,
      %get3A_4034 = vector.shape_cast %get3A_4033 : vector<1x16xf32> to vector<16xf32>
      %add3A_4035 = arith.addf %add3A_4029, %get3A_4034 : vector<16xf32>
      %get3A_4036 = arith.constant 43 : i32
      %get3A_4037 = arith.index_cast %get3A_4036 : i32 to index
      %get3A_4038 = arith.constant 112 : index
      %get3A_4039 = tpu.vector_load %arg6[%get3A_4037, %get3A_4038] {strides = array<i32>} : memref<80x128xf32, #tpu.memory_space<vmem>>, vector<1x16xf32>,
      %get3A_4040 = vector.shape_cast %get3A_4039 : vector<1x16xf32> to vector<16xf32>
      %add3A_4041 = arith.addf %add3A_4035, %get3A_4040 : vector<16xf32>
      %get3A_4042 = arith.constant 47 : i32
      %get3A_4043 = arith.index_cast %get3A_4042 : i32 to index
      %get3A_4044 = arith.constant 112 : index
      %get3A_4045 = tpu.vector_load %arg6[%get3A_4043, %get3A_4044] {strides = array<i32>} : memref<80x128xf32, #tpu.memory_space<vmem>>, vector<1x16xf32>,
      %get3A_4046 = vector.shape_cast %get3A_4045 : vector<1x16xf32> to vector<16xf32>
      %add3A_4047 = arith.addf %add3A_4041, %get3A_4046 : vector<16xf32>
      %get3A_4048 = arith.constant 51 : i32
      %get3A_4049 = arith.index_cast %get3A_4048 : i32 to index
      %get3A_4050 = arith.constant 112 : index
      %get3A_4051 = tpu.vector_load %arg6[%get3A_4049, %get3A_4050] {strides = array<i32>} : memref<80x128xf32, #tpu.memory_space<vmem>>, vector<1x16xf32>,
      %get3A_4052 = vector.shape_cast %get3A_4051 : vector<1x16xf32> to vector<16xf32>
      %add3A_4053 = arith.addf %add3A_4047, %get3A_4052 : vector<16xf32>
      %get3A_4054 = arith.constant 55 : i32
      %get3A_4055 = arith.index_cast %get3A_4054 : i32 to index
      %get3A_4056 = arith.constant 112 : index
      %get3A_4057 = tpu.vector_load %arg6[%get3A_4055, %get3A_4056] {strides = array<i32>} : memref<80x128xf32, #tpu.memory_space<vmem>>, vector<1x16xf32>,
      %get3A_4058 = vector.shape_cast %get3A_4057 : vector<1x16xf32> to vector<16xf32>
      %add3A_4059 = arith.addf %add3A_4053, %get3A_4058 : vector<16xf32>
      %get3A_4060 = arith.constant 59 : i32
      %get3A_4061 = arith.index_cast %get3A_4060 : i32 to index
      %get3A_4062 = arith.constant 112 : index
      %get3A_4063 = tpu.vector_load %arg6[%get3A_4061, %get3A_4062] {strides = array<i32>} : memref<80x128xf32, #tpu.memory_space<vmem>>, vector<1x16xf32>,
      %get3A_4064 = vector.shape_cast %get3A_4063 : vector<1x16xf32> to vector<16xf32>
      %add3A_4065 = arith.addf %add3A_4059, %get3A_4064 : vector<16xf32>
      %get3A_4066 = arith.constant 63 : i32
      %get3A_4067 = arith.index_cast %get3A_4066 : i32 to index
      %get3A_4068 = arith.constant 112 : index
      %get3A_4069 = tpu.vector_load %arg6[%get3A_4067, %get3A_4068] {strides = array<i32>} : memref<80x128xf32, #tpu.memory_space<vmem>>, vector<1x16xf32>,
      %get3A_4070 = vector.shape_cast %get3A_4069 : vector<1x16xf32> to vector<16xf32>
      %add3A_4071 = arith.addf %add3A_4065, %get3A_4070 : vector<16xf32>
      %get3A_4072 = arith.constant 67 : i32
      %get3A_4073 = arith.index_cast %get3A_4072 : i32 to index
      %get3A_4074 = arith.constant 112 : index
      %get3A_4075 = tpu.vector_load %arg6[%get3A_4073, %get3A_4074] {strides = array<i32>} : memref<80x128xf32, #tpu.memory_space<vmem>>, vector<1x16xf32>,
      %get3A_4076 = vector.shape_cast %get3A_4075 : vector<1x16xf32> to vector<16xf32>
      %add3A_4077 = arith.addf %add3A_4071, %get3A_4076 : vector<16xf32>
      %get3A_4078 = arith.constant 71 : i32
      %get3A_4079 = arith.index_cast %get3A_4078 : i32 to index
      %get3A_4080 = arith.constant 112 : index
      %get3A_4081 = tpu.vector_load %arg6[%get3A_4079, %get3A_4080] {strides = array<i32>} : memref<80x128xf32, #tpu.memory_space<vmem>>, vector<1x16xf32>,
      %get3A_4082 = vector.shape_cast %get3A_4081 : vector<1x16xf32> to vector<16xf32>
      %add3A_4083 = arith.addf %add3A_4077, %get3A_4082 : vector<16xf32>
      %get3A_4084 = arith.constant 75 : i32
      %get3A_4085 = arith.index_cast %get3A_4084 : i32 to index
      %get3A_4086 = arith.constant 112 : index
      %get3A_4087 = tpu.vector_load %arg6[%get3A_4085, %get3A_4086] {strides = array<i32>} : memref<80x128xf32, #tpu.memory_space<vmem>>, vector<1x16xf32>,
      %get3A_4088 = vector.shape_cast %get3A_4087 : vector<1x16xf32> to vector<16xf32>
      %add3A_4089 = arith.addf %add3A_4083, %get3A_4088 : vector<16xf32>
      %get3A_4090 = arith.constant 79 : i32
      %get3A_4091 = arith.index_cast %get3A_4090 : i32 to index
      %get3A_4092 = arith.constant 112 : index
      %get3A_4093 = tpu.vector_load %arg6[%get3A_4091, %get3A_4092] {strides = array<i32>} : memref<80x128xf32, #tpu.memory_space<vmem>>, vector<1x16xf32>,
      %get3A_4094 = vector.shape_cast %get3A_4093 : vector<1x16xf32> to vector<16xf32>
      %add3A_4095 = arith.addf %add3A_4089, %get3A_4094 : vector<16xf32>
      %mul3A_4096 = arith.constant 5.000000e-02 : f32
      %mul3A_4097 = vector.broadcast %mul3A_4096 : f32 to vector<16xf32>
      %mul3A_4098 = arith.mulf %add3A_4095, %mul3A_4097 : vector<16xf32>
      %swap3A_4099 = arith.constant 0 : i32
      %swap3A_4100 = arith.index_cast %swap3A_4099 : i32 to index
      %swap3A_4101 = arith.constant 496 : index
      %swap3A_4102 = tpu.vector_load %arg7[%swap3A_4100, %swap3A_4101] {strides = array<i32>} : memref<1x512xf32, #tpu.memory_space<vmem>>, vector<1x16xf32>,
      %swap3A_4103 = vector.shape_cast %swap3A_4102 : vector<1x16xf32> to vector<16xf32>
      %swap3A_4104 = vector.shape_cast %mul3A_4098 : vector<16xf32> to vector<1x16xf32>
      tpu.vector_store %arg7[%swap3A_4100, %swap3A_4101], %swap3A_4104 {strides = array<i32>} : memref<1x512xf32, #tpu.memory_space<vmem>>, vector<1x16xf32>,
      %mul3A_4105 = arith.constant 32 : i32
      %mul3A_4106 = arith.muli %add3A, %mul3A_4105 : i32
      %add3A_4107 = arith.addi %mul3A_4106, %scan3A_6 : i32
      "tpu.region"() ({
        %run_scoped3A = tpu.sem_alloc : memref<!tpu.dma_semaphore, #tpu.memory_space<semaphore_mem>>
        %dma_start3A_4108 = arith.constant 0 : i32
        %dma_start3A_4109 = tpu.memref_slice %arg4[%add3A_4107, %dma_start3A_4108] : memref<1024x512xf32, #tpu.memory_space<hbm>> -> memref<1x512xf32, #tpu.memory_space<hbm>>
        %dma_start3A_4110 = arith.constant 0 : i32
        %dma_start3A_4111 = tpu.memref_slice %arg4[%add3A_4107, %dma_start3A_4110] : memref<1024x512xf32, #tpu.memory_space<hbm>> -> memref<1x512xf32, #tpu.memory_space<hbm>>
        tpu.enqueue_dma source(%arg7 : memref<1x512xf32, #tpu.memory_space<vmem>>) target(%dma_start3A_4111 : memref<1x512xf32, #tpu.memory_space<hbm>>) target_semaphore(%run_scoped3A : memref<!tpu.dma_semaphore, #tpu.memory_space<semaphore_mem>>)
        %dma_wait3A_4112 = arith.constant 0 : i32
        %dma_wait3A_4113 = tpu.memref_slice %arg4[%add3A_4107, %dma_wait3A_4112] : memref<1024x512xf32, #tpu.memory_space<hbm>> -> memref<1x512xf32, #tpu.memory_space<hbm>>
        %dma_wait3A_4114 = arith.constant 0 : i32
        %dma_wait3A_4115 = tpu.memref_slice %arg4[%add3A_4107, %dma_wait3A_4114] : memref<1024x512xf32, #tpu.memory_space<hbm>> -> memref<1x512xf32, #tpu.memory_space<hbm>>
        tpu.wait_dma2 semaphore(%run_scoped3A : memref<!tpu.dma_semaphore, #tpu.memory_space<semaphore_mem>>) src(%arg7 : memref<1x512xf32, #tpu.memory_space<vmem>>) dst(%dma_wait3A_4115 : memref<1x512xf32, #tpu.memory_space<hbm>>)
        tpu.yield
      }) : () -> ()
    }
    %scan3A_5 = arith.constant 32 : i32
    return
  }
}

module attributes {stable_mosaic.version = 14 : i64} {
  func.func @_user_rep_body(%arg0: i32, %arg1: memref<128x50x512xf32, #tpu.memory_space<vmem>>, %arg2: memref<512x512xf32, #tpu.memory_space<vmem>>, %arg3: memref<512xf32, #tpu.memory_space<vmem>>, %arg4: memref<128x512xf32, #tpu.memory_space<vmem>>) attributes {dimension_semantics = [#tpu.dimension_semantics<arbitrary>], iteration_bounds = array<i64: 8>, scalar_prefetch = 0 : i64, scratch_operands = 0 : i64, tpu.core_type = #tpu.core_type<tc>, window_params = [{transform_indices = @transform_0, window_bounds = array<i64: 128, 50, 512>}, {pipeline_mode = #tpu.pipeline_mode<synchronous>, transform_indices = @transform_1, window_bounds = array<i64: 512, 512>}, {pipeline_mode = #tpu.pipeline_mode<synchronous>, transform_indices = @transform_2, window_bounds = array<i64: 512>}, {transform_indices = @transform_3, window_bounds = array<i64: 128, 512>}]} {
    %get3A = arith.constant 0 : index
    %get3A_0 = arith.constant 0 : index
    %get3A_1 = arith.constant 0 : index
    %get3A_2 = vector.load %arg1[%get3A, %get3A_0, %get3A_1] : memref<128x50x512xf32, #tpu.memory_space<vmem>>, vector<128x1x512xf32>
    %get3A_3 = vector.shape_cast %get3A_2 : vector<128x1x512xf32> to vector<128x512xf32>
    %get3A_4 = arith.constant 0 : index
    %get3A_5 = arith.constant 1 : index
    %get3A_6 = arith.constant 0 : index
    %get3A_7 = vector.load %arg1[%get3A_4, %get3A_5, %get3A_6] : memref<128x50x512xf32, #tpu.memory_space<vmem>>, vector<128x1x512xf32>
    %get3A_8 = vector.shape_cast %get3A_7 : vector<128x1x512xf32> to vector<128x512xf32>
    %add3A = arith.addf %get3A_3, %get3A_8 : vector<128x512xf32>
    %get3A_9 = arith.constant 0 : index
    %get3A_10 = arith.constant 2 : index
    %get3A_11 = arith.constant 0 : index
    %get3A_12 = vector.load %arg1[%get3A_9, %get3A_10, %get3A_11] : memref<128x50x512xf32, #tpu.memory_space<vmem>>, vector<128x1x512xf32>
    %get3A_13 = vector.shape_cast %get3A_12 : vector<128x1x512xf32> to vector<128x512xf32>
    %add3A_14 = arith.addf %add3A, %get3A_13 : vector<128x512xf32>
    %get3A_15 = arith.constant 0 : index
    %get3A_16 = arith.constant 3 : index
    %get3A_17 = arith.constant 0 : index
    %get3A_18 = vector.load %arg1[%get3A_15, %get3A_16, %get3A_17] : memref<128x50x512xf32, #tpu.memory_space<vmem>>, vector<128x1x512xf32>
    %get3A_19 = vector.shape_cast %get3A_18 : vector<128x1x512xf32> to vector<128x512xf32>
    %add3A_20 = arith.addf %add3A_14, %get3A_19 : vector<128x512xf32>
    %get3A_21 = arith.constant 0 : index
    %get3A_22 = arith.constant 4 : index
    %get3A_23 = arith.constant 0 : index
    %get3A_24 = vector.load %arg1[%get3A_21, %get3A_22, %get3A_23] : memref<128x50x512xf32, #tpu.memory_space<vmem>>, vector<128x1x512xf32>
    %get3A_25 = vector.shape_cast %get3A_24 : vector<128x1x512xf32> to vector<128x512xf32>
    %add3A_26 = arith.addf %add3A_20, %get3A_25 : vector<128x512xf32>
    %get3A_27 = arith.constant 0 : index
    %get3A_28 = arith.constant 5 : index
    %get3A_29 = arith.constant 0 : index
    %get3A_30 = vector.load %arg1[%get3A_27, %get3A_28, %get3A_29] : memref<128x50x512xf32, #tpu.memory_space<vmem>>, vector<128x1x512xf32>
    %get3A_31 = vector.shape_cast %get3A_30 : vector<128x1x512xf32> to vector<128x512xf32>
    %add3A_32 = arith.addf %add3A_26, %get3A_31 : vector<128x512xf32>
    %get3A_33 = arith.constant 0 : index
    %get3A_34 = arith.constant 6 : index
    %get3A_35 = arith.constant 0 : index
    %get3A_36 = vector.load %arg1[%get3A_33, %get3A_34, %get3A_35] : memref<128x50x512xf32, #tpu.memory_space<vmem>>, vector<128x1x512xf32>
    %get3A_37 = vector.shape_cast %get3A_36 : vector<128x1x512xf32> to vector<128x512xf32>
    %add3A_38 = arith.addf %add3A_32, %get3A_37 : vector<128x512xf32>
    %get3A_39 = arith.constant 0 : index
    %get3A_40 = arith.constant 7 : index
    %get3A_41 = arith.constant 0 : index
    %get3A_42 = vector.load %arg1[%get3A_39, %get3A_40, %get3A_41] : memref<128x50x512xf32, #tpu.memory_space<vmem>>, vector<128x1x512xf32>
    %get3A_43 = vector.shape_cast %get3A_42 : vector<128x1x512xf32> to vector<128x512xf32>
    %add3A_44 = arith.addf %add3A_38, %get3A_43 : vector<128x512xf32>
    %get3A_45 = arith.constant 0 : index
    %get3A_46 = arith.constant 8 : index
    %get3A_47 = arith.constant 0 : index
    %get3A_48 = vector.load %arg1[%get3A_45, %get3A_46, %get3A_47] : memref<128x50x512xf32, #tpu.memory_space<vmem>>, vector<128x1x512xf32>
    %get3A_49 = vector.shape_cast %get3A_48 : vector<128x1x512xf32> to vector<128x512xf32>
    %add3A_50 = arith.addf %add3A_44, %get3A_49 : vector<128x512xf32>
    %get3A_51 = arith.constant 0 : index
    %get3A_52 = arith.constant 9 : index
    %get3A_53 = arith.constant 0 : index
    %get3A_54 = vector.load %arg1[%get3A_51, %get3A_52, %get3A_53] : memref<128x50x512xf32, #tpu.memory_space<vmem>>, vector<128x1x512xf32>
    %get3A_55 = vector.shape_cast %get3A_54 : vector<128x1x512xf32> to vector<128x512xf32>
    %add3A_56 = arith.addf %add3A_50, %get3A_55 : vector<128x512xf32>
    %get3A_57 = arith.constant 0 : index
    %get3A_58 = arith.constant 10 : index
    %get3A_59 = arith.constant 0 : index
    %get3A_60 = vector.load %arg1[%get3A_57, %get3A_58, %get3A_59] : memref<128x50x512xf32, #tpu.memory_space<vmem>>, vector<128x1x512xf32>
    %get3A_61 = vector.shape_cast %get3A_60 : vector<128x1x512xf32> to vector<128x512xf32>
    %add3A_62 = arith.addf %add3A_56, %get3A_61 : vector<128x512xf32>
    %get3A_63 = arith.constant 0 : index
    %get3A_64 = arith.constant 11 : index
    %get3A_65 = arith.constant 0 : index
    %get3A_66 = vector.load %arg1[%get3A_63, %get3A_64, %get3A_65] : memref<128x50x512xf32, #tpu.memory_space<vmem>>, vector<128x1x512xf32>
    %get3A_67 = vector.shape_cast %get3A_66 : vector<128x1x512xf32> to vector<128x512xf32>
    %add3A_68 = arith.addf %add3A_62, %get3A_67 : vector<128x512xf32>
    %get3A_69 = arith.constant 0 : index
    %get3A_70 = arith.constant 12 : index
    %get3A_71 = arith.constant 0 : index
    %get3A_72 = vector.load %arg1[%get3A_69, %get3A_70, %get3A_71] : memref<128x50x512xf32, #tpu.memory_space<vmem>>, vector<128x1x512xf32>
    %get3A_73 = vector.shape_cast %get3A_72 : vector<128x1x512xf32> to vector<128x512xf32>
    %add3A_74 = arith.addf %add3A_68, %get3A_73 : vector<128x512xf32>
    %get3A_75 = arith.constant 0 : index
    %get3A_76 = arith.constant 13 : index
    %get3A_77 = arith.constant 0 : index
    %get3A_78 = vector.load %arg1[%get3A_75, %get3A_76, %get3A_77] : memref<128x50x512xf32, #tpu.memory_space<vmem>>, vector<128x1x512xf32>
    %get3A_79 = vector.shape_cast %get3A_78 : vector<128x1x512xf32> to vector<128x512xf32>
    %add3A_80 = arith.addf %add3A_74, %get3A_79 : vector<128x512xf32>
    %get3A_81 = arith.constant 0 : index
    %get3A_82 = arith.constant 14 : index
    %get3A_83 = arith.constant 0 : index
    %get3A_84 = vector.load %arg1[%get3A_81, %get3A_82, %get3A_83] : memref<128x50x512xf32, #tpu.memory_space<vmem>>, vector<128x1x512xf32>
    %get3A_85 = vector.shape_cast %get3A_84 : vector<128x1x512xf32> to vector<128x512xf32>
    %add3A_86 = arith.addf %add3A_80, %get3A_85 : vector<128x512xf32>
    %get3A_87 = arith.constant 0 : index
    %get3A_88 = arith.constant 15 : index
    %get3A_89 = arith.constant 0 : index
    %get3A_90 = vector.load %arg1[%get3A_87, %get3A_88, %get3A_89] : memref<128x50x512xf32, #tpu.memory_space<vmem>>, vector<128x1x512xf32>
    %get3A_91 = vector.shape_cast %get3A_90 : vector<128x1x512xf32> to vector<128x512xf32>
    %add3A_92 = arith.addf %add3A_86, %get3A_91 : vector<128x512xf32>
    %get3A_93 = arith.constant 0 : index
    %get3A_94 = arith.constant 16 : index
    %get3A_95 = arith.constant 0 : index
    %get3A_96 = vector.load %arg1[%get3A_93, %get3A_94, %get3A_95] : memref<128x50x512xf32, #tpu.memory_space<vmem>>, vector<128x1x512xf32>
    %get3A_97 = vector.shape_cast %get3A_96 : vector<128x1x512xf32> to vector<128x512xf32>
    %add3A_98 = arith.addf %add3A_92, %get3A_97 : vector<128x512xf32>
    %get3A_99 = arith.constant 0 : index
    %get3A_100 = arith.constant 17 : index
    %get3A_101 = arith.constant 0 : index
    %get3A_102 = vector.load %arg1[%get3A_99, %get3A_100, %get3A_101] : memref<128x50x512xf32, #tpu.memory_space<vmem>>, vector<128x1x512xf32>
    %get3A_103 = vector.shape_cast %get3A_102 : vector<128x1x512xf32> to vector<128x512xf32>
    %add3A_104 = arith.addf %add3A_98, %get3A_103 : vector<128x512xf32>
    %get3A_105 = arith.constant 0 : index
    %get3A_106 = arith.constant 18 : index
    %get3A_107 = arith.constant 0 : index
    %get3A_108 = vector.load %arg1[%get3A_105, %get3A_106, %get3A_107] : memref<128x50x512xf32, #tpu.memory_space<vmem>>, vector<128x1x512xf32>
    %get3A_109 = vector.shape_cast %get3A_108 : vector<128x1x512xf32> to vector<128x512xf32>
    %add3A_110 = arith.addf %add3A_104, %get3A_109 : vector<128x512xf32>
    %get3A_111 = arith.constant 0 : index
    %get3A_112 = arith.constant 19 : index
    %get3A_113 = arith.constant 0 : index
    %get3A_114 = vector.load %arg1[%get3A_111, %get3A_112, %get3A_113] : memref<128x50x512xf32, #tpu.memory_space<vmem>>, vector<128x1x512xf32>
    %get3A_115 = vector.shape_cast %get3A_114 : vector<128x1x512xf32> to vector<128x512xf32>
    %add3A_116 = arith.addf %add3A_110, %get3A_115 : vector<128x512xf32>
    %get3A_117 = arith.constant 0 : index
    %get3A_118 = arith.constant 20 : index
    %get3A_119 = arith.constant 0 : index
    %get3A_120 = vector.load %arg1[%get3A_117, %get3A_118, %get3A_119] : memref<128x50x512xf32, #tpu.memory_space<vmem>>, vector<128x1x512xf32>
    %get3A_121 = vector.shape_cast %get3A_120 : vector<128x1x512xf32> to vector<128x512xf32>
    %add3A_122 = arith.addf %add3A_116, %get3A_121 : vector<128x512xf32>
    %get3A_123 = arith.constant 0 : index
    %get3A_124 = arith.constant 21 : index
    %get3A_125 = arith.constant 0 : index
    %get3A_126 = vector.load %arg1[%get3A_123, %get3A_124, %get3A_125] : memref<128x50x512xf32, #tpu.memory_space<vmem>>, vector<128x1x512xf32>
    %get3A_127 = vector.shape_cast %get3A_126 : vector<128x1x512xf32> to vector<128x512xf32>
    %add3A_128 = arith.addf %add3A_122, %get3A_127 : vector<128x512xf32>
    %get3A_129 = arith.constant 0 : index
    %get3A_130 = arith.constant 22 : index
    %get3A_131 = arith.constant 0 : index
    %get3A_132 = vector.load %arg1[%get3A_129, %get3A_130, %get3A_131] : memref<128x50x512xf32, #tpu.memory_space<vmem>>, vector<128x1x512xf32>
    %get3A_133 = vector.shape_cast %get3A_132 : vector<128x1x512xf32> to vector<128x512xf32>
    %add3A_134 = arith.addf %add3A_128, %get3A_133 : vector<128x512xf32>
    %get3A_135 = arith.constant 0 : index
    %get3A_136 = arith.constant 23 : index
    %get3A_137 = arith.constant 0 : index
    %get3A_138 = vector.load %arg1[%get3A_135, %get3A_136, %get3A_137] : memref<128x50x512xf32, #tpu.memory_space<vmem>>, vector<128x1x512xf32>
    %get3A_139 = vector.shape_cast %get3A_138 : vector<128x1x512xf32> to vector<128x512xf32>
    %add3A_140 = arith.addf %add3A_134, %get3A_139 : vector<128x512xf32>
    %get3A_141 = arith.constant 0 : index
    %get3A_142 = arith.constant 24 : index
    %get3A_143 = arith.constant 0 : index
    %get3A_144 = vector.load %arg1[%get3A_141, %get3A_142, %get3A_143] : memref<128x50x512xf32, #tpu.memory_space<vmem>>, vector<128x1x512xf32>
    %get3A_145 = vector.shape_cast %get3A_144 : vector<128x1x512xf32> to vector<128x512xf32>
    %add3A_146 = arith.addf %add3A_140, %get3A_145 : vector<128x512xf32>
    %get3A_147 = arith.constant 0 : index
    %get3A_148 = arith.constant 25 : index
    %get3A_149 = arith.constant 0 : index
    %get3A_150 = vector.load %arg1[%get3A_147, %get3A_148, %get3A_149] : memref<128x50x512xf32, #tpu.memory_space<vmem>>, vector<128x1x512xf32>
    %get3A_151 = vector.shape_cast %get3A_150 : vector<128x1x512xf32> to vector<128x512xf32>
    %add3A_152 = arith.addf %add3A_146, %get3A_151 : vector<128x512xf32>
    %get3A_153 = arith.constant 0 : index
    %get3A_154 = arith.constant 26 : index
    %get3A_155 = arith.constant 0 : index
    %get3A_156 = vector.load %arg1[%get3A_153, %get3A_154, %get3A_155] : memref<128x50x512xf32, #tpu.memory_space<vmem>>, vector<128x1x512xf32>
    %get3A_157 = vector.shape_cast %get3A_156 : vector<128x1x512xf32> to vector<128x512xf32>
    %add3A_158 = arith.addf %add3A_152, %get3A_157 : vector<128x512xf32>
    %get3A_159 = arith.constant 0 : index
    %get3A_160 = arith.constant 27 : index
    %get3A_161 = arith.constant 0 : index
    %get3A_162 = vector.load %arg1[%get3A_159, %get3A_160, %get3A_161] : memref<128x50x512xf32, #tpu.memory_space<vmem>>, vector<128x1x512xf32>
    %get3A_163 = vector.shape_cast %get3A_162 : vector<128x1x512xf32> to vector<128x512xf32>
    %add3A_164 = arith.addf %add3A_158, %get3A_163 : vector<128x512xf32>
    %get3A_165 = arith.constant 0 : index
    %get3A_166 = arith.constant 28 : index
    %get3A_167 = arith.constant 0 : index
    %get3A_168 = vector.load %arg1[%get3A_165, %get3A_166, %get3A_167] : memref<128x50x512xf32, #tpu.memory_space<vmem>>, vector<128x1x512xf32>
    %get3A_169 = vector.shape_cast %get3A_168 : vector<128x1x512xf32> to vector<128x512xf32>
    %add3A_170 = arith.addf %add3A_164, %get3A_169 : vector<128x512xf32>
    %get3A_171 = arith.constant 0 : index
    %get3A_172 = arith.constant 29 : index
    %get3A_173 = arith.constant 0 : index
    %get3A_174 = vector.load %arg1[%get3A_171, %get3A_172, %get3A_173] : memref<128x50x512xf32, #tpu.memory_space<vmem>>, vector<128x1x512xf32>
    %get3A_175 = vector.shape_cast %get3A_174 : vector<128x1x512xf32> to vector<128x512xf32>
    %add3A_176 = arith.addf %add3A_170, %get3A_175 : vector<128x512xf32>
    %get3A_177 = arith.constant 0 : index
    %get3A_178 = arith.constant 30 : index
    %get3A_179 = arith.constant 0 : index
    %get3A_180 = vector.load %arg1[%get3A_177, %get3A_178, %get3A_179] : memref<128x50x512xf32, #tpu.memory_space<vmem>>, vector<128x1x512xf32>
    %get3A_181 = vector.shape_cast %get3A_180 : vector<128x1x512xf32> to vector<128x512xf32>
    %add3A_182 = arith.addf %add3A_176, %get3A_181 : vector<128x512xf32>
    %get3A_183 = arith.constant 0 : index
    %get3A_184 = arith.constant 31 : index
    %get3A_185 = arith.constant 0 : index
    %get3A_186 = vector.load %arg1[%get3A_183, %get3A_184, %get3A_185] : memref<128x50x512xf32, #tpu.memory_space<vmem>>, vector<128x1x512xf32>
    %get3A_187 = vector.shape_cast %get3A_186 : vector<128x1x512xf32> to vector<128x512xf32>
    %add3A_188 = arith.addf %add3A_182, %get3A_187 : vector<128x512xf32>
    %get3A_189 = arith.constant 0 : index
    %get3A_190 = arith.constant 32 : index
    %get3A_191 = arith.constant 0 : index
    %get3A_192 = vector.load %arg1[%get3A_189, %get3A_190, %get3A_191] : memref<128x50x512xf32, #tpu.memory_space<vmem>>, vector<128x1x512xf32>
    %get3A_193 = vector.shape_cast %get3A_192 : vector<128x1x512xf32> to vector<128x512xf32>
    %add3A_194 = arith.addf %add3A_188, %get3A_193 : vector<128x512xf32>
    %get3A_195 = arith.constant 0 : index
    %get3A_196 = arith.constant 33 : index
    %get3A_197 = arith.constant 0 : index
    %get3A_198 = vector.load %arg1[%get3A_195, %get3A_196, %get3A_197] : memref<128x50x512xf32, #tpu.memory_space<vmem>>, vector<128x1x512xf32>
    %get3A_199 = vector.shape_cast %get3A_198 : vector<128x1x512xf32> to vector<128x512xf32>
    %add3A_200 = arith.addf %add3A_194, %get3A_199 : vector<128x512xf32>
    %get3A_201 = arith.constant 0 : index
    %get3A_202 = arith.constant 34 : index
    %get3A_203 = arith.constant 0 : index
    %get3A_204 = vector.load %arg1[%get3A_201, %get3A_202, %get3A_203] : memref<128x50x512xf32, #tpu.memory_space<vmem>>, vector<128x1x512xf32>
    %get3A_205 = vector.shape_cast %get3A_204 : vector<128x1x512xf32> to vector<128x512xf32>
    %add3A_206 = arith.addf %add3A_200, %get3A_205 : vector<128x512xf32>
    %get3A_207 = arith.constant 0 : index
    %get3A_208 = arith.constant 35 : index
    %get3A_209 = arith.constant 0 : index
    %get3A_210 = vector.load %arg1[%get3A_207, %get3A_208, %get3A_209] : memref<128x50x512xf32, #tpu.memory_space<vmem>>, vector<128x1x512xf32>
    %get3A_211 = vector.shape_cast %get3A_210 : vector<128x1x512xf32> to vector<128x512xf32>
    %add3A_212 = arith.addf %add3A_206, %get3A_211 : vector<128x512xf32>
    %get3A_213 = arith.constant 0 : index
    %get3A_214 = arith.constant 36 : index
    %get3A_215 = arith.constant 0 : index
    %get3A_216 = vector.load %arg1[%get3A_213, %get3A_214, %get3A_215] : memref<128x50x512xf32, #tpu.memory_space<vmem>>, vector<128x1x512xf32>
    %get3A_217 = vector.shape_cast %get3A_216 : vector<128x1x512xf32> to vector<128x512xf32>
    %add3A_218 = arith.addf %add3A_212, %get3A_217 : vector<128x512xf32>
    %get3A_219 = arith.constant 0 : index
    %get3A_220 = arith.constant 37 : index
    %get3A_221 = arith.constant 0 : index
    %get3A_222 = vector.load %arg1[%get3A_219, %get3A_220, %get3A_221] : memref<128x50x512xf32, #tpu.memory_space<vmem>>, vector<128x1x512xf32>
    %get3A_223 = vector.shape_cast %get3A_222 : vector<128x1x512xf32> to vector<128x512xf32>
    %add3A_224 = arith.addf %add3A_218, %get3A_223 : vector<128x512xf32>
    %get3A_225 = arith.constant 0 : index
    %get3A_226 = arith.constant 38 : index
    %get3A_227 = arith.constant 0 : index
    %get3A_228 = vector.load %arg1[%get3A_225, %get3A_226, %get3A_227] : memref<128x50x512xf32, #tpu.memory_space<vmem>>, vector<128x1x512xf32>
    %get3A_229 = vector.shape_cast %get3A_228 : vector<128x1x512xf32> to vector<128x512xf32>
    %add3A_230 = arith.addf %add3A_224, %get3A_229 : vector<128x512xf32>
    %get3A_231 = arith.constant 0 : index
    %get3A_232 = arith.constant 39 : index
    %get3A_233 = arith.constant 0 : index
    %get3A_234 = vector.load %arg1[%get3A_231, %get3A_232, %get3A_233] : memref<128x50x512xf32, #tpu.memory_space<vmem>>, vector<128x1x512xf32>
    %get3A_235 = vector.shape_cast %get3A_234 : vector<128x1x512xf32> to vector<128x512xf32>
    %add3A_236 = arith.addf %add3A_230, %get3A_235 : vector<128x512xf32>
    %get3A_237 = arith.constant 0 : index
    %get3A_238 = arith.constant 40 : index
    %get3A_239 = arith.constant 0 : index
    %get3A_240 = vector.load %arg1[%get3A_237, %get3A_238, %get3A_239] : memref<128x50x512xf32, #tpu.memory_space<vmem>>, vector<128x1x512xf32>
    %get3A_241 = vector.shape_cast %get3A_240 : vector<128x1x512xf32> to vector<128x512xf32>
    %add3A_242 = arith.addf %add3A_236, %get3A_241 : vector<128x512xf32>
    %get3A_243 = arith.constant 0 : index
    %get3A_244 = arith.constant 41 : index
    %get3A_245 = arith.constant 0 : index
    %get3A_246 = vector.load %arg1[%get3A_243, %get3A_244, %get3A_245] : memref<128x50x512xf32, #tpu.memory_space<vmem>>, vector<128x1x512xf32>
    %get3A_247 = vector.shape_cast %get3A_246 : vector<128x1x512xf32> to vector<128x512xf32>
    %add3A_248 = arith.addf %add3A_242, %get3A_247 : vector<128x512xf32>
    %get3A_249 = arith.constant 0 : index
    %get3A_250 = arith.constant 42 : index
    %get3A_251 = arith.constant 0 : index
    %get3A_252 = vector.load %arg1[%get3A_249, %get3A_250, %get3A_251] : memref<128x50x512xf32, #tpu.memory_space<vmem>>, vector<128x1x512xf32>
    %get3A_253 = vector.shape_cast %get3A_252 : vector<128x1x512xf32> to vector<128x512xf32>
    %add3A_254 = arith.addf %add3A_248, %get3A_253 : vector<128x512xf32>
    %get3A_255 = arith.constant 0 : index
    %get3A_256 = arith.constant 43 : index
    %get3A_257 = arith.constant 0 : index
    %get3A_258 = vector.load %arg1[%get3A_255, %get3A_256, %get3A_257] : memref<128x50x512xf32, #tpu.memory_space<vmem>>, vector<128x1x512xf32>
    %get3A_259 = vector.shape_cast %get3A_258 : vector<128x1x512xf32> to vector<128x512xf32>
    %add3A_260 = arith.addf %add3A_254, %get3A_259 : vector<128x512xf32>
    %get3A_261 = arith.constant 0 : index
    %get3A_262 = arith.constant 44 : index
    %get3A_263 = arith.constant 0 : index
    %get3A_264 = vector.load %arg1[%get3A_261, %get3A_262, %get3A_263] : memref<128x50x512xf32, #tpu.memory_space<vmem>>, vector<128x1x512xf32>
    %get3A_265 = vector.shape_cast %get3A_264 : vector<128x1x512xf32> to vector<128x512xf32>
    %add3A_266 = arith.addf %add3A_260, %get3A_265 : vector<128x512xf32>
    %get3A_267 = arith.constant 0 : index
    %get3A_268 = arith.constant 45 : index
    %get3A_269 = arith.constant 0 : index
    %get3A_270 = vector.load %arg1[%get3A_267, %get3A_268, %get3A_269] : memref<128x50x512xf32, #tpu.memory_space<vmem>>, vector<128x1x512xf32>
    %get3A_271 = vector.shape_cast %get3A_270 : vector<128x1x512xf32> to vector<128x512xf32>
    %add3A_272 = arith.addf %add3A_266, %get3A_271 : vector<128x512xf32>
    %get3A_273 = arith.constant 0 : index
    %get3A_274 = arith.constant 46 : index
    %get3A_275 = arith.constant 0 : index
    %get3A_276 = vector.load %arg1[%get3A_273, %get3A_274, %get3A_275] : memref<128x50x512xf32, #tpu.memory_space<vmem>>, vector<128x1x512xf32>
    %get3A_277 = vector.shape_cast %get3A_276 : vector<128x1x512xf32> to vector<128x512xf32>
    %add3A_278 = arith.addf %add3A_272, %get3A_277 : vector<128x512xf32>
    %get3A_279 = arith.constant 0 : index
    %get3A_280 = arith.constant 47 : index
    %get3A_281 = arith.constant 0 : index
    %get3A_282 = vector.load %arg1[%get3A_279, %get3A_280, %get3A_281] : memref<128x50x512xf32, #tpu.memory_space<vmem>>, vector<128x1x512xf32>
    %get3A_283 = vector.shape_cast %get3A_282 : vector<128x1x512xf32> to vector<128x512xf32>
    %add3A_284 = arith.addf %add3A_278, %get3A_283 : vector<128x512xf32>
    %get3A_285 = arith.constant 0 : index
    %get3A_286 = arith.constant 48 : index
    %get3A_287 = arith.constant 0 : index
    %get3A_288 = vector.load %arg1[%get3A_285, %get3A_286, %get3A_287] : memref<128x50x512xf32, #tpu.memory_space<vmem>>, vector<128x1x512xf32>
    %get3A_289 = vector.shape_cast %get3A_288 : vector<128x1x512xf32> to vector<128x512xf32>
    %add3A_290 = arith.addf %add3A_284, %get3A_289 : vector<128x512xf32>
    %get3A_291 = arith.constant 0 : index
    %get3A_292 = arith.constant 49 : index
    %get3A_293 = arith.constant 0 : index
    %get3A_294 = vector.load %arg1[%get3A_291, %get3A_292, %get3A_293] : memref<128x50x512xf32, #tpu.memory_space<vmem>>, vector<128x1x512xf32>
    %get3A_295 = vector.shape_cast %get3A_294 : vector<128x1x512xf32> to vector<128x512xf32>
    %add3A_296 = arith.addf %add3A_290, %get3A_295 : vector<128x512xf32>
    %mul3A = arith.constant 2.000000e-02 : f32
    %mul3A_297 = vector.broadcast %mul3A : f32 to vector<128x512xf32>
    %mul3A_298 = arith.mulf %add3A_296, %mul3A_297 : vector<128x512xf32>
    %get3A_299 = arith.constant 0 : index
    %get3A_300 = arith.constant 0 : index
    %get3A_301 = vector.load %arg2[%get3A_299, %get3A_300] : memref<512x512xf32, #tpu.memory_space<vmem>>, vector<512x512xf32>
    %dot_general3A = arith.constant dense<0.000000e+00> : vector<128x512xf32>
    %dot_general3A_302 = tpu.matmul %mul3A_298, %get3A_301, %dot_general3A {dimension_numbers = #tpu.dot_dimension_numbers<[1], [0], [0], [1], [0, 0, 1, 1], [], []>, transpose_lhs_hint = false} : vector<128x512xf32>, vector<512x512xf32>, vector<128x512xf32> -> vector<128x512xf32>
    %get3A_303 = arith.constant 0 : index
    %get3A_304 = vector.load %arg3[%get3A_303] : memref<512xf32, #tpu.memory_space<vmem>>, vector<512xf32>
    %broadcast_in_dim3A = vector.shape_cast %get3A_304 : vector<512xf32> to vector<1x512xf32>
    %add3A_305 = vector.broadcast %broadcast_in_dim3A : vector<1x512xf32> to vector<128x512xf32>
    %add3A_306 = arith.addf %dot_general3A_302, %add3A_305 : vector<128x512xf32>
    %swap3A = arith.constant 0 : index
    %swap3A_307 = arith.constant 0 : index
    %swap3A_308 = vector.load %arg4[%swap3A, %swap3A_307] : memref<128x512xf32, #tpu.memory_space<vmem>>, vector<128x512xf32>
    tpu.vector_store %arg4[%swap3A, %swap3A_307], %add3A_306 {strides = array<i32>} : memref<128x512xf32, #tpu.memory_space<vmem>>, vector<128x512xf32>,
    return
  }
  func.func @transform_0(%arg0: i32) -> (i32, i32, i32) {
    %c0_i32 = arith.constant 0 : i32
    %c0_i32_0 = arith.constant 0 : i32
    %c0_i32_1 = arith.constant 0 : i32
    return %arg0, %c0_i32, %c0_i32_0 : i32, i32, i32
  }
  func.func @transform_1(%arg0: i32) -> (i32, i32) {
    %c0_i32 = arith.constant 0 : i32
    %c0_i32_0 = arith.constant 0 : i32
    %c0_i32_1 = arith.constant 0 : i32
    return %c0_i32, %c0_i32_0 : i32, i32
  }
  func.func @transform_2(%arg0: i32) -> i32 {
    %c0_i32 = arith.constant 0 : i32
    %c0_i32_0 = arith.constant 0 : i32
    return %c0_i32 : i32
  }
  func.func @transform_3(%arg0: i32) -> (i32, i32) {
    %c0_i32 = arith.constant 0 : i32
    %c0_i32_0 = arith.constant 0 : i32
    return %arg0, %c0_i32 : i32, i32
  }
}

module attributes {stable_mosaic.version = 14 : i64} {
  func.func @_topk_part_body(%arg0: i32, %arg1: i32, %arg2: memref<256x512xf32, #tpu.memory_space<vmem>>, %arg3: memref<4096x512xf32, #tpu.memory_space<vmem>>, %arg4: memref<256x128xf32, #tpu.memory_space<vmem>>, %arg5: memref<256x128xi32, #tpu.memory_space<vmem>>) attributes {dimension_semantics = [#tpu.dimension_semantics<parallel>, #tpu.dimension_semantics<arbitrary>], iteration_bounds = array<i64: 4, 25>, scalar_prefetch = 0 : i64, scratch_operands = 0 : i64, tpu.core_type = #tpu.core_type<tc>, window_params = [{transform_indices = @transform_0, window_bounds = array<i64: 256, 512>}, {transform_indices = @transform_1, window_bounds = array<i64: 4096, 512>}, {transform_indices = @transform_2, window_bounds = array<i64: 256, 128>}, {transform_indices = @transform_3, window_bounds = array<i64: 256, 128>}]} {
    %get3A = arith.constant 0 : index
    %get3A_0 = arith.constant 0 : index
    %get3A_1 = vector.load %arg2[%get3A, %get3A_0] : memref<256x512xf32, #tpu.memory_space<vmem>>, vector<256x512xf32>
    %get3A_2 = arith.constant 0 : index
    %get3A_3 = arith.constant 0 : index
    %get3A_4 = vector.load %arg3[%get3A_2, %get3A_3] : memref<4096x512xf32, #tpu.memory_space<vmem>>, vector<4096x512xf32>
    %dot_general3A = arith.constant dense<0.000000e+00> : vector<256x4096xf32>
    %dot_general3A_5 = tpu.matmul %get3A_1, %get3A_4, %dot_general3A {dimension_numbers = #tpu.dot_dimension_numbers<[1], [1], [0], [0], [0, 0, 1, 0], [], []>, transpose_lhs_hint = false} : vector<256x512xf32>, vector<4096x512xf32>, vector<256x4096xf32> -> vector<256x4096xf32>
    %iota3A = tpu.iota {dimensions = array<i32: 1>} : vector<256x4096xi32>
    %mul3A = arith.constant 4096 : i32
    %mul3A_6 = arith.muli %arg1, %mul3A : i32
    %add3A = vector.broadcast %mul3A_6 : i32 to vector<256x4096xi32>
    %add3A_7 = arith.addi %iota3A, %add3A : vector<256x4096xi32>
    %lt3A = arith.constant 100000 : i32
    %lt3A_8 = vector.broadcast %lt3A : i32 to vector<256x4096xi32>
    %lt3A_9 = arith.cmpi slt, %add3A_7, %lt3A_8 : vector<256x4096xi32>
    %jit3A = arith.constant 0xFF800000 : f32
    %broadcast_in_dim3A = vector.broadcast %jit3A : f32 to vector<256x4096xf32>
    %select_n3A = arith.select %lt3A_9, %dot_general3A_5, %broadcast_in_dim3A : vector<256x4096xi1>, vector<256x4096xf32>
    %reduce_max3A = arith.constant dense<0xFF800000> : vector<256xf32>
    %reduce_max3A_10 = vector.multi_reduction <maximumf>, %select_n3A, %reduce_max3A [1] : vector<256x4096xf32> to vector<256xf32>
    %broadcast_in_dim3A_11 = vector.shape_cast %reduce_max3A_10 : vector<256xf32> to vector<256x1xf32>
    %eq3A = vector.broadcast %broadcast_in_dim3A_11 : vector<256x1xf32> to vector<256x4096xf32>
    %eq3A_12 = arith.cmpf oeq, %select_n3A, %eq3A : vector<256x4096xf32>
    %jit3A_13 = arith.constant 2147483647 : i32
    %broadcast_in_dim3A_14 = vector.broadcast %jit3A_13 : i32 to vector<256x4096xi32>
    %select_n3A_15 = arith.select %eq3A_12, %add3A_7, %broadcast_in_dim3A_14 : vector<256x4096xi1>, vector<256x4096xi32>
    %reduce_min3A = arith.constant dense<2147483647> : vector<256xi32>
    %reduce_min3A_16 = vector.multi_reduction <minsi>, %select_n3A_15, %reduce_min3A [1] : vector<256x4096xi32> to vector<256xi32>
    %broadcast_in_dim3A_17 = vector.shape_cast %reduce_min3A_16 : vector<256xi32> to vector<256x1xi32>
    %eq3A_18 = vector.broadcast %broadcast_in_dim3A_17 : vector<256x1xi32> to vector<256x4096xi32>
    %eq3A_19 = arith.cmpi eq, %add3A_7, %eq3A_18 : vector<256x4096xi32>
    %jit3A_20 = arith.constant 0xFF800000 : f32
    %broadcast_in_dim3A_21 = vector.broadcast %jit3A_20 : f32 to vector<256x4096xf32>
    %select_n3A_22 = arith.select %eq3A_19, %broadcast_in_dim3A_21, %select_n3A : vector<256x4096xi1>, vector<256x4096xf32>
    %reduce_max3A_23 = arith.constant dense<0xFF800000> : vector<256xf32>
    %reduce_max3A_24 = vector.multi_reduction <maximumf>, %select_n3A_22, %reduce_max3A_23 [1] : vector<256x4096xf32> to vector<256xf32>
    %broadcast_in_dim3A_25 = vector.shape_cast %reduce_max3A_24 : vector<256xf32> to vector<256x1xf32>
    %eq3A_26 = vector.broadcast %broadcast_in_dim3A_25 : vector<256x1xf32> to vector<256x4096xf32>
    %eq3A_27 = arith.cmpf oeq, %select_n3A_22, %eq3A_26 : vector<256x4096xf32>
    %jit3A_28 = arith.constant 2147483647 : i32
    %broadcast_in_dim3A_29 = vector.broadcast %jit3A_28 : i32 to vector<256x4096xi32>
    %select_n3A_30 = arith.select %eq3A_27, %add3A_7, %broadcast_in_dim3A_29 : vector<256x4096xi1>, vector<256x4096xi32>
    %reduce_min3A_31 = arith.constant dense<2147483647> : vector<256xi32>
    %reduce_min3A_32 = vector.multi_reduction <minsi>, %select_n3A_30, %reduce_min3A_31 [1] : vector<256x4096xi32> to vector<256xi32>
    %broadcast_in_dim3A_33 = vector.shape_cast %reduce_min3A_32 : vector<256xi32> to vector<256x1xi32>
    %eq3A_34 = vector.broadcast %broadcast_in_dim3A_33 : vector<256x1xi32> to vector<256x4096xi32>
    %eq3A_35 = arith.cmpi eq, %add3A_7, %eq3A_34 : vector<256x4096xi32>
    %jit3A_36 = arith.constant 0xFF800000 : f32
    %broadcast_in_dim3A_37 = vector.broadcast %jit3A_36 : f32 to vector<256x4096xf32>
    %select_n3A_38 = arith.select %eq3A_35, %broadcast_in_dim3A_37, %select_n3A_22 : vector<256x4096xi1>, vector<256x4096xf32>
    %reduce_max3A_39 = arith.constant dense<0xFF800000> : vector<256xf32>
    %reduce_max3A_40 = vector.multi_reduction <maximumf>, %select_n3A_38, %reduce_max3A_39 [1] : vector<256x4096xf32> to vector<256xf32>
    %broadcast_in_dim3A_41 = vector.shape_cast %reduce_max3A_40 : vector<256xf32> to vector<256x1xf32>
    %eq3A_42 = vector.broadcast %broadcast_in_dim3A_41 : vector<256x1xf32> to vector<256x4096xf32>
    %eq3A_43 = arith.cmpf oeq, %select_n3A_38, %eq3A_42 : vector<256x4096xf32>
    %jit3A_44 = arith.constant 2147483647 : i32
    %broadcast_in_dim3A_45 = vector.broadcast %jit3A_44 : i32 to vector<256x4096xi32>
    %select_n3A_46 = arith.select %eq3A_43, %add3A_7, %broadcast_in_dim3A_45 : vector<256x4096xi1>, vector<256x4096xi32>
    %reduce_min3A_47 = arith.constant dense<2147483647> : vector<256xi32>
    %reduce_min3A_48 = vector.multi_reduction <minsi>, %select_n3A_46, %reduce_min3A_47 [1] : vector<256x4096xi32> to vector<256xi32>
    %broadcast_in_dim3A_49 = vector.shape_cast %reduce_min3A_48 : vector<256xi32> to vector<256x1xi32>
    %eq3A_50 = vector.broadcast %broadcast_in_dim3A_49 : vector<256x1xi32> to vector<256x4096xi32>
    %eq3A_51 = arith.cmpi eq, %add3A_7, %eq3A_50 : vector<256x4096xi32>
    %jit3A_52 = arith.constant 0xFF800000 : f32
    %broadcast_in_dim3A_53 = vector.broadcast %jit3A_52 : f32 to vector<256x4096xf32>
    %select_n3A_54 = arith.select %eq3A_51, %broadcast_in_dim3A_53, %select_n3A_38 : vector<256x4096xi1>, vector<256x4096xf32>
    %reduce_max3A_55 = arith.constant dense<0xFF800000> : vector<256xf32>
    %reduce_max3A_56 = vector.multi_reduction <maximumf>, %select_n3A_54, %reduce_max3A_55 [1] : vector<256x4096xf32> to vector<256xf32>
    %broadcast_in_dim3A_57 = vector.shape_cast %reduce_max3A_56 : vector<256xf32> to vector<256x1xf32>
    %eq3A_58 = vector.broadcast %broadcast_in_dim3A_57 : vector<256x1xf32> to vector<256x4096xf32>
    %eq3A_59 = arith.cmpf oeq, %select_n3A_54, %eq3A_58 : vector<256x4096xf32>
    %jit3A_60 = arith.constant 2147483647 : i32
    %broadcast_in_dim3A_61 = vector.broadcast %jit3A_60 : i32 to vector<256x4096xi32>
    %select_n3A_62 = arith.select %eq3A_59, %add3A_7, %broadcast_in_dim3A_61 : vector<256x4096xi1>, vector<256x4096xi32>
    %reduce_min3A_63 = arith.constant dense<2147483647> : vector<256xi32>
    %reduce_min3A_64 = vector.multi_reduction <minsi>, %select_n3A_62, %reduce_min3A_63 [1] : vector<256x4096xi32> to vector<256xi32>
    %broadcast_in_dim3A_65 = vector.shape_cast %reduce_min3A_64 : vector<256xi32> to vector<256x1xi32>
    %eq3A_66 = vector.broadcast %broadcast_in_dim3A_65 : vector<256x1xi32> to vector<256x4096xi32>
    %eq3A_67 = arith.cmpi eq, %add3A_7, %eq3A_66 : vector<256x4096xi32>
    %jit3A_68 = arith.constant 0xFF800000 : f32
    %broadcast_in_dim3A_69 = vector.broadcast %jit3A_68 : f32 to vector<256x4096xf32>
    %select_n3A_70 = arith.select %eq3A_67, %broadcast_in_dim3A_69, %select_n3A_54 : vector<256x4096xi1>, vector<256x4096xf32>
    %reduce_max3A_71 = arith.constant dense<0xFF800000> : vector<256xf32>
    %reduce_max3A_72 = vector.multi_reduction <maximumf>, %select_n3A_70, %reduce_max3A_71 [1] : vector<256x4096xf32> to vector<256xf32>
    %broadcast_in_dim3A_73 = vector.shape_cast %reduce_max3A_72 : vector<256xf32> to vector<256x1xf32>
    %eq3A_74 = vector.broadcast %broadcast_in_dim3A_73 : vector<256x1xf32> to vector<256x4096xf32>
    %eq3A_75 = arith.cmpf oeq, %select_n3A_70, %eq3A_74 : vector<256x4096xf32>
    %jit3A_76 = arith.constant 2147483647 : i32
    %broadcast_in_dim3A_77 = vector.broadcast %jit3A_76 : i32 to vector<256x4096xi32>
    %select_n3A_78 = arith.select %eq3A_75, %add3A_7, %broadcast_in_dim3A_77 : vector<256x4096xi1>, vector<256x4096xi32>
    %reduce_min3A_79 = arith.constant dense<2147483647> : vector<256xi32>
    %reduce_min3A_80 = vector.multi_reduction <minsi>, %select_n3A_78, %reduce_min3A_79 [1] : vector<256x4096xi32> to vector<256xi32>
    %broadcast_in_dim3A_81 = vector.shape_cast %reduce_min3A_80 : vector<256xi32> to vector<256x1xi32>
    %eq3A_82 = vector.broadcast %broadcast_in_dim3A_81 : vector<256x1xi32> to vector<256x4096xi32>
    %eq3A_83 = arith.cmpi eq, %add3A_7, %eq3A_82 : vector<256x4096xi32>
    %jit3A_84 = arith.constant 0xFF800000 : f32
    %broadcast_in_dim3A_85 = vector.broadcast %jit3A_84 : f32 to vector<256x4096xf32>
    %select_n3A_86 = arith.select %eq3A_83, %broadcast_in_dim3A_85, %select_n3A_70 : vector<256x4096xi1>, vector<256x4096xf32>
    %reduce_max3A_87 = arith.constant dense<0xFF800000> : vector<256xf32>
    %reduce_max3A_88 = vector.multi_reduction <maximumf>, %select_n3A_86, %reduce_max3A_87 [1] : vector<256x4096xf32> to vector<256xf32>
    %broadcast_in_dim3A_89 = vector.shape_cast %reduce_max3A_88 : vector<256xf32> to vector<256x1xf32>
    %eq3A_90 = vector.broadcast %broadcast_in_dim3A_89 : vector<256x1xf32> to vector<256x4096xf32>
    %eq3A_91 = arith.cmpf oeq, %select_n3A_86, %eq3A_90 : vector<256x4096xf32>
    %jit3A_92 = arith.constant 2147483647 : i32
    %broadcast_in_dim3A_93 = vector.broadcast %jit3A_92 : i32 to vector<256x4096xi32>
    %select_n3A_94 = arith.select %eq3A_91, %add3A_7, %broadcast_in_dim3A_93 : vector<256x4096xi1>, vector<256x4096xi32>
    %reduce_min3A_95 = arith.constant dense<2147483647> : vector<256xi32>
    %reduce_min3A_96 = vector.multi_reduction <minsi>, %select_n3A_94, %reduce_min3A_95 [1] : vector<256x4096xi32> to vector<256xi32>
    %broadcast_in_dim3A_97 = vector.shape_cast %reduce_min3A_96 : vector<256xi32> to vector<256x1xi32>
    %eq3A_98 = vector.broadcast %broadcast_in_dim3A_97 : vector<256x1xi32> to vector<256x4096xi32>
    %eq3A_99 = arith.cmpi eq, %add3A_7, %eq3A_98 : vector<256x4096xi32>
    %jit3A_100 = arith.constant 0xFF800000 : f32
    %broadcast_in_dim3A_101 = vector.broadcast %jit3A_100 : f32 to vector<256x4096xf32>
    %select_n3A_102 = arith.select %eq3A_99, %broadcast_in_dim3A_101, %select_n3A_86 : vector<256x4096xi1>, vector<256x4096xf32>
    %reduce_max3A_103 = arith.constant dense<0xFF800000> : vector<256xf32>
    %reduce_max3A_104 = vector.multi_reduction <maximumf>, %select_n3A_102, %reduce_max3A_103 [1] : vector<256x4096xf32> to vector<256xf32>
    %broadcast_in_dim3A_105 = vector.shape_cast %reduce_max3A_104 : vector<256xf32> to vector<256x1xf32>
    %eq3A_106 = vector.broadcast %broadcast_in_dim3A_105 : vector<256x1xf32> to vector<256x4096xf32>
    %eq3A_107 = arith.cmpf oeq, %select_n3A_102, %eq3A_106 : vector<256x4096xf32>
    %jit3A_108 = arith.constant 2147483647 : i32
    %broadcast_in_dim3A_109 = vector.broadcast %jit3A_108 : i32 to vector<256x4096xi32>
    %select_n3A_110 = arith.select %eq3A_107, %add3A_7, %broadcast_in_dim3A_109 : vector<256x4096xi1>, vector<256x4096xi32>
    %reduce_min3A_111 = arith.constant dense<2147483647> : vector<256xi32>
    %reduce_min3A_112 = vector.multi_reduction <minsi>, %select_n3A_110, %reduce_min3A_111 [1] : vector<256x4096xi32> to vector<256xi32>
    %broadcast_in_dim3A_113 = vector.shape_cast %reduce_min3A_112 : vector<256xi32> to vector<256x1xi32>
    %eq3A_114 = vector.broadcast %broadcast_in_dim3A_113 : vector<256x1xi32> to vector<256x4096xi32>
    %eq3A_115 = arith.cmpi eq, %add3A_7, %eq3A_114 : vector<256x4096xi32>
    %jit3A_116 = arith.constant 0xFF800000 : f32
    %broadcast_in_dim3A_117 = vector.broadcast %jit3A_116 : f32 to vector<256x4096xf32>
    %select_n3A_118 = arith.select %eq3A_115, %broadcast_in_dim3A_117, %select_n3A_102 : vector<256x4096xi1>, vector<256x4096xf32>
    %reduce_max3A_119 = arith.constant dense<0xFF800000> : vector<256xf32>
    %reduce_max3A_120 = vector.multi_reduction <maximumf>, %select_n3A_118, %reduce_max3A_119 [1] : vector<256x4096xf32> to vector<256xf32>
    %broadcast_in_dim3A_121 = vector.shape_cast %reduce_max3A_120 : vector<256xf32> to vector<256x1xf32>
    %eq3A_122 = vector.broadcast %broadcast_in_dim3A_121 : vector<256x1xf32> to vector<256x4096xf32>
    %eq3A_123 = arith.cmpf oeq, %select_n3A_118, %eq3A_122 : vector<256x4096xf32>
    %jit3A_124 = arith.constant 2147483647 : i32
    %broadcast_in_dim3A_125 = vector.broadcast %jit3A_124 : i32 to vector<256x4096xi32>
    %select_n3A_126 = arith.select %eq3A_123, %add3A_7, %broadcast_in_dim3A_125 : vector<256x4096xi1>, vector<256x4096xi32>
    %reduce_min3A_127 = arith.constant dense<2147483647> : vector<256xi32>
    %reduce_min3A_128 = vector.multi_reduction <minsi>, %select_n3A_126, %reduce_min3A_127 [1] : vector<256x4096xi32> to vector<256xi32>
    %broadcast_in_dim3A_129 = vector.shape_cast %reduce_min3A_128 : vector<256xi32> to vector<256x1xi32>
    %eq3A_130 = vector.broadcast %broadcast_in_dim3A_129 : vector<256x1xi32> to vector<256x4096xi32>
    %eq3A_131 = arith.cmpi eq, %add3A_7, %eq3A_130 : vector<256x4096xi32>
    %jit3A_132 = arith.constant 0xFF800000 : f32
    %broadcast_in_dim3A_133 = vector.broadcast %jit3A_132 : f32 to vector<256x4096xf32>
    %select_n3A_134 = arith.select %eq3A_131, %broadcast_in_dim3A_133, %select_n3A_118 : vector<256x4096xi1>, vector<256x4096xf32>
    %reduce_max3A_135 = arith.constant dense<0xFF800000> : vector<256xf32>
    %reduce_max3A_136 = vector.multi_reduction <maximumf>, %select_n3A_134, %reduce_max3A_135 [1] : vector<256x4096xf32> to vector<256xf32>
    %broadcast_in_dim3A_137 = vector.shape_cast %reduce_max3A_136 : vector<256xf32> to vector<256x1xf32>
    %eq3A_138 = vector.broadcast %broadcast_in_dim3A_137 : vector<256x1xf32> to vector<256x4096xf32>
    %eq3A_139 = arith.cmpf oeq, %select_n3A_134, %eq3A_138 : vector<256x4096xf32>
    %jit3A_140 = arith.constant 2147483647 : i32
    %broadcast_in_dim3A_141 = vector.broadcast %jit3A_140 : i32 to vector<256x4096xi32>
    %select_n3A_142 = arith.select %eq3A_139, %add3A_7, %broadcast_in_dim3A_141 : vector<256x4096xi1>, vector<256x4096xi32>
    %reduce_min3A_143 = arith.constant dense<2147483647> : vector<256xi32>
    %reduce_min3A_144 = vector.multi_reduction <minsi>, %select_n3A_142, %reduce_min3A_143 [1] : vector<256x4096xi32> to vector<256xi32>
    %broadcast_in_dim3A_145 = vector.shape_cast %reduce_min3A_144 : vector<256xi32> to vector<256x1xi32>
    %eq3A_146 = vector.broadcast %broadcast_in_dim3A_145 : vector<256x1xi32> to vector<256x4096xi32>
    %eq3A_147 = arith.cmpi eq, %add3A_7, %eq3A_146 : vector<256x4096xi32>
    %jit3A_148 = arith.constant 0xFF800000 : f32
    %broadcast_in_dim3A_149 = vector.broadcast %jit3A_148 : f32 to vector<256x4096xf32>
    %select_n3A_150 = arith.select %eq3A_147, %broadcast_in_dim3A_149, %select_n3A_134 : vector<256x4096xi1>, vector<256x4096xf32>
    %reduce_max3A_151 = arith.constant dense<0xFF800000> : vector<256xf32>
    %reduce_max3A_152 = vector.multi_reduction <maximumf>, %select_n3A_150, %reduce_max3A_151 [1] : vector<256x4096xf32> to vector<256xf32>
    %broadcast_in_dim3A_153 = vector.shape_cast %reduce_max3A_152 : vector<256xf32> to vector<256x1xf32>
    %eq3A_154 = vector.broadcast %broadcast_in_dim3A_153 : vector<256x1xf32> to vector<256x4096xf32>
    %eq3A_155 = arith.cmpf oeq, %select_n3A_150, %eq3A_154 : vector<256x4096xf32>
    %jit3A_156 = arith.constant 2147483647 : i32
    %broadcast_in_dim3A_157 = vector.broadcast %jit3A_156 : i32 to vector<256x4096xi32>
    %select_n3A_158 = arith.select %eq3A_155, %add3A_7, %broadcast_in_dim3A_157 : vector<256x4096xi1>, vector<256x4096xi32>
    %reduce_min3A_159 = arith.constant dense<2147483647> : vector<256xi32>
    %reduce_min3A_160 = vector.multi_reduction <minsi>, %select_n3A_158, %reduce_min3A_159 [1] : vector<256x4096xi32> to vector<256xi32>
    %broadcast_in_dim3A_161 = vector.shape_cast %reduce_min3A_160 : vector<256xi32> to vector<256x1xi32>
    %eq3A_162 = vector.broadcast %broadcast_in_dim3A_161 : vector<256x1xi32> to vector<256x4096xi32>
    %eq3A_163 = arith.cmpi eq, %add3A_7, %eq3A_162 : vector<256x4096xi32>
    %jit3A_164 = arith.constant 0xFF800000 : f32
    %broadcast_in_dim3A_165 = vector.broadcast %jit3A_164 : f32 to vector<256x4096xf32>
    %select_n3A_166 = arith.select %eq3A_163, %broadcast_in_dim3A_165, %select_n3A_150 : vector<256x4096xi1>, vector<256x4096xf32>
    %reduce_max3A_167 = arith.constant dense<0xFF800000> : vector<256xf32>
    %reduce_max3A_168 = vector.multi_reduction <maximumf>, %select_n3A_166, %reduce_max3A_167 [1] : vector<256x4096xf32> to vector<256xf32>
    %broadcast_in_dim3A_169 = vector.shape_cast %reduce_max3A_168 : vector<256xf32> to vector<256x1xf32>
    %eq3A_170 = vector.broadcast %broadcast_in_dim3A_169 : vector<256x1xf32> to vector<256x4096xf32>
    %eq3A_171 = arith.cmpf oeq, %select_n3A_166, %eq3A_170 : vector<256x4096xf32>
    %jit3A_172 = arith.constant 2147483647 : i32
    %broadcast_in_dim3A_173 = vector.broadcast %jit3A_172 : i32 to vector<256x4096xi32>
    %select_n3A_174 = arith.select %eq3A_171, %add3A_7, %broadcast_in_dim3A_173 : vector<256x4096xi1>, vector<256x4096xi32>
    %reduce_min3A_175 = arith.constant dense<2147483647> : vector<256xi32>
    %reduce_min3A_176 = vector.multi_reduction <minsi>, %select_n3A_174, %reduce_min3A_175 [1] : vector<256x4096xi32> to vector<256xi32>
    %broadcast_in_dim3A_177 = vector.shape_cast %reduce_min3A_176 : vector<256xi32> to vector<256x1xi32>
    %eq3A_178 = vector.broadcast %broadcast_in_dim3A_177 : vector<256x1xi32> to vector<256x4096xi32>
    %eq3A_179 = arith.cmpi eq, %add3A_7, %eq3A_178 : vector<256x4096xi32>
    %jit3A_180 = arith.constant 0xFF800000 : f32
    %broadcast_in_dim3A_181 = vector.broadcast %jit3A_180 : f32 to vector<256x4096xf32>
    %select_n3A_182 = arith.select %eq3A_179, %broadcast_in_dim3A_181, %select_n3A_166 : vector<256x4096xi1>, vector<256x4096xf32>
    %reduce_max3A_183 = arith.constant dense<0xFF800000> : vector<256xf32>
    %reduce_max3A_184 = vector.multi_reduction <maximumf>, %select_n3A_182, %reduce_max3A_183 [1] : vector<256x4096xf32> to vector<256xf32>
    %broadcast_in_dim3A_185 = vector.shape_cast %reduce_max3A_184 : vector<256xf32> to vector<256x1xf32>
    %eq3A_186 = vector.broadcast %broadcast_in_dim3A_185 : vector<256x1xf32> to vector<256x4096xf32>
    %eq3A_187 = arith.cmpf oeq, %select_n3A_182, %eq3A_186 : vector<256x4096xf32>
    %jit3A_188 = arith.constant 2147483647 : i32
    %broadcast_in_dim3A_189 = vector.broadcast %jit3A_188 : i32 to vector<256x4096xi32>
    %select_n3A_190 = arith.select %eq3A_187, %add3A_7, %broadcast_in_dim3A_189 : vector<256x4096xi1>, vector<256x4096xi32>
    %reduce_min3A_191 = arith.constant dense<2147483647> : vector<256xi32>
    %reduce_min3A_192 = vector.multi_reduction <minsi>, %select_n3A_190, %reduce_min3A_191 [1] : vector<256x4096xi32> to vector<256xi32>
    %broadcast_in_dim3A_193 = vector.shape_cast %reduce_min3A_192 : vector<256xi32> to vector<256x1xi32>
    %eq3A_194 = vector.broadcast %broadcast_in_dim3A_193 : vector<256x1xi32> to vector<256x4096xi32>
    %eq3A_195 = arith.cmpi eq, %add3A_7, %eq3A_194 : vector<256x4096xi32>
    %jit3A_196 = arith.constant 0xFF800000 : f32
    %broadcast_in_dim3A_197 = vector.broadcast %jit3A_196 : f32 to vector<256x4096xf32>
    %select_n3A_198 = arith.select %eq3A_195, %broadcast_in_dim3A_197, %select_n3A_182 : vector<256x4096xi1>, vector<256x4096xf32>
    %reduce_max3A_199 = arith.constant dense<0xFF800000> : vector<256xf32>
    %reduce_max3A_200 = vector.multi_reduction <maximumf>, %select_n3A_198, %reduce_max3A_199 [1] : vector<256x4096xf32> to vector<256xf32>
    %broadcast_in_dim3A_201 = vector.shape_cast %reduce_max3A_200 : vector<256xf32> to vector<256x1xf32>
    %eq3A_202 = vector.broadcast %broadcast_in_dim3A_201 : vector<256x1xf32> to vector<256x4096xf32>
    %eq3A_203 = arith.cmpf oeq, %select_n3A_198, %eq3A_202 : vector<256x4096xf32>
    %jit3A_204 = arith.constant 2147483647 : i32
    %broadcast_in_dim3A_205 = vector.broadcast %jit3A_204 : i32 to vector<256x4096xi32>
    %select_n3A_206 = arith.select %eq3A_203, %add3A_7, %broadcast_in_dim3A_205 : vector<256x4096xi1>, vector<256x4096xi32>
    %reduce_min3A_207 = arith.constant dense<2147483647> : vector<256xi32>
    %reduce_min3A_208 = vector.multi_reduction <minsi>, %select_n3A_206, %reduce_min3A_207 [1] : vector<256x4096xi32> to vector<256xi32>
    %broadcast_in_dim3A_209 = vector.shape_cast %reduce_min3A_208 : vector<256xi32> to vector<256x1xi32>
    %eq3A_210 = vector.broadcast %broadcast_in_dim3A_209 : vector<256x1xi32> to vector<256x4096xi32>
    %eq3A_211 = arith.cmpi eq, %add3A_7, %eq3A_210 : vector<256x4096xi32>
    %jit3A_212 = arith.constant 0xFF800000 : f32
    %broadcast_in_dim3A_213 = vector.broadcast %jit3A_212 : f32 to vector<256x4096xf32>
    %select_n3A_214 = arith.select %eq3A_211, %broadcast_in_dim3A_213, %select_n3A_198 : vector<256x4096xi1>, vector<256x4096xf32>
    %reduce_max3A_215 = arith.constant dense<0xFF800000> : vector<256xf32>
    %reduce_max3A_216 = vector.multi_reduction <maximumf>, %select_n3A_214, %reduce_max3A_215 [1] : vector<256x4096xf32> to vector<256xf32>
    %broadcast_in_dim3A_217 = vector.shape_cast %reduce_max3A_216 : vector<256xf32> to vector<256x1xf32>
    %eq3A_218 = vector.broadcast %broadcast_in_dim3A_217 : vector<256x1xf32> to vector<256x4096xf32>
    %eq3A_219 = arith.cmpf oeq, %select_n3A_214, %eq3A_218 : vector<256x4096xf32>
    %jit3A_220 = arith.constant 2147483647 : i32
    %broadcast_in_dim3A_221 = vector.broadcast %jit3A_220 : i32 to vector<256x4096xi32>
    %select_n3A_222 = arith.select %eq3A_219, %add3A_7, %broadcast_in_dim3A_221 : vector<256x4096xi1>, vector<256x4096xi32>
    %reduce_min3A_223 = arith.constant dense<2147483647> : vector<256xi32>
    %reduce_min3A_224 = vector.multi_reduction <minsi>, %select_n3A_222, %reduce_min3A_223 [1] : vector<256x4096xi32> to vector<256xi32>
    %broadcast_in_dim3A_225 = vector.shape_cast %reduce_min3A_224 : vector<256xi32> to vector<256x1xi32>
    %eq3A_226 = vector.broadcast %broadcast_in_dim3A_225 : vector<256x1xi32> to vector<256x4096xi32>
    %eq3A_227 = arith.cmpi eq, %add3A_7, %eq3A_226 : vector<256x4096xi32>
    %jit3A_228 = arith.constant 0xFF800000 : f32
    %broadcast_in_dim3A_229 = vector.broadcast %jit3A_228 : f32 to vector<256x4096xf32>
    %select_n3A_230 = arith.select %eq3A_227, %broadcast_in_dim3A_229, %select_n3A_214 : vector<256x4096xi1>, vector<256x4096xf32>
    %reduce_max3A_231 = arith.constant dense<0xFF800000> : vector<256xf32>
    %reduce_max3A_232 = vector.multi_reduction <maximumf>, %select_n3A_230, %reduce_max3A_231 [1] : vector<256x4096xf32> to vector<256xf32>
    %broadcast_in_dim3A_233 = vector.shape_cast %reduce_max3A_232 : vector<256xf32> to vector<256x1xf32>
    %eq3A_234 = vector.broadcast %broadcast_in_dim3A_233 : vector<256x1xf32> to vector<256x4096xf32>
    %eq3A_235 = arith.cmpf oeq, %select_n3A_230, %eq3A_234 : vector<256x4096xf32>
    %jit3A_236 = arith.constant 2147483647 : i32
    %broadcast_in_dim3A_237 = vector.broadcast %jit3A_236 : i32 to vector<256x4096xi32>
    %select_n3A_238 = arith.select %eq3A_235, %add3A_7, %broadcast_in_dim3A_237 : vector<256x4096xi1>, vector<256x4096xi32>
    %reduce_min3A_239 = arith.constant dense<2147483647> : vector<256xi32>
    %reduce_min3A_240 = vector.multi_reduction <minsi>, %select_n3A_238, %reduce_min3A_239 [1] : vector<256x4096xi32> to vector<256xi32>
    %broadcast_in_dim3A_241 = vector.shape_cast %reduce_min3A_240 : vector<256xi32> to vector<256x1xi32>
    %eq3A_242 = vector.broadcast %broadcast_in_dim3A_241 : vector<256x1xi32> to vector<256x4096xi32>
    %eq3A_243 = arith.cmpi eq, %add3A_7, %eq3A_242 : vector<256x4096xi32>
    %jit3A_244 = arith.constant 0xFF800000 : f32
    %broadcast_in_dim3A_245 = vector.broadcast %jit3A_244 : f32 to vector<256x4096xf32>
    %select_n3A_246 = arith.select %eq3A_243, %broadcast_in_dim3A_245, %select_n3A_230 : vector<256x4096xi1>, vector<256x4096xf32>
    %reduce_max3A_247 = arith.constant dense<0xFF800000> : vector<256xf32>
    %reduce_max3A_248 = vector.multi_reduction <maximumf>, %select_n3A_246, %reduce_max3A_247 [1] : vector<256x4096xf32> to vector<256xf32>
    %broadcast_in_dim3A_249 = vector.shape_cast %reduce_max3A_248 : vector<256xf32> to vector<256x1xf32>
    %eq3A_250 = vector.broadcast %broadcast_in_dim3A_249 : vector<256x1xf32> to vector<256x4096xf32>
    %eq3A_251 = arith.cmpf oeq, %select_n3A_246, %eq3A_250 : vector<256x4096xf32>
    %jit3A_252 = arith.constant 2147483647 : i32
    %broadcast_in_dim3A_253 = vector.broadcast %jit3A_252 : i32 to vector<256x4096xi32>
    %select_n3A_254 = arith.select %eq3A_251, %add3A_7, %broadcast_in_dim3A_253 : vector<256x4096xi1>, vector<256x4096xi32>
    %reduce_min3A_255 = arith.constant dense<2147483647> : vector<256xi32>
    %reduce_min3A_256 = vector.multi_reduction <minsi>, %select_n3A_254, %reduce_min3A_255 [1] : vector<256x4096xi32> to vector<256xi32>
    %broadcast_in_dim3A_257 = vector.shape_cast %reduce_min3A_256 : vector<256xi32> to vector<256x1xi32>
    %eq3A_258 = vector.broadcast %broadcast_in_dim3A_257 : vector<256x1xi32> to vector<256x4096xi32>
    %eq3A_259 = arith.cmpi eq, %add3A_7, %eq3A_258 : vector<256x4096xi32>
    %jit3A_260 = arith.constant 0xFF800000 : f32
    %broadcast_in_dim3A_261 = vector.broadcast %jit3A_260 : f32 to vector<256x4096xf32>
    %select_n3A_262 = arith.select %eq3A_259, %broadcast_in_dim3A_261, %select_n3A_246 : vector<256x4096xi1>, vector<256x4096xf32>
    %reduce_max3A_263 = arith.constant dense<0xFF800000> : vector<256xf32>
    %reduce_max3A_264 = vector.multi_reduction <maximumf>, %select_n3A_262, %reduce_max3A_263 [1] : vector<256x4096xf32> to vector<256xf32>
    %broadcast_in_dim3A_265 = vector.shape_cast %reduce_max3A_264 : vector<256xf32> to vector<256x1xf32>
    %eq3A_266 = vector.broadcast %broadcast_in_dim3A_265 : vector<256x1xf32> to vector<256x4096xf32>
    %eq3A_267 = arith.cmpf oeq, %select_n3A_262, %eq3A_266 : vector<256x4096xf32>
    %jit3A_268 = arith.constant 2147483647 : i32
    %broadcast_in_dim3A_269 = vector.broadcast %jit3A_268 : i32 to vector<256x4096xi32>
    %select_n3A_270 = arith.select %eq3A_267, %add3A_7, %broadcast_in_dim3A_269 : vector<256x4096xi1>, vector<256x4096xi32>
    %reduce_min3A_271 = arith.constant dense<2147483647> : vector<256xi32>
    %reduce_min3A_272 = vector.multi_reduction <minsi>, %select_n3A_270, %reduce_min3A_271 [1] : vector<256x4096xi32> to vector<256xi32>
    %broadcast_in_dim3A_273 = vector.shape_cast %reduce_min3A_272 : vector<256xi32> to vector<256x1xi32>
    %eq3A_274 = vector.broadcast %broadcast_in_dim3A_273 : vector<256x1xi32> to vector<256x4096xi32>
    %eq3A_275 = arith.cmpi eq, %add3A_7, %eq3A_274 : vector<256x4096xi32>
    %jit3A_276 = arith.constant 0xFF800000 : f32
    %broadcast_in_dim3A_277 = vector.broadcast %jit3A_276 : f32 to vector<256x4096xf32>
    %select_n3A_278 = arith.select %eq3A_275, %broadcast_in_dim3A_277, %select_n3A_262 : vector<256x4096xi1>, vector<256x4096xf32>
    %reduce_max3A_279 = arith.constant dense<0xFF800000> : vector<256xf32>
    %reduce_max3A_280 = vector.multi_reduction <maximumf>, %select_n3A_278, %reduce_max3A_279 [1] : vector<256x4096xf32> to vector<256xf32>
    %broadcast_in_dim3A_281 = vector.shape_cast %reduce_max3A_280 : vector<256xf32> to vector<256x1xf32>
    %eq3A_282 = vector.broadcast %broadcast_in_dim3A_281 : vector<256x1xf32> to vector<256x4096xf32>
    %eq3A_283 = arith.cmpf oeq, %select_n3A_278, %eq3A_282 : vector<256x4096xf32>
    %jit3A_284 = arith.constant 2147483647 : i32
    %broadcast_in_dim3A_285 = vector.broadcast %jit3A_284 : i32 to vector<256x4096xi32>
    %select_n3A_286 = arith.select %eq3A_283, %add3A_7, %broadcast_in_dim3A_285 : vector<256x4096xi1>, vector<256x4096xi32>
    %reduce_min3A_287 = arith.constant dense<2147483647> : vector<256xi32>
    %reduce_min3A_288 = vector.multi_reduction <minsi>, %select_n3A_286, %reduce_min3A_287 [1] : vector<256x4096xi32> to vector<256xi32>
    %broadcast_in_dim3A_289 = vector.shape_cast %reduce_min3A_288 : vector<256xi32> to vector<256x1xi32>
    %eq3A_290 = vector.broadcast %broadcast_in_dim3A_289 : vector<256x1xi32> to vector<256x4096xi32>
    %eq3A_291 = arith.cmpi eq, %add3A_7, %eq3A_290 : vector<256x4096xi32>
    %jit3A_292 = arith.constant 0xFF800000 : f32
    %broadcast_in_dim3A_293 = vector.broadcast %jit3A_292 : f32 to vector<256x4096xf32>
    %select_n3A_294 = arith.select %eq3A_291, %broadcast_in_dim3A_293, %select_n3A_278 : vector<256x4096xi1>, vector<256x4096xf32>
    %reduce_max3A_295 = arith.constant dense<0xFF800000> : vector<256xf32>
    %reduce_max3A_296 = vector.multi_reduction <maximumf>, %select_n3A_294, %reduce_max3A_295 [1] : vector<256x4096xf32> to vector<256xf32>
    %broadcast_in_dim3A_297 = vector.shape_cast %reduce_max3A_296 : vector<256xf32> to vector<256x1xf32>
    %eq3A_298 = vector.broadcast %broadcast_in_dim3A_297 : vector<256x1xf32> to vector<256x4096xf32>
    %eq3A_299 = arith.cmpf oeq, %select_n3A_294, %eq3A_298 : vector<256x4096xf32>
    %jit3A_300 = arith.constant 2147483647 : i32
    %broadcast_in_dim3A_301 = vector.broadcast %jit3A_300 : i32 to vector<256x4096xi32>
    %select_n3A_302 = arith.select %eq3A_299, %add3A_7, %broadcast_in_dim3A_301 : vector<256x4096xi1>, vector<256x4096xi32>
    %reduce_min3A_303 = arith.constant dense<2147483647> : vector<256xi32>
    %reduce_min3A_304 = vector.multi_reduction <minsi>, %select_n3A_302, %reduce_min3A_303 [1] : vector<256x4096xi32> to vector<256xi32>
    %broadcast_in_dim3A_305 = vector.shape_cast %reduce_min3A_304 : vector<256xi32> to vector<256x1xi32>
    %eq3A_306 = vector.broadcast %broadcast_in_dim3A_305 : vector<256x1xi32> to vector<256x4096xi32>
    %eq3A_307 = arith.cmpi eq, %add3A_7, %eq3A_306 : vector<256x4096xi32>
    %jit3A_308 = arith.constant 0xFF800000 : f32
    %broadcast_in_dim3A_309 = vector.broadcast %jit3A_308 : f32 to vector<256x4096xf32>
    %select_n3A_310 = arith.select %eq3A_307, %broadcast_in_dim3A_309, %select_n3A_294 : vector<256x4096xi1>, vector<256x4096xf32>
    %reduce_max3A_311 = arith.constant dense<0xFF800000> : vector<256xf32>
    %reduce_max3A_312 = vector.multi_reduction <maximumf>, %select_n3A_310, %reduce_max3A_311 [1] : vector<256x4096xf32> to vector<256xf32>
    %broadcast_in_dim3A_313 = vector.shape_cast %reduce_max3A_312 : vector<256xf32> to vector<256x1xf32>
    %eq3A_314 = vector.broadcast %broadcast_in_dim3A_313 : vector<256x1xf32> to vector<256x4096xf32>
    %eq3A_315 = arith.cmpf oeq, %select_n3A_310, %eq3A_314 : vector<256x4096xf32>
    %jit3A_316 = arith.constant 2147483647 : i32
    %broadcast_in_dim3A_317 = vector.broadcast %jit3A_316 : i32 to vector<256x4096xi32>
    %select_n3A_318 = arith.select %eq3A_315, %add3A_7, %broadcast_in_dim3A_317 : vector<256x4096xi1>, vector<256x4096xi32>
    %reduce_min3A_319 = arith.constant dense<2147483647> : vector<256xi32>
    %reduce_min3A_320 = vector.multi_reduction <minsi>, %select_n3A_318, %reduce_min3A_319 [1] : vector<256x4096xi32> to vector<256xi32>
    %broadcast_in_dim3A_321 = vector.shape_cast %reduce_min3A_320 : vector<256xi32> to vector<256x1xi32>
    %broadcast_in_dim3A_322 = arith.constant 0xFF800000 : f32
    %broadcast_in_dim3A_323 = vector.broadcast %broadcast_in_dim3A_322 : f32 to vector<256x108xf32>
    %concatenate3A = tpu.concatenate %broadcast_in_dim3A_11, %broadcast_in_dim3A_25, %broadcast_in_dim3A_41, %broadcast_in_dim3A_57, %broadcast_in_dim3A_73, %broadcast_in_dim3A_89, %broadcast_in_dim3A_105, %broadcast_in_dim3A_121, %broadcast_in_dim3A_137, %broadcast_in_dim3A_153, %broadcast_in_dim3A_169, %broadcast_in_dim3A_185, %broadcast_in_dim3A_201, %broadcast_in_dim3A_217, %broadcast_in_dim3A_233, %broadcast_in_dim3A_249, %broadcast_in_dim3A_265, %broadcast_in_dim3A_281, %broadcast_in_dim3A_297, %broadcast_in_dim3A_313, %broadcast_in_dim3A_323 in 1 : vector<256x1xf32>, vector<256x1xf32>, vector<256x1xf32>, vector<256x1xf32>, vector<256x1xf32>, vector<256x1xf32>, vector<256x1xf32>, vector<256x1xf32>, vector<256x1xf32>, vector<256x1xf32>, vector<256x1xf32>, vector<256x1xf32>, vector<256x1xf32>, vector<256x1xf32>, vector<256x1xf32>, vector<256x1xf32>, vector<256x1xf32>, vector<256x1xf32>, vector<256x1xf32>, vector<256x1xf32>, vector<256x108xf32> -> vector<256x128xf32>
    %swap3A = arith.constant 0 : index
    %swap3A_324 = arith.constant 0 : index
    %swap3A_325 = vector.load %arg4[%swap3A, %swap3A_324] : memref<256x128xf32, #tpu.memory_space<vmem>>, vector<256x128xf32>
    tpu.vector_store %arg4[%swap3A, %swap3A_324], %concatenate3A {strides = array<i32>} : memref<256x128xf32, #tpu.memory_space<vmem>>, vector<256x128xf32>,
    %broadcast_in_dim3A_326 = arith.constant 0 : i32
    %broadcast_in_dim3A_327 = vector.broadcast %broadcast_in_dim3A_326 : i32 to vector<256x108xi32>
    %concatenate3A_328 = tpu.concatenate %broadcast_in_dim3A_17, %broadcast_in_dim3A_33, %broadcast_in_dim3A_49, %broadcast_in_dim3A_65, %broadcast_in_dim3A_81, %broadcast_in_dim3A_97, %broadcast_in_dim3A_113, %broadcast_in_dim3A_129, %broadcast_in_dim3A_145, %broadcast_in_dim3A_161, %broadcast_in_dim3A_177, %broadcast_in_dim3A_193, %broadcast_in_dim3A_209, %broadcast_in_dim3A_225, %broadcast_in_dim3A_241, %broadcast_in_dim3A_257, %broadcast_in_dim3A_273, %broadcast_in_dim3A_289, %broadcast_in_dim3A_305, %broadcast_in_dim3A_321, %broadcast_in_dim3A_327 in 1 : vector<256x1xi32>, vector<256x1xi32>, vector<256x1xi32>, vector<256x1xi32>, vector<256x1xi32>, vector<256x1xi32>, vector<256x1xi32>, vector<256x1xi32>, vector<256x1xi32>, vector<256x1xi32>, vector<256x1xi32>, vector<256x1xi32>, vector<256x1xi32>, vector<256x1xi32>, vector<256x1xi32>, vector<256x1xi32>, vector<256x1xi32>, vector<256x1xi32>, vector<256x1xi32>, vector<256x1xi32>, vector<256x108xi32> -> vector<256x128xi32>
    %swap3A_329 = arith.constant 0 : index
    %swap3A_330 = arith.constant 0 : index
    %swap3A_331 = vector.load %arg5[%swap3A_329, %swap3A_330] : memref<256x128xi32, #tpu.memory_space<vmem>>, vector<256x128xi32>
    tpu.vector_store %arg5[%swap3A_329, %swap3A_330], %concatenate3A_328 {strides = array<i32>} : memref<256x128xi32, #tpu.memory_space<vmem>>, vector<256x128xi32>,
    return
  }
  func.func @transform_0(%arg0: i32, %arg1: i32) -> (i32, i32) {
    %c0_i32 = arith.constant 0 : i32
    %c0_i32_0 = arith.constant 0 : i32
    return %arg0, %c0_i32 : i32, i32
  }
  func.func @transform_1(%arg0: i32, %arg1: i32) -> (i32, i32) {
    %c0_i32 = arith.constant 0 : i32
    %c0_i32_0 = arith.constant 0 : i32
    return %arg1, %c0_i32 : i32, i32
  }
  func.func @transform_2(%arg0: i32, %arg1: i32) -> (i32, i32) {
    %c0_i32 = arith.constant 0 : i32
    return %arg0, %arg1 : i32, i32
  }
  func.func @transform_3(%arg0: i32, %arg1: i32) -> (i32, i32) {
    %c0_i32 = arith.constant 0 : i32
    return %arg0, %arg1 : i32, i32
  }
}

module attributes {stable_mosaic.version = 14 : i64} {
  func.func @_topk_merge_body(%arg0: i32, %arg1: memref<256x3200xf32, #tpu.memory_space<vmem>>, %arg2: memref<256x3200xi32, #tpu.memory_space<vmem>>, %arg3: memref<256x20xi32, #tpu.memory_space<vmem>>) attributes {dimension_semantics = [#tpu.dimension_semantics<arbitrary>], iteration_bounds = array<i64: 4>, scalar_prefetch = 0 : i64, scratch_operands = 0 : i64, tpu.core_type = #tpu.core_type<tc>, window_params = [{transform_indices = @transform_0, window_bounds = array<i64: 256, 3200>}, {transform_indices = @transform_1, window_bounds = array<i64: 256, 3200>}, {transform_indices = @transform_2, window_bounds = array<i64: 256, 20>}]} {
    %get3A = arith.constant 0 : index
    %get3A_0 = arith.constant 0 : index
    %get3A_1 = vector.load %arg1[%get3A, %get3A_0] : memref<256x3200xf32, #tpu.memory_space<vmem>>, vector<256x3200xf32>
    %get3A_2 = arith.constant 0 : index
    %get3A_3 = arith.constant 0 : index
    %get3A_4 = vector.load %arg2[%get3A_2, %get3A_3] : memref<256x3200xi32, #tpu.memory_space<vmem>>, vector<256x3200xi32>
    %reduce_max3A = arith.constant dense<0xFF800000> : vector<256xf32>
    %reduce_max3A_5 = vector.multi_reduction <maximumf>, %get3A_1, %reduce_max3A [1] : vector<256x3200xf32> to vector<256xf32>
    %broadcast_in_dim3A = vector.shape_cast %reduce_max3A_5 : vector<256xf32> to vector<256x1xf32>
    %eq3A = vector.broadcast %broadcast_in_dim3A : vector<256x1xf32> to vector<256x3200xf32>
    %eq3A_6 = arith.cmpf oeq, %get3A_1, %eq3A : vector<256x3200xf32>
    %jit3A = arith.constant 2147483647 : i32
    %broadcast_in_dim3A_7 = vector.broadcast %jit3A : i32 to vector<256x3200xi32>
    %select_n3A = arith.select %eq3A_6, %get3A_4, %broadcast_in_dim3A_7 : vector<256x3200xi1>, vector<256x3200xi32>
    %reduce_min3A = arith.constant dense<2147483647> : vector<256xi32>
    %reduce_min3A_8 = vector.multi_reduction <minsi>, %select_n3A, %reduce_min3A [1] : vector<256x3200xi32> to vector<256xi32>
    %broadcast_in_dim3A_9 = vector.shape_cast %reduce_min3A_8 : vector<256xi32> to vector<256x1xi32>
    %eq3A_10 = vector.broadcast %broadcast_in_dim3A_9 : vector<256x1xi32> to vector<256x3200xi32>
    %eq3A_11 = arith.cmpi eq, %get3A_4, %eq3A_10 : vector<256x3200xi32>
    %jit3A_12 = arith.constant 0xFF800000 : f32
    %broadcast_in_dim3A_13 = vector.broadcast %jit3A_12 : f32 to vector<256x3200xf32>
    %select_n3A_14 = arith.select %eq3A_11, %broadcast_in_dim3A_13, %get3A_1 : vector<256x3200xi1>, vector<256x3200xf32>
    %reduce_max3A_15 = arith.constant dense<0xFF800000> : vector<256xf32>
    %reduce_max3A_16 = vector.multi_reduction <maximumf>, %select_n3A_14, %reduce_max3A_15 [1] : vector<256x3200xf32> to vector<256xf32>
    %broadcast_in_dim3A_17 = vector.shape_cast %reduce_max3A_16 : vector<256xf32> to vector<256x1xf32>
    %eq3A_18 = vector.broadcast %broadcast_in_dim3A_17 : vector<256x1xf32> to vector<256x3200xf32>
    %eq3A_19 = arith.cmpf oeq, %select_n3A_14, %eq3A_18 : vector<256x3200xf32>
    %jit3A_20 = arith.constant 2147483647 : i32
    %broadcast_in_dim3A_21 = vector.broadcast %jit3A_20 : i32 to vector<256x3200xi32>
    %select_n3A_22 = arith.select %eq3A_19, %get3A_4, %broadcast_in_dim3A_21 : vector<256x3200xi1>, vector<256x3200xi32>
    %reduce_min3A_23 = arith.constant dense<2147483647> : vector<256xi32>
    %reduce_min3A_24 = vector.multi_reduction <minsi>, %select_n3A_22, %reduce_min3A_23 [1] : vector<256x3200xi32> to vector<256xi32>
    %broadcast_in_dim3A_25 = vector.shape_cast %reduce_min3A_24 : vector<256xi32> to vector<256x1xi32>
    %eq3A_26 = vector.broadcast %broadcast_in_dim3A_25 : vector<256x1xi32> to vector<256x3200xi32>
    %eq3A_27 = arith.cmpi eq, %get3A_4, %eq3A_26 : vector<256x3200xi32>
    %jit3A_28 = arith.constant 0xFF800000 : f32
    %broadcast_in_dim3A_29 = vector.broadcast %jit3A_28 : f32 to vector<256x3200xf32>
    %select_n3A_30 = arith.select %eq3A_27, %broadcast_in_dim3A_29, %select_n3A_14 : vector<256x3200xi1>, vector<256x3200xf32>
    %reduce_max3A_31 = arith.constant dense<0xFF800000> : vector<256xf32>
    %reduce_max3A_32 = vector.multi_reduction <maximumf>, %select_n3A_30, %reduce_max3A_31 [1] : vector<256x3200xf32> to vector<256xf32>
    %broadcast_in_dim3A_33 = vector.shape_cast %reduce_max3A_32 : vector<256xf32> to vector<256x1xf32>
    %eq3A_34 = vector.broadcast %broadcast_in_dim3A_33 : vector<256x1xf32> to vector<256x3200xf32>
    %eq3A_35 = arith.cmpf oeq, %select_n3A_30, %eq3A_34 : vector<256x3200xf32>
    %jit3A_36 = arith.constant 2147483647 : i32
    %broadcast_in_dim3A_37 = vector.broadcast %jit3A_36 : i32 to vector<256x3200xi32>
    %select_n3A_38 = arith.select %eq3A_35, %get3A_4, %broadcast_in_dim3A_37 : vector<256x3200xi1>, vector<256x3200xi32>
    %reduce_min3A_39 = arith.constant dense<2147483647> : vector<256xi32>
    %reduce_min3A_40 = vector.multi_reduction <minsi>, %select_n3A_38, %reduce_min3A_39 [1] : vector<256x3200xi32> to vector<256xi32>
    %broadcast_in_dim3A_41 = vector.shape_cast %reduce_min3A_40 : vector<256xi32> to vector<256x1xi32>
    %eq3A_42 = vector.broadcast %broadcast_in_dim3A_41 : vector<256x1xi32> to vector<256x3200xi32>
    %eq3A_43 = arith.cmpi eq, %get3A_4, %eq3A_42 : vector<256x3200xi32>
    %jit3A_44 = arith.constant 0xFF800000 : f32
    %broadcast_in_dim3A_45 = vector.broadcast %jit3A_44 : f32 to vector<256x3200xf32>
    %select_n3A_46 = arith.select %eq3A_43, %broadcast_in_dim3A_45, %select_n3A_30 : vector<256x3200xi1>, vector<256x3200xf32>
    %reduce_max3A_47 = arith.constant dense<0xFF800000> : vector<256xf32>
    %reduce_max3A_48 = vector.multi_reduction <maximumf>, %select_n3A_46, %reduce_max3A_47 [1] : vector<256x3200xf32> to vector<256xf32>
    %broadcast_in_dim3A_49 = vector.shape_cast %reduce_max3A_48 : vector<256xf32> to vector<256x1xf32>
    %eq3A_50 = vector.broadcast %broadcast_in_dim3A_49 : vector<256x1xf32> to vector<256x3200xf32>
    %eq3A_51 = arith.cmpf oeq, %select_n3A_46, %eq3A_50 : vector<256x3200xf32>
    %jit3A_52 = arith.constant 2147483647 : i32
    %broadcast_in_dim3A_53 = vector.broadcast %jit3A_52 : i32 to vector<256x3200xi32>
    %select_n3A_54 = arith.select %eq3A_51, %get3A_4, %broadcast_in_dim3A_53 : vector<256x3200xi1>, vector<256x3200xi32>
    %reduce_min3A_55 = arith.constant dense<2147483647> : vector<256xi32>
    %reduce_min3A_56 = vector.multi_reduction <minsi>, %select_n3A_54, %reduce_min3A_55 [1] : vector<256x3200xi32> to vector<256xi32>
    %broadcast_in_dim3A_57 = vector.shape_cast %reduce_min3A_56 : vector<256xi32> to vector<256x1xi32>
    %eq3A_58 = vector.broadcast %broadcast_in_dim3A_57 : vector<256x1xi32> to vector<256x3200xi32>
    %eq3A_59 = arith.cmpi eq, %get3A_4, %eq3A_58 : vector<256x3200xi32>
    %jit3A_60 = arith.constant 0xFF800000 : f32
    %broadcast_in_dim3A_61 = vector.broadcast %jit3A_60 : f32 to vector<256x3200xf32>
    %select_n3A_62 = arith.select %eq3A_59, %broadcast_in_dim3A_61, %select_n3A_46 : vector<256x3200xi1>, vector<256x3200xf32>
    %reduce_max3A_63 = arith.constant dense<0xFF800000> : vector<256xf32>
    %reduce_max3A_64 = vector.multi_reduction <maximumf>, %select_n3A_62, %reduce_max3A_63 [1] : vector<256x3200xf32> to vector<256xf32>
    %broadcast_in_dim3A_65 = vector.shape_cast %reduce_max3A_64 : vector<256xf32> to vector<256x1xf32>
    %eq3A_66 = vector.broadcast %broadcast_in_dim3A_65 : vector<256x1xf32> to vector<256x3200xf32>
    %eq3A_67 = arith.cmpf oeq, %select_n3A_62, %eq3A_66 : vector<256x3200xf32>
    %jit3A_68 = arith.constant 2147483647 : i32
    %broadcast_in_dim3A_69 = vector.broadcast %jit3A_68 : i32 to vector<256x3200xi32>
    %select_n3A_70 = arith.select %eq3A_67, %get3A_4, %broadcast_in_dim3A_69 : vector<256x3200xi1>, vector<256x3200xi32>
    %reduce_min3A_71 = arith.constant dense<2147483647> : vector<256xi32>
    %reduce_min3A_72 = vector.multi_reduction <minsi>, %select_n3A_70, %reduce_min3A_71 [1] : vector<256x3200xi32> to vector<256xi32>
    %broadcast_in_dim3A_73 = vector.shape_cast %reduce_min3A_72 : vector<256xi32> to vector<256x1xi32>
    %eq3A_74 = vector.broadcast %broadcast_in_dim3A_73 : vector<256x1xi32> to vector<256x3200xi32>
    %eq3A_75 = arith.cmpi eq, %get3A_4, %eq3A_74 : vector<256x3200xi32>
    %jit3A_76 = arith.constant 0xFF800000 : f32
    %broadcast_in_dim3A_77 = vector.broadcast %jit3A_76 : f32 to vector<256x3200xf32>
    %select_n3A_78 = arith.select %eq3A_75, %broadcast_in_dim3A_77, %select_n3A_62 : vector<256x3200xi1>, vector<256x3200xf32>
    %reduce_max3A_79 = arith.constant dense<0xFF800000> : vector<256xf32>
    %reduce_max3A_80 = vector.multi_reduction <maximumf>, %select_n3A_78, %reduce_max3A_79 [1] : vector<256x3200xf32> to vector<256xf32>
    %broadcast_in_dim3A_81 = vector.shape_cast %reduce_max3A_80 : vector<256xf32> to vector<256x1xf32>
    %eq3A_82 = vector.broadcast %broadcast_in_dim3A_81 : vector<256x1xf32> to vector<256x3200xf32>
    %eq3A_83 = arith.cmpf oeq, %select_n3A_78, %eq3A_82 : vector<256x3200xf32>
    %jit3A_84 = arith.constant 2147483647 : i32
    %broadcast_in_dim3A_85 = vector.broadcast %jit3A_84 : i32 to vector<256x3200xi32>
    %select_n3A_86 = arith.select %eq3A_83, %get3A_4, %broadcast_in_dim3A_85 : vector<256x3200xi1>, vector<256x3200xi32>
    %reduce_min3A_87 = arith.constant dense<2147483647> : vector<256xi32>
    %reduce_min3A_88 = vector.multi_reduction <minsi>, %select_n3A_86, %reduce_min3A_87 [1] : vector<256x3200xi32> to vector<256xi32>
    %broadcast_in_dim3A_89 = vector.shape_cast %reduce_min3A_88 : vector<256xi32> to vector<256x1xi32>
    %eq3A_90 = vector.broadcast %broadcast_in_dim3A_89 : vector<256x1xi32> to vector<256x3200xi32>
    %eq3A_91 = arith.cmpi eq, %get3A_4, %eq3A_90 : vector<256x3200xi32>
    %jit3A_92 = arith.constant 0xFF800000 : f32
    %broadcast_in_dim3A_93 = vector.broadcast %jit3A_92 : f32 to vector<256x3200xf32>
    %select_n3A_94 = arith.select %eq3A_91, %broadcast_in_dim3A_93, %select_n3A_78 : vector<256x3200xi1>, vector<256x3200xf32>
    %reduce_max3A_95 = arith.constant dense<0xFF800000> : vector<256xf32>
    %reduce_max3A_96 = vector.multi_reduction <maximumf>, %select_n3A_94, %reduce_max3A_95 [1] : vector<256x3200xf32> to vector<256xf32>
    %broadcast_in_dim3A_97 = vector.shape_cast %reduce_max3A_96 : vector<256xf32> to vector<256x1xf32>
    %eq3A_98 = vector.broadcast %broadcast_in_dim3A_97 : vector<256x1xf32> to vector<256x3200xf32>
    %eq3A_99 = arith.cmpf oeq, %select_n3A_94, %eq3A_98 : vector<256x3200xf32>
    %jit3A_100 = arith.constant 2147483647 : i32
    %broadcast_in_dim3A_101 = vector.broadcast %jit3A_100 : i32 to vector<256x3200xi32>
    %select_n3A_102 = arith.select %eq3A_99, %get3A_4, %broadcast_in_dim3A_101 : vector<256x3200xi1>, vector<256x3200xi32>
    %reduce_min3A_103 = arith.constant dense<2147483647> : vector<256xi32>
    %reduce_min3A_104 = vector.multi_reduction <minsi>, %select_n3A_102, %reduce_min3A_103 [1] : vector<256x3200xi32> to vector<256xi32>
    %broadcast_in_dim3A_105 = vector.shape_cast %reduce_min3A_104 : vector<256xi32> to vector<256x1xi32>
    %eq3A_106 = vector.broadcast %broadcast_in_dim3A_105 : vector<256x1xi32> to vector<256x3200xi32>
    %eq3A_107 = arith.cmpi eq, %get3A_4, %eq3A_106 : vector<256x3200xi32>
    %jit3A_108 = arith.constant 0xFF800000 : f32
    %broadcast_in_dim3A_109 = vector.broadcast %jit3A_108 : f32 to vector<256x3200xf32>
    %select_n3A_110 = arith.select %eq3A_107, %broadcast_in_dim3A_109, %select_n3A_94 : vector<256x3200xi1>, vector<256x3200xf32>
    %reduce_max3A_111 = arith.constant dense<0xFF800000> : vector<256xf32>
    %reduce_max3A_112 = vector.multi_reduction <maximumf>, %select_n3A_110, %reduce_max3A_111 [1] : vector<256x3200xf32> to vector<256xf32>
    %broadcast_in_dim3A_113 = vector.shape_cast %reduce_max3A_112 : vector<256xf32> to vector<256x1xf32>
    %eq3A_114 = vector.broadcast %broadcast_in_dim3A_113 : vector<256x1xf32> to vector<256x3200xf32>
    %eq3A_115 = arith.cmpf oeq, %select_n3A_110, %eq3A_114 : vector<256x3200xf32>
    %jit3A_116 = arith.constant 2147483647 : i32
    %broadcast_in_dim3A_117 = vector.broadcast %jit3A_116 : i32 to vector<256x3200xi32>
    %select_n3A_118 = arith.select %eq3A_115, %get3A_4, %broadcast_in_dim3A_117 : vector<256x3200xi1>, vector<256x3200xi32>
    %reduce_min3A_119 = arith.constant dense<2147483647> : vector<256xi32>
    %reduce_min3A_120 = vector.multi_reduction <minsi>, %select_n3A_118, %reduce_min3A_119 [1] : vector<256x3200xi32> to vector<256xi32>
    %broadcast_in_dim3A_121 = vector.shape_cast %reduce_min3A_120 : vector<256xi32> to vector<256x1xi32>
    %eq3A_122 = vector.broadcast %broadcast_in_dim3A_121 : vector<256x1xi32> to vector<256x3200xi32>
    %eq3A_123 = arith.cmpi eq, %get3A_4, %eq3A_122 : vector<256x3200xi32>
    %jit3A_124 = arith.constant 0xFF800000 : f32
    %broadcast_in_dim3A_125 = vector.broadcast %jit3A_124 : f32 to vector<256x3200xf32>
    %select_n3A_126 = arith.select %eq3A_123, %broadcast_in_dim3A_125, %select_n3A_110 : vector<256x3200xi1>, vector<256x3200xf32>
    %reduce_max3A_127 = arith.constant dense<0xFF800000> : vector<256xf32>
    %reduce_max3A_128 = vector.multi_reduction <maximumf>, %select_n3A_126, %reduce_max3A_127 [1] : vector<256x3200xf32> to vector<256xf32>
    %broadcast_in_dim3A_129 = vector.shape_cast %reduce_max3A_128 : vector<256xf32> to vector<256x1xf32>
    %eq3A_130 = vector.broadcast %broadcast_in_dim3A_129 : vector<256x1xf32> to vector<256x3200xf32>
    %eq3A_131 = arith.cmpf oeq, %select_n3A_126, %eq3A_130 : vector<256x3200xf32>
    %jit3A_132 = arith.constant 2147483647 : i32
    %broadcast_in_dim3A_133 = vector.broadcast %jit3A_132 : i32 to vector<256x3200xi32>
    %select_n3A_134 = arith.select %eq3A_131, %get3A_4, %broadcast_in_dim3A_133 : vector<256x3200xi1>, vector<256x3200xi32>
    %reduce_min3A_135 = arith.constant dense<2147483647> : vector<256xi32>
    %reduce_min3A_136 = vector.multi_reduction <minsi>, %select_n3A_134, %reduce_min3A_135 [1] : vector<256x3200xi32> to vector<256xi32>
    %broadcast_in_dim3A_137 = vector.shape_cast %reduce_min3A_136 : vector<256xi32> to vector<256x1xi32>
    %eq3A_138 = vector.broadcast %broadcast_in_dim3A_137 : vector<256x1xi32> to vector<256x3200xi32>
    %eq3A_139 = arith.cmpi eq, %get3A_4, %eq3A_138 : vector<256x3200xi32>
    %jit3A_140 = arith.constant 0xFF800000 : f32
    %broadcast_in_dim3A_141 = vector.broadcast %jit3A_140 : f32 to vector<256x3200xf32>
    %select_n3A_142 = arith.select %eq3A_139, %broadcast_in_dim3A_141, %select_n3A_126 : vector<256x3200xi1>, vector<256x3200xf32>
    %reduce_max3A_143 = arith.constant dense<0xFF800000> : vector<256xf32>
    %reduce_max3A_144 = vector.multi_reduction <maximumf>, %select_n3A_142, %reduce_max3A_143 [1] : vector<256x3200xf32> to vector<256xf32>
    %broadcast_in_dim3A_145 = vector.shape_cast %reduce_max3A_144 : vector<256xf32> to vector<256x1xf32>
    %eq3A_146 = vector.broadcast %broadcast_in_dim3A_145 : vector<256x1xf32> to vector<256x3200xf32>
    %eq3A_147 = arith.cmpf oeq, %select_n3A_142, %eq3A_146 : vector<256x3200xf32>
    %jit3A_148 = arith.constant 2147483647 : i32
    %broadcast_in_dim3A_149 = vector.broadcast %jit3A_148 : i32 to vector<256x3200xi32>
    %select_n3A_150 = arith.select %eq3A_147, %get3A_4, %broadcast_in_dim3A_149 : vector<256x3200xi1>, vector<256x3200xi32>
    %reduce_min3A_151 = arith.constant dense<2147483647> : vector<256xi32>
    %reduce_min3A_152 = vector.multi_reduction <minsi>, %select_n3A_150, %reduce_min3A_151 [1] : vector<256x3200xi32> to vector<256xi32>
    %broadcast_in_dim3A_153 = vector.shape_cast %reduce_min3A_152 : vector<256xi32> to vector<256x1xi32>
    %eq3A_154 = vector.broadcast %broadcast_in_dim3A_153 : vector<256x1xi32> to vector<256x3200xi32>
    %eq3A_155 = arith.cmpi eq, %get3A_4, %eq3A_154 : vector<256x3200xi32>
    %jit3A_156 = arith.constant 0xFF800000 : f32
    %broadcast_in_dim3A_157 = vector.broadcast %jit3A_156 : f32 to vector<256x3200xf32>
    %select_n3A_158 = arith.select %eq3A_155, %broadcast_in_dim3A_157, %select_n3A_142 : vector<256x3200xi1>, vector<256x3200xf32>
    %reduce_max3A_159 = arith.constant dense<0xFF800000> : vector<256xf32>
    %reduce_max3A_160 = vector.multi_reduction <maximumf>, %select_n3A_158, %reduce_max3A_159 [1] : vector<256x3200xf32> to vector<256xf32>
    %broadcast_in_dim3A_161 = vector.shape_cast %reduce_max3A_160 : vector<256xf32> to vector<256x1xf32>
    %eq3A_162 = vector.broadcast %broadcast_in_dim3A_161 : vector<256x1xf32> to vector<256x3200xf32>
    %eq3A_163 = arith.cmpf oeq, %select_n3A_158, %eq3A_162 : vector<256x3200xf32>
    %jit3A_164 = arith.constant 2147483647 : i32
    %broadcast_in_dim3A_165 = vector.broadcast %jit3A_164 : i32 to vector<256x3200xi32>
    %select_n3A_166 = arith.select %eq3A_163, %get3A_4, %broadcast_in_dim3A_165 : vector<256x3200xi1>, vector<256x3200xi32>
    %reduce_min3A_167 = arith.constant dense<2147483647> : vector<256xi32>
    %reduce_min3A_168 = vector.multi_reduction <minsi>, %select_n3A_166, %reduce_min3A_167 [1] : vector<256x3200xi32> to vector<256xi32>
    %broadcast_in_dim3A_169 = vector.shape_cast %reduce_min3A_168 : vector<256xi32> to vector<256x1xi32>
    %eq3A_170 = vector.broadcast %broadcast_in_dim3A_169 : vector<256x1xi32> to vector<256x3200xi32>
    %eq3A_171 = arith.cmpi eq, %get3A_4, %eq3A_170 : vector<256x3200xi32>
    %jit3A_172 = arith.constant 0xFF800000 : f32
    %broadcast_in_dim3A_173 = vector.broadcast %jit3A_172 : f32 to vector<256x3200xf32>
    %select_n3A_174 = arith.select %eq3A_171, %broadcast_in_dim3A_173, %select_n3A_158 : vector<256x3200xi1>, vector<256x3200xf32>
    %reduce_max3A_175 = arith.constant dense<0xFF800000> : vector<256xf32>
    %reduce_max3A_176 = vector.multi_reduction <maximumf>, %select_n3A_174, %reduce_max3A_175 [1] : vector<256x3200xf32> to vector<256xf32>
    %broadcast_in_dim3A_177 = vector.shape_cast %reduce_max3A_176 : vector<256xf32> to vector<256x1xf32>
    %eq3A_178 = vector.broadcast %broadcast_in_dim3A_177 : vector<256x1xf32> to vector<256x3200xf32>
    %eq3A_179 = arith.cmpf oeq, %select_n3A_174, %eq3A_178 : vector<256x3200xf32>
    %jit3A_180 = arith.constant 2147483647 : i32
    %broadcast_in_dim3A_181 = vector.broadcast %jit3A_180 : i32 to vector<256x3200xi32>
    %select_n3A_182 = arith.select %eq3A_179, %get3A_4, %broadcast_in_dim3A_181 : vector<256x3200xi1>, vector<256x3200xi32>
    %reduce_min3A_183 = arith.constant dense<2147483647> : vector<256xi32>
    %reduce_min3A_184 = vector.multi_reduction <minsi>, %select_n3A_182, %reduce_min3A_183 [1] : vector<256x3200xi32> to vector<256xi32>
    %broadcast_in_dim3A_185 = vector.shape_cast %reduce_min3A_184 : vector<256xi32> to vector<256x1xi32>
    %eq3A_186 = vector.broadcast %broadcast_in_dim3A_185 : vector<256x1xi32> to vector<256x3200xi32>
    %eq3A_187 = arith.cmpi eq, %get3A_4, %eq3A_186 : vector<256x3200xi32>
    %jit3A_188 = arith.constant 0xFF800000 : f32
    %broadcast_in_dim3A_189 = vector.broadcast %jit3A_188 : f32 to vector<256x3200xf32>
    %select_n3A_190 = arith.select %eq3A_187, %broadcast_in_dim3A_189, %select_n3A_174 : vector<256x3200xi1>, vector<256x3200xf32>
    %reduce_max3A_191 = arith.constant dense<0xFF800000> : vector<256xf32>
    %reduce_max3A_192 = vector.multi_reduction <maximumf>, %select_n3A_190, %reduce_max3A_191 [1] : vector<256x3200xf32> to vector<256xf32>
    %broadcast_in_dim3A_193 = vector.shape_cast %reduce_max3A_192 : vector<256xf32> to vector<256x1xf32>
    %eq3A_194 = vector.broadcast %broadcast_in_dim3A_193 : vector<256x1xf32> to vector<256x3200xf32>
    %eq3A_195 = arith.cmpf oeq, %select_n3A_190, %eq3A_194 : vector<256x3200xf32>
    %jit3A_196 = arith.constant 2147483647 : i32
    %broadcast_in_dim3A_197 = vector.broadcast %jit3A_196 : i32 to vector<256x3200xi32>
    %select_n3A_198 = arith.select %eq3A_195, %get3A_4, %broadcast_in_dim3A_197 : vector<256x3200xi1>, vector<256x3200xi32>
    %reduce_min3A_199 = arith.constant dense<2147483647> : vector<256xi32>
    %reduce_min3A_200 = vector.multi_reduction <minsi>, %select_n3A_198, %reduce_min3A_199 [1] : vector<256x3200xi32> to vector<256xi32>
    %broadcast_in_dim3A_201 = vector.shape_cast %reduce_min3A_200 : vector<256xi32> to vector<256x1xi32>
    %eq3A_202 = vector.broadcast %broadcast_in_dim3A_201 : vector<256x1xi32> to vector<256x3200xi32>
    %eq3A_203 = arith.cmpi eq, %get3A_4, %eq3A_202 : vector<256x3200xi32>
    %jit3A_204 = arith.constant 0xFF800000 : f32
    %broadcast_in_dim3A_205 = vector.broadcast %jit3A_204 : f32 to vector<256x3200xf32>
    %select_n3A_206 = arith.select %eq3A_203, %broadcast_in_dim3A_205, %select_n3A_190 : vector<256x3200xi1>, vector<256x3200xf32>
    %reduce_max3A_207 = arith.constant dense<0xFF800000> : vector<256xf32>
    %reduce_max3A_208 = vector.multi_reduction <maximumf>, %select_n3A_206, %reduce_max3A_207 [1] : vector<256x3200xf32> to vector<256xf32>
    %broadcast_in_dim3A_209 = vector.shape_cast %reduce_max3A_208 : vector<256xf32> to vector<256x1xf32>
    %eq3A_210 = vector.broadcast %broadcast_in_dim3A_209 : vector<256x1xf32> to vector<256x3200xf32>
    %eq3A_211 = arith.cmpf oeq, %select_n3A_206, %eq3A_210 : vector<256x3200xf32>
    %jit3A_212 = arith.constant 2147483647 : i32
    %broadcast_in_dim3A_213 = vector.broadcast %jit3A_212 : i32 to vector<256x3200xi32>
    %select_n3A_214 = arith.select %eq3A_211, %get3A_4, %broadcast_in_dim3A_213 : vector<256x3200xi1>, vector<256x3200xi32>
    %reduce_min3A_215 = arith.constant dense<2147483647> : vector<256xi32>
    %reduce_min3A_216 = vector.multi_reduction <minsi>, %select_n3A_214, %reduce_min3A_215 [1] : vector<256x3200xi32> to vector<256xi32>
    %broadcast_in_dim3A_217 = vector.shape_cast %reduce_min3A_216 : vector<256xi32> to vector<256x1xi32>
    %eq3A_218 = vector.broadcast %broadcast_in_dim3A_217 : vector<256x1xi32> to vector<256x3200xi32>
    %eq3A_219 = arith.cmpi eq, %get3A_4, %eq3A_218 : vector<256x3200xi32>
    %jit3A_220 = arith.constant 0xFF800000 : f32
    %broadcast_in_dim3A_221 = vector.broadcast %jit3A_220 : f32 to vector<256x3200xf32>
    %select_n3A_222 = arith.select %eq3A_219, %broadcast_in_dim3A_221, %select_n3A_206 : vector<256x3200xi1>, vector<256x3200xf32>
    %reduce_max3A_223 = arith.constant dense<0xFF800000> : vector<256xf32>
    %reduce_max3A_224 = vector.multi_reduction <maximumf>, %select_n3A_222, %reduce_max3A_223 [1] : vector<256x3200xf32> to vector<256xf32>
    %broadcast_in_dim3A_225 = vector.shape_cast %reduce_max3A_224 : vector<256xf32> to vector<256x1xf32>
    %eq3A_226 = vector.broadcast %broadcast_in_dim3A_225 : vector<256x1xf32> to vector<256x3200xf32>
    %eq3A_227 = arith.cmpf oeq, %select_n3A_222, %eq3A_226 : vector<256x3200xf32>
    %jit3A_228 = arith.constant 2147483647 : i32
    %broadcast_in_dim3A_229 = vector.broadcast %jit3A_228 : i32 to vector<256x3200xi32>
    %select_n3A_230 = arith.select %eq3A_227, %get3A_4, %broadcast_in_dim3A_229 : vector<256x3200xi1>, vector<256x3200xi32>
    %reduce_min3A_231 = arith.constant dense<2147483647> : vector<256xi32>
    %reduce_min3A_232 = vector.multi_reduction <minsi>, %select_n3A_230, %reduce_min3A_231 [1] : vector<256x3200xi32> to vector<256xi32>
    %broadcast_in_dim3A_233 = vector.shape_cast %reduce_min3A_232 : vector<256xi32> to vector<256x1xi32>
    %eq3A_234 = vector.broadcast %broadcast_in_dim3A_233 : vector<256x1xi32> to vector<256x3200xi32>
    %eq3A_235 = arith.cmpi eq, %get3A_4, %eq3A_234 : vector<256x3200xi32>
    %jit3A_236 = arith.constant 0xFF800000 : f32
    %broadcast_in_dim3A_237 = vector.broadcast %jit3A_236 : f32 to vector<256x3200xf32>
    %select_n3A_238 = arith.select %eq3A_235, %broadcast_in_dim3A_237, %select_n3A_222 : vector<256x3200xi1>, vector<256x3200xf32>
    %reduce_max3A_239 = arith.constant dense<0xFF800000> : vector<256xf32>
    %reduce_max3A_240 = vector.multi_reduction <maximumf>, %select_n3A_238, %reduce_max3A_239 [1] : vector<256x3200xf32> to vector<256xf32>
    %broadcast_in_dim3A_241 = vector.shape_cast %reduce_max3A_240 : vector<256xf32> to vector<256x1xf32>
    %eq3A_242 = vector.broadcast %broadcast_in_dim3A_241 : vector<256x1xf32> to vector<256x3200xf32>
    %eq3A_243 = arith.cmpf oeq, %select_n3A_238, %eq3A_242 : vector<256x3200xf32>
    %jit3A_244 = arith.constant 2147483647 : i32
    %broadcast_in_dim3A_245 = vector.broadcast %jit3A_244 : i32 to vector<256x3200xi32>
    %select_n3A_246 = arith.select %eq3A_243, %get3A_4, %broadcast_in_dim3A_245 : vector<256x3200xi1>, vector<256x3200xi32>
    %reduce_min3A_247 = arith.constant dense<2147483647> : vector<256xi32>
    %reduce_min3A_248 = vector.multi_reduction <minsi>, %select_n3A_246, %reduce_min3A_247 [1] : vector<256x3200xi32> to vector<256xi32>
    %broadcast_in_dim3A_249 = vector.shape_cast %reduce_min3A_248 : vector<256xi32> to vector<256x1xi32>
    %eq3A_250 = vector.broadcast %broadcast_in_dim3A_249 : vector<256x1xi32> to vector<256x3200xi32>
    %eq3A_251 = arith.cmpi eq, %get3A_4, %eq3A_250 : vector<256x3200xi32>
    %jit3A_252 = arith.constant 0xFF800000 : f32
    %broadcast_in_dim3A_253 = vector.broadcast %jit3A_252 : f32 to vector<256x3200xf32>
    %select_n3A_254 = arith.select %eq3A_251, %broadcast_in_dim3A_253, %select_n3A_238 : vector<256x3200xi1>, vector<256x3200xf32>
    %reduce_max3A_255 = arith.constant dense<0xFF800000> : vector<256xf32>
    %reduce_max3A_256 = vector.multi_reduction <maximumf>, %select_n3A_254, %reduce_max3A_255 [1] : vector<256x3200xf32> to vector<256xf32>
    %broadcast_in_dim3A_257 = vector.shape_cast %reduce_max3A_256 : vector<256xf32> to vector<256x1xf32>
    %eq3A_258 = vector.broadcast %broadcast_in_dim3A_257 : vector<256x1xf32> to vector<256x3200xf32>
    %eq3A_259 = arith.cmpf oeq, %select_n3A_254, %eq3A_258 : vector<256x3200xf32>
    %jit3A_260 = arith.constant 2147483647 : i32
    %broadcast_in_dim3A_261 = vector.broadcast %jit3A_260 : i32 to vector<256x3200xi32>
    %select_n3A_262 = arith.select %eq3A_259, %get3A_4, %broadcast_in_dim3A_261 : vector<256x3200xi1>, vector<256x3200xi32>
    %reduce_min3A_263 = arith.constant dense<2147483647> : vector<256xi32>
    %reduce_min3A_264 = vector.multi_reduction <minsi>, %select_n3A_262, %reduce_min3A_263 [1] : vector<256x3200xi32> to vector<256xi32>
    %broadcast_in_dim3A_265 = vector.shape_cast %reduce_min3A_264 : vector<256xi32> to vector<256x1xi32>
    %eq3A_266 = vector.broadcast %broadcast_in_dim3A_265 : vector<256x1xi32> to vector<256x3200xi32>
    %eq3A_267 = arith.cmpi eq, %get3A_4, %eq3A_266 : vector<256x3200xi32>
    %jit3A_268 = arith.constant 0xFF800000 : f32
    %broadcast_in_dim3A_269 = vector.broadcast %jit3A_268 : f32 to vector<256x3200xf32>
    %select_n3A_270 = arith.select %eq3A_267, %broadcast_in_dim3A_269, %select_n3A_254 : vector<256x3200xi1>, vector<256x3200xf32>
    %reduce_max3A_271 = arith.constant dense<0xFF800000> : vector<256xf32>
    %reduce_max3A_272 = vector.multi_reduction <maximumf>, %select_n3A_270, %reduce_max3A_271 [1] : vector<256x3200xf32> to vector<256xf32>
    %broadcast_in_dim3A_273 = vector.shape_cast %reduce_max3A_272 : vector<256xf32> to vector<256x1xf32>
    %eq3A_274 = vector.broadcast %broadcast_in_dim3A_273 : vector<256x1xf32> to vector<256x3200xf32>
    %eq3A_275 = arith.cmpf oeq, %select_n3A_270, %eq3A_274 : vector<256x3200xf32>
    %jit3A_276 = arith.constant 2147483647 : i32
    %broadcast_in_dim3A_277 = vector.broadcast %jit3A_276 : i32 to vector<256x3200xi32>
    %select_n3A_278 = arith.select %eq3A_275, %get3A_4, %broadcast_in_dim3A_277 : vector<256x3200xi1>, vector<256x3200xi32>
    %reduce_min3A_279 = arith.constant dense<2147483647> : vector<256xi32>
    %reduce_min3A_280 = vector.multi_reduction <minsi>, %select_n3A_278, %reduce_min3A_279 [1] : vector<256x3200xi32> to vector<256xi32>
    %broadcast_in_dim3A_281 = vector.shape_cast %reduce_min3A_280 : vector<256xi32> to vector<256x1xi32>
    %eq3A_282 = vector.broadcast %broadcast_in_dim3A_281 : vector<256x1xi32> to vector<256x3200xi32>
    %eq3A_283 = arith.cmpi eq, %get3A_4, %eq3A_282 : vector<256x3200xi32>
    %jit3A_284 = arith.constant 0xFF800000 : f32
    %broadcast_in_dim3A_285 = vector.broadcast %jit3A_284 : f32 to vector<256x3200xf32>
    %select_n3A_286 = arith.select %eq3A_283, %broadcast_in_dim3A_285, %select_n3A_270 : vector<256x3200xi1>, vector<256x3200xf32>
    %reduce_max3A_287 = arith.constant dense<0xFF800000> : vector<256xf32>
    %reduce_max3A_288 = vector.multi_reduction <maximumf>, %select_n3A_286, %reduce_max3A_287 [1] : vector<256x3200xf32> to vector<256xf32>
    %broadcast_in_dim3A_289 = vector.shape_cast %reduce_max3A_288 : vector<256xf32> to vector<256x1xf32>
    %eq3A_290 = vector.broadcast %broadcast_in_dim3A_289 : vector<256x1xf32> to vector<256x3200xf32>
    %eq3A_291 = arith.cmpf oeq, %select_n3A_286, %eq3A_290 : vector<256x3200xf32>
    %jit3A_292 = arith.constant 2147483647 : i32
    %broadcast_in_dim3A_293 = vector.broadcast %jit3A_292 : i32 to vector<256x3200xi32>
    %select_n3A_294 = arith.select %eq3A_291, %get3A_4, %broadcast_in_dim3A_293 : vector<256x3200xi1>, vector<256x3200xi32>
    %reduce_min3A_295 = arith.constant dense<2147483647> : vector<256xi32>
    %reduce_min3A_296 = vector.multi_reduction <minsi>, %select_n3A_294, %reduce_min3A_295 [1] : vector<256x3200xi32> to vector<256xi32>
    %broadcast_in_dim3A_297 = vector.shape_cast %reduce_min3A_296 : vector<256xi32> to vector<256x1xi32>
    %eq3A_298 = vector.broadcast %broadcast_in_dim3A_297 : vector<256x1xi32> to vector<256x3200xi32>
    %eq3A_299 = arith.cmpi eq, %get3A_4, %eq3A_298 : vector<256x3200xi32>
    %jit3A_300 = arith.constant 0xFF800000 : f32
    %broadcast_in_dim3A_301 = vector.broadcast %jit3A_300 : f32 to vector<256x3200xf32>
    %select_n3A_302 = arith.select %eq3A_299, %broadcast_in_dim3A_301, %select_n3A_286 : vector<256x3200xi1>, vector<256x3200xf32>
    %reduce_max3A_303 = arith.constant dense<0xFF800000> : vector<256xf32>
    %reduce_max3A_304 = vector.multi_reduction <maximumf>, %select_n3A_302, %reduce_max3A_303 [1] : vector<256x3200xf32> to vector<256xf32>
    %broadcast_in_dim3A_305 = vector.shape_cast %reduce_max3A_304 : vector<256xf32> to vector<256x1xf32>
    %eq3A_306 = vector.broadcast %broadcast_in_dim3A_305 : vector<256x1xf32> to vector<256x3200xf32>
    %eq3A_307 = arith.cmpf oeq, %select_n3A_302, %eq3A_306 : vector<256x3200xf32>
    %jit3A_308 = arith.constant 2147483647 : i32
    %broadcast_in_dim3A_309 = vector.broadcast %jit3A_308 : i32 to vector<256x3200xi32>
    %select_n3A_310 = arith.select %eq3A_307, %get3A_4, %broadcast_in_dim3A_309 : vector<256x3200xi1>, vector<256x3200xi32>
    %reduce_min3A_311 = arith.constant dense<2147483647> : vector<256xi32>
    %reduce_min3A_312 = vector.multi_reduction <minsi>, %select_n3A_310, %reduce_min3A_311 [1] : vector<256x3200xi32> to vector<256xi32>
    %broadcast_in_dim3A_313 = vector.shape_cast %reduce_min3A_312 : vector<256xi32> to vector<256x1xi32>
    %concatenate3A = tpu.concatenate %broadcast_in_dim3A_9, %broadcast_in_dim3A_25, %broadcast_in_dim3A_41, %broadcast_in_dim3A_57, %broadcast_in_dim3A_73, %broadcast_in_dim3A_89, %broadcast_in_dim3A_105, %broadcast_in_dim3A_121, %broadcast_in_dim3A_137, %broadcast_in_dim3A_153, %broadcast_in_dim3A_169, %broadcast_in_dim3A_185, %broadcast_in_dim3A_201, %broadcast_in_dim3A_217, %broadcast_in_dim3A_233, %broadcast_in_dim3A_249, %broadcast_in_dim3A_265, %broadcast_in_dim3A_281, %broadcast_in_dim3A_297, %broadcast_in_dim3A_313 in 1 : vector<256x1xi32>, vector<256x1xi32>, vector<256x1xi32>, vector<256x1xi32>, vector<256x1xi32>, vector<256x1xi32>, vector<256x1xi32>, vector<256x1xi32>, vector<256x1xi32>, vector<256x1xi32>, vector<256x1xi32>, vector<256x1xi32>, vector<256x1xi32>, vector<256x1xi32>, vector<256x1xi32>, vector<256x1xi32>, vector<256x1xi32>, vector<256x1xi32>, vector<256x1xi32>, vector<256x1xi32> -> vector<256x20xi32>
    %swap3A = arith.constant 0 : index
    %swap3A_314 = arith.constant 0 : index
    %swap3A_315 = vector.load %arg3[%swap3A, %swap3A_314] : memref<256x20xi32, #tpu.memory_space<vmem>>, vector<256x20xi32>
    tpu.vector_store %arg3[%swap3A, %swap3A_314], %concatenate3A {strides = array<i32>} : memref<256x20xi32, #tpu.memory_space<vmem>>, vector<256x20xi32>,
    return
  }
  func.func @transform_0(%arg0: i32) -> (i32, i32) {
    %c0_i32 = arith.constant 0 : i32
    %c0_i32_0 = arith.constant 0 : i32
    return %arg0, %c0_i32 : i32, i32
  }
  func.func @transform_1(%arg0: i32) -> (i32, i32) {
    %c0_i32 = arith.constant 0 : i32
    %c0_i32_0 = arith.constant 0 : i32
    return %arg0, %c0_i32 : i32, i32
  }
  func.func @transform_2(%arg0: i32) -> (i32, i32) {
    %c0_i32 = arith.constant 0 : i32
    %c0_i32_0 = arith.constant 0 : i32
    return %arg0, %c0_i32 : i32, i32
  }
}

module attributes {stable_mosaic.version = 14 : i64} {
  func.func @_fusion_body(%arg0: memref<1024x512xf32, #tpu.memory_space<vmem>>, %arg1: memref<1024x512xf32, #tpu.memory_space<vmem>>, %arg2: memref<1024x512xf32, #tpu.memory_space<vmem>>, %arg3: memref<512xf32, #tpu.memory_space<vmem>>, %arg4: memref<1024x512xf32, #tpu.memory_space<vmem>>) attributes {dimension_semantics = [], scalar_prefetch = 0 : i64, scratch_operands = 0 : i64, tpu.core_type = #tpu.core_type<tc>} {
    %get3A = arith.constant 0 : index
    %get3A_0 = arith.constant 0 : index
    %get3A_1 = vector.load %arg0[%get3A, %get3A_0] : memref<1024x512xf32, #tpu.memory_space<vmem>>, vector<1024x512xf32>
    %get3A_2 = arith.constant 0 : index
    %get3A_3 = arith.constant 0 : index
    %get3A_4 = vector.load %arg2[%get3A_2, %get3A_3] : memref<1024x512xf32, #tpu.memory_space<vmem>>, vector<512x512xf32>
    %dot_general3A = arith.constant dense<0.000000e+00> : vector<1024x512xf32>
    %dot_general3A_5 = tpu.matmul %get3A_1, %get3A_4, %dot_general3A {dimension_numbers = #tpu.dot_dimension_numbers<[1], [0], [0], [1], [0, 0, 1, 1], [], []>, transpose_lhs_hint = false} : vector<1024x512xf32>, vector<512x512xf32>, vector<1024x512xf32> -> vector<1024x512xf32>
    %get3A_6 = arith.constant 0 : index
    %get3A_7 = arith.constant 0 : index
    %get3A_8 = vector.load %arg1[%get3A_6, %get3A_7] : memref<1024x512xf32, #tpu.memory_space<vmem>>, vector<1024x512xf32>
    %get3A_9 = arith.constant 512 : index
    %get3A_10 = arith.constant 0 : index
    %get3A_11 = vector.load %arg2[%get3A_9, %get3A_10] : memref<1024x512xf32, #tpu.memory_space<vmem>>, vector<512x512xf32>
    %dot_general3A_12 = arith.constant dense<0.000000e+00> : vector<1024x512xf32>
    %dot_general3A_13 = tpu.matmul %get3A_8, %get3A_11, %dot_general3A_12 {dimension_numbers = #tpu.dot_dimension_numbers<[1], [0], [0], [1], [0, 0, 1, 1], [], []>, transpose_lhs_hint = false} : vector<1024x512xf32>, vector<512x512xf32>, vector<1024x512xf32> -> vector<1024x512xf32>
    %add3A = arith.addf %dot_general3A_5, %dot_general3A_13 : vector<1024x512xf32>
    %get3A_14 = arith.constant 0 : index
    %get3A_15 = vector.load %arg3[%get3A_14] : memref<512xf32, #tpu.memory_space<vmem>>, vector<512xf32>
    %broadcast_in_dim3A = vector.shape_cast %get3A_15 : vector<512xf32> to vector<1x512xf32>
    %add3A_16 = vector.broadcast %broadcast_in_dim3A : vector<1x512xf32> to vector<1024x512xf32>
    %add3A_17 = arith.addf %add3A, %add3A_16 : vector<1024x512xf32>
    %swap3A = arith.constant 0 : index
    %swap3A_18 = arith.constant 0 : index
    %swap3A_19 = vector.load %arg4[%swap3A, %swap3A_18] : memref<1024x512xf32, #tpu.memory_space<vmem>>, vector<1024x512xf32>
    tpu.vector_store %arg4[%swap3A, %swap3A_18], %add3A_17 {strides = array<i32>} : memref<1024x512xf32, #tpu.memory_space<vmem>>, vector<1024x512xf32>,
    return
  }
}

module attributes {stable_mosaic.version = 14 : i64} {
  func.func @_proj_body(%arg0: i32, %arg1: memref<1024x512xf32, #tpu.memory_space<vmem>>, %arg2: memref<512x2048xf32, #tpu.memory_space<vmem>>, %arg3: memref<2048xf32, #tpu.memory_space<vmem>>, %arg4: memref<1024x2048xf32, #tpu.memory_space<vmem>>) attributes {dimension_semantics = [#tpu.dimension_semantics<arbitrary>], iteration_bounds = array<i64: 49>, scalar_prefetch = 0 : i64, scratch_operands = 0 : i64, tpu.core_type = #tpu.core_type<tc>, window_params = [{pipeline_mode = #tpu.pipeline_mode<synchronous>, transform_indices = @transform_0, window_bounds = array<i64: 1024, 512>}, {transform_indices = @transform_1, window_bounds = array<i64: 512, 2048>}, {transform_indices = @transform_2, window_bounds = array<i64: 2048>}, {transform_indices = @transform_3, window_bounds = array<i64: 1024, 2048>}]} {
    %get3A = arith.constant 0 : index
    %get3A_0 = arith.constant 0 : index
    %get3A_1 = vector.load %arg1[%get3A, %get3A_0] : memref<1024x512xf32, #tpu.memory_space<vmem>>, vector<1024x512xf32>
    %get3A_2 = arith.constant 0 : index
    %get3A_3 = arith.constant 0 : index
    %get3A_4 = vector.load %arg2[%get3A_2, %get3A_3] : memref<512x2048xf32, #tpu.memory_space<vmem>>, vector<512x2048xf32>
    %dot_general3A = arith.constant dense<0.000000e+00> : vector<1024x2048xf32>
    %dot_general3A_5 = tpu.matmul %get3A_1, %get3A_4, %dot_general3A {dimension_numbers = #tpu.dot_dimension_numbers<[1], [0], [0], [1], [0, 0, 1, 1], [], []>, transpose_lhs_hint = false} : vector<1024x512xf32>, vector<512x2048xf32>, vector<1024x2048xf32> -> vector<1024x2048xf32>
    %get3A_6 = arith.constant 0 : index
    %get3A_7 = vector.load %arg3[%get3A_6] : memref<2048xf32, #tpu.memory_space<vmem>>, vector<2048xf32>
    %broadcast_in_dim3A = vector.shape_cast %get3A_7 : vector<2048xf32> to vector<1x2048xf32>
    %add3A = vector.broadcast %broadcast_in_dim3A : vector<1x2048xf32> to vector<1024x2048xf32>
    %add3A_8 = arith.addf %dot_general3A_5, %add3A : vector<1024x2048xf32>
    %swap3A = arith.constant 0 : index
    %swap3A_9 = arith.constant 0 : index
    %swap3A_10 = vector.load %arg4[%swap3A, %swap3A_9] : memref<1024x2048xf32, #tpu.memory_space<vmem>>, vector<1024x2048xf32>
    tpu.vector_store %arg4[%swap3A, %swap3A_9], %add3A_8 {strides = array<i32>} : memref<1024x2048xf32, #tpu.memory_space<vmem>>, vector<1024x2048xf32>,
    return
  }
  func.func @transform_0(%arg0: i32) -> (i32, i32) {
    %c0_i32 = arith.constant 0 : i32
    %c0_i32_0 = arith.constant 0 : i32
    %c0_i32_1 = arith.constant 0 : i32
    return %c0_i32, %c0_i32_0 : i32, i32
  }
  func.func @transform_1(%arg0: i32) -> (i32, i32) {
    %c0_i32 = arith.constant 0 : i32
    %c0_i32_0 = arith.constant 0 : i32
    return %c0_i32, %arg0 : i32, i32
  }
  func.func @transform_2(%arg0: i32) -> i32 {
    %c0_i32 = arith.constant 0 : i32
    return %arg0 : i32
  }
  func.func @transform_3(%arg0: i32) -> (i32, i32) {
    %c0_i32 = arith.constant 0 : i32
    %c0_i32_0 = arith.constant 0 : i32
    return %c0_i32, %arg0 : i32, i32
  }
}

</mosaic_0001>

<sc_bundles>
// kernel: kernel.8.cloned.1.call-start
scs
__scs_entry_jumppad:
0x0: {  	(pc) =	sbr.rel $0x88, $3  }
0x1: {  	(tag) =	ssettag $0x0;
	lr =	simm.s32 $0x1  }
0x2: {  	[smem:$0x3F99] =	sst lr;
	_ =	strace $0xD0000000  }
0x3: {  	_ = 	snop  }
0x4: {  	_ = 	snop  }
0x5: {  	_ = 	snop  }
0x6: {  	_ = 	snop  }
0x7: {  	_ = 	snop  }
__scs_overlays_trampoline_lowered:
0x8: {  	[smem:$0x3FA8] =	sst s0  }
0x9: {  	[smem:$0x3FA9] =	sst s1  }
0xa: {  	[smem:$0x3FAA] =	sst s2  }
0xb: {  	[smem:$0x3FAB] =	sst s3  }
0xc: {  	[smem:$0x3FAC] =	sst s4  }
0xd: {  	[smem:$0x3FAD] =	sst s5  }
0xe: {  	[smem:$0x3FAE] =	sst s6  }
0xf: {  	[smem:$0x3FAF] =	sst s7  }
0x10: {  	[smem:$0x3FB0] =	sst s8  }
0x11: {  	[smem:$0x3FB1] =	sst s9;
	s0 =	simm.s32 @!p0 $0x0  }
0x12: {  	s1 =	sld [smem:$0x3F97];
	s0 =	simm.s32 @p0 $0x1  }
0x13: {  	[smem:$0x3FB2] =	sst s0;
	s0 =	simm.s32 @!p1 $0x0  }
0x14: {  	s2 =	sld [smem:$0x3F96];
	s0 =	simm.s32 @p1 $0x1  }
0x15: {  	[smem:$0x3FB3] =	sst s0;
	s0 =	simm.s32 @!p2 $0x0  }
0x16: {  	s3 =	sld [smem:$0x3FDB];
	s0 =	simm.s32 @p2 $0x1  }
0x17: {  	s4 =	simm.s32 $0x1BF5;
	[smem:$0x3FB5] =	sst s0  }
0x18: {  	s0 =	sld [smem:$0x3F98];
	_ =	swait.ge [sflag:s4], $0x0  }
0x19: {  	s7 =	sld [smem:$0x3F99]  }
0x1a: {  	s8 =	sadd.s32 $0xFFFFE003, lr  }
0x1b: {  	s9 =	sadd.s32 $0xFFFFFEF7, lr;
	s5 =	simm.s32 $0xFFFFFFFF;
	p2 =	slt.u32 s8, $0xFFFFF086  }
0x1c: {  	p1 =	slt.u32 s9, $0xF7A;
	s5 =	simm.s32 @!p2 $0x0  }
0x1d: {  	s5 =	simm.s32 @p1 $0x1;
	p0 =	seq.s32 s7, s2  }
0x1e: {  	s7 =	smul.u32 @!p0 $0xF7A, s2;
	p2 =	seq.s32 @!p0 s5, $0x0  }
0x1f: {  	s9 =	smul.u32 $0xF7A, s1;
	s8 =	simm.s32 @!p0 $0x1BF5;
	p2 =	por !p2, p0  }
0x20: {  	[sflag:s8] =	ssyncset.s32 @!p0 $0xFFFFF086;
	s6 =	sadd.s32 @!p0 s3, s7;
	s7 =	simm.s32 @!p0 $0x108  }
0x21: {  	s3 =	sadd.s32 s3, s9;
	s6 =	sadd.s32 @!p0 $0x88, s6;
	s7 =	simm.s32 @p2 $0x1082  }
0x22: {  	[simem:s7], [sflag:s8] =	dma.local @!p0 [hbm:s6], $0xF7A  }
0x23: {  	s9 =	sor.u32 $0xD0000000, s2;
	s6 =	simm.s32 $0x108;
	_ =	swait.ge @!p0 [sflag:s8], $0x0  }
0x24: {  	s3 =	sadd.s32 $0x88, s3;
	s6 =	simm.s32 @!p1 $0x1082;
	[sflag:s4] =	ssyncset.s32 $0xFFFFF086  }
0x25: {  	[simem:s6], [sflag:s4] =	dma.local [hbm:s3], $0xF7A  }
0x26: {  	[smem:$0x3F99] =	sst s1;
	(tag) =	ssettag s2;
	_ =	strace s9  }
0x27: {  	s1 =	sld [smem:$0x3FA9]  }
0x28: {  	s2 =	sld [smem:$0x3FAA]  }
0x29: {  	s4 =	sld [smem:$0x3FAC]  }
0x2a: {  	p0 =	seq.s32 s5, $0x0;
	s5 =	sld [smem:$0x3FAD]  }
0x2b: {  	s6 =	sld [smem:$0x3FAE]  }
0x2c: {  	s7 =	sld [smem:$0x3FAF]  }
0x2d: {  	s3 =	simm.s32 $0x108;
	s8 =	sld [smem:$0x3FB0]  }
0x2e: {  	s3 =	simm.s32 @!p0 $0x1082;
	s9 =	sld [smem:$0x3FB1]  }
0x2f: {  	lr =	sadd.s32 s0, s3;
	s0 =	sld [smem:$0x3FA8]  }
0x30: {  	s3 =	sld [smem:$0x3FAB]  }
0x31: {  	[smem:$0x3FB4] =	sst s10  }
0x32: {  	s10 =	sld [smem:$0x3FB2];
	_ =	sdelay $0x3  }
0x33: {  	p0 =	seq.s32 s10, $0x1;
	s10 =	sld [smem:$0x3FB4];
	_ =	sdelay $0x3  }
0x34: {  	[smem:$0x3FB4] =	sst s10  }
0x35: {  	s10 =	sld [smem:$0x3FB3];
	_ =	sdelay $0x3  }
0x36: {  	p1 =	seq.s32 s10, $0x1;
	s10 =	sld [smem:$0x3FB4];
	_ =	sdelay $0x3  }
0x37: {  	[smem:$0x3FB4] =	sst s10  }
0x38: {  	s10 =	sld [smem:$0x3FB5]  }
0x39: {  	_ = 	snop;
	(pc) =	sbr.ind lr, $3  }
0x3a: {  	_ = 	snop  }
0x3b: {  	_ = 	snop  }
0x3c: {  	p2 =	seq.s32 s10, $0x1;
	s10 =	sld [smem:$0x3FB4]  }
0x3d: {  	_ =	shalt  }
0x3e: {  	_ =	shalt  }
0x3f: {  	_ =	shalt  }
0x40: {  	_ =	shalt  }
0x41: {  	_ =	shalt  }
0x42: {  	_ =	shalt  }
0x43: {  	_ =	shalt  }
0x44: {  	_ =	shalt  }
0x45: {  	_ =	shalt  }
0x46: {  	_ =	shalt  }
0x47: {  	_ =	shalt  }
0x48: {  	_ =	shalt  }
0x49: {  	_ =	shalt  }
0x4a: {  	_ =	shalt  }
0x4b: {  	_ =	shalt  }
0x4c: {  	_ =	shalt  }
0x4d: {  	_ =	shalt  }
0x4e: {  	_ =	shalt  }
0x4f: {  	_ =	shalt  }
0x50: {  	_ =	shalt  }
0x51: {  	_ =	shalt  }
0x52: {  	_ =	shalt  }
0x53: {  	_ =	shalt  }
0x54: {  	_ =	shalt  }
0x55: {  	_ =	shalt  }
0x56: {  	_ =	shalt  }
0x57: {  	_ =	shalt  }
0x58: {  	_ =	shalt  }
0x59: {  	_ =	shalt  }
0x5a: {  	_ =	shalt  }
0x5b: {  	_ =	shalt  }
0x5c: {  	_ =	shalt  }
0x5d: {  	_ =	shalt  }
0x5e: {  	_ =	shalt  }
0x5f: {  	_ =	shalt  }
0x60: {  	_ =	shalt  }
0x61: {  	_ =	shalt  }
0x62: {  	_ =	shalt  }
0x63: {  	_ =	shalt  }
0x64: {  	_ =	shalt  }
0x65: {  	_ =	shalt  }
0x66: {  	_ =	shalt  }
0x67: {  	_ =	shalt  }
0x68: {  	_ =	shalt  }
0x69: {  	_ =	shalt  }
0x6a: {  	_ =	shalt  }
0x6b: {  	_ =	shalt  }
0x6c: {  	_ =	shalt  }
0x6d: {  	_ =	shalt  }
0x6e: {  	_ =	shalt  }
0x6f: {  	_ =	shalt  }
0x70: {  	_ =	shalt  }
0x71: {  	_ =	shalt  }
0x72: {  	_ =	shalt  }
0x73: {  	_ =	shalt  }
0x74: {  	_ =	shalt  }
0x75: {  	_ =	shalt  }
0x76: {  	_ =	shalt  }
0x77: {  	_ =	shalt  }
0x78: {  	_ =	shalt  }
0x79: {  	_ =	shalt  }
0x7a: {  	_ =	shalt  }
0x7b: {  	_ =	shalt  }
0x7c: {  	_ =	shalt  }
0x7d: {  	_ =	shalt  }
0x7e: {  	_ =	shalt  }
0x7f: {  	_ =	shalt  }
0x80: {  	_ =	shalt  }
0x81: {  	_ =	shalt  }
0x82: {  	_ =	shalt  }
0x83: {  	_ =	shalt  }
0x84: {  	_ =	shalt  }
0x85: {  	_ =	shalt  }
0x86: {  	_ =	shalt  }
0x87: {  	_ =	shalt  }
.Lfunc_end0:
.L_simem_size_0:
called_computation_lowered:
.L_overlay_start_0:
0x88: {  	s2 =	sld [smem:$0x3FD9]  }
0x89: {  	s3 =	sld [smem:$0x3FFE];
	_ =	sdelay $0x1  }
0x8a: {  	s1 =	srdreg.scid  }
0x8b: {  	s0 =	sand.u32 $0x1, s1  }
0x8c: {  	s16 =	sshll.u32 s0, $0xA;
	s2 =	sadd.s32 s3, s2  }
0x8d: {  	s2 =	sadd.s32 s2, s16  }
0x8e: {  	[smem:$0x3FC0] =	sst s2  }
0x8f: {  	_ = 	snop  }
0x90: {  	(tm) =	ssettm $0x1  }
0x91: {  	s17 =	sld [smem:$0x3FFB];
	_ =	sdelay $0x3  }
0x92: {  	_ =	strace s17  }
0x93: {  	s2 =	sld [smem:$0x3FFC];
	_ =	sdelay $0x3  }
0x94: {  	_ =	strace s2  }
0x95: {  	s2 =	sld [smem:$0x3FFD];
	_ =	sdelay $0x3  }
0x96: {  	_ =	strace s2  }
0x97: {  	_ =	strace $0x8FFFFFFF  }
0x98: {  	s18 =	sld [smem:$0x3FDB];
	_ =	sdelay $0x1  }
0x99: {  	s19 =	simm.s32 $_scs_section_size  }
0x9a: {  	s4 =	simm.s32 $_size__tile_overlayer_lowered;
	s5 =	simm.s32 $_tile_overlayer_lowered  }
0x9b: {  	s22 =	simm.s32 $0x1BFF;
	s21 =	sshll.u32 s5, $0x1;
	s2 =	sadd.s32 s19, s18  }
0x9c: {  	s6 =	simm.s32 $0x0;
	s20 =	sshll.u32 s4, $0x1;
	s4 =	sadd.s32 s21, s2  }
0x9d: {  	[timem:s6], [sflag:s22] =	dma.local [hbm:s4], s20  }
0x9e: {  	_ =	swait.ge [sflag:s22], s20  }
0x9f: {  	s3 =	ssub.s32 $0x0, s20;
	[sflag:s22] =	ssyncset.done $0x0  }
0xa0: {  	[sflag:s22] =	ssyncadd.s32 s3;
	_ =	sdelay $0x1  }
0xa1: {  	s23 =	simm.s32 $0x1B8B  }
0xa2: {  	_ =	swait.ge [sflag:s23], $0x1  }
0xa3: {  	[sflag:s23] =	ssyncset.done $0x0  }
0xa4: {  	s25 =	simm.s32 $0x1B8E;
	s24 =	sld [smem:$0x3FFE];
	[sflag:s23] =	ssyncadd.s32 $0xFFFFFFFF  }
0xa5: {  	s26 =	simm.s32 $execute0_lowered;
	[smem:$0x3FD2] =	sst s25  }
0xa6: {  	s4 =	sshll.u32 s26, $0x1;
	_ =	strace $0x80000046;
	[dreg:$0x1] =	wrdreg $0xFFFFFFFF  }
0xa7: {  	s28 =	simm.s32 $_size_execute0_lowered;
	s2 =	sadd.s32 s2, s4;
	[dreg:$0x0] =	wrdreg $0x0  }
0xa8: {  	s4 =	sshll.u32 s28, $0x1;
	[dreg:$0x2] =	wrdreg s2  }
0xa9: {  	[dreg:$0x3] =	wrdreg s4  }
0xaa: {  	[dreg:$0x4] =	wrdreg $0xC0  }
0xab: {  	_ =	task [dreg:s6], $0x5FFFF  }
0xac: {  	[dreg:$0x1] =	wrdreg $0xFFFFFFFF  }
0xad: {  	[dreg:$0x0] =	wrdreg $0x60  }
0xae: {  	[dreg:$0x2] =	wrdreg s24  }
0xaf: {  	[dreg:$0x3] =	wrdreg $0x9  }
0xb0: {  	_ =	task.clear_ibuf [dreg:s6], $0x4FFFF;
	_ =	strace $0x90000046  }
0xb1: {  	s29 =	simm.s32 $0x9;
	_ =	strace $0x80000048  }
0xb2: {  	_ =	swait.ge [sflag:s29], $0x1  }
0xb3: {  	[sflag:s29] =	ssyncadd.s32 $0xFFFFFFFF  }
0xb4: {  	_ =	strace $0x90000048  }
0xb5: {  	_ =	sfence  }
0xb6: {  	s30 =	sld [smem:$0x0];
	_ =	sdelay $0x2  }
0xb7: {  	s31 =	sshll.u32 s1, $0xD;
	s1 =	sshrl.u32 s1, $0x2  }
0xb8: {  	s3 =	sand.u32 $0x4000, s31;
	s1 =	sadd.s32 s1, s30  }
0xb9: {  	s0 =	sor.u32 s3, s0;
	s1 =	sshll.u32 s1, $0x11  }
0xba: {  	s0 =	sor.u32 s1, s0  }
0xbb: {  	s0 =	sadd.s32 $0x8F2B, s0  }
0xbc: {  	[sflag:s0] =	ssyncadd.remote.s32 $0x1  }
0xbd: {  	_ =	sfence.sel $0xFFFF  }
0xbe: {  	[dreg:$0x0] =	wrdreg $0xFFFFFFFF;
	(pc) =	sbr.abs _section_cstart, $3  }
0xbf: {  	[dreg:$0x1] =	wrdreg $0xFFFFFFFF  }
0xc0: {  	_ =	task.clear_ibuf [dreg:s6], $0x2FFFF;
	_ =	strace $0x9FFFFFFF  }
0xc1: {  	(tm) =	ssettm $0x7FFFFFFF  }
tec
execute0_lowered:
.L_overlay_start_1:
0x0: {  	(tag) =	ssettag $0x1  }
0x1: {  	s4 =	rddreg [dreg:$0x0]  }
0x2: {  	s0 =	rddreg [dreg:$0x1];
	s2 =	simm.s32 $0x0;
	s3 =	srdreg.scid  }
0x3: {  	s1 =	stileid.u32;
	s9 =	simm.s32 $0x80;
	s10 =	simm.s32 $0x1  }
0x4: {  	s11 =	simm.s32 $0x400;
	s12 =	simm.s32 $0x2880;
	s13 =	simm.s32 $0x0  }
0x5: {  	[smem:$0x7FF] =	sst s2;
	s5 =	sand.u32 $0x1, s3;
	s31 =	sshll.u32 s1, $0x1  }
0x6: {  	s3 =	sadd.s32 $0x11A00, s4;
	_ =	strace $0x80000047;
	s6 =	sor.u32 s5, s31  }
0x7: {  	s5 =	ssub.s32 $0x2, s5;
	s7 =	sshll.u32 s6, $0x9;
	s6 =	sshll.u32 s6, $0xB  }
0x8: {  	s8 =	sshrl.u32 s5, $0x1;
	s7 =	sadd.s32 s7, s4;
	s6 =	sadd.s32 s6, s4  }
0x9: {  	s8 =	ssub.s32 s5, s8;
	s4 =	sadd.s32 $0x62C200, s7;
	s5 =	sadd.s32 $0x630200, s6  }
0xa: {  	s6 =	smax.u32 s8, $0x1;
	s7 =	simm.s32 $0x2;
	s8 =	simm.s32 $0x50  }
.LBB2_1:
0xb: {  	s14 =	simm.s32 $0x0;
	s15 =	simm.s32 $0x0  }
.LBB2_2:
0xc: {  	s17 =	sand.u32 $0x180, s15  }
0xd: {  	s16 =	sand.u32 $0x70, s15;
	s17 =	sadd.s32 s17, s4  }
0xe: {  	s17 =	sadd.s32 s16, s17  }
0xf: {  	[tilespmem:s2], [sflag:$0x2] =	stream.linear.gather [hbm4b:s17+s2], $0x80, $0x38;
	[tilespmem:$0x2A80] =	vst v63  }
0x10: {  	_ =	swait.ge [sflag:s7], $0x80  }
0x11: {  	[sflag:s7] =	ssyncset.done $0x0  }
0x12: {  	[sflag:s7] =	ssyncadd.s32 $0xFFFFFF80  }
0x13: {  	[tilespmem:s9], [sflag:$0x1] =	stream.indirect.gather [hbm4b:s3+s8], $0x80, s2, s8, $0xb8;
	[tilespmem:$0x2A80] =	vst v63  }
0x14: {  	_ =	swait.ge [sflag:s10], $0x2800  }
0x15: {  	[sflag:s10] =	ssyncset.done $0x0  }
0x16: {  	[sflag:s10] =	ssyncadd.s32 $0xFFFFD800  }
0x17: {  	v0 =	vld [tilespmem:$0x80]  }
0x18: {  	v21 =	vld [tilespmem:$0x280]  }
0x19: {  	v17 =	vld [tilespmem:$0x480]  }
0x1a: {  	v20 =	vld [tilespmem:$0x680]  }
0x1b: {  	v23 =	vld [tilespmem:$0x880]  }
0x1c: {  	v35 =	vld [tilespmem:$0xA80]  }
0x1d: {  	v36 =	vld [tilespmem:$0xC80]  }
0x1e: {  	v37 =	vld [tilespmem:$0xE80]  }
0x1f: {  	v38 =	vld [tilespmem:$0x1080]  }
0x20: {  	v39 =	vld [tilespmem:$0x1280]  }
0x21: {  	v1 =	vld [tilespmem:$0x1480]  }
0x22: {  	v55 =	vld [tilespmem:$0x1680]  }
0x23: {  	v56 =	vld [tilespmem:$0x1880]  }
0x24: {  	v57 =	vld [tilespmem:$0x1A80]  }
0x25: {  	v58 =	vld [tilespmem:$0x1C80]  }
0x26: {  	v59 =	vld [tilespmem:$0x1E80]  }
0x27: {  	v60 =	vld [tilespmem:$0x2080]  }
0x28: {  	v61 =	vld [tilespmem:$0x2280]  }
0x29: {  	v62 =	vld [tilespmem:$0x2480]  }
0x2a: {  	v63 =	vld [tilespmem:$0x2680]  }
0x2b: {  	v9 =	vld [tilespmem:$0x90]  }
0x2c: {  	v18 =	vld [tilespmem:$0x290]  }
0x2d: {  	v12 =	vld [tilespmem:$0x490]  }
0x2e: {  	v40 =	vld [tilespmem:$0x690]  }
0x2f: {  	v41 =	vld [tilespmem:$0x890]  }
0x30: {  	v42 =	vld [tilespmem:$0xA90]  }
0x31: {  	v43 =	vld [tilespmem:$0xC90]  }
0x32: {  	v44 =	vld [tilespmem:$0xE90]  }
0x33: {  	v45 =	vld [tilespmem:$0x1090]  }
0x34: {  	v46 =	vld [tilespmem:$0x1290]  }
0x35: {  	v47 =	vld [tilespmem:$0x1490]  }
0x36: {  	v48 =	vld [tilespmem:$0x1690]  }
0x37: {  	v49 =	vld [tilespmem:$0x1890]  }
0x38: {  	v4 =	vld [tilespmem:$0x1A90]  }
0x39: {  	v5 =	vld [tilespmem:$0x1C90]  }
0x3a: {  	v6 =	vld [tilespmem:$0x1E90]  }
0x3b: {  	v7 =	vld [tilespmem:$0x2090]  }
0x3c: {  	v8 =	vld [tilespmem:$0x2290]  }
0x3d: {  	v10 =	vld [tilespmem:$0x2490]  }
0x3e: {  	v11 =	vld [tilespmem:$0x2690]  }
0x3f: {  	v14 =	vld [tilespmem:$0x2A0]  }
0x40: {  	v51 =	vld [tilespmem:$0x4A0]  }
0x41: {  	v52 =	vld [tilespmem:$0x6A0]  }
0x42: {  	v53 =	vld [tilespmem:$0x8A0]  }
0x43: {  	v54 =	vld [tilespmem:$0xAA0]  }
0x44: {  	v31 =	vld [tilespmem:$0x1EA0]  }
0x45: {  	v34 =	vld [tilespmem:$0x20A0]  }
0x46: {  	v13 =	vld [tilespmem:$0x22A0]  }
0x47: {  	v15 =	vld [tilespmem:$0x24A0]  }
0x48: {  	v16 =	vld [tilespmem:$0x26A0]  }
0x49: {  	v2 =	vld [tilespmem:$0xB0]  }
0x4a: {  	v3 =	vld [tilespmem:$0x4B0]  }
0x4b: {  	v19 =	vld [tilespmem:$0x18B0]  }
0x4c: {  	v22 =	vld [tilespmem:$0x1AB0]  }
0x4d: {  	v24 =	vld [tilespmem:$0x1CB0]  }
0x4e: {  	v25 =	vld [tilespmem:$0x1EB0]  }
0x4f: {  	v26 =	vld [tilespmem:$0x20B0]  }
0x50: {  	v27 =	vld [tilespmem:$0x22B0]  }
0x51: {  	v28 =	vld [tilespmem:$0x24B0]  }
0x52: {  	v32 =	vld [tilespmem:$0x26B0]  }
0x53: {  	v30 =	vld [tilespmem:$0xC0]  }
0x54: {  	v29 =	vld [tilespmem:$0x2C0]  }
0x55: {  	v33 =	vld [tilespmem:$0x4C0]  }
0x56: {  	v50 =	vld [tilespmem:$0x6C0]  }
0x57: {  	[tilespmem:$0x1EE70] =	vst v11;
	v11 =	vld [tilespmem:$0xA0]  }
0x58: {  	[tilespmem:$0x1ED60] =	vst v55;
	v55 =	vld [tilespmem:$0xCA0]  }
0x59: {  	[tilespmem:$0x1ED70] =	vst v56;
	v56 =	vld [tilespmem:$0xEA0]  }
0x5a: {  	[tilespmem:$0x1ED80] =	vst v57;
	v57 =	vld [tilespmem:$0x10A0]  }
0x5b: {  	[tilespmem:$0x1EDA0] =	vst v58;
	v58 =	vld [tilespmem:$0x12A0]  }
0x5c: {  	[tilespmem:$0x1EDC0] =	vst v59;
	v59 =	vld [tilespmem:$0x14A0]  }
0x5d: {  	[tilespmem:$0x1EDE0] =	vst v60;
	v60 =	vld [tilespmem:$0x16A0]  }
0x5e: {  	[tilespmem:$0x1EE00] =	vst v61;
	v61 =	vld [tilespmem:$0x18A0]  }
0x5f: {  	[tilespmem:$0x1EE20] =	vst v62;
	v62 =	vld [tilespmem:$0x1AA0]  }
0x60: {  	[tilespmem:$0x1EE50] =	vst v63;
	v63 =	vld [tilespmem:$0x1CA0]  }
0x61: {  	[tilespmem:$0x1ED50] =	vst v1;
	v1 =	vld [tilespmem:$0x2B0]  }
0x62: {  	[tilespmem:$0x1ED90] =	vst v4;
	v4 =	vld [tilespmem:$0x6B0]  }
0x63: {  	[tilespmem:$0x1EDB0] =	vst v5;
	v5 =	vld [tilespmem:$0x8B0]  }
0x64: {  	[tilespmem:$0x1EDD0] =	vst v6;
	v6 =	vld [tilespmem:$0xAB0]  }
0x65: {  	[tilespmem:$0x1EDF0] =	vst v7;
	v7 =	vld [tilespmem:$0xCB0]  }
0x66: {  	[tilespmem:$0x1EE10] =	vst v8;
	v8 =	vld [tilespmem:$0xEB0]  }
0x67: {  	[tilespmem:$0x1EE40] =	vst v10;
	v10 =	vld [tilespmem:$0x10B0]  }
0x68: {  	[tilespmem:$0x1EE30] =	vst v13;
	v13 =	vld [tilespmem:$0x12B0]  }
0x69: {  	[tilespmem:$0x1EE60] =	vst v15;
	v15 =	vld [tilespmem:$0x14B0]  }
0x6a: {  	[tilespmem:$0x1EE80] =	vst v16;
	v16 =	vld [tilespmem:$0x16B0]  }
0x6b: {  	[tilespmem:$0x1EE90] =	vst v50;
	v50 =	vld [tilespmem:$0x8C0]  }
0x6c: {  	v0 =	vadd.f32 v21, v0;
	v21 =	vld [tilespmem:$0xEC0]  }
0x6d: {  	v9 =	vadd.f32 v18, v9;
	v18 =	vld [tilespmem:$0x10C0]  }
0x6e: {  	v29 =	vadd.f32 v29, v30;
	v30 =	vld [tilespmem:$0x24F0]  }
0x6f: {  	v17 =	vadd.f32 v17, v0;
	v0 =	vld [tilespmem:$0x12C0]  }
0x70: {  	v9 =	vadd.f32 v12, v9;
	v12 =	vld [tilespmem:$0x1CC0]  }
0x71: {  	v29 =	vadd.f32 v33, v29;
	v33 =	vld [tilespmem:$0x26F0]  }
0x72: {  	v9 =	vadd.f32 v40, v9;
	v40 =	vld [tilespmem:$0x18C0]  }
0x73: {  	v17 =	vadd.f32 v20, v17;
	[tilespmem:$0x1EEA0] =	vst v50;
	v50 =	vld [tilespmem:$0xAC0]  }
0x74: {  	v11 =	vadd.f32 v14, v11;
	v14 =	vld [tilespmem:$0x14C0]  }
0x75: {  	v1 =	vadd.f32 v1, v2;
	v2 =	vadd.f32 v23, v17;
	v17 =	vld [tilespmem:$0x1AC0]  }
0x76: {  	v20 =	vadd.f32 v51, v11;
	v11 =	vld [tilespmem:$0x16C0]  }
0x77: {  	v1 =	vadd.f32 v3, v1;
	v3 =	vld [tilespmem:$0x20C0]  }
0x78: {  	v51 =	vld [tilespmem:$0x1EDA0]  }
0x79: {  	v2 =	vadd.f32 v35, v2;
	v35 =	vld [tilespmem:$0x1EC0]  }
0x7a: {  	v9 =	vadd.f32 v41, v9;
	v23 =	vadd.f32 v52, v20;
	v52 =	vld [tilespmem:$0x1EDB0]  }
0x7b: {  	[tilespmem:$0x1EEB0] =	vst v50;
	v50 =	vld [tilespmem:$0xCC0]  }
0x7c: {  	v9 =	vadd.f32 v42, v9;
	v42 =	vadd.f32 v36, v2;
	v2 =	vld [tilespmem:$0x22C0]  }
0x7d: {  	v36 =	vld [tilespmem:$0x6D0]  }
0x7e: {  	v1 =	vadd.f32 v4, v1;
	v41 =	vadd.f32 v53, v23;
	v23 =	vld [tilespmem:$0x2D0]  }
0x7f: {  	v53 =	vld [tilespmem:$0x1EDC0]  }
0x80: {  	v1 =	vadd.f32 v5, v1;
	v5 =	vadd.f32 v37, v42;
	v37 =	vld [tilespmem:$0xAD0]  }
0x81: {  	v42 =	vld [tilespmem:$0x1AD0]  }
0x82: {  	v9 =	vadd.f32 v43, v9;
	v6 =	vadd.f32 v6, v1;
	v1 =	vld [tilespmem:$0x24C0]  }
0x83: {  	v4 =	vadd.f32 v54, v41;
	v41 =	vld [tilespmem:$0x16D0]  }
0x84: {  	v9 =	vadd.f32 v44, v9;
	v54 =	vld [tilespmem:$0x1EDD0]  }
0x85: {  	v5 =	vadd.f32 v38, v5;
	v38 =	vld [tilespmem:$0xED0]  }
0x86: {  	v9 =	vadd.f32 v45, v9;
	v45 =	vld [tilespmem:$0xCF0]  }
0x87: {  	v43 =	vadd.f32 v55, v4;
	v4 =	vld [tilespmem:$0x26C0]  }
0x88: {  	v6 =	vadd.f32 v7, v6;
	v7 =	vld [tilespmem:$0xD0]  }
0x89: {  	[tilespmem:$0x1EEC0] =	vst v50;
	v50 =	vld [tilespmem:$0x1ED90]  }
0x8a: {  	v55 =	vld [tilespmem:$0x1EDE0]  }
0x8b: {  	v9 =	vadd.f32 v46, v9;
	v46 =	vld [tilespmem:$0x1ED50]  }
0x8c: {  	v5 =	vadd.f32 v39, v5;
	v39 =	vld [tilespmem:$0x12D0]  }
0x8d: {  	v6 =	vadd.f32 v8, v6;
	v8 =	vld [tilespmem:$0x4D0]  }
0x8e: {  	v20 =	vadd.f32 v56, v43;
	v43 =	vld [tilespmem:$0x1ED0]  }
0x8f: {  	v56 =	vld [tilespmem:$0x1EDF0]  }
0x90: {  	v9 =	vadd.f32 v47, v9;
	v47 =	vld [tilespmem:$0x1ED60]  }
0x91: {  	v6 =	vadd.f32 v10, v6;
	v10 =	vld [tilespmem:$0x8D0]  }
0x92: {  	v20 =	vadd.f32 v57, v20;
	v57 =	vld [tilespmem:$0x1EE00]  }
0x93: {  	v9 =	vadd.f32 v48, v9;
	v48 =	vld [tilespmem:$0x1ED70]  }
0x94: {  	v6 =	vadd.f32 v13, v6;
	v13 =	vld [tilespmem:$0xCD0]  }
0x95: {  	v20 =	vadd.f32 v58, v20;
	v58 =	vld [tilespmem:$0x1EE10]  }
0x96: {  	v5 =	vadd.f32 v46, v5;
	v46 =	vld [tilespmem:$0xEE0]  }
0x97: {  	v9 =	vadd.f32 v49, v9;
	v49 =	vld [tilespmem:$0x1ED80]  }
0x98: {  	v7 =	vadd.f32 v23, v7;
	v6 =	vadd.f32 v15, v6;
	v15 =	vld [tilespmem:$0x10D0]  }
0x99: {  	v20 =	vadd.f32 v59, v20;
	v59 =	vld [tilespmem:$0xE0]  }
0x9a: {  	v7 =	vadd.f32 v8, v7;
	v5 =	vadd.f32 v47, v5;
	v47 =	vld [tilespmem:$0x1EEC0]  }
0x9b: {  	v9 =	vadd.f32 v50, v9;
	v50 =	vld [tilespmem:$0x1EE60]  }
0x9c: {  	v7 =	vadd.f32 v36, v7;
	v36 =	vld [tilespmem:$0xCE0]  }
0x9d: {  	v6 =	vadd.f32 v16, v6;
	v16 =	vld [tilespmem:$0x14D0]  }
0x9e: {  	v20 =	vadd.f32 v60, v20;
	v60 =	vld [tilespmem:$0x1EE20]  }
0x9f: {  	v5 =	vadd.f32 v48, v5;
	v48 =	vld [tilespmem:$0xF0]  }
0xa0: {  	v9 =	vadd.f32 v52, v9;
	v52 =	vld [tilespmem:$0x1EE70]  }
0xa1: {  	v6 =	vadd.f32 v19, v6;
	v19 =	vld [tilespmem:$0x18D0]  }
0xa2: {  	v20 =	vadd.f32 v61, v20;
	v61 =	vld [tilespmem:$0x1EE30]  }
0xa3: {  	v5 =	vadd.f32 v49, v5;
	v49 =	vld [tilespmem:$0x1EE50]  }
0xa4: {  	v9 =	vadd.f32 v54, v9;
	v54 =	vld [tilespmem:$0x1EE80]  }
0xa5: {  	v6 =	vadd.f32 v22, v6;
	v22 =	vld [tilespmem:$0x1CD0]  }
0xa6: {  	v7 =	vadd.f32 v10, v7;
	v20 =	vadd.f32 v62, v20;
	v62 =	vld [tilespmem:$0x2E0]  }
0xa7: {  	v5 =	vadd.f32 v51, v5;
	v51 =	vld [tilespmem:$0x2F0]  }
0xa8: {  	v7 =	vadd.f32 v37, v7;
	v44 =	vadd.f32 v56, v9;
	v9 =	vld [tilespmem:$0x26D0]  }
0xa9: {  	v56 =	vld [tilespmem:$0x6E0]  }
0xaa: {  	v7 =	vadd.f32 v13, v7;
	v13 =	vld [tilespmem:$0x1F10]  }
0xab: {  	v6 =	vadd.f32 v24, v6;
	v24 =	vld [tilespmem:$0x20D0]  }
0xac: {  	v20 =	vadd.f32 v63, v20;
	v63 =	vld [tilespmem:$0x1EE40]  }
0xad: {  	v5 =	vadd.f32 v53, v5;
	v53 =	vld [tilespmem:$0x4E0]  }
0xae: {  	v20 =	vadd.f32 v31, v20;
	v31 =	vld [tilespmem:$0x22D0]  }
0xaf: {  	v7 =	vadd.f32 v38, v7;
	v6 =	vadd.f32 v25, v6;
	v25 =	vld [tilespmem:$0x24D0]  }
0xb0: {  	v5 =	vadd.f32 v55, v5;
	v55 =	vld [tilespmem:$0x4F0]  }
0xb1: {  	v7 =	vadd.f32 v15, v7;
	v15 =	vld [tilespmem:$0x110]  }
0xb2: {  	v5 =	vadd.f32 v57, v5;
	v57 =	vld [tilespmem:$0x6F0]  }
0xb3: {  	v20 =	vadd.f32 v34, v20;
	v34 =	vadd.f32 v58, v44;
	v58 =	vld [tilespmem:$0x8E0]  }
0xb4: {  	v6 =	vadd.f32 v26, v6;
	v26 =	vadd.f32 v62, v59;
	v59 =	vld [tilespmem:$0x1EE90]  }
0xb5: {  	v62 =	vld [tilespmem:$0x1EEA0]  }
0xb6: {  	v44 =	vld [tilespmem:$0x1EEB0]  }
0xb7: {  	v5 =	vadd.f32 v60, v5;
	v60 =	vld [tilespmem:$0x8F0]  }
0xb8: {  	v20 =	vadd.f32 v61, v20;
	v61 =	vld [tilespmem:$0xAE0]  }
0xb9: {  	v34 =	vadd.f32 v63, v34;
	v63 =	vld [tilespmem:$0xAF0]  }
0xba: {  	v6 =	vadd.f32 v27, v6;
	v27 =	vadd.f32 v51, v48;
	v48 =	vld [tilespmem:$0xEF0]  }
0xbb: {  	v51 =	vld [tilespmem:$0x12E0]  }
0xbc: {  	v26 =	vadd.f32 v53, v26;
	v53 =	vld [tilespmem:$0x14E0]  }
0xbd: {  	v5 =	vadd.f32 v49, v5;
	v49 =	vld [tilespmem:$0x10E0]  }
0xbe: {  	v20 =	vadd.f32 v50, v20;
	v50 =	vld [tilespmem:$0x10F0]  }
0xbf: {  	v34 =	vadd.f32 v52, v34;
	v52 =	vld [tilespmem:$0x12F0]  }
0xc0: {  	v27 =	vadd.f32 v55, v27;
	v55 =	vld [tilespmem:$0x16E0]  }
0xc1: {  	v7 =	vadd.f32 v39, v7;
	v23 =	vadd.f32 v56, v26;
	v56 =	vld [tilespmem:$0x16F0]  }
0xc2: {  	v29 =	vadd.f32 v59, v29;
	v59 =	vld [tilespmem:$0x1AE0]  }
0xc3: {  	v7 =	vadd.f32 v16, v7;
	v20 =	vadd.f32 v54, v20;
	v54 =	vld [tilespmem:$0x14F0]  }
0xc4: {  	v27 =	vadd.f32 v57, v27;
	v57 =	vld [tilespmem:$0x18E0]  }
0xc5: {  	v7 =	vadd.f32 v41, v7;
	v8 =	vadd.f32 v58, v23;
	v58 =	vld [tilespmem:$0x18F0]  }
0xc6: {  	v29 =	vadd.f32 v62, v29;
	v62 =	vld [tilespmem:$0x1CF0]  }
0xc7: {  	v6 =	vadd.f32 v28, v6;
	v7 =	vadd.f32 v19, v7;
	v19 =	vld [tilespmem:$0x1EF0]  }
0xc8: {  	v5 =	vmul.f32 $5.000000070e-02, v5;
	v27 =	vadd.f32 v60, v27;
	v60 =	vld [tilespmem:$0x1AF0]  }
0xc9: {  	v6 =	vadd.f32 v32, v6;
	v8 =	vadd.f32 v61, v8;
	v61 =	vld [tilespmem:$0x1CE0]  }
0xca: {  	[tilespmem:$0x2880] =	vst v5;
	v5 =	vld [tilespmem:$0x2500]  }
0xcb: {  	v37 =	vmul.f32 $5.000000070e-02, v6;
	v6 =	vld [tilespmem:$0x2700]  }
0xcc: {  	v7 =	vadd.f32 v42, v7;
	v42 =	vld [tilespmem:$0x300]  }
0xcd: {  	v26 =	vadd.f32 v63, v27;
	v63 =	vld [tilespmem:$0x1EE0]  }
0xce: {  	v29 =	vadd.f32 v44, v29;
	v27 =	vld [tilespmem:$0x22F0]  }
0xcf: {  	v8 =	vadd.f32 v36, v8;
	v7 =	vadd.f32 v22, v7;
	v22 =	vld [tilespmem:$0x20F0]  }
0xd0: {  	v28 =	vadd.f32 v47, v29;
	v47 =	vld [tilespmem:$0x700]  }
0xd1: {  	v23 =	vadd.f32 v45, v26;
	v8 =	vadd.f32 v46, v8;
	v45 =	vld [tilespmem:$0xF10]  }
0xd2: {  	v21 =	vadd.f32 v21, v28;
	v7 =	vadd.f32 v43, v7;
	v28 =	vld [tilespmem:$0x24E0]  }
0xd3: {  	v43 =	vld [tilespmem:$0x500];
	v23 =	vadd.f32 v48, v23;
	v8 =	vadd.f32 v49, v8  }
0xd4: {  	v49 =	vld [tilespmem:$0x100];
	v18 =	vadd.f32 v18, v21;
	v7 =	vadd.f32 v24, v7  }
0xd5: {  	v21 =	vld [tilespmem:$0x20E0];
	v10 =	vadd.f32 v50, v23;
	v8 =	vadd.f32 v51, v8  }
0xd6: {  	v23 =	vld [tilespmem:$0x22E0];
	v0 =	vadd.f32 v0, v18;
	v7 =	vadd.f32 v31, v7  }
0xd7: {  	[tilespmem:$0x1F000] =	vst v13;
	v36 =	vmul.f32 $5.000000070e-02, v20;
	v51 =	vld [tilespmem:$0xD00];
	v10 =	vadd.f32 v52, v10;
	v8 =	vadd.f32 v53, v8  }
0xd8: {  	[tilespmem:$0x28B0] =	vst v37;
	v53 =	vld [tilespmem:$0xF00];
	v0 =	vadd.f32 v14, v0;
	v7 =	vadd.f32 v25, v7  }
0xd9: {  	[tilespmem:$0x28A0] =	vst v36;
	v31 =	vld [tilespmem:$0x26E0];
	v10 =	vadd.f32 v54, v10  }
0xda: {  	[tilespmem:$0x1F080] =	vst v5;
	v54 =	vld [tilespmem:$0x1100];
	v0 =	vadd.f32 v11, v0;
	v38 =	vadd.f32 v9, v7  }
0xdb: {  	[tilespmem:$0x1F0C0] =	vst v6;
	v8 =	vadd.f32 v55, v8;
	v55 =	vld [tilespmem:$0x1300]  }
0xdc: {  	[tilespmem:$0x1EED0] =	vst v51;
	v7 =	vld [tilespmem:$0x1310];
	v10 =	vadd.f32 v56, v10;
	v0 =	vadd.f32 v40, v0;
	v39 =	vmul.f32 $5.000000070e-02, v38  }
0xdd: {  	v9 =	vld [tilespmem:$0x1710];
	v8 =	vadd.f32 v57, v8;
	[tilespmem:$0x1EEE0] =	vst v53  }
0xde: {  	v11 =	vld [tilespmem:$0x1B10];
	v10 =	vadd.f32 v58, v10;
	v0 =	vadd.f32 v17, v0;
	[tilespmem:$0x28D0] =	vst v39  }
0xdf: {  	v56 =	vld [tilespmem:$0x1500];
	v8 =	vadd.f32 v59, v8;
	[tilespmem:$0x1EEF0] =	vst v54  }
0xe0: {  	v57 =	vld [tilespmem:$0x1700];
	[tilespmem:$0x1EF00] =	vst v55;
	v10 =	vadd.f32 v60, v10;
	v0 =	vadd.f32 v12, v0  }
0xe1: {  	v58 =	vld [tilespmem:$0x1900];
	v8 =	vadd.f32 v61, v8;
	[tilespmem:$0x1EF10] =	vst v7  }
0xe2: {  	v59 =	vld [tilespmem:$0x1B00];
	[tilespmem:$0x1EF50] =	vst v9;
	v10 =	vadd.f32 v62, v10;
	v0 =	vadd.f32 v35, v0  }
0xe3: {  	v52 =	vld [tilespmem:$0x900];
	[tilespmem:$0x1EFA0] =	vst v11;
	v26 =	vadd.f32 v63, v8  }
0xe4: {  	v60 =	vld [tilespmem:$0x1D00];
	[tilespmem:$0x1EF20] =	vst v56;
	v10 =	vadd.f32 v19, v10;
	v0 =	vadd.f32 v3, v0  }
0xe5: {  	[tilespmem:$0x1EF40] =	vst v57;
	v12 =	vld [tilespmem:$0x1D10];
	v29 =	vadd.f32 v21, v26  }
0xe6: {  	v62 =	vld [tilespmem:$0x1F00];
	v35 =	vmul.f32 $5.000000070e-02, v34;
	[tilespmem:$0x1EF60] =	vst v58;
	v10 =	vadd.f32 v22, v10;
	v0 =	vadd.f32 v2, v0  }
0xe7: {  	v63 =	vld [tilespmem:$0x2100];
	[tilespmem:$0x1EF80] =	vst v59;
	v32 =	vadd.f32 v23, v29  }
0xe8: {  	[tilespmem:$0x2890] =	vst v35;
	v8 =	vadd.f32 v27, v10;
	v10 =	vld [tilespmem:$0x1910];
	v0 =	vadd.f32 v1, v0  }
0xe9: {  	v14 =	vld [tilespmem:$0x310];
	[tilespmem:$0x1EFB0] =	vst v60;
	v1 =	vadd.f32 v28, v32  }
0xea: {  	v38 =	vld [tilespmem:$0xD10];
	[tilespmem:$0x1EFD0] =	vst v12;
	v0 =	vadd.f32 v4, v0  }
0xeb: {  	[tilespmem:$0x1EFE0] =	vst v62;
	v3 =	vadd.f32 v30, v8;
	v8 =	vld [tilespmem:$0x1510];
	v1 =	vadd.f32 v31, v1  }
0xec: {  	v55 =	vld [tilespmem:$0x1110];
	[tilespmem:$0x1F010] =	vst v63;
	v0 =	vmul.f32 $5.000000070e-02, v0  }
0xed: {  	v4 =	vld [tilespmem:$0x2300];
	v2 =	vadd.f32 v33, v3;
	v48 =	vmul.f32 $5.000000070e-02, v1;
	[tilespmem:$0x1EF70] =	vst v10  }
0xee: {  	v61 =	vld [tilespmem:$0xB00];
	[tilespmem:$0x28C0] =	vst v0  }
0xef: {  	v19 =	vld [tilespmem:$0x510];
	v50 =	vmul.f32 $5.000000070e-02, v2;
	[tilespmem:$0x28E0] =	vst v48  }
0xf0: {  	v23 =	vld [tilespmem:$0x710];
	[tilespmem:$0x1EF30] =	vst v8  }
0xf1: {  	v27 =	vld [tilespmem:$0x910];
	[tilespmem:$0x28F0] =	vst v50  }
0xf2: {  	v33 =	vld [tilespmem:$0xB10];
	[tilespmem:$0x1F040] =	vst v4  }
0xf3: {  	v0 =	vld [tilespmem:$0x2110]  }
0xf4: {  	v62 =	vld [tilespmem:$0x1140];
	_ =	sdelay $0x4  }
0xf5: {  	[tilespmem:$0x1F200] =	vst v62;
	v62 =	vld [tilespmem:$0x1350];
	_ =	sdelay $0x4  }
0xf6: {  	[tilespmem:$0x1F250] =	vst v62;
	v62 =	vld [tilespmem:$0x1560];
	_ =	sdelay $0x4  }
0xf7: {  	[tilespmem:$0x1F2B0] =	vst v62;
	v62 =	vld [tilespmem:$0x1570];
	_ =	sdelay $0x4  }
0xf8: {  	[tilespmem:$0x1F2D0] =	vst v62;
	v62 =	vld [tilespmem:$0x1970];
	_ =	sdelay $0x4  }
0xf9: {  	[tilespmem:$0x1F350] =	vst v62;
	v62 =	vld [tilespmem:$0x1D70];
	_ =	sdelay $0x4  }
0xfa: {  	[tilespmem:$0x1F3D0] =	vst v62;
	v62 =	vld [tilespmem:$0x2170];
	_ =	sdelay $0x4  }
0xfb: {  	[tilespmem:$0x1F450] =	vst v62;
	v62 =	vld [tilespmem:$0x2570];
	_ =	sdelay $0x4  }
0xfc: {  	[tilespmem:$0x1F4D0] =	vst v62;
	v62 =	vld [tilespmem:$0x180];
	_ =	sdelay $0x4  }
0xfd: {  	[tilespmem:$0x1F4F0] =	vst v62;
	v62 =	vld [tilespmem:$0x580];
	_ =	sdelay $0x4  }
0xfe: {  	[tilespmem:$0x1F540] =	vst v62;
	v62 =	vld [tilespmem:$0x980];
	_ =	sdelay $0x4  }
0xff: {  	[tilespmem:$0x1F5C0] =	vst v62;
	v62 =	vld [tilespmem:$0xD80];
	_ =	sdelay $0x4  }
0x100: {  	[tilespmem:$0x1F640] =	vst v62;
	v62 =	vld [tilespmem:$0x1180];
	_ =	sdelay $0x4  }
0x101: {  	[tilespmem:$0x1F6C0] =	vst v62;
	v62 =	vld [tilespmem:$0x1580];
	_ =	sdelay $0x4  }
0x102: {  	[tilespmem:$0x1F740] =	vst v62;
	v62 =	vld [tilespmem:$0x1980];
	_ =	sdelay $0x4  }
0x103: {  	[tilespmem:$0x1F7C0] =	vst v62;
	v62 =	vld [tilespmem:$0x1D80];
	_ =	sdelay $0x4  }
0x104: {  	[tilespmem:$0x1F840] =	vst v62;
	v62 =	vld [tilespmem:$0x2180];
	_ =	sdelay $0x4  }
0x105: {  	[tilespmem:$0x1F8C0] =	vst v62;
	v62 =	vld [tilespmem:$0x2580];
	_ =	sdelay $0x4  }
0x106: {  	[tilespmem:$0x1F940] =	vst v62;
	v62 =	vld [tilespmem:$0x190];
	_ =	sdelay $0x4  }
0x107: {  	[tilespmem:$0x1F520] =	vst v62;
	v62 =	vld [tilespmem:$0x590];
	_ =	sdelay $0x4  }
0x108: {  	[tilespmem:$0x1F570] =	vst v62;
	v62 =	vld [tilespmem:$0x990];
	_ =	sdelay $0x4  }
0x109: {  	[tilespmem:$0x1F5E0] =	vst v62;
	v62 =	vld [tilespmem:$0xD90];
	_ =	sdelay $0x4  }
0x10a: {  	[tilespmem:$0x1F660] =	vst v62;
	v62 =	vld [tilespmem:$0x1190];
	_ =	sdelay $0x4  }
0x10b: {  	[tilespmem:$0x1F6E0] =	vst v62;
	v62 =	vld [tilespmem:$0x1590];
	_ =	sdelay $0x4  }
0x10c: {  	[tilespmem:$0x1F760] =	vst v62;
	v62 =	vld [tilespmem:$0x1990];
	_ =	sdelay $0x4  }
0x10d: {  	[tilespmem:$0x1F7E0] =	vst v62;
	v62 =	vld [tilespmem:$0x1D90];
	_ =	sdelay $0x4  }
0x10e: {  	[tilespmem:$0x1F860] =	vst v62;
	v62 =	vld [tilespmem:$0x2190];
	_ =	sdelay $0x4  }
0x10f: {  	[tilespmem:$0x1F8E0] =	vst v62;
	v62 =	vld [tilespmem:$0x2590];
	_ =	sdelay $0x4  }
0x110: {  	[tilespmem:$0x1F960] =	vst v62;
	v62 =	vld [tilespmem:$0x1A0];
	_ =	sdelay $0x4  }
0x111: {  	[tilespmem:$0x1F550] =	vst v62;
	v62 =	vld [tilespmem:$0x5A0];
	_ =	sdelay $0x4  }
0x112: {  	[tilespmem:$0x1F590] =	vst v62;
	v62 =	vld [tilespmem:$0x9A0];
	_ =	sdelay $0x4  }
0x113: {  	[tilespmem:$0x1F610] =	vst v62;
	v62 =	vld [tilespmem:$0xDA0];
	_ =	sdelay $0x3  }
0x114: {  	v16 =	vld [tilespmem:$0x2310]  }
0x115: {  	[tilespmem:$0x1F690] =	vst v62;
	v62 =	vld [tilespmem:$0x11A0]  }
0x116: {  	v17 =	vld [tilespmem:$0x2510]  }
0x117: {  	v18 =	vld [tilespmem:$0x2710]  }
0x118: {  	v6 =	vld [tilespmem:$0x120]  }
0x119: {  	v5 =	vld [tilespmem:$0x320]  }
0x11a: {  	[tilespmem:$0x1F710] =	vst v62;
	v62 =	vld [tilespmem:$0x15A0]  }
0x11b: {  	v8 =	vld [tilespmem:$0x520]  }
0x11c: {  	v10 =	vld [tilespmem:$0x720]  }
0x11d: {  	v12 =	vld [tilespmem:$0x920]  }
0x11e: {  	v60 =	vld [tilespmem:$0xF40]  }
0x11f: {  	[tilespmem:$0x1F790] =	vst v62;
	v62 =	vld [tilespmem:$0x19A0]  }
0x120: {  	v22 =	vld [tilespmem:$0xD20]  }
0x121: {  	v26 =	vld [tilespmem:$0xF20]  }
0x122: {  	v32 =	vld [tilespmem:$0x1120]  }
0x123: {  	[tilespmem:$0x1F1D0] =	vst v60;
	v60 =	vld [tilespmem:$0x1150]  }
0x124: {  	[tilespmem:$0x1F810] =	vst v62;
	v62 =	vld [tilespmem:$0x1DA0]  }
0x125: {  	v37 =	vld [tilespmem:$0x1320]  }
0x126: {  	v44 =	vld [tilespmem:$0x1520]  }
0x127: {  	v51 =	vld [tilespmem:$0x1720]  }
0x128: {  	[tilespmem:$0x1F220] =	vst v60;
	v60 =	vld [tilespmem:$0x1360]  }
0x129: {  	[tilespmem:$0x1F890] =	vst v62;
	v62 =	vld [tilespmem:$0x21A0]  }
0x12a: {  	v20 =	vld [tilespmem:$0x1920]  }
0x12b: {  	v21 =	vld [tilespmem:$0x1B20]  }
0x12c: {  	v24 =	vld [tilespmem:$0x1D20]  }
0x12d: {  	[tilespmem:$0x1F270] =	vst v60;
	v60 =	vld [tilespmem:$0x1370]  }
0x12e: {  	[tilespmem:$0x1F910] =	vst v62;
	v62 =	vld [tilespmem:$0x25A0]  }
0x12f: {  	v25 =	vld [tilespmem:$0x1F20]  }
0x130: {  	v28 =	vld [tilespmem:$0x2120]  }
0x131: {  	v29 =	vld [tilespmem:$0x2320]  }
0x132: {  	[tilespmem:$0x1F290] =	vst v60;
	v60 =	vld [tilespmem:$0x1770]  }
0x133: {  	[tilespmem:$0x1F990] =	vst v62;
	v62 =	vld [tilespmem:$0x5B0]  }
0x134: {  	v30 =	vld [tilespmem:$0x2520]  }
0x135: {  	v31 =	vld [tilespmem:$0x2720]  }
0x136: {  	v1 =	vld [tilespmem:$0x130]  }
0x137: {  	[tilespmem:$0x1F310] =	vst v60;
	v60 =	vld [tilespmem:$0x1B70]  }
0x138: {  	[tilespmem:$0x1F5B0] =	vst v62;
	v62 =	vld [tilespmem:$0x7B0]  }
0x139: {  	v2 =	vld [tilespmem:$0x530]  }
0x13a: {  	v3 =	vld [tilespmem:$0x730]  }
0x13b: {  	v4 =	vld [tilespmem:$0x930]  }
0x13c: {  	[tilespmem:$0x1F390] =	vst v60;
	v60 =	vld [tilespmem:$0x1F70]  }
0x13d: {  	[tilespmem:$0x1F5F0] =	vst v62;
	v62 =	vld [tilespmem:$0x9B0]  }
0x13e: {  	v7 =	vld [tilespmem:$0xB30]  }
0x13f: {  	v9 =	vld [tilespmem:$0xD30]  }
0x140: {  	v11 =	vld [tilespmem:$0xF30]  }
0x141: {  	[tilespmem:$0x1F410] =	vst v60;
	v60 =	vld [tilespmem:$0x2370]  }
0x142: {  	[tilespmem:$0x1F630] =	vst v62;
	v62 =	vld [tilespmem:$0xBB0]  }
0x143: {  	v35 =	vld [tilespmem:$0x1930]  }
0x144: {  	v40 =	vld [tilespmem:$0x1B30]  }
0x145: {  	v48 =	vld [tilespmem:$0x1D30]  }
0x146: {  	[tilespmem:$0x1F490] =	vst v60;
	v60 =	vld [tilespmem:$0x2770]  }
0x147: {  	[tilespmem:$0x1F670] =	vst v62;
	v62 =	vld [tilespmem:$0xDB0]  }
0x148: {  	v58 =	vld [tilespmem:$0x1F30]  }
0x149: {  	v34 =	vld [tilespmem:$0x2130]  }
0x14a: {  	v36 =	vld [tilespmem:$0x2330]  }
0x14b: {  	[tilespmem:$0x1F510] =	vst v60;
	v60 =	vld [tilespmem:$0x380]  }
0x14c: {  	[tilespmem:$0x1F6B0] =	vst v62;
	v62 =	vld [tilespmem:$0xFB0]  }
0x14d: {  	v39 =	vld [tilespmem:$0x2530]  }
0x14e: {  	v41 =	vld [tilespmem:$0x2730]  }
0x14f: {  	v46 =	vld [tilespmem:$0x140]  }
0x150: {  	[tilespmem:$0x1F500] =	vst v60;
	v60 =	vld [tilespmem:$0x780]  }
0x151: {  	[tilespmem:$0x1F6F0] =	vst v62;
	v62 =	vld [tilespmem:$0x11B0]  }
0x152: {  	v50 =	vld [tilespmem:$0x340]  }
0x153: {  	v53 =	vld [tilespmem:$0x540]  }
0x154: {  	v54 =	vld [tilespmem:$0x740]  }
0x155: {  	[tilespmem:$0x1F580] =	vst v60;
	v60 =	vld [tilespmem:$0xB80]  }
0x156: {  	[tilespmem:$0x1F730] =	vst v62;
	v62 =	vld [tilespmem:$0x13B0]  }
0x157: {  	v56 =	vld [tilespmem:$0x940]  }
0x158: {  	v57 =	vld [tilespmem:$0xB40]  }
0x159: {  	v59 =	vld [tilespmem:$0xD40]  }
0x15a: {  	[tilespmem:$0x1F600] =	vst v60;
	v60 =	vld [tilespmem:$0xF80]  }
0x15b: {  	[tilespmem:$0x1F770] =	vst v62;
	v62 =	vld [tilespmem:$0x15B0]  }
0x15c: {  	v63 =	vld [tilespmem:$0x1340]  }
0x15d: {  	v13 =	vld [tilespmem:$0x370]  }
0x15e: {  	v42 =	vadd.f32 v42, v49;
	v49 =	vld [tilespmem:$0x23C0]  }
0x15f: {  	[tilespmem:$0x1F680] =	vst v60;
	v60 =	vld [tilespmem:$0x1380]  }
0x160: {  	[tilespmem:$0x1F7B0] =	vst v62;
	v62 =	vld [tilespmem:$0x17B0]  }
0x161: {  	v43 =	vadd.f32 v43, v42;
	v42 =	vld [tilespmem:$0x27C0]  }
0x162: {  	v14 =	vadd.f32 v14, v15;
	v15 =	vld [tilespmem:$0x1EEE0]  }
0x163: {  	[tilespmem:$0x1F0E0] =	vst v18;
	v18 =	vld [tilespmem:$0xB20]  }
0x164: {  	[tilespmem:$0x1F700] =	vst v60;
	v60 =	vld [tilespmem:$0x1780]  }
0x165: {  	[tilespmem:$0x1F7F0] =	vst v62;
	v62 =	vld [tilespmem:$0x19B0]  }
0x166: {  	[tilespmem:$0x1F030] =	vst v0;
	v0 =	vld [tilespmem:$0x330]  }
0x167: {  	[tilespmem:$0x1F060] =	vst v16;
	v16 =	vld [tilespmem:$0x1130]  }
0x168: {  	[tilespmem:$0x1EFC0] =	vst v21;
	v21 =	vld [tilespmem:$0x1330]  }
0x169: {  	[tilespmem:$0x1F780] =	vst v60;
	v60 =	vld [tilespmem:$0x1B80]  }
0x16a: {  	[tilespmem:$0x1F830] =	vst v62;
	v62 =	vld [tilespmem:$0x1BB0]  }
0x16b: {  	[tilespmem:$0x1F020] =	vst v25;
	v25 =	vld [tilespmem:$0x1530]  }
0x16c: {  	[tilespmem:$0x1F090] =	vst v29;
	v29 =	vld [tilespmem:$0x1730]  }
0x16d: {  	[tilespmem:$0x1F0A0] =	vst v17;
	v17 =	vld [tilespmem:$0x1540]  }
0x16e: {  	[tilespmem:$0x1F800] =	vst v60;
	v60 =	vld [tilespmem:$0x1F80]  }
0x16f: {  	[tilespmem:$0x1F870] =	vst v62;
	v62 =	vld [tilespmem:$0x1DB0]  }
0x170: {  	[tilespmem:$0x1EF90] =	vst v20;
	v20 =	vld [tilespmem:$0x1740]  }
0x171: {  	[tilespmem:$0x1EFF0] =	vst v24;
	v24 =	vld [tilespmem:$0x1940]  }
0x172: {  	[tilespmem:$0x1F050] =	vst v28;
	v28 =	vld [tilespmem:$0x1B40]  }
0x173: {  	[tilespmem:$0x1F880] =	vst v60;
	v60 =	vld [tilespmem:$0x2380]  }
0x174: {  	[tilespmem:$0x1F8B0] =	vst v62;
	v62 =	vld [tilespmem:$0x1FB0]  }
0x175: {  	[tilespmem:$0x1F0D0] =	vst v30;
	v30 =	vld [tilespmem:$0x1D40]  }
0x176: {  	[tilespmem:$0x1F100] =	vst v31;
	v31 =	vld [tilespmem:$0x1F40]  }
0x177: {  	[tilespmem:$0x1F070] =	vst v34;
	v34 =	vld [tilespmem:$0x2140]  }
0x178: {  	[tilespmem:$0x1F900] =	vst v60;
	v60 =	vld [tilespmem:$0x2780]  }
0x179: {  	[tilespmem:$0x1F8F0] =	vst v62;
	v62 =	vld [tilespmem:$0x21B0]  }
0x17a: {  	[tilespmem:$0x1F0B0] =	vst v36;
	v36 =	vld [tilespmem:$0x2340]  }
0x17b: {  	[tilespmem:$0x1F0F0] =	vst v39;
	v39 =	vld [tilespmem:$0x2540]  }
0x17c: {  	[tilespmem:$0x1F130] =	vst v41;
	v41 =	vld [tilespmem:$0x2740]  }
0x17d: {  	[tilespmem:$0x1F980] =	vst v60;
	v60 =	vld [tilespmem:$0x390]  }
0x17e: {  	[tilespmem:$0x1F930] =	vst v62;
	v62 =	vld [tilespmem:$0x23B0]  }
0x17f: {  	[tilespmem:$0x1F170] =	vst v56;
	v56 =	vld [tilespmem:$0x150]  }
0x180: {  	[tilespmem:$0x1F150] =	vst v54;
	v54 =	vld [tilespmem:$0x350]  }
0x181: {  	[tilespmem:$0x1F230] =	vst v63;
	v63 =	vld [tilespmem:$0x550]  }
0x182: {  	[tilespmem:$0x1F530] =	vst v60;
	v60 =	vld [tilespmem:$0x790]  }
0x183: {  	[tilespmem:$0x1F970] =	vst v62;
	v62 =	vld [tilespmem:$0x25B0]  }
0x184: {  	[tilespmem:$0x1F110] =	vst v46;
	v46 =	vld [tilespmem:$0x750]  }
0x185: {  	[tilespmem:$0x1F120] =	vst v50;
	v50 =	vld [tilespmem:$0x950]  }
0x186: {  	[tilespmem:$0x1F140] =	vst v53;
	v53 =	vld [tilespmem:$0xB50]  }
0x187: {  	[tilespmem:$0x1F5A0] =	vst v60;
	v60 =	vld [tilespmem:$0xB90]  }
0x188: {  	[tilespmem:$0x1F9B0] =	vst v62;
	v62 =	vld [tilespmem:$0x27B0]  }
0x189: {  	[tilespmem:$0x1F190] =	vst v57;
	v57 =	vld [tilespmem:$0xD50]  }
0x18a: {  	[tilespmem:$0x1F1B0] =	vst v59;
	v59 =	vld [tilespmem:$0xF50]  }
0x18b: {  	[tilespmem:$0x1FC80] =	vst v49;
	v49 =	vld [tilespmem:$0x3D0]  }
0x18c: {  	[tilespmem:$0x1F620] =	vst v60;
	v60 =	vld [tilespmem:$0xF90]  }
0x18d: {  	[tilespmem:$0x1F9F0] =	vst v62;
	v62 =	vld [tilespmem:$0x1C0]  }
0x18e: {  	[tilespmem:$0x1FD00] =	vst v42;
	v42 =	vld [tilespmem:$0x1EF30]  }
0x18f: {  	[tilespmem:$0x1F260] =	vst v17;
	v17 =	vld [tilespmem:$0x1550]  }
0x190: {  	[tilespmem:$0x1F2A0] =	vst v20;
	v20 =	vld [tilespmem:$0x1750]  }
0x191: {  	[tilespmem:$0x1F6A0] =	vst v60;
	v60 =	vld [tilespmem:$0x1390]  }
0x192: {  	[tilespmem:$0x1F9D0] =	vst v62;
	v62 =	vld [tilespmem:$0x3C0]  }
0x193: {  	[tilespmem:$0x1F2E0] =	vst v24;
	v24 =	vld [tilespmem:$0x1950]  }
0x194: {  	[tilespmem:$0x1F320] =	vst v28;
	v28 =	vld [tilespmem:$0x1B50]  }
0x195: {  	[tilespmem:$0x1F360] =	vst v30;
	v30 =	vld [tilespmem:$0x1D50]  }
0x196: {  	[tilespmem:$0x1F720] =	vst v60;
	v60 =	vld [tilespmem:$0x1790]  }
0x197: {  	[tilespmem:$0x1F9E0] =	vst v62;
	v62 =	vld [tilespmem:$0x5C0]  }
0x198: {  	[tilespmem:$0x1F3A0] =	vst v31;
	v31 =	vld [tilespmem:$0x1F50]  }
0x199: {  	[tilespmem:$0x1F3E0] =	vst v34;
	v34 =	vld [tilespmem:$0x2150]  }
0x19a: {  	[tilespmem:$0x1F420] =	vst v36;
	v36 =	vld [tilespmem:$0x2350]  }
0x19b: {  	[tilespmem:$0x1F7A0] =	vst v60;
	v60 =	vld [tilespmem:$0x1B90]  }
0x19c: {  	[tilespmem:$0x1FA20] =	vst v62;
	v62 =	vld [tilespmem:$0x7C0]  }
0x19d: {  	[tilespmem:$0x1F460] =	vst v39;
	v39 =	vld [tilespmem:$0x2550]  }
0x19e: {  	[tilespmem:$0x1F4A0] =	vst v41;
	v41 =	vld [tilespmem:$0x2750]  }
0x19f: {  	[tilespmem:$0x1F180] =	vst v50;
	v50 =	vld [tilespmem:$0x960]  }
0x1a0: {  	[tilespmem:$0x1F820] =	vst v60;
	v60 =	vld [tilespmem:$0x1F90]  }
0x1a1: {  	[tilespmem:$0x1FA40] =	vst v62;
	v62 =	vld [tilespmem:$0x9C0]  }
0x1a2: {  	[tilespmem:$0x1F1F0] =	vst v59;
	v59 =	vld [tilespmem:$0xB60]  }
0x1a3: {  	[tilespmem:$0x1F160] =	vst v46;
	v46 =	vld [tilespmem:$0xD60]  }
0x1a4: {  	[tilespmem:$0x1F1A0] =	vst v53;
	v53 =	vld [tilespmem:$0xF60]  }
0x1a5: {  	[tilespmem:$0x1F8A0] =	vst v60;
	v60 =	vld [tilespmem:$0x2390]  }
0x1a6: {  	[tilespmem:$0x1FA60] =	vst v62;
	v62 =	vld [tilespmem:$0xBC0]  }
0x1a7: {  	[tilespmem:$0x1F1C0] =	vst v57;
	v57 =	vld [tilespmem:$0x1160]  }
0x1a8: {  	[tilespmem:$0x1FA10] =	vst v49;
	v49 =	vld [tilespmem:$0x1FD0]  }
0x1a9: {  	[tilespmem:$0x1F3C0] =	vst v31;
	v31 =	vld [tilespmem:$0x160]  }
0x1aa: {  	[tilespmem:$0x1F920] =	vst v60;
	v60 =	vld [tilespmem:$0x2790]  }
0x1ab: {  	[tilespmem:$0x1FA80] =	vst v62;
	v62 =	vld [tilespmem:$0xDC0]  }
0x1ac: {  	[tilespmem:$0x1F380] =	vst v30;
	v30 =	vld [tilespmem:$0x360]  }
0x1ad: {  	[tilespmem:$0x1F440] =	vst v36;
	v36 =	vld [tilespmem:$0x560]  }
0x1ae: {  	[tilespmem:$0x1F4C0] =	vst v41;
	v41 =	vld [tilespmem:$0x760]  }
0x1af: {  	[tilespmem:$0x1F9A0] =	vst v60;
	v60 =	vld [tilespmem:$0x3A0]  }
0x1b0: {  	[tilespmem:$0x1FA90] =	vst v62;
	v62 =	vld [tilespmem:$0xFC0]  }
0x1b1: {  	[tilespmem:$0x1F280] =	vst v17;
	v17 =	vld [tilespmem:$0x1760]  }
0x1b2: {  	[tilespmem:$0x1F2C0] =	vst v20;
	v20 =	vld [tilespmem:$0x1960]  }
0x1b3: {  	[tilespmem:$0x1F300] =	vst v24;
	v24 =	vld [tilespmem:$0x1B60]  }
0x1b4: {  	[tilespmem:$0x1F560] =	vst v60;
	v60 =	vld [tilespmem:$0x7A0]  }
0x1b5: {  	[tilespmem:$0x1FAC0] =	vst v62;
	v62 =	vld [tilespmem:$0x11C0]  }
0x1b6: {  	[tilespmem:$0x1F340] =	vst v28;
	v28 =	vld [tilespmem:$0x1D60]  }
0x1b7: {  	[tilespmem:$0x1F400] =	vst v34;
	v34 =	vld [tilespmem:$0x1F60]  }
0x1b8: {  	[tilespmem:$0x1F480] =	vst v39;
	v39 =	vld [tilespmem:$0x2160]  }
0x1b9: {  	[tilespmem:$0x1F5D0] =	vst v60;
	v60 =	vld [tilespmem:$0xBA0]  }
0x1ba: {  	[tilespmem:$0x1FAF0] =	vst v62;
	v62 =	vld [tilespmem:$0x13C0]  }
0x1bb: {  	[tilespmem:$0x1F1E0] =	vst v46;
	v46 =	vld [tilespmem:$0x2360]  }
0x1bc: {  	[tilespmem:$0x1F210] =	vst v53;
	v53 =	vld [tilespmem:$0x2560]  }
0x1bd: {  	[tilespmem:$0x1F240] =	vst v57;
	v57 =	vld [tilespmem:$0x2760]  }
0x1be: {  	[tilespmem:$0x1F650] =	vst v60;
	v60 =	vld [tilespmem:$0xFA0]  }
0x1bf: {  	[tilespmem:$0x1FB20] =	vst v62;
	v62 =	vld [tilespmem:$0x15C0]  }
0x1c0: {  	[tilespmem:$0x1FC40] =	vst v49;
	v49 =	vld [tilespmem:$0x1F080]  }
0x1c1: {  	[tilespmem:$0x1F2F0] =	vst v17;
	v17 =	vld [tilespmem:$0x170]  }
0x1c2: {  	[tilespmem:$0x1F330] =	vst v20;
	v20 =	vld [tilespmem:$0x570]  }
0x1c3: {  	[tilespmem:$0x1F6D0] =	vst v60;
	v60 =	vld [tilespmem:$0x13A0]  }
0x1c4: {  	v0 =	vadd.f32 v0, v1;
	[tilespmem:$0x1FB50] =	vst v62;
	v62 =	vld [tilespmem:$0x17C0]  }
0x1c5: {  	[tilespmem:$0x1F370] =	vst v24;
	v24 =	vld [tilespmem:$0x770]  }
0x1c6: {  	v0 =	vadd.f32 v2, v0;
	[tilespmem:$0x1F3B0] =	vst v28;
	v28 =	vld [tilespmem:$0x970]  }
0x1c7: {  	[tilespmem:$0x1F3F0] =	vst v34;
	v34 =	vld [tilespmem:$0xB70]  }
0x1c8: {  	v0 =	vadd.f32 v3, v0;
	[tilespmem:$0x1F750] =	vst v60;
	v60 =	vld [tilespmem:$0x17A0]  }
0x1c9: {  	[tilespmem:$0x1FB80] =	vst v62;
	v62 =	vld [tilespmem:$0x19C0]  }
0x1ca: {  	v0 =	vadd.f32 v4, v0;
	[tilespmem:$0x1F430] =	vst v39;
	v39 =	vld [tilespmem:$0xD70]  }
0x1cb: {  	[tilespmem:$0x1F470] =	vst v46;
	v46 =	vld [tilespmem:$0xF70]  }
0x1cc: {  	v0 =	vadd.f32 v7, v0;
	[tilespmem:$0x1F4E0] =	vst v57;
	v57 =	vld [tilespmem:$0x1170]  }
0x1cd: {  	[tilespmem:$0x1F7D0] =	vst v60;
	v60 =	vld [tilespmem:$0x1BA0]  }
0x1ce: {  	v0 =	vadd.f32 v9, v0;
	[tilespmem:$0x1FBB0] =	vst v62;
	v62 =	vld [tilespmem:$0x1BC0]  }
0x1cf: {  	[tilespmem:$0x1F4B0] =	vst v53;
	v53 =	vld [tilespmem:$0x3B0]  }
0x1d0: {  	v9 =	vld [tilespmem:$0x25D0];
	v0 =	vadd.f32 v11, v0  }
0x1d1: {  	v11 =	vld [tilespmem:$0x1EF90]  }
0x1d2: {  	v0 =	vadd.f32 v16, v0;
	[tilespmem:$0x1F850] =	vst v60;
	v60 =	vld [tilespmem:$0x1FA0]  }
0x1d3: {  	[tilespmem:$0x1FBD0] =	vst v62;
	v62 =	vld [tilespmem:$0x1DC0]  }
0x1d4: {  	v16 =	vld [tilespmem:$0x19D0];
	v0 =	vadd.f32 v21, v0  }
0x1d5: {  	[tilespmem:$0x1FCE0] =	vst v9;
	v9 =	vld [tilespmem:$0x17E0]  }
0x1d6: {  	v21 =	vld [tilespmem:$0x1EFD0];
	v0 =	vadd.f32 v25, v0  }
0x1d7: {  	[tilespmem:$0x1F8D0] =	vst v60;
	v60 =	vld [tilespmem:$0x23A0]  }
0x1d8: {  	v0 =	vadd.f32 v29, v0;
	[tilespmem:$0x1FBF0] =	vst v62;
	v62 =	vld [tilespmem:$0x1FC0]  }
0x1d9: {  	v25 =	vld [tilespmem:$0x5E0]  }
0x1da: {  	v29 =	vld [tilespmem:$0x1F020];
	v0 =	vadd.f32 v35, v0  }
0x1db: {  	v35 =	vld [tilespmem:$0x9E0]  }
0x1dc: {  	v0 =	vadd.f32 v40, v0;
	[tilespmem:$0x1F950] =	vst v60;
	v60 =	vld [tilespmem:$0x27A0]  }
0x1dd: {  	[tilespmem:$0x1FC20] =	vst v62;
	v62 =	vld [tilespmem:$0x21C0]  }
0x1de: {  	v40 =	vld [tilespmem:$0x1F050];
	v0 =	vadd.f32 v48, v0  }
0x1df: {  	v48 =	vld [tilespmem:$0x11E0]  }
0x1e0: {  	v5 =	vadd.f32 v5, v6;
	v0 =	vadd.f32 v58, v0;
	v58 =	vld [tilespmem:$0x1F0B0]  }
0x1e1: {  	[tilespmem:$0x1F9C0] =	vst v60;
	v60 =	vld [tilespmem:$0x1B0]  }
0x1e2: {  	v5 =	vadd.f32 v8, v5;
	[tilespmem:$0x1FC50] =	vst v62;
	v62 =	vadd.f32 v19, v14;
	v14 =	vld [tilespmem:$0x25C0]  }
0x1e3: {  	v19 =	vadd.f32 v47, v43;
	v43 =	vld [tilespmem:$0x1D0]  }
0x1e4: {  	v47 =	vadd.f32 v10, v5;
	v10 =	vld [tilespmem:$0x9D0]  }
0x1e5: {  	v6 =	vadd.f32 v23, v62;
	v62 =	vld [tilespmem:$0x5D0]  }
0x1e6: {  	v2 =	vadd.f32 v12, v47;
	v12 =	vld [tilespmem:$0x1EED0]  }
0x1e7: {  	v1 =	vadd.f32 v52, v19;
	v19 =	vld [tilespmem:$0x11D0]  }
0x1e8: {  	v23 =	vld [tilespmem:$0x13D0]  }
0x1e9: {  	v47 =	vld [tilespmem:$0x1EF40]  }
0x1ea: {  	v52 =	vadd.f32 v27, v6;
	v6 =	vld [tilespmem:$0x7D0]  }
0x1eb: {  	v2 =	vadd.f32 v18, v2;
	v18 =	vld [tilespmem:$0xFD0]  }
0x1ec: {  	v27 =	vld [tilespmem:$0x1EF00]  }
0x1ed: {  	v1 =	vadd.f32 v61, v1;
	v61 =	vld [tilespmem:$0x1EF60]  }
0x1ee: {  	[tilespmem:$0x1FA00] =	vst v43;
	v43 =	vld [tilespmem:$0xBD0]  }
0x1ef: {  	[tilespmem:$0x1FCC0] =	vst v14;
	v14 =	vld [tilespmem:$0xDD0]  }
0x1f0: {  	[tilespmem:$0x1FA70] =	vst v10;
	v10 =	vld [tilespmem:$0x1EF80]  }
0x1f1: {  	v2 =	vadd.f32 v22, v2;
	v22 =	vld [tilespmem:$0x1EEF0]  }
0x1f2: {  	v8 =	vadd.f32 v33, v52;
	v33 =	vld [tilespmem:$0x1EF10]  }
0x1f3: {  	v52 =	vld [tilespmem:$0x1EF50]  }
0x1f4: {  	[tilespmem:$0x1FA30] =	vst v62;
	v62 =	vld [tilespmem:$0x23D0]  }
0x1f5: {  	v1 =	vadd.f32 v12, v1;
	v12 =	vld [tilespmem:$0x27D0]  }
0x1f6: {  	[tilespmem:$0x1FB10] =	vst v19;
	v19 =	vld [tilespmem:$0x1EFC0]  }
0x1f7: {  	[tilespmem:$0x1FB40] =	vst v23;
	v23 =	vld [tilespmem:$0x1EFF0]  }
0x1f8: {  	v2 =	vadd.f32 v26, v2;
	v26 =	vld [tilespmem:$0x15D0]  }
0x1f9: {  	v3 =	vadd.f32 v38, v8;
	v38 =	vld [tilespmem:$0x1EF20]  }
0x1fa: {  	v8 =	vld [tilespmem:$0x1EF70]  }
0x1fb: {  	v1 =	vadd.f32 v15, v1;
	v15 =	vld [tilespmem:$0x1EFA0]  }
0x1fc: {  	[tilespmem:$0x1FAE0] =	vst v18;
	v18 =	vld [tilespmem:$0x1EFB0]  }
0x1fd: {  	v2 =	vadd.f32 v32, v2;
	v32 =	vld [tilespmem:$0x17D0];
	v1 =	vadd.f32 v22, v1  }
0x1fe: {  	[tilespmem:$0x1FAB0] =	vst v14;
	v3 =	vadd.f32 v45, v3;
	v14 =	vld [tilespmem:$0x1BD0]  }
0x1ff: {  	v45 =	vld [tilespmem:$0x1DD0];
	v1 =	vadd.f32 v27, v1  }
0x200: {  	v22 =	vld [tilespmem:$0x1EFE0];
	v3 =	vadd.f32 v55, v3  }
0x201: {  	v55 =	vld [tilespmem:$0x21D0];
	v1 =	vadd.f32 v38, v1  }
0x202: {  	v2 =	vadd.f32 v37, v2;
	v37 =	vld [tilespmem:$0xDE0];
	v3 =	vadd.f32 v33, v3  }
0x203: {  	[tilespmem:$0x1FCA0] =	vst v62;
	v62 =	vld [tilespmem:$0x1F0C0];
	v1 =	vadd.f32 v47, v1  }
0x204: {  	[tilespmem:$0x1FB70] =	vst v26;
	v26 =	vld [tilespmem:$0x1F000];
	v3 =	vadd.f32 v42, v3  }
0x205: {  	v27 =	vld [tilespmem:$0x1F010];
	v2 =	vadd.f32 v44, v2;
	v1 =	vadd.f32 v61, v1  }
0x206: {  	v33 =	vld [tilespmem:$0x1F030];
	v3 =	vadd.f32 v52, v3  }
0x207: {  	v44 =	vld [tilespmem:$0xFE0];
	v2 =	vadd.f32 v51, v2;
	v1 =	vadd.f32 v10, v1  }
0x208: {  	[tilespmem:$0x1FBA0] =	vst v32;
	v32 =	vld [tilespmem:$0xBE0];
	v3 =	vadd.f32 v8, v3  }
0x209: {  	v38 =	vld [tilespmem:$0x1F040];
	v2 =	vadd.f32 v11, v2;
	v1 =	vadd.f32 v18, v1  }
0x20a: {  	[tilespmem:$0x1FC10] =	vst v45;
	v45 =	vld [tilespmem:$0x1F060];
	v3 =	vadd.f32 v15, v3  }
0x20b: {  	v51 =	vld [tilespmem:$0x1F090];
	v2 =	vadd.f32 v19, v2;
	v1 =	vadd.f32 v22, v1  }
0x20c: {  	[tilespmem:$0x1FC70] =	vst v55;
	v55 =	vld [tilespmem:$0x1F0A0];
	v3 =	vadd.f32 v21, v3  }
0x20d: {  	[tilespmem:$0x1FBC0] =	vst v9;
	v52 =	vld [tilespmem:$0x13E0];
	v2 =	vadd.f32 v23, v2;
	v1 =	vadd.f32 v27, v1  }
0x20e: {  	[tilespmem:$0x1FB30] =	vst v48;
	v61 =	vld [tilespmem:$0x15E0];
	v3 =	vadd.f32 v26, v3  }
0x20f: {  	[tilespmem:$0x1FA50] =	vst v6;
	v8 =	vld [tilespmem:$0x1F0D0];
	v2 =	vadd.f32 v29, v2;
	v1 =	vadd.f32 v38, v1  }
0x210: {  	[tilespmem:$0x1FD20] =	vst v12;
	v19 =	vld [tilespmem:$0x1F100];
	v3 =	vadd.f32 v33, v3  }
0x211: {  	[tilespmem:$0x1FAD0] =	vst v37;
	v10 =	vld [tilespmem:$0x1F0E0];
	v2 =	vadd.f32 v40, v2;
	v1 =	vadd.f32 v49, v1  }
0x212: {  	[tilespmem:$0x1FB00] =	vst v44;
	v18 =	vld [tilespmem:$0x19E0];
	v3 =	vadd.f32 v45, v3  }
0x213: {  	v12 =	vld [tilespmem:$0x1E0];
	[tilespmem:$0x1FAA0] =	vst v32;
	v2 =	vadd.f32 v51, v2;
	v1 =	vadd.f32 v62, v1  }
0x214: {  	v42 =	vld [tilespmem:$0x7E0];
	[tilespmem:$0x1FB60] =	vst v52;
	v3 =	vadd.f32 v55, v3  }
0x215: {  	v23 =	vld [tilespmem:$0x1BE0];
	[tilespmem:$0x1FF10] =	vst v1;
	v1 =	vadd.f32 v8, v2  }
0x216: {  	v47 =	vld [tilespmem:$0x1F070];
	[tilespmem:$0x1FB90] =	vst v61;
	v2 =	vadd.f32 v10, v3  }
0x217: {  	v11 =	vld [tilespmem:$0x3E0];
	[tilespmem:$0x1FBE0] =	vst v18;
	v1 =	vadd.f32 v19, v1  }
0x218: {  	v15 =	vld [tilespmem:$0x1F0F0];
	[tilespmem:$0x1FF20] =	vst v2  }
0x219: {  	v21 =	vld [tilespmem:$0x1F110];
	[tilespmem:$0x1FF30] =	vst v1  }
0x21a: {  	v22 =	vld [tilespmem:$0x1F120];
	[tilespmem:$0x1FC00] =	vst v23  }
0x21b: {  	v2 =	vld [tilespmem:$0x1F130]  }
0x21c: {  	v27 =	vld [tilespmem:$0x1DE0]  }
0x21d: {  	v29 =	vld [tilespmem:$0x1F140]  }
0x21e: {  	v30 =	vadd.f32 v30, v31;
	v31 =	vld [tilespmem:$0x1FE0]  }
0x21f: {  	v33 =	vld [tilespmem:$0x21E0]  }
0x220: {  	v37 =	vld [tilespmem:$0x1F150]  }
0x221: {  	v38 =	vld [tilespmem:$0x23E0]  }
0x222: {  	v40 =	vld [tilespmem:$0x1F160]  }
0x223: {  	v0 =	vadd.f32 v47, v0;
	v44 =	vld [tilespmem:$0x25E0]  }
0x224: {  	v45 =	vld [tilespmem:$0x1F170]  }
0x225: {  	v0 =	vadd.f32 v58, v0;
	v47 =	vld [tilespmem:$0x27E0]  }
0x226: {  	v48 =	vld [tilespmem:$0x1F180]  }
0x227: {  	v0 =	vadd.f32 v15, v0;
	v15 =	vld [tilespmem:$0x1F0]  }
0x228: {  	v49 =	vld [tilespmem:$0x1F190]  }
0x229: {  	v58 =	vld [tilespmem:$0x3F0]  }
0x22a: {  	v51 =	vld [tilespmem:$0x1F1A0]  }
0x22b: {  	v62 =	vld [tilespmem:$0x5F0]  }
0x22c: {  	v52 =	vld [tilespmem:$0x1F1B0]  }
0x22d: {  	v26 =	vadd.f32 v54, v56;
	v54 =	vld [tilespmem:$0x1F1C0]  }
0x22e: {  	v32 =	vadd.f32 v13, v17;
	v55 =	vld [tilespmem:$0x1F1D0]  }
0x22f: {  	v56 =	vld [tilespmem:$0x1F1E0]  }
0x230: {  	v3 =	vadd.f32 v20, v32;
	v20 =	vld [tilespmem:$0xBF0]  }
0x231: {  	v1 =	vadd.f32 v22, v21;
	v21 =	vld [tilespmem:$0xDF0]  }
0x232: {  	v61 =	vld [tilespmem:$0x1F200]  }
0x233: {  	v3 =	vadd.f32 v24, v3;
	v24 =	vld [tilespmem:$0xFF0]  }
0x234: {  	v8 =	vld [tilespmem:$0x1F220]  }
0x235: {  	v9 =	vld [tilespmem:$0x1F230]  }
0x236: {  	v10 =	vld [tilespmem:$0x1F240]  }
0x237: {  	v13 =	vld [tilespmem:$0x1F250]  }
0x238: {  	v17 =	vld [tilespmem:$0x1F260]  }
0x239: {  	v18 =	vld [tilespmem:$0x1F270]  }
0x23a: {  	v19 =	vld [tilespmem:$0x1F280]  }
0x23b: {  	v22 =	vld [tilespmem:$0x1F290]  }
0x23c: {  	v23 =	vld [tilespmem:$0x1F2A0]  }
0x23d: {  	v3 =	vadd.f32 v28, v3;
	v28 =	vld [tilespmem:$0x1F2D0]  }
0x23e: {  	v32 =	vld [tilespmem:$0x1F300]  }
0x23f: {  	v4 =	vld [tilespmem:$0x1F4F0]  }
0x240: {  	v5 =	vld [tilespmem:$0x1F500]  }
0x241: {  	v6 =	vld [tilespmem:$0x1800]  }
0x242: {  	v7 =	vld [tilespmem:$0x1F510];
	v3 =	vadd.f32 v34, v3  }
0x243: {  	v34 =	vld [tilespmem:$0x21F0]  }
0x244: {  	v3 =	vadd.f32 v39, v3;
	v39 =	vld [tilespmem:$0x23F0]  }
0x245: {  	v0 =	vadd.f32 v2, v0;
	v2 =	vadd.f32 v36, v30;
	v30 =	vld [tilespmem:$0x9F0]  }
0x246: {  	[tilespmem:$0x1FC30] =	vst v27;
	v27 =	vld [tilespmem:$0x1F2C0]  }
0x247: {  	v1 =	vadd.f32 v29, v1;
	v29 =	vld [tilespmem:$0x1F2E0]  }
0x248: {  	[tilespmem:$0x1FC60] =	vst v31;
	v31 =	vld [tilespmem:$0x1F2F0]  }
0x249: {  	v3 =	vadd.f32 v46, v3;
	v46 =	vld [tilespmem:$0x1FF0]  }
0x24a: {  	[tilespmem:$0x1FC90] =	vst v33;
	v33 =	vld [tilespmem:$0x1F310]  }
0x24b: {  	v36 =	vld [tilespmem:$0x1F320]  }
0x24c: {  	[tilespmem:$0x1FCD0] =	vst v38;
	v38 =	vld [tilespmem:$0x1F330]  }
0x24d: {  	[tilespmem:$0x1FD10] =	vst v44;
	v44 =	vld [tilespmem:$0x1F350]  }
0x24e: {  	[tilespmem:$0x1FD40] =	vst v47;
	v47 =	vld [tilespmem:$0x1F360]  }
0x24f: {  	v58 =	vadd.f32 v58, v15;
	v15 =	vld [tilespmem:$0x1FA40]  }
0x250: {  	[tilespmem:$0x1FCB0] =	vst v34;
	v34 =	vld [tilespmem:$0x1F460]  }
0x251: {  	[tilespmem:$0x1FF40] =	vst v0;
	v0 =	vadd.f32 v63, v26;
	v63 =	vld [tilespmem:$0x1F210]  }
0x252: {  	v1 =	vadd.f32 v37, v1;
	v37 =	vld [tilespmem:$0x11F0]  }
0x253: {  	v26 =	vld [tilespmem:$0x1F2B0]  }
0x254: {  	v2 =	vadd.f32 v41, v2;
	v41 =	vld [tilespmem:$0x1F340]  }
0x255: {  	v3 =	vadd.f32 v57, v3;
	v57 =	vld [tilespmem:$0x200]  }
0x256: {  	[tilespmem:$0x1FCF0] =	vst v39;
	v39 =	vld [tilespmem:$0x1F480]  }
0x257: {  	v0 =	vadd.f32 v40, v0;
	v40 =	vld [tilespmem:$0x13F0]  }
0x258: {  	v1 =	vadd.f32 v45, v1;
	v45 =	vld [tilespmem:$0x25F0]  }
0x259: {  	v2 =	vadd.f32 v50, v2;
	v50 =	vld [tilespmem:$0x1F380]  }
0x25a: {  	v3 =	vadd.f32 v22, v3;
	v22 =	vld [tilespmem:$0x1F400]  }
0x25b: {  	v2 =	vadd.f32 v59, v2;
	v59 =	vld [tilespmem:$0x1F1F0]  }
0x25c: {  	v0 =	vadd.f32 v48, v0;
	v48 =	vld [tilespmem:$0x1F370]  }
0x25d: {  	v1 =	vadd.f32 v49, v1;
	v49 =	vld [tilespmem:$0x27F0]  }
0x25e: {  	v3 =	vadd.f32 v28, v3;
	v28 =	vld [tilespmem:$0x1F430]  }
0x25f: {  	[tilespmem:$0x1FD50] =	vst v57;
	v57 =	vld [tilespmem:$0x1600]  }
0x260: {  	v1 =	vadd.f32 v52, v1;
	v52 =	vld [tilespmem:$0x7F0]  }
0x261: {  	v2 =	vadd.f32 v56, v2;
	v56 =	vld [tilespmem:$0x19F0]  }
0x262: {  	v0 =	vadd.f32 v51, v0;
	v51 =	vld [tilespmem:$0x1DF0]  }
0x263: {  	v3 =	vadd.f32 v33, v3;
	v33 =	vld [tilespmem:$0xE00]  }
0x264: {  	[tilespmem:$0x1FD30] =	vst v45;
	v45 =	vld [tilespmem:$0x1F4A0]  }
0x265: {  	v0 =	vadd.f32 v54, v0;
	v54 =	vld [tilespmem:$0x1BF0]  }
0x266: {  	v1 =	vadd.f32 v55, v1;
	v55 =	vld [tilespmem:$0x1F390]  }
0x267: {  	v2 =	vadd.f32 v63, v2;
	v63 =	vld [tilespmem:$0x1F3A0]  }
0x268: {  	v3 =	vadd.f32 v44, v3;
	v44 =	vld [tilespmem:$0x1200]  }
0x269: {  	[tilespmem:$0x1FD60] =	vst v49;
	v49 =	vld [tilespmem:$0x1400]  }
0x26a: {  	v1 =	vadd.f32 v61, v1;
	v61 =	vld [tilespmem:$0x15F0]  }
0x26b: {  	v0 =	vadd.f32 v59, v0;
	v59 =	vld [tilespmem:$0x17F0]  }
0x26c: {  	v2 =	vadd.f32 v10, v2;
	v10 =	vld [tilespmem:$0x1F3D0]  }
0x26d: {  	[tilespmem:$0x1FDF0] =	vst v57;
	v57 =	vld [tilespmem:$0x1F650]  }
0x26e: {  	[tilespmem:$0x1FDB0] =	vst v33;
	v33 =	vld [tilespmem:$0x2200]  }
0x26f: {  	v0 =	vadd.f32 v8, v0;
	v8 =	vld [tilespmem:$0x1F3B0]  }
0x270: {  	v1 =	vadd.f32 v9, v1;
	v9 =	vld [tilespmem:$0x1F3C0]  }
0x271: {  	v2 =	vadd.f32 v18, v2;
	v18 =	vld [tilespmem:$0x1F3F0]  }
0x272: {  	v3 =	vadd.f32 v55, v3;
	v55 =	vld [tilespmem:$0x1F4D0]  }
0x273: {  	[tilespmem:$0x1FDD0] =	vst v44;
	v44 =	vld [tilespmem:$0x2600]  }
0x274: {  	v0 =	vadd.f32 v13, v0;
	v13 =	vld [tilespmem:$0x600]  }
0x275: {  	v1 =	vadd.f32 v17, v1;
	v17 =	vld [tilespmem:$0x1F3E0]  }
0x276: {  	v2 =	vadd.f32 v26, v2;
	v26 =	vld [tilespmem:$0xA00]  }
0x277: {  	[tilespmem:$0x1FDE0] =	vst v49;
	v49 =	vld [tilespmem:$0x2800]  }
0x278: {  	v3 =	vadd.f32 v10, v3;
	v10 =	vld [tilespmem:$0x1A00]  }
0x279: {  	v0 =	vadd.f32 v19, v0;
	v19 =	vld [tilespmem:$0x800]  }
0x27a: {  	v1 =	vadd.f32 v23, v1;
	v23 =	vld [tilespmem:$0x1F410]  }
0x27b: {  	v2 =	vadd.f32 v31, v2;
	v31 =	vld [tilespmem:$0x1F440]  }
0x27c: {  	[tilespmem:$0x1FE90] =	vst v33;
	v33 =	vld [tilespmem:$0x1F760]  }
0x27d: {  	v0 =	vadd.f32 v27, v0;
	v27 =	vld [tilespmem:$0x1F420]  }
0x27e: {  	v1 =	vadd.f32 v29, v1;
	v29 =	vld [tilespmem:$0xC00]  }
0x27f: {  	v2 =	vadd.f32 v38, v2;
	v38 =	vld [tilespmem:$0x1000]  }
0x280: {  	[tilespmem:$0x1FED0] =	vst v44;
	v44 =	vld [tilespmem:$0x810]  }
0x281: {  	[tilespmem:$0x1FD70] =	vst v13;
	v13 =	vld [tilespmem:$0x1F540]  }
0x282: {  	[tilespmem:$0x1FD90] =	vst v26;
	v26 =	vld [tilespmem:$0x1E00]  }
0x283: {  	[tilespmem:$0x1FEF0] =	vst v49;
	v49 =	vld [tilespmem:$0xC10]  }
0x284: {  	v2 =	vadd.f32 v48, v2;
	v48 =	vld [tilespmem:$0x400]  }
0x285: {  	v0 =	vadd.f32 v32, v0;
	v32 =	vld [tilespmem:$0x1F450]  }
0x286: {  	v1 =	vadd.f32 v36, v1;
	v36 =	vld [tilespmem:$0x1F470]  }
0x287: {  	[tilespmem:$0x1FE10] =	vst v10;
	v10 =	vld [tilespmem:$0x1F6A0]  }
0x288: {  	[tilespmem:$0x1FD80] =	vst v19;
	v19 =	vld [tilespmem:$0x1C00]  }
0x289: {  	v3 =	vadd.f32 v23, v3;
	v23 =	vadd.f32 v53, v60;
	v53 =	vld [tilespmem:$0x1F630]  }
0x28a: {  	v60 =	vld [tilespmem:$0x1F660]  }
0x28b: {  	v0 =	vadd.f32 v41, v0;
	v41 =	vld [tilespmem:$0x1F490]  }
0x28c: {  	v1 =	vadd.f32 v47, v1;
	v47 =	vld [tilespmem:$0x1F4B0]  }
0x28d: {  	v2 =	vadd.f32 v8, v2;
	v8 =	vld [tilespmem:$0x1F520]  }
0x28e: {  	[tilespmem:$0x1FDA0] =	vst v29;
	v29 =	vld [tilespmem:$0x2000]  }
0x28f: {  	[tilespmem:$0x1FDC0] =	vst v38;
	v38 =	vld [tilespmem:$0x2400]  }
0x290: {  	v0 =	vadd.f32 v50, v0;
	v50 =	vld [tilespmem:$0x1F4C0]  }
0x291: {  	v1 =	vadd.f32 v63, v1;
	v63 =	vld [tilespmem:$0x1F4E0]  }
0x292: {  	v2 =	vadd.f32 v18, v2;
	v18 =	vld [tilespmem:$0x1F560]  }
0x293: {  	[tilespmem:$0x1FE50] =	vst v26;
	v26 =	vld [tilespmem:$0x1F710]  }
0x294: {  	v3 =	vadd.f32 v32, v3;
	v32 =	vld [tilespmem:$0x1F5B0]  }
0x295: {  	v0 =	vadd.f32 v9, v0;
	v9 =	vld [tilespmem:$0x1F530]  }
0x296: {  	v1 =	vadd.f32 v17, v1;
	v17 =	vld [tilespmem:$0x1F550]  }
0x297: {  	v2 =	vadd.f32 v28, v2;
	v28 =	vld [tilespmem:$0x1F590]  }
0x298: {  	[tilespmem:$0x1FE30] =	vst v19;
	v19 =	vld [tilespmem:$0x1F6E0]  }
0x299: {  	v3 =	vadd.f32 v41, v3;
	v41 =	vld [tilespmem:$0x1F5F0]  }
0x29a: {  	v0 =	vadd.f32 v22, v0;
	v22 =	vld [tilespmem:$0x1F570]  }
0x29b: {  	v1 =	vadd.f32 v27, v1;
	v27 =	vld [tilespmem:$0x1F580]  }
0x29c: {  	v2 =	vadd.f32 v36, v2;
	v36 =	vld [tilespmem:$0x1F5D0]  }
0x29d: {  	[tilespmem:$0x1FE70] =	vst v29;
	v29 =	vld [tilespmem:$0x1F740]  }
0x29e: {  	[tilespmem:$0x1FEB0] =	vst v38;
	v38 =	vld [tilespmem:$0x1F780]  }
0x29f: {  	v0 =	vadd.f32 v31, v0;
	v1 =	vadd.f32 v34, v1;
	v31 =	vld [tilespmem:$0x1F5A0]  }
0x2a0: {  	v34 =	vld [tilespmem:$0x1F5C0]  }
0x2a1: {  	v0 =	vadd.f32 v39, v0;
	v1 =	vadd.f32 v45, v1;
	v39 =	vld [tilespmem:$0x1F5E0]  }
0x2a2: {  	v45 =	vld [tilespmem:$0x1F600]  }
0x2a3: {  	[tilespmem:$0x1FF50] =	vst v1;
	v1 =	vadd.f32 v47, v2;
	v47 =	vld [tilespmem:$0x1F610]  }
0x2a4: {  	v0 =	vadd.f32 v50, v0;
	v50 =	vld [tilespmem:$0x1F620]  }
0x2a5: {  	v2 =	vadd.f32 v18, v17;
	v17 =	vld [tilespmem:$0x1F6C0]  }
0x2a6: {  	v18 =	vld [tilespmem:$0x1F6D0]  }
0x2a7: {  	[tilespmem:$0x1FF60] =	vst v0;
	v0 =	vadd.f32 v55, v3;
	v55 =	vld [tilespmem:$0x1F640]  }
0x2a8: {  	v3 =	vadd.f32 v32, v23;
	v32 =	vld [tilespmem:$0x410]  }
0x2a9: {  	v1 =	vadd.f32 v63, v1;
	v63 =	vld [tilespmem:$0x1F670]  }
0x2aa: {  	v2 =	vadd.f32 v28, v2;
	v23 =	vld [tilespmem:$0x1F700]  }
0x2ab: {  	v28 =	vld [tilespmem:$0x1F730]  }
0x2ac: {  	v0 =	vadd.f32 v7, v0;
	v2 =	vadd.f32 v36, v2;
	v36 =	vld [tilespmem:$0x1F770]  }
0x2ad: {  	[tilespmem:$0x1FF70] =	vst v1;
	v3 =	vadd.f32 v41, v3;
	v41 =	vld [tilespmem:$0x1F790]  }
0x2ae: {  	v1 =	vadd.f32 v5, v4;
	[tilespmem:$0x1FF80] =	vst v0;
	v0 =	vadd.f32 v9, v8;
	v8 =	vld [tilespmem:$0x1F680]  }
0x2af: {  	v9 =	vld [tilespmem:$0x1F690]  }
0x2b0: {  	v1 =	vadd.f32 v13, v1;
	v13 =	vld [tilespmem:$0x1F6B0]  }
0x2b1: {  	v2 =	vadd.f32 v47, v2;
	v47 =	vld [tilespmem:$0xA10]  }
0x2b2: {  	v3 =	vadd.f32 v53, v3;
	v53 =	vld [tilespmem:$0x1010]  }
0x2b3: {  	v0 =	vadd.f32 v22, v0;
	v22 =	vld [tilespmem:$0x1F6F0]  }
0x2b4: {  	v1 =	vadd.f32 v27, v1;
	v27 =	vld [tilespmem:$0x1F720]  }
0x2b5: {  	v2 =	vadd.f32 v57, v2;
	v57 =	vld [tilespmem:$0x1410]  }
0x2b6: {  	v3 =	vadd.f32 v63, v3;
	v63 =	vld [tilespmem:$0x1810]  }
0x2b7: {  	v1 =	vadd.f32 v34, v1;
	v34 =	vld [tilespmem:$0x610]  }
0x2b8: {  	v0 =	vadd.f32 v31, v0;
	v31 =	vld [tilespmem:$0x1F750]  }
0x2b9: {  	v2 =	vadd.f32 v9, v2;
	v9 =	vld [tilespmem:$0x1A10]  }
0x2ba: {  	v3 =	vadd.f32 v13, v3;
	v13 =	vld [tilespmem:$0x1F7D0]  }
0x2bb: {  	v0 =	vadd.f32 v39, v0;
	v39 =	vld [tilespmem:$0x210]  }
0x2bc: {  	v1 =	vadd.f32 v45, v1;
	v45 =	vld [tilespmem:$0x1F7A0]  }
0x2bd: {  	v2 =	vadd.f32 v18, v2;
	v18 =	vld [tilespmem:$0x1F7E0]  }
0x2be: {  	v3 =	vadd.f32 v22, v3;
	v22 =	vld [tilespmem:$0x1E10]  }
0x2bf: {  	v0 =	vadd.f32 v50, v0;
	v50 =	vld [tilespmem:$0xE10]  }
0x2c0: {  	v1 =	vadd.f32 v55, v1;
	v55 =	vld [tilespmem:$0x1210]  }
0x2c1: {  	v2 =	vadd.f32 v26, v2;
	v26 =	vld [tilespmem:$0x1F810]  }
0x2c2: {  	v3 =	vadd.f32 v28, v3;
	v28 =	vld [tilespmem:$0x1F820]  }
0x2c3: {  	v0 =	vadd.f32 v60, v0;
	v60 =	vld [tilespmem:$0x1610]  }
0x2c4: {  	v1 =	vadd.f32 v8, v1;
	v8 =	vld [tilespmem:$0x1F7B0]  }
0x2c5: {  	[tilespmem:$0x1FE20] =	vst v9;
	v9 =	vld [tilespmem:$0x1F880]  }
0x2c6: {  	v2 =	vadd.f32 v31, v2;
	v31 =	vld [tilespmem:$0x2210]  }
0x2c7: {  	v3 =	vadd.f32 v36, v3;
	v36 =	vld [tilespmem:$0x1F850]  }
0x2c8: {  	v0 =	vadd.f32 v10, v0;
	v10 =	vld [tilespmem:$0x1F7C0]  }
0x2c9: {  	v1 =	vadd.f32 v17, v1;
	v17 =	vld [tilespmem:$0x1C10]  }
0x2ca: {  	[tilespmem:$0x1FE60] =	vst v22;
	v22 =	vld [tilespmem:$0x1F8D0]  }
0x2cb: {  	v2 =	vadd.f32 v41, v2;
	v41 =	vld [tilespmem:$0x1F860]  }
0x2cc: {  	v0 =	vadd.f32 v19, v0;
	v19 =	vld [tilespmem:$0x1F7F0]  }
0x2cd: {  	v1 =	vadd.f32 v23, v1;
	v23 =	vld [tilespmem:$0x1F800]  }
0x2ce: {  	v3 =	vadd.f32 v8, v3;
	v8 =	vld [tilespmem:$0x2610]  }
0x2cf: {  	v2 =	vadd.f32 v13, v2;
	v13 =	vld [tilespmem:$0x2810]  }
0x2d0: {  	v0 =	vadd.f32 v27, v0;
	v27 =	vld [tilespmem:$0x2010]  }
0x2d1: {  	v1 =	vadd.f32 v29, v1;
	v29 =	vld [tilespmem:$0x1F830]  }
0x2d2: {  	[tilespmem:$0x1FE40] =	vst v17;
	v17 =	vld [tilespmem:$0x1F8A0]  }
0x2d3: {  	v2 =	vadd.f32 v26, v2;
	v26 =	vld [tilespmem:$0x1F8E0]  }
0x2d4: {  	v0 =	vadd.f32 v33, v0;
	v33 =	vld [tilespmem:$0x1F840]  }
0x2d5: {  	v1 =	vadd.f32 v38, v1;
	v38 =	vld [tilespmem:$0x2410]  }
0x2d6: {  	v3 =	vadd.f32 v19, v3;
	v19 =	vld [tilespmem:$0x1F8C0]  }
0x2d7: {  	v2 =	vadd.f32 v36, v2;
	v36 =	vld [tilespmem:$0x1F920]  }
0x2d8: {  	v0 =	vadd.f32 v45, v0;
	v45 =	vld [tilespmem:$0x1F870]  }
0x2d9: {  	v1 =	vadd.f32 v10, v1;
	v10 =	vld [tilespmem:$0x1F890]  }
0x2da: {  	[tilespmem:$0x1FEE0] =	vst v8;
	v8 =	vld [tilespmem:$0x1FA00]  }
0x2db: {  	[tilespmem:$0x1FE80] =	vst v27;
	v27 =	vld [tilespmem:$0x1F8F0]  }
0x2dc: {  	v3 =	vadd.f32 v29, v3;
	v29 =	vld [tilespmem:$0x1F900]  }
0x2dd: {  	v0 =	vadd.f32 v18, v0;
	v1 =	vadd.f32 v23, v1;
	v18 =	vld [tilespmem:$0x1F8B0]  }
0x2de: {  	[tilespmem:$0x1FEC0] =	vst v38;
	v38 =	vld [tilespmem:$0x1F930]  }
0x2df: {  	v1 =	vadd.f32 v33, v1;
	v33 =	vld [tilespmem:$0x1F910]  }
0x2e0: {  	v0 =	vadd.f32 v28, v0;
	v3 =	vadd.f32 v45, v3;
	v45 =	vld [tilespmem:$0x420]  }
0x2e1: {  	v2 =	vadd.f32 v10, v2;
	v10 =	vld [tilespmem:$0x1F970]  }
0x2e2: {  	v0 =	vadd.f32 v41, v0;
	v41 =	vld [tilespmem:$0x1F940]  }
0x2e3: {  	v1 =	vadd.f32 v9, v1;
	v9 =	vld [tilespmem:$0x1F960]  }
0x2e4: {  	v12 =	vadd.f32 v11, v12;
	v3 =	vadd.f32 v18, v3;
	v18 =	vld [tilespmem:$0x620]  }
0x2e5: {  	v23 =	vadd.f32 v22, v2;
	v22 =	vld [tilespmem:$0xA20]  }
0x2e6: {  	v2 =	vadd.f32 v25, v12;
	v25 =	vld [tilespmem:$0x1FA50]  }
0x2e7: {  	v12 =	vld [tilespmem:$0x1FB40]  }
0x2e8: {  	v0 =	vadd.f32 v17, v0;
	v17 =	vld [tilespmem:$0x220]  }
0x2e9: {  	v4 =	vadd.f32 v19, v1;
	v19 =	vld [tilespmem:$0x820]  }
0x2ea: {  	v5 =	vadd.f32 v33, v23;
	v23 =	vld [tilespmem:$0xC20]  }
0x2eb: {  	v33 =	vld [tilespmem:$0x1F990]  }
0x2ec: {  	v28 =	vadd.f32 v27, v3;
	v27 =	vld [tilespmem:$0x1020]  }
0x2ed: {  	v2 =	vadd.f32 v42, v2;
	v42 =	vld [tilespmem:$0x2420]  }
0x2ee: {  	v3 =	vld [tilespmem:$0x230]  }
0x2ef: {  	[tilespmem:$0x1FEA0] =	vst v31;
	v31 =	vadd.f32 v29, v4;
	v4 =	vld [tilespmem:$0x1F950]  }
0x2f0: {  	v0 =	vadd.f32 v26, v0;
	v26 =	vld [tilespmem:$0xE20]  }
0x2f1: {  	v29 =	vld [tilespmem:$0x1220]  }
0x2f2: {  	[tilespmem:$0x1FE00] =	vst v6;
	v6 =	vadd.f32 v38, v28;
	v38 =	vld [tilespmem:$0x1F9A0]  }
0x2f3: {  	v28 =	vadd.f32 v62, v58;
	v62 =	vld [tilespmem:$0x1E20]  }
0x2f4: {  	v58 =	vld [tilespmem:$0x1FA60]  }
0x2f5: {  	v2 =	vadd.f32 v35, v2;
	v35 =	vld [tilespmem:$0x430]  }
0x2f6: {  	v7 =	vadd.f32 v41, v31;
	v31 =	vld [tilespmem:$0x1F980]  }
0x2f7: {  	v41 =	vld [tilespmem:$0x1F9B0]  }
0x2f8: {  	[tilespmem:$0x1FF00] =	vst v13;
	v13 =	vadd.f32 v10, v6;
	v6 =	vld [tilespmem:$0x1F9E0]  }
0x2f9: {  	v0 =	vadd.f32 v36, v0;
	v10 =	vld [tilespmem:$0x1FA20]  }
0x2fa: {  	v17 =	vadd.f32 v45, v17;
	v45 =	vld [tilespmem:$0x1FD80]  }
0x2fb: {  	v0 =	vadd.f32 v9, v0;
	v9 =	vld [tilespmem:$0x1FA10]  }
0x2fc: {  	v5 =	vadd.f32 v4, v5;
	v4 =	vld [tilespmem:$0x1F9C0]  }
0x2fd: {  	v17 =	vadd.f32 v18, v17;
	v18 =	vld [tilespmem:$0x1C40]  }
0x2fe: {  	v0 =	vadd.f32 v38, v0;
	v38 =	vld [tilespmem:$0x1A20]  }
0x2ff: {  	v3 =	vadd.f32 v35, v3;
	v35 =	vld [tilespmem:$0x1FD90]  }
0x300: {  	v36 =	vadd.f32 v33, v5;
	v5 =	vld [tilespmem:$0x1F9D0]  }
0x301: {  	v1 =	vadd.f32 v31, v7;
	v31 =	vld [tilespmem:$0x1420]  }
0x302: {  	v7 =	vld [tilespmem:$0x1F9F0]  }
0x303: {  	v33 =	vld [tilespmem:$0x1620]  }
0x304: {  	[tilespmem:$0x1FFA0] =	vst v0;
	v0 =	vadd.f32 v41, v13;
	v13 =	vld [tilespmem:$0x1FA30]  }
0x305: {  	v41 =	vld [tilespmem:$0x1C20]  }
0x306: {  	[tilespmem:$0x1FF90] =	vst v1;
	v1 =	vadd.f32 v4, v36;
	v36 =	vld [tilespmem:$0x1820]  }
0x307: {  	v4 =	vld [tilespmem:$0x630]  }
0x308: {  	[tilespmem:$0x1FFB0] =	vst v1;
	v1 =	vadd.f32 v6, v5;
	v6 =	vld [tilespmem:$0x1FA70]  }
0x309: {  	v0 =	vadd.f32 v7, v0;
	v7 =	vld [tilespmem:$0x1FA80]  }
0x30a: {  	v5 =	vld [tilespmem:$0xA30]  }
0x30b: {  	[tilespmem:$0x1FFC0] =	vst v0;
	v0 =	vadd.f32 v9, v8;
	v1 =	vadd.f32 v10, v1;
	v8 =	vld [tilespmem:$0x1FA90]  }
0x30c: {  	v9 =	vld [tilespmem:$0x1FAA0]  }
0x30d: {  	v10 =	vld [tilespmem:$0x1FAB0];
	v1 =	vadd.f32 v15, v1  }
0x30e: {  	v0 =	vadd.f32 v13, v0;
	v13 =	vld [tilespmem:$0x1FAC0]  }
0x30f: {  	v1 =	vadd.f32 v58, v1;
	v58 =	vld [tilespmem:$0x2020]  }
0x310: {  	v0 =	vadd.f32 v25, v0;
	v25 =	vadd.f32 v52, v28;
	v52 =	vld [tilespmem:$0x2220]  }
0x311: {  	v28 =	vld [tilespmem:$0x1FAE0]  }
0x312: {  	v2 =	vadd.f32 v9, v2;
	v9 =	vld [tilespmem:$0x1FB10]  }
0x313: {  	v30 =	vadd.f32 v30, v25;
	v25 =	vld [tilespmem:$0x2620]  }
0x314: {  	v0 =	vadd.f32 v6, v0;
	v6 =	vld [tilespmem:$0xC30]  }
0x315: {  	v1 =	vadd.f32 v7, v1;
	v7 =	vld [tilespmem:$0xE30]  }
0x316: {  	v0 =	vadd.f32 v43, v0;
	v43 =	vld [tilespmem:$0x2820]  }
0x317: {  	v11 =	vadd.f32 v20, v30;
	v20 =	vld [tilespmem:$0x1FAD0]  }
0x318: {  	v30 =	vld [tilespmem:$0x1FAF0]  }
0x319: {  	v1 =	vadd.f32 v8, v1;
	v8 =	vld [tilespmem:$0x1FB00]  }
0x31a: {  	v0 =	vadd.f32 v10, v0;
	v10 =	vld [tilespmem:$0x1FB20]  }
0x31b: {  	v15 =	vadd.f32 v21, v11;
	v11 =	vld [tilespmem:$0x1FB30]  }
0x31c: {  	v1 =	vadd.f32 v13, v1;
	v13 =	vld [tilespmem:$0x1FB50]  }
0x31d: {  	v21 =	vld [tilespmem:$0x1FB70]  }
0x31e: {  	v0 =	vadd.f32 v28, v0;
	v28 =	vld [tilespmem:$0x830]  }
0x31f: {  	v15 =	vadd.f32 v24, v15;
	v24 =	vld [tilespmem:$0x1FB80]  }
0x320: {  	v2 =	vadd.f32 v20, v2;
	v20 =	vld [tilespmem:$0x1FB60]  }
0x321: {  	v1 =	vadd.f32 v30, v1;
	v30 =	vld [tilespmem:$0x1FB90]  }
0x322: {  	v15 =	vadd.f32 v37, v15;
	v37 =	vld [tilespmem:$0x1030]  }
0x323: {  	v0 =	vadd.f32 v9, v0;
	v9 =	vld [tilespmem:$0x1430]  }
0x324: {  	v2 =	vadd.f32 v8, v2;
	v8 =	vld [tilespmem:$0x1230]  }
0x325: {  	v1 =	vadd.f32 v10, v1;
	v10 =	vld [tilespmem:$0x1630]  }
0x326: {  	v15 =	vadd.f32 v40, v15;
	v40 =	vld [tilespmem:$0x1FBA0]  }
0x327: {  	v0 =	vadd.f32 v12, v0;
	v12 =	vld [tilespmem:$0x1FBB0]  }
0x328: {  	v1 =	vadd.f32 v13, v1;
	v13 =	vld [tilespmem:$0x1FBC0];
	v15 =	vadd.f32 v61, v15  }
0x329: {  	v2 =	vadd.f32 v11, v2;
	v11 =	vld [tilespmem:$0x1830];
	v0 =	vadd.f32 v21, v0  }
0x32a: {  	v21 =	vld [tilespmem:$0x1FBE0];
	v15 =	vadd.f32 v59, v15  }
0x32b: {  	v61 =	vld [tilespmem:$0x1FC40];
	v2 =	vadd.f32 v20, v2;
	v0 =	vadd.f32 v40, v0  }
0x32c: {  	v40 =	vld [tilespmem:$0x1FC10];
	v15 =	vadd.f32 v56, v15  }
0x32d: {  	v20 =	vld [tilespmem:$0x1FBD0];
	v2 =	vadd.f32 v30, v2;
	v0 =	vadd.f32 v16, v0  }
0x32e: {  	v1 =	vadd.f32 v24, v1;
	v30 =	vld [tilespmem:$0x1FC00];
	v15 =	vadd.f32 v54, v15  }
0x32f: {  	v24 =	vld [tilespmem:$0x1FBF0];
	v2 =	vadd.f32 v13, v2;
	v0 =	vadd.f32 v14, v0  }
0x330: {  	v1 =	vadd.f32 v12, v1;
	v15 =	vadd.f32 v51, v15;
	v51 =	vld [tilespmem:$0x1FC70]  }
0x331: {  	v56 =	vld [tilespmem:$0x1FC20];
	v2 =	vadd.f32 v21, v2;
	v0 =	vadd.f32 v40, v0  }
0x332: {  	v59 =	vld [tilespmem:$0x1FC30];
	v1 =	vadd.f32 v20, v1  }
0x333: {  	v2 =	vadd.f32 v30, v2;
	v30 =	vld [tilespmem:$0x1FC50];
	v0 =	vadd.f32 v61, v0  }
0x334: {  	v3 =	vadd.f32 v4, v3;
	v1 =	vadd.f32 v24, v1;
	v40 =	vld [tilespmem:$0x1FC60]  }
0x335: {  	v20 =	vadd.f32 v51, v0;
	v51 =	vld [tilespmem:$0x1FCB0]  }
0x336: {  	v3 =	vadd.f32 v28, v3;
	v28 =	vld [tilespmem:$0x1E40];
	v1 =	vadd.f32 v56, v1  }
0x337: {  	v56 =	vadd.f32 v46, v15;
	v46 =	vld [tilespmem:$0x1FCA0];
	v2 =	vadd.f32 v59, v2  }
0x338: {  	v61 =	vld [tilespmem:$0x1FC80]  }
0x339: {  	v2 =	vadd.f32 v40, v2;
	v40 =	vld [tilespmem:$0x1FC90]  }
0x33a: {  	v1 =	vadd.f32 v30, v1;
	v30 =	vadd.f32 v51, v56;
	v56 =	vld [tilespmem:$0x1FCC0]  }
0x33b: {  	v3 =	vadd.f32 v5, v3;
	v51 =	vld [tilespmem:$0x1FCE0]  }
0x33c: {  	v12 =	vld [tilespmem:$0x1A30]  }
0x33d: {  	v3 =	vadd.f32 v6, v3;
	v6 =	vld [tilespmem:$0x2250];
	v1 =	vadd.f32 v61, v1  }
0x33e: {  	v13 =	vld [tilespmem:$0x1C30];
	v2 =	vadd.f32 v40, v2;
	v40 =	vadd.f32 v46, v20  }
0x33f: {  	v1 =	vadd.f32 v56, v1;
	v56 =	vld [tilespmem:$0x1FCF0]  }
0x340: {  	v40 =	vadd.f32 v51, v40;
	v51 =	vld [tilespmem:$0x1FD00]  }
0x341: {  	v16 =	vld [tilespmem:$0x2030]  }
0x342: {  	v3 =	vadd.f32 v7, v3;
	v54 =	vld [tilespmem:$0x2830]  }
0x343: {  	v61 =	vld [tilespmem:$0x1FCD0]  }
0x344: {  	v14 =	vld [tilespmem:$0x1E30];
	v3 =	vadd.f32 v37, v3  }
0x345: {  	v46 =	vadd.f32 v56, v30;
	v30 =	vadd.f32 v51, v1;
	v51 =	vld [tilespmem:$0x1FD10]  }
0x346: {  	v21 =	vld [tilespmem:$0x2430];
	v3 =	vadd.f32 v8, v3  }
0x347: {  	v37 =	vld [tilespmem:$0xA50]  }
0x348: {  	v24 =	vld [tilespmem:$0x2230];
	v3 =	vadd.f32 v9, v3;
	v2 =	vadd.f32 v61, v2  }
0x349: {  	v8 =	vld [tilespmem:$0x1FE60]  }
0x34a: {  	v3 =	vadd.f32 v10, v3;
	v1 =	vadd.f32 v51, v2;
	v2 =	vld [tilespmem:$0x1FD20]  }
0x34b: {  	v15 =	vld [tilespmem:$0x240]  }
0x34c: {  	v59 =	vld [tilespmem:$0x2630];
	v3 =	vadd.f32 v11, v3  }
0x34d: {  	v9 =	vld [tilespmem:$0x1FE70]  }
0x34e: {  	v0 =	vld [tilespmem:$0x440];
	v3 =	vadd.f32 v12, v3  }
0x34f: {  	v2 =	vadd.f32 v2, v40;
	v40 =	vld [tilespmem:$0x1FD30]  }
0x350: {  	v10 =	vld [tilespmem:$0x1E50];
	v3 =	vadd.f32 v13, v3  }
0x351: {  	v11 =	vld [tilespmem:$0x1650]  }
0x352: {  	v12 =	vld [tilespmem:$0x1A50];
	v3 =	vadd.f32 v14, v3  }
0x353: {  	v20 =	vld [tilespmem:$0x640]  }
0x354: {  	v3 =	vadd.f32 v16, v3;
	[tilespmem:$0x1FFD0] =	vst v2;
	v2 =	vadd.f32 v40, v46;
	v40 =	vld [tilespmem:$0x1FD40]  }
0x355: {  	v61 =	vld [tilespmem:$0x840]  }
0x356: {  	v0 =	vadd.f32 v0, v15;
	v13 =	vld [tilespmem:$0x1FE80];
	v3 =	vadd.f32 v24, v3  }
0x357: {  	v14 =	vld [tilespmem:$0x1FE90]  }
0x358: {  	v0 =	vadd.f32 v20, v0;
	v3 =	vadd.f32 v21, v3;
	v56 =	vld [tilespmem:$0xA40]  }
0x359: {  	v1 =	vadd.f32 v40, v1;
	v40 =	vld [tilespmem:$0x1FD50]  }
0x35a: {  	v0 =	vadd.f32 v61, v0;
	v61 =	vld [tilespmem:$0x1FF40];
	v3 =	vadd.f32 v59, v3  }
0x35b: {  	v51 =	vld [tilespmem:$0xC40]  }
0x35c: {  	v3 =	vadd.f32 v54, v3;
	v54 =	vld [tilespmem:$0x1860]  }
0x35d: {  	v46 =	vld [tilespmem:$0xE40]  }
0x35e: {  	v0 =	vadd.f32 v56, v0;
	[tilespmem:$0x1FFE0] =	vst v1;
	v1 =	vadd.f32 v48, v40;
	v40 =	vld [tilespmem:$0x1FD60]  }
0x35f: {  	v48 =	vld [tilespmem:$0x1040]  }
0x360: {  	v56 =	vld [tilespmem:$0x1870];
	v0 =	vadd.f32 v51, v0  }
0x361: {  	v51 =	vld [tilespmem:$0x1470]  }
0x362: {  	v0 =	vadd.f32 v46, v0;
	v46 =	vld [tilespmem:$0x1070]  }
0x363: {  	v2 =	vadd.f32 v40, v2;
	v40 =	vld [tilespmem:$0x1240]  }
0x364: {  	v0 =	vadd.f32 v48, v0;
	v48 =	vld [tilespmem:$0x1270]  }
0x365: {  	[tilespmem:$0x1FFF0] =	vst v2;
	v2 =	vadd.f32 v32, v39;
	v39 =	vld [tilespmem:$0x1FD70]  }
0x366: {  	v32 =	vld [tilespmem:$0x1640]  }
0x367: {  	v2 =	vadd.f32 v34, v2;
	v34 =	vld [tilespmem:$0x1A40]  }
0x368: {  	v0 =	vadd.f32 v40, v0;
	v40 =	vld [tilespmem:$0x1FFA0]  }
0x369: {  	v2 =	vadd.f32 v44, v2;
	v44 =	vadd.f32 v19, v17;
	v19 =	vld [tilespmem:$0x1FDB0]  }
0x36a: {  	v17 =	vld [tilespmem:$0x2640]  }
0x36b: {  	v1 =	vadd.f32 v39, v1;
	v39 =	vld [tilespmem:$0x1440]  }
0x36c: {  	v2 =	vadd.f32 v47, v2;
	v47 =	vld [tilespmem:$0x1FDA0]  }
0x36d: {  	v4 =	vadd.f32 v22, v44;
	v44 =	vld [tilespmem:$0x2040]  }
0x36e: {  	v22 =	vld [tilespmem:$0x2240]  }
0x36f: {  	v1 =	vadd.f32 v45, v1;
	v45 =	vld [tilespmem:$0x1840]  }
0x370: {  	v4 =	vadd.f32 v23, v4;
	v23 =	vld [tilespmem:$0x1FDC0]  }
0x371: {  	v2 =	vadd.f32 v49, v2;
	v49 =	vld [tilespmem:$0x1FDF0]  }
0x372: {  	v1 =	vadd.f32 v35, v1;
	v35 =	vld [tilespmem:$0x2440]  }
0x373: {  	v4 =	vadd.f32 v26, v4;
	v26 =	vld [tilespmem:$0x1FDD0]  }
0x374: {  	v2 =	vadd.f32 v50, v2;
	v50 =	vld [tilespmem:$0x1FE00]  }
0x375: {  	v0 =	vadd.f32 v39, v0;
	v39 =	vld [tilespmem:$0x2070]  }
0x376: {  	v1 =	vadd.f32 v47, v1;
	v47 =	vld [tilespmem:$0x1FDE0]  }
0x377: {  	v4 =	vadd.f32 v27, v4;
	v27 =	vld [tilespmem:$0x650]  }
0x378: {  	v2 =	vadd.f32 v53, v2;
	v53 =	vld [tilespmem:$0x1FE10]  }
0x379: {  	v0 =	vadd.f32 v32, v0;
	v32 =	vld [tilespmem:$0x1E60]  }
0x37a: {  	v1 =	vadd.f32 v19, v1;
	v19 =	vld [tilespmem:$0x2840]  }
0x37b: {  	v4 =	vadd.f32 v29, v4;
	v29 =	vld [tilespmem:$0x850]  }
0x37c: {  	v2 =	vadd.f32 v55, v2;
	v55 =	vld [tilespmem:$0x1FE20]  }
0x37d: {  	v0 =	vadd.f32 v45, v0;
	v45 =	vld [tilespmem:$0x1FFC0]  }
0x37e: {  	v1 =	vadd.f32 v23, v1;
	v23 =	vld [tilespmem:$0x250]  }
0x37f: {  	v4 =	vadd.f32 v31, v4;
	v31 =	vld [tilespmem:$0xC50]  }
0x380: {  	v2 =	vadd.f32 v57, v2;
	v57 =	vld [tilespmem:$0x1FE30]  }
0x381: {  	v0 =	vadd.f32 v34, v0;
	v34 =	vld [tilespmem:$0x1E70]  }
0x382: {  	v1 =	vadd.f32 v26, v1;
	v26 =	vld [tilespmem:$0x450]  }
0x383: {  	v4 =	vadd.f32 v33, v4;
	v33 =	vld [tilespmem:$0x1050]  }
0x384: {  	v2 =	vadd.f32 v60, v2;
	v60 =	vld [tilespmem:$0x1FE40]  }
0x385: {  	v1 =	vadd.f32 v47, v1;
	v47 =	vld [tilespmem:$0xE50]  }
0x386: {  	v4 =	vadd.f32 v36, v4;
	v36 =	vld [tilespmem:$0x1450]  }
0x387: {  	v0 =	vadd.f32 v18, v0;
	v2 =	vadd.f32 v63, v2;
	v63 =	vld [tilespmem:$0x1FE50]  }
0x388: {  	v1 =	vadd.f32 v49, v1;
	v49 =	vld [tilespmem:$0x1250]  }
0x389: {  	v0 =	vadd.f32 v28, v0;
	v4 =	vadd.f32 v38, v4;
	v38 =	vld [tilespmem:$0x1850]  }
0x38a: {  	v2 =	vadd.f32 v55, v2;
	v55 =	vld [tilespmem:$0x1FEB0]  }
0x38b: {  	v0 =	vadd.f32 v44, v0;
	v44 =	vld [tilespmem:$0x2270]  }
0x38c: {  	v1 =	vadd.f32 v50, v1;
	v4 =	vadd.f32 v41, v4;
	v41 =	vld [tilespmem:$0x1C50]  }
0x38d: {  	v23 =	vadd.f32 v26, v23;
	v2 =	vadd.f32 v60, v2;
	v60 =	vld [tilespmem:$0x460]  }
0x38e: {  	v1 =	vadd.f32 v53, v1;
	v53 =	vld [tilespmem:$0x1FEA0]  }
0x38f: {  	v59 =	vadd.f32 v27, v23;
	v2 =	vadd.f32 v8, v2;
	v8 =	vld [tilespmem:$0x2050]  }
0x390: {  	v4 =	vadd.f32 v62, v4;
	v62 =	vld [tilespmem:$0x1FEE0]  }
0x391: {  	v20 =	vadd.f32 v29, v59;
	v29 =	vld [tilespmem:$0xC70]  }
0x392: {  	v59 =	vld [tilespmem:$0x1FF30]  }
0x393: {  	v1 =	vadd.f32 v57, v1;
	v57 =	vld [tilespmem:$0x1FEC0]  }
0x394: {  	v5 =	vadd.f32 v13, v2;
	v2 =	vld [tilespmem:$0x2450]  }
0x395: {  	v13 =	vld [tilespmem:$0x260]  }
0x396: {  	v4 =	vadd.f32 v58, v4;
	v58 =	vld [tilespmem:$0x1FED0]  }
0x397: {  	v20 =	vadd.f32 v37, v20;
	v37 =	vld [tilespmem:$0xE60];
	v1 =	vadd.f32 v63, v1  }
0x398: {  	v63 =	vld [tilespmem:$0x270]  }
0x399: {  	v4 =	vadd.f32 v52, v4;
	v52 =	vld [tilespmem:$0x1FF00];
	v1 =	vadd.f32 v9, v1  }
0x39a: {  	v5 =	vadd.f32 v53, v5;
	v53 =	vld [tilespmem:$0x660]  }
0x39b: {  	v20 =	vadd.f32 v31, v20;
	v31 =	vld [tilespmem:$0x1FF60];
	v50 =	vadd.f32 v14, v1  }
0x39c: {  	v9 =	vld [tilespmem:$0x2850]  }
0x39d: {  	v7 =	vadd.f32 v55, v50;
	v50 =	vld [tilespmem:$0x470]  }
0x39e: {  	v4 =	vadd.f32 v42, v4;
	v42 =	vld [tilespmem:$0x1FEF0]  }
0x39f: {  	v55 =	vld [tilespmem:$0x670]  }
0x3a0: {  	v5 =	vadd.f32 v57, v5;
	v57 =	vld [tilespmem:$0x860]  }
0x3a1: {  	v13 =	vadd.f32 v60, v13;
	v7 =	vadd.f32 v58, v7;
	v58 =	vld [tilespmem:$0x870]  }
0x3a2: {  	v60 =	vld [tilespmem:$0xA60];
	v16 =	vadd.f32 v50, v63  }
0x3a3: {  	v5 =	vadd.f32 v62, v5;
	v62 =	vld [tilespmem:$0xA70];
	v13 =	vadd.f32 v53, v13  }
0x3a4: {  	v63 =	vld [tilespmem:$0xC60];
	v15 =	vadd.f32 v55, v16  }
0x3a5: {  	v20 =	vadd.f32 v47, v20;
	v47 =	vld [tilespmem:$0x1260];
	v13 =	vadd.f32 v57, v13  }
0x3a6: {  	v1 =	vld [tilespmem:$0x2650];
	v4 =	vadd.f32 v25, v4;
	v14 =	vadd.f32 v58, v15  }
0x3a7: {  	v7 =	vadd.f32 v42, v7;
	v13 =	vadd.f32 v60, v13;
	v42 =	vld [tilespmem:$0xE70]  }
0x3a8: {  	v4 =	vadd.f32 v43, v4;
	v43 =	vld [tilespmem:$0x1060];
	v14 =	vadd.f32 v62, v14  }
0x3a9: {  	v20 =	vadd.f32 v33, v20;
	v33 =	vld [tilespmem:$0x1FF70];
	v13 =	vadd.f32 v63, v13  }
0x3aa: {  	v0 =	vadd.f32 v22, v0;
	v53 =	vld [tilespmem:$0x1670];
	v14 =	vadd.f32 v29, v14  }
0x3ab: {  	v5 =	vadd.f32 v52, v5;
	v52 =	vld [tilespmem:$0x1660];
	v13 =	vadd.f32 v37, v13  }
0x3ac: {  	v0 =	vadd.f32 v35, v0;
	v50 =	vld [tilespmem:$0x1460];
	v14 =	vadd.f32 v42, v14  }
0x3ad: {  	v20 =	vadd.f32 v49, v20;
	v49 =	vld [tilespmem:$0x2470];
	v13 =	vadd.f32 v43, v13  }
0x3ae: {  	v0 =	vadd.f32 v17, v0;
	v57 =	vld [tilespmem:$0x1FF20];
	v14 =	vadd.f32 v46, v14  }
0x3af: {  	v20 =	vadd.f32 v36, v20;
	v36 =	vld [tilespmem:$0x1FF80];
	v13 =	vadd.f32 v47, v13  }
0x3b0: {  	v0 =	vadd.f32 v19, v0;
	v60 =	vld [tilespmem:$0x1A70];
	v14 =	vadd.f32 v48, v14  }
0x3b1: {  	v3 =	vmul.f32 $5.000000070e-02, v3;
	v11 =	vadd.f32 v11, v20;
	v55 =	vld [tilespmem:$0x1FF10];
	v13 =	vadd.f32 v50, v13  }
0x3b2: {  	v0 =	vmul.f32 $5.000000070e-02, v0;
	v58 =	vld [tilespmem:$0x1A60];
	v14 =	vadd.f32 v51, v14  }
0x3b3: {  	[tilespmem:$0x2A30] =	vst v3;
	v5 =	vmul.f32 $5.000000070e-02, v5;
	v11 =	vadd.f32 v38, v11;
	v38 =	vld [tilespmem:$0x1FF90];
	v13 =	vadd.f32 v52, v13  }
0x3b4: {  	[tilespmem:$0x2A40] =	vst v0;
	v4 =	vmul.f32 $5.000000070e-02, v4;
	v62 =	vld [tilespmem:$0x1C60];
	v14 =	vadd.f32 v53, v14  }
0x3b5: {  	v18 =	vmul.f32 $5.000000070e-02, v33;
	[tilespmem:$0x2A10] =	vst v5;
	v11 =	vadd.f32 v12, v11;
	v29 =	vld [tilespmem:$0x1C70];
	v13 =	vadd.f32 v54, v13  }
0x3b6: {  	[tilespmem:$0x2A20] =	vst v4;
	v20 =	vmul.f32 $5.000000070e-02, v57;
	v57 =	vld [tilespmem:$0x2860];
	v14 =	vadd.f32 v56, v14  }
0x3b7: {  	[tilespmem:$0x2960] =	vst v18;
	v7 =	vmul.f32 $5.000000070e-02, v7;
	v63 =	vld [tilespmem:$0x1FF50];
	v11 =	vadd.f32 v41, v11;
	v13 =	vadd.f32 v58, v13  }
0x3b8: {  	[tilespmem:$0x2910] =	vst v20;
	v20 =	vmul.f32 $5.000000070e-02, v61;
	v12 =	vmul.f32 $5.000000070e-02, v31;
	v37 =	vld [tilespmem:$0x2060];
	v14 =	vadd.f32 v60, v14  }
0x3b9: {  	[tilespmem:$0x2A00] =	vst v7;
	v25 =	vmul.f32 $5.000000070e-02, v55;
	v55 =	vld [tilespmem:$0x1FFF0];
	v10 =	vadd.f32 v10, v11;
	v13 =	vadd.f32 v62, v13  }
0x3ba: {  	[tilespmem:$0x2950] =	vst v12;
	v12 =	vmul.f32 $5.000000070e-02, v36;
	v42 =	vld [tilespmem:$0x2260];
	v41 =	vadd.f32 v29, v14  }
0x3bb: {  	[tilespmem:$0x2930] =	vst v20;
	v43 =	vld [tilespmem:$0x1FFB0];
	v8 =	vadd.f32 v8, v10;
	v13 =	vadd.f32 v32, v13  }
0x3bc: {  	v18 =	vmul.f32 $5.000000070e-02, v38;
	[tilespmem:$0x2970] =	vst v12;
	v47 =	vld [tilespmem:$0x2460];
	v46 =	vadd.f32 v34, v41  }
0x3bd: {  	v11 =	vmul.f32 $5.000000070e-02, v40;
	[tilespmem:$0x2900] =	vst v25;
	v6 =	vadd.f32 v6, v8;
	v50 =	vld [tilespmem:$0x1FFD0];
	v13 =	vadd.f32 v37, v13  }
0x3be: {  	v25 =	vmul.f32 $5.000000070e-02, v59;
	[tilespmem:$0x2980] =	vst v18;
	v52 =	vld [tilespmem:$0x2660];
	v51 =	vadd.f32 v39, v46  }
0x3bf: {  	[tilespmem:$0x2990] =	vst v11;
	v10 =	vmul.f32 $5.000000070e-02, v45;
	v2 =	vadd.f32 v2, v6;
	v54 =	vld [tilespmem:$0x2670];
	v13 =	vadd.f32 v42, v13  }
0x3c0: {  	[tilespmem:$0x2920] =	vst v25;
	v25 =	vmul.f32 $5.000000070e-02, v63;
	v53 =	vld [tilespmem:$0x1FFE0];
	v56 =	vadd.f32 v44, v51  }
0x3c1: {  	[tilespmem:$0x29B0] =	vst v10;
	v15 =	vmul.f32 $5.000000070e-02, v43;
	v1 =	vadd.f32 v1, v2;
	v58 =	vld [tilespmem:$0x2870];
	v12 =	vadd.f32 v47, v13  }
0x3c2: {  	[tilespmem:$0x2940] =	vst v25;
	v48 =	vmul.f32 $5.000000070e-02, v30;
	v59 =	vadd.f32 v49, v56  }
0x3c3: {  	v6 =	vmul.f32 $5.000000070e-02, v55;
	[tilespmem:$0x29A0] =	vst v15;
	v1 =	vadd.f32 v9, v1;
	v60 =	vadd.f32 v52, v12  }
0x3c4: {  	[tilespmem:$0x29C0] =	vst v48;
	v8 =	vmul.f32 $5.000000070e-02, v50;
	v2 =	vadd.f32 v54, v59  }
0x3c5: {  	[tilespmem:$0x29F0] =	vst v6;
	v1 =	vmul.f32 $5.000000070e-02, v1;
	v61 =	vadd.f32 v57, v60  }
0x3c6: {  	[tilespmem:$0x29D0] =	vst v8;
	v15 =	vmul.f32 $5.000000070e-02, v53;
	v2 =	vadd.f32 v58, v2  }
0x3c7: {  	[tilespmem:$0x2A50] =	vst v1;
	v62 =	vmul.f32 $5.000000070e-02, v61  }
0x3c8: {  	s31 =	sand.u32 $0x600, s14;
	[tilespmem:$0x29E0] =	vst v15;
	v63 =	vmul.f32 $5.000000070e-02, v2  }
0x3c9: {  	p0 =	sne.s32 s15, $0x1F0;
	s17 =	sadd.s32 s31, s5;
	[tilespmem:$0x2A60] =	vst v62  }
.Ltmp0:
0x3ca: {  	s16 =	sadd.s32 s16, s17;
	[tilespmem:$0x2A70] =	vst v63;
	(pc) =	sbr.rel @p0 .LBB2_2-.Ltmp0, $4  }
0x3cb: {  	[hbm4b:s16+s9] =	stream.strided.scatter [tilespmem:s12], [sflag:$0x2], $0x200, s11, s9, $0x38;
	[tilespmem:$0x2A80] =	vst v63  }
0x3cc: {  	_ =	swait.ge [sflag:s7], $0x200  }
0x3cd: {  	[sflag:s7] =	ssyncset.done $0x0  }
0x3ce: {  	s14 =	sadd.s32 $0x40, s14;
	s15 =	sadd.s32 $0x10, s15;
	[sflag:s7] =	ssyncadd.s32 $0xFFFFFE00  }
0x3cf: {  	s13 =	sadd.s32 $0x1, s13  }
0x3d0: {  	p0 =	sne.s32 s13, s6  }
.Ltmp1:
0x3d1: {  	_ = 	snop;
	(pc) =	sbr.rel @p0 .LBB2_1-.Ltmp1, $1  }
0x3d2: {  	_ =	sdelay $0x3  }
0x3d3: {  	_ =	sfence.sel $0x180000  }
0x3d4: {  	[bflag:$0x0] =	sbarrier.arrive $0xFFFF  }
0x3d5: {  	p0 =	sne.s32 s1, $0x0;
	_ =	strace $0x90000047  }
0x3d6: {  	s0 =	sadd.s32 @!p0 $0x100000, s0;
	[bflag:$0x2] =	sbarrier.arrive $0xFFFF  }
0x3d7: {  	[sflag:s0] =	ssyncadd.tile.s32 @!p0 $0x1;
	_ =	shalt  }
.Lfunc_end2:
_tile_overlayer_lowered:
.L_overlay_start_2:
0x3d8: {  	(tag) =	ssettag $0x2  }
0x3d9: {  	s0 =	rddreg [dreg:$0x0];
	s2 =	stileid.u32  }
0x3da: {  	s1 =	rddreg [dreg:$0x1];
	p0 =	sne.s32 s2, $0x0  }
0x3db: {  	s3 =	rddreg [dreg:$0x2];
	[bflag:$0x3] =	sbarrier.arrive $0xFFFF;
	s2 =	simm.s32 @!p0 $0x1C02  }
0x3dc: {  	[timem:s3], [sflag:s2] =	dma.local @!p0 [hbm:s0], s1  }
0x3dd: {  	s0 =	simm.s32 @!p0 $0x2  }
0x3de: {  	_ =	swait.ge @!p0 [sflag:s0], s1  }
0x3df: {  	s1 =	ssub.s32 @!p0 $0x0, s1;
	[sflag:s0] =	ssyncset.done @!p0 $0x0  }
0x3e0: {  	[sflag:s0] =	ssyncadd.s32 @!p0 s1  }
0x3e1: {  	[bflag:$0x3] =	sbarrier.arrive $0xFFFF  }
0x3e2: {  	_ =	shalt  }

</sc_bundles>
